<compile_context>
chip_gen: v7x
topology: tpu7x:2x2x1
jax: 0.10.2.dev20260603
libtpu: 0.0.44.dev20260713+nightly
codegen_flags: <defaults>
</compile_context>

<pallas_src>
import functools
import jax
import jax.numpy as jnp
from jax import lax
from jax.experimental import pallas as pl
from jax.experimental.pallas import tpu as pltpu
from jax.experimental.pallas import tpu_sc as plsc

N = 50000
E = 800000
D = 64
EPS = 1e-5

NW = 32
EPW = E // NW
C2 = 448
C2R = EPW - (EPW // C2) * C2
C4 = 1600
NPAD = 50048

BE = 6400
NB3 = E // BE

BN = 2000
NB1 = N // BN
BK = 2944
NB5 = NPAD // BK

NEGINF = float("-inf")
POSINF = float("inf")


def _k1_body(xc_ref, w_ref, b_ref, ab_ref):
    h = jnp.dot(xc_ref[...], w_ref[...], preferred_element_type=jnp.float32)
    ab_ref[...] = h + b_ref[...]


def _k1(xc, wcat, bcat):
    return pl.pallas_call(
        _k1_body,
        grid=(NB1,),
        in_specs=[
            pl.BlockSpec((BN, 67), lambda i: (i, 0)),
            pl.BlockSpec((67, 2 * D), lambda i: (0, 0)),
            pl.BlockSpec((1, 2 * D), lambda i: (0, 0)),
        ],
        out_specs=pl.BlockSpec((BN, 2 * D), lambda i: (i, 0)),
        out_shape=jax.ShapeDtypeStruct((N, 2 * D), jnp.float32),
    )(xc, wcat, bcat)


def _k2(dst, src, ab):
    mesh = plsc.VectorSubcoreMesh(core_axis_name="c", subcore_axis_name="s")

    @functools.partial(
        pl.kernel,
        out_type=jax.ShapeDtypeStruct((E, 2 * D), jnp.float32),
        mesh=mesh,
        scratch_types=[
            pltpu.VMEM((C2,), jnp.int32),
            pltpu.VMEM((C2,), jnp.int32),
            pltpu.VMEM((C2, 2 * D), jnp.float32),
            pltpu.VMEM((C2, 2 * D), jnp.float32),
            pltpu.SemaphoreType.DMA,
            pltpu.SemaphoreType.DMA,
        ],
    )
    def k2(dst_hbm, src_hbm, ab_hbm, g_hbm, dstv, srcv, ra, rb, s1, s2):
        wid = lax.axis_index("s") * 2 + lax.axis_index("c")
        base = wid * EPW

        def do_chunk(off, sz):
            sl = pl.ds(0, sz)
            pltpu.sync_copy(dst_hbm.at[pl.ds(off, sz)], dstv.at[sl])
            pltpu.sync_copy(src_hbm.at[pl.ds(off, sz)], srcv.at[sl])
            cpa = pltpu.async_copy(ab_hbm.at[dstv.at[sl]], ra.at[sl], s1)
            cpb = pltpu.async_copy(ab_hbm.at[srcv.at[sl]], rb.at[sl], s2)
            cpa.wait()
            cpb.wait()

            def addrow(r, _):
                for c in range(D // 16):
                    plsc.addupdate(ra.at[r, pl.ds(c * 16, 16)],
                                   rb[r, pl.ds(D + c * 16, 16)])
                return 0
            lax.fori_loop(0, sz, addrow, 0, unroll=False)
            pltpu.sync_copy(ra.at[sl], g_hbm.at[pl.ds(off, sz)])

        def chunk(i, _):
            do_chunk(base + i * C2, C2)
            return 0

        lax.fori_loop(0, EPW // C2, chunk, 0, unroll=False)
        if C2R:
            do_chunk(base + (EPW // C2) * C2, C2R)

    return k2(dst, src, ab)


def _k3_body(g_ref, ew_ref, w2_ref, w3_ref, aff_ref, mt_ref):
    s1 = aff_ref[0:1, :]
    t1 = aff_ref[1:2, :]
    b2 = aff_ref[2:3, :]
    s2 = aff_ref[3:4, :]
    t2 = aff_ref[4:5, :]
    b3 = aff_ref[5:6, :]
    s3 = aff_ref[6:7, :]
    t3 = aff_ref[7:8, :]
    g = g_ref[:, :D]
    h = jnp.maximum(g, 0.0) * s1 + t1
    h = jnp.dot(h, w2_ref[...], preferred_element_type=jnp.float32) + b2
    h = jnp.maximum(h, 0.0) * s2 + t2
    h = jnp.dot(h, w3_ref[...], preferred_element_type=jnp.float32) + b3
    h = jnp.maximum(h, 0.0) * s3 + t3
    ht = jnp.transpose(h, (1, 0))
    mt_ref[...] = ht * ew_ref[0]


def _k3(g, ew3, w2, w3, aff):
    return pl.pallas_call(
        _k3_body,
        grid=(NB3,),
        in_specs=[
            pl.BlockSpec((BE, 2 * D), lambda i: (i, 0)),
            pl.BlockSpec((1, 1, BE), lambda i: (i, 0, 0)),
            pl.BlockSpec((D, D), lambda i: (0, 0)),
            pl.BlockSpec((D, D), lambda i: (0, 0)),
            pl.BlockSpec((8, D), lambda i: (0, 0)),
        ],
        out_specs=pl.BlockSpec((D, BE), lambda i: (0, i)),
        out_shape=jax.ShapeDtypeStruct((D, E), jnp.float32),
    )(g, ew3, w2, w3, aff)


def _k4(dst, mt1d):
    mesh = plsc.VectorSubcoreMesh(core_axis_name="c", subcore_axis_name="s")

    @functools.partial(
        pl.kernel,
        out_type=jax.ShapeDtypeStruct((D * NPAD,), jnp.float32),
        mesh=mesh,
        scratch_types=[
            pltpu.VMEM((C4,), jnp.int32),
            pltpu.VMEM((C4,), jnp.float32),
            pltpu.VMEM((C4,), jnp.float32),
            pltpu.VMEM((NPAD,), jnp.float32),
            pltpu.VMEM((NPAD,), jnp.float32),
            pltpu.VMEM((C4,), jnp.int32),
            pltpu.VMEM((C4,), jnp.float32),
            pltpu.VMEM((C4,), jnp.float32),
            pltpu.VMEM((C4,), jnp.int32),
            pltpu.VMEM((C4,), jnp.float32),
            pltpu.VMEM((C4,), jnp.float32),
        ],
        compiler_params=pltpu.CompilerParams(needs_layout_passes=False),
    )
    def k4(dst_hbm, mt_hbm, out_hbm, dstv, v0, v1, t0, t1,
           oda, o0a, o1a, odb, o0b, o1b):
        wid = lax.axis_index("s") * 2 + lax.axis_index("c")
        c0 = wid * 2

        def initrow(r, _):
            sl = pl.ds(r * 16, 16)
            t0[sl] = jnp.full((16,), NEGINF, jnp.float32)
            t1[sl] = jnp.full((16,), NEGINF, jnp.float32)
            return 0
        lax.fori_loop(0, NPAD // 16, initrow, 0, unroll=False)

        def chunk(i, _):
            off = i * C4
            pltpu.sync_copy(dst_hbm.at[pl.ds(off, C4)], dstv)
            pltpu.sync_copy(mt_hbm.at[pl.ds(c0 * E + off, C4)], v0)
            pltpu.sync_copy(mt_hbm.at[pl.ds((c0 + 1) * E + off, C4)], v1)

            def update(d16, x0, x1, obuf_d, obuf0, obuf1, nof):
                cur0 = plsc.load_gather(t0, [d16])
                plsc.store_scatter(t0, [d16], jnp.maximum(cur0, x0))
                cur1 = plsc.load_gather(t1, [d16])
                plsc.store_scatter(t1, [d16], jnp.maximum(cur1, x1))
                back0 = plsc.load_gather(t0, [d16])
                back1 = plsc.load_gather(t1, [d16])
                bad0 = back0 < x0
                bad1 = back1 < x1
                osl = pl.ds(nof * 16, 16)
                obuf_d[osl] = d16
                obuf0[osl] = jnp.where(bad0, x0, NEGINF)
                obuf1[osl] = jnp.where(bad1, x1, NEGINF)
                anybad = jnp.any(bad0 | bad1)
                return nof + jnp.where(anybad, jnp.int32(1), jnp.int32(0))

            def group(k, nof):
                sl = pl.ds(k * 16, 16)
                return update(dstv[sl], v0[sl], v1[sl], oda, o0a, o1a, nof)

            nof = lax.fori_loop(0, C4 // 16, group, jnp.int32(0),
                                unroll=False)

            bufs = ((oda, o0a, o1a), (odb, o0b, o1b))
            for p in range(16):
                srcb = bufs[p % 2]
                dstb = bufs[(p + 1) % 2]

                def ogroup(k, nof2):
                    sl = pl.ds(k * 16, 16)
                    return update(srcb[0][sl], srcb[1][sl], srcb[2][sl],
                                  dstb[0], dstb[1], dstb[2], nof2)

                nof = lax.fori_loop(0, nof, ogroup, jnp.int32(0),
                                    unroll=False)
            return 0

        lax.fori_loop(0, E // C4, chunk, 0, unroll=False)

        def fixrow(r, _):
            sl = pl.ds(r * 16, 16)
            for tref in (t0, t1):
                v = tref[sl]
                ok = (v > NEGINF) & (v < POSINF)
                tref[sl] = jnp.where(ok, v, 0.0)
            return 0
        lax.fori_loop(0, NPAD // 16, fixrow, 0, unroll=False)

        pltpu.sync_copy(t0, out_hbm.at[pl.ds(c0 * NPAD, NPAD)])
        pltpu.sync_copy(t1, out_hbm.at[pl.ds((c0 + 1) * NPAD, NPAD)])

    return k4(dst, mt1d)


def _k5_body(ot_ref, o_ref):
    o_ref[...] = jnp.transpose(ot_ref[...], (1, 0))


def _k5(ot):
    return pl.pallas_call(
        _k5_body,
        grid=(NB5,),
        in_specs=[pl.BlockSpec((D, BK), lambda i: (0, i))],
        out_specs=pl.BlockSpec((BK, D), lambda i: (i, 0)),
        out_shape=jax.ShapeDtypeStruct((NPAD, D), jnp.float32),
    )(ot)


def kernel(x, pos, edge_index, edge_weight, W1, b1, g1, be1, W2, b2, g2, be2,
           W3, b3, g3, be3):
    src = edge_index[0]
    dst = edge_index[1]

    bn = jnp.float32(1.0) / jnp.sqrt(jnp.float32(1.0 + EPS))
    s1 = g1 * bn
    s2 = g2 * bn
    s3 = g3 * bn

    wa = jnp.concatenate([W1[0:3] - W1[3:6], W1[6:]], axis=0)
    wb = jnp.concatenate([W1[3:6], jnp.zeros((D, D), jnp.float32)], axis=0)
    wcat = jnp.concatenate([wa, wb], axis=1)
    bcat = jnp.concatenate([b1, jnp.zeros((D,), jnp.float32)])[None, :]

    xc = jnp.concatenate([pos, x], axis=1)
    aff = jnp.stack([s1, be1, b2, s2, be2, b3, s3, be3], axis=0)
    ew3 = edge_weight.reshape(NB3, 1, BE)

    ab = _k1(xc, wcat, bcat)
    g = _k2(dst, src, ab)
    mt = _k3(g, ew3, W2, W3, aff)
    ot1 = _k4(dst, mt.reshape(D * E))
    return _k5(ot1.reshape(D, NPAD))[:N]

# --- scband reference (transcript-rebuilt; emitter-appended) ---
"""Pipeline reference for scband-asap-63428077027632 (READ-ONLY COPY).

The authoritative reference and input builder live on the scoring server;
editing this copy changes nothing except your own understanding.
"""

import jax, jax.numpy as jnp
import numpy as np

N = 50000
E = 800000
D = 64
P = 3
EPS = 1e-5


def _lin_init(k, fi, fo):
    lim = 1.0 / np.sqrt(fi)
    kw, kb = jax.random.split(k)
    W = jax.random.uniform(kw, (fi, fo), jnp.float32, -lim, lim)
    b = jax.random.uniform(kb, (fo,), jnp.float32, -lim, lim)
    return W, b


def setup_inputs(seed: int = 0):
    key = jax.random.key(seed)
    ks = jax.random.split(key, 8)
    x = jax.random.normal(ks[0], (N, D), jnp.float32)
    pos = jax.random.normal(ks[1], (N, P), jnp.float32)
    edge_index = jax.random.randint(ks[2], (2, E), 0, N, dtype=jnp.int32)
    edge_weight = jax.random.uniform(ks[3], (E,), jnp.float32)
    W1, b1 = _lin_init(ks[4], 2 * P + D, D)
    W2, b2 = _lin_init(ks[5], D, D)
    W3, b3 = _lin_init(ks[6], D, D)
    ones = jnp.ones((D,), jnp.float32)
    zeros = jnp.zeros((D,), jnp.float32)
    return {"x": x, "pos": pos, "edge_index": edge_index, "edge_weight": edge_weight,
            "W1": W1, "b1": b1, "g1": ones, "be1": zeros,
            "W2": W2, "b2": b2, "g2": ones, "be2": zeros,
            "W3": W3, "b3": b3, "g3": ones, "be3": zeros}


def _block(h, W, b, g, be):
    # Seq(Linear, ReLU, BatchNorm1d) with BN in eval mode (running_mean=0, running_var=1)
    h = jnp.maximum(h @ W + b, 0.0)
    return (h * jax.lax.rsqrt(jnp.float32(1.0 + EPS))) * g + be


def reference(x, pos, edge_index, edge_weight, W1, b1, g1, be1, W2, b2, g2, be2, W3, b3, g3, be3):
    # CustomEdgeConvWeighted.forward: x = cat(pos, x); propagate with aggr='max'
    xc = jnp.concatenate([pos, x], axis=1)  # [N, 3+D]
    src = edge_index[0]
    dst = edge_index[1]
    x_i = xc[dst]  # target node features (flow source_to_target)
    x_j = xc[src]  # source node features
    # message: nn(cat([x_i[:, :3], x_j[:, :3] - x_i[:, :3], x_i[:, 3:]])) * edge_weight
    m = jnp.concatenate([x_i[:, 0:3], x_j[:, 0:3] - x_i[:, 0:3], x_i[:, 3:]], axis=-1)  # [E, 2*3+D]
    h = _block(m, W1, b1, g1, be1)
    h = _block(h, W2, b2, g2, be2)
    h = _block(h, W3, b3, g3, be3)
    msg = h * edge_weight[:, None]
    out = jax.ops.segment_max(msg, dst, num_segments=N)
    # nodes with no incoming edges -> 0 (torch_scatter max fill semantics)
    out = jnp.where(jnp.isfinite(out), out, 0.0)
    return out

if __name__ == "__main__":
    import jax
    _d = setup_inputs()
    print(jax.jit(kernel)(*tuple(_d.values())))

</pallas_src>

<mosaic_0001>
#map = affine_map<(d0, d1) -> (0)>
#map1 = affine_map<(d0, d1) -> (0, 0)>
module attributes {stable_mosaic.version = 14 : i64} {
  func.func @k2(%arg0: i32, %arg1: i32, %arg2: memref<800000xi32, #tpu.memory_space<hbm>>, %arg3: memref<800000xi32, #tpu.memory_space<hbm>>, %arg4: memref<50000x128xf32, #tpu.memory_space<hbm>>, %arg5: memref<800000x128xf32, #tpu.memory_space<hbm>>, %arg6: memref<448xi32, #tpu.memory_space<vmem>>, %arg7: memref<448xi32, #tpu.memory_space<vmem>>, %arg8: memref<448x128xf32, #tpu.memory_space<vmem>>, %arg9: memref<448x128xf32, #tpu.memory_space<vmem>>, %arg10: memref<!tpu.dma_semaphore, #tpu.memory_space<semaphore_mem>>, %arg11: memref<!tpu.dma_semaphore, #tpu.memory_space<semaphore_mem>>) attributes {dimension_semantics = [#tpu.dimension_semantics<core_parallel>, #tpu.dimension_semantics<subcore_parallel>], iteration_bounds = array<i64: 2, 16>, scalar_prefetch = 0 : i64, scratch_operands = 6 : i64, tpu.core_type = #tpu.core_type<sc_vector_subcore>, window_params = [{transform_indices = #map}, {transform_indices = #map}, {transform_indices = #map1}, {transform_indices = #map1}]} {
    %mul3A = arith.constant 2 : i32
    %mul3A_0 = arith.muli %arg1, %mul3A : i32
    %add3A = arith.addi %mul3A_0, %arg0 : i32
    %mul3A_1 = arith.constant 25000 : i32
    %mul3A_2 = arith.muli %add3A, %mul3A_1 : i32
    %scan3A = arith.constant 0 : i32
    %scan3A_3 = arith.constant 0 : i32
    %scan3A_4 = arith.constant 55 : i32
    %scan3A_5 = arith.addi %scan3A_3, %scan3A_4 : i32
    %scan3A_6 = arith.constant 1 : i32
    %scan3A_7 = scf.for %scan3A_48 = %scan3A_3 to %scan3A_5 step %scan3A_6 iter_args(%scan3A_49 = %scan3A) -> (i32)  : i32 {
      %mul3A_50 = arith.constant 448 : i32
      %mul3A_51 = arith.muli %scan3A_48, %mul3A_50 : i32
      %add3A_52 = arith.addi %mul3A_2, %mul3A_51 : i32
      "tpu.region"() ({
        %run_scoped3A = tpu.sem_alloc : memref<!tpu.dma_semaphore, #tpu.memory_space<semaphore_mem>>
        %dma_start3A_93 = arith.constant 0 : i32
        %dma_start3A_94 = tpu.memref_slice %arg6[%dma_start3A_93] : memref<448xi32, #tpu.memory_space<vmem>> -> memref<448xi32, #tpu.memory_space<vmem>>
        %dma_start3A_95 = tpu.memref_slice %arg2[%add3A_52] : memref<800000xi32, #tpu.memory_space<hbm>> -> memref<448xi32, #tpu.memory_space<hbm>>
        %dma_start3A_96 = arith.constant 0 : i32
        %dma_start3A_97 = tpu.memref_slice %arg6[%dma_start3A_96] : memref<448xi32, #tpu.memory_space<vmem>> -> memref<448xi32, #tpu.memory_space<vmem>>
        %dma_start3A_98 = tpu.memref_slice %arg2[%add3A_52] : memref<800000xi32, #tpu.memory_space<hbm>> -> memref<448xi32, #tpu.memory_space<hbm>>
        tpu.enqueue_dma source(%dma_start3A_98 : memref<448xi32, #tpu.memory_space<hbm>>) target(%dma_start3A_97 : memref<448xi32, #tpu.memory_space<vmem>>) target_semaphore(%run_scoped3A : memref<!tpu.dma_semaphore, #tpu.memory_space<semaphore_mem>>)
        %dma_wait3A_99 = arith.constant 0 : i32
        %dma_wait3A_100 = tpu.memref_slice %arg6[%dma_wait3A_99] : memref<448xi32, #tpu.memory_space<vmem>> -> memref<448xi32, #tpu.memory_space<vmem>>
        %dma_wait3A_101 = tpu.memref_slice %arg2[%add3A_52] : memref<800000xi32, #tpu.memory_space<hbm>> -> memref<448xi32, #tpu.memory_space<hbm>>
        %dma_wait3A_102 = arith.constant 0 : i32
        %dma_wait3A_103 = tpu.memref_slice %arg6[%dma_wait3A_102] : memref<448xi32, #tpu.memory_space<vmem>> -> memref<448xi32, #tpu.memory_space<vmem>>
        %dma_wait3A_104 = tpu.memref_slice %arg2[%add3A_52] : memref<800000xi32, #tpu.memory_space<hbm>> -> memref<448xi32, #tpu.memory_space<hbm>>
        tpu.wait_dma2 semaphore(%run_scoped3A : memref<!tpu.dma_semaphore, #tpu.memory_space<semaphore_mem>>) src(%dma_wait3A_104 : memref<448xi32, #tpu.memory_space<hbm>>) dst(%dma_wait3A_103 : memref<448xi32, #tpu.memory_space<vmem>>)
        tpu.yield
      }) : () -> ()
      "tpu.region"() ({
        %run_scoped3A = tpu.sem_alloc : memref<!tpu.dma_semaphore, #tpu.memory_space<semaphore_mem>>
        %dma_start3A_93 = arith.constant 0 : i32
        %dma_start3A_94 = tpu.memref_slice %arg7[%dma_start3A_93] : memref<448xi32, #tpu.memory_space<vmem>> -> memref<448xi32, #tpu.memory_space<vmem>>
        %dma_start3A_95 = tpu.memref_slice %arg3[%add3A_52] : memref<800000xi32, #tpu.memory_space<hbm>> -> memref<448xi32, #tpu.memory_space<hbm>>
        %dma_start3A_96 = arith.constant 0 : i32
        %dma_start3A_97 = tpu.memref_slice %arg7[%dma_start3A_96] : memref<448xi32, #tpu.memory_space<vmem>> -> memref<448xi32, #tpu.memory_space<vmem>>
        %dma_start3A_98 = tpu.memref_slice %arg3[%add3A_52] : memref<800000xi32, #tpu.memory_space<hbm>> -> memref<448xi32, #tpu.memory_space<hbm>>
        tpu.enqueue_dma source(%dma_start3A_98 : memref<448xi32, #tpu.memory_space<hbm>>) target(%dma_start3A_97 : memref<448xi32, #tpu.memory_space<vmem>>) target_semaphore(%run_scoped3A : memref<!tpu.dma_semaphore, #tpu.memory_space<semaphore_mem>>)
        %dma_wait3A_99 = arith.constant 0 : i32
        %dma_wait3A_100 = tpu.memref_slice %arg7[%dma_wait3A_99] : memref<448xi32, #tpu.memory_space<vmem>> -> memref<448xi32, #tpu.memory_space<vmem>>
        %dma_wait3A_101 = tpu.memref_slice %arg3[%add3A_52] : memref<800000xi32, #tpu.memory_space<hbm>> -> memref<448xi32, #tpu.memory_space<hbm>>
        %dma_wait3A_102 = arith.constant 0 : i32
        %dma_wait3A_103 = tpu.memref_slice %arg7[%dma_wait3A_102] : memref<448xi32, #tpu.memory_space<vmem>> -> memref<448xi32, #tpu.memory_space<vmem>>
        %dma_wait3A_104 = tpu.memref_slice %arg3[%add3A_52] : memref<800000xi32, #tpu.memory_space<hbm>> -> memref<448xi32, #tpu.memory_space<hbm>>
        tpu.wait_dma2 semaphore(%run_scoped3A : memref<!tpu.dma_semaphore, #tpu.memory_space<semaphore_mem>>) src(%dma_wait3A_104 : memref<448xi32, #tpu.memory_space<hbm>>) dst(%dma_wait3A_103 : memref<448xi32, #tpu.memory_space<vmem>>)
        tpu.yield
      }) : () -> ()
      %dma_start3A_53 = arith.constant 0 : i32
      %dma_start3A_54 = arith.constant 0 : i32
      %dma_start3A_55 = tpu.memref_slice %arg8[%dma_start3A_53, %dma_start3A_54] : memref<448x128xf32, #tpu.memory_space<vmem>> -> memref<448x128xf32, #tpu.memory_space<vmem>>
      %dma_start3A_56 = arith.constant 0 : i32
      %dma_start3A_57 = tpu.memref_slice %arg6[%dma_start3A_56] : memref<448xi32, #tpu.memory_space<vmem>> -> memref<448xi32, #tpu.memory_space<vmem>>
      %dma_start3A_58 = arith.constant 0 : i32
      %dma_start3A_59 = arith.constant 0 : i32
      %dma_start3A_60 = tpu.memref_slice %arg4[%dma_start3A_58, %dma_start3A_59] : memref<50000x128xf32, #tpu.memory_space<hbm>> -> memref<50000x128xf32, #tpu.memory_space<hbm>>
      tpu.enqueue_indirect_dma source(%dma_start3A_60 : memref<50000x128xf32, #tpu.memory_space<hbm>>) target(%dma_start3A_55 : memref<448x128xf32, #tpu.memory_space<vmem>>) offsets(%dma_start3A_57 : memref<448xi32, #tpu.memory_space<vmem>>) semaphore(%arg10 : memref<!tpu.dma_semaphore, #tpu.memory_space<semaphore_mem>>)
      %dma_start3A_61 = arith.constant 0 : i32
      %dma_start3A_62 = arith.constant 0 : i32
      %dma_start3A_63 = tpu.memref_slice %arg9[%dma_start3A_61, %dma_start3A_62] : memref<448x128xf32, #tpu.memory_space<vmem>> -> memref<448x128xf32, #tpu.memory_space<vmem>>
      %dma_start3A_64 = arith.constant 0 : i32
      %dma_start3A_65 = tpu.memref_slice %arg7[%dma_start3A_64] : memref<448xi32, #tpu.memory_space<vmem>> -> memref<448xi32, #tpu.memory_space<vmem>>
      %dma_start3A_66 = arith.constant 0 : i32
      %dma_start3A_67 = arith.constant 0 : i32
      %dma_start3A_68 = tpu.memref_slice %arg4[%dma_start3A_66, %dma_start3A_67] : memref<50000x128xf32, #tpu.memory_space<hbm>> -> memref<50000x128xf32, #tpu.memory_space<hbm>>
      tpu.enqueue_indirect_dma source(%dma_start3A_68 : memref<50000x128xf32, #tpu.memory_space<hbm>>) target(%dma_start3A_63 : memref<448x128xf32, #tpu.memory_space<vmem>>) offsets(%dma_start3A_65 : memref<448xi32, #tpu.memory_space<vmem>>) semaphore(%arg11 : memref<!tpu.dma_semaphore, #tpu.memory_space<semaphore_mem>>)
      %dma_wait3A_69 = arith.constant 0 : i32
      %dma_wait3A_70 = arith.constant 0 : i32
      %dma_wait3A_71 = tpu.memref_slice %arg8[%dma_wait3A_69, %dma_wait3A_70] : memref<448x128xf32, #tpu.memory_space<vmem>> -> memref<448x128xf32, #tpu.memory_space<vmem>>
      %dma_wait3A_72 = arith.constant 0 : i32
      %dma_wait3A_73 = tpu.memref_slice %arg6[%dma_wait3A_72] : memref<448xi32, #tpu.memory_space<vmem>> -> memref<448xi32, #tpu.memory_space<vmem>>
      %dma_wait3A_74 = arith.constant 0 : i32
      %dma_wait3A_75 = arith.constant 0 : i32
      %dma_wait3A_76 = tpu.memref_slice %arg4[%dma_wait3A_74, %dma_wait3A_75] : memref<50000x128xf32, #tpu.memory_space<hbm>> -> memref<50000x128xf32, #tpu.memory_space<hbm>>
      tpu.wait_indirect_dma semaphore(%arg10 : memref<!tpu.dma_semaphore, #tpu.memory_space<semaphore_mem>>) src(%dma_wait3A_76 : memref<50000x128xf32, #tpu.memory_space<hbm>>) dst(%dma_wait3A_71 : memref<448x128xf32, #tpu.memory_space<vmem>>)
      %dma_wait3A_77 = arith.constant 0 : i32
      %dma_wait3A_78 = arith.constant 0 : i32
      %dma_wait3A_79 = tpu.memref_slice %arg9[%dma_wait3A_77, %dma_wait3A_78] : memref<448x128xf32, #tpu.memory_space<vmem>> -> memref<448x128xf32, #tpu.memory_space<vmem>>
      %dma_wait3A_80 = arith.constant 0 : i32
      %dma_wait3A_81 = tpu.memref_slice %arg7[%dma_wait3A_80] : memref<448xi32, #tpu.memory_space<vmem>> -> memref<448xi32, #tpu.memory_space<vmem>>
      %dma_wait3A_82 = arith.constant 0 : i32
      %dma_wait3A_83 = arith.constant 0 : i32
      %dma_wait3A_84 = tpu.memref_slice %arg4[%dma_wait3A_82, %dma_wait3A_83] : memref<50000x128xf32, #tpu.memory_space<hbm>> -> memref<50000x128xf32, #tpu.memory_space<hbm>>
      tpu.wait_indirect_dma semaphore(%arg11 : memref<!tpu.dma_semaphore, #tpu.memory_space<semaphore_mem>>) src(%dma_wait3A_84 : memref<50000x128xf32, #tpu.memory_space<hbm>>) dst(%dma_wait3A_79 : memref<448x128xf32, #tpu.memory_space<vmem>>)
      %scan3A_85 = arith.constant 0 : i32
      %scan3A_86 = arith.constant 0 : i32
      %scan3A_87 = arith.constant 448 : i32
      %scan3A_88 = arith.addi %scan3A_86, %scan3A_87 : i32
      %scan3A_89 = arith.constant 1 : i32
      %scan3A_90 = scf.for %scan3A_93 = %scan3A_86 to %scan3A_88 step %scan3A_89 iter_args(%scan3A_94 = %scan3A_85) -> (i32)  : i32 {
        %get3A = arith.index_cast %scan3A_93 : i32 to index
        %get3A_95 = arith.constant 64 : index
        %get3A_96 = tpu.vector_load %arg9[%get3A, %get3A_95] {strides = array<i32>} : memref<448x128xf32, #tpu.memory_space<vmem>>, vector<1x16xf32>,
        %get3A_97 = vector.shape_cast %get3A_96 : vector<1x16xf32> to vector<16xf32>
        %swap3A = arith.index_cast %scan3A_93 : i32 to index
        %swap3A_98 = arith.constant 0 : index
        %swap3A_99 = tpu.vector_load %arg8[%swap3A, %swap3A_98] {strides = array<i32>} : memref<448x128xf32, #tpu.memory_space<vmem>>, vector<1x16xf32>,
        %swap3A_100 = vector.shape_cast %swap3A_99 : vector<1x16xf32> to vector<16xf32>
        %swap3A_101 = vector.shape_cast %get3A_97 : vector<16xf32> to vector<1x16xf32>
        tpu.vector_store %arg8[%swap3A, %swap3A_98], %swap3A_101 {add = true, strides = array<i32>} : memref<448x128xf32, #tpu.memory_space<vmem>>, vector<1x16xf32>,
        %get3A_102 = arith.index_cast %scan3A_93 : i32 to index
        %get3A_103 = arith.constant 80 : index
        %get3A_104 = tpu.vector_load %arg9[%get3A_102, %get3A_103] {strides = array<i32>} : memref<448x128xf32, #tpu.memory_space<vmem>>, vector<1x16xf32>,
        %get3A_105 = vector.shape_cast %get3A_104 : vector<1x16xf32> to vector<16xf32>
        %swap3A_106 = arith.index_cast %scan3A_93 : i32 to index
        %swap3A_107 = arith.constant 16 : index
        %swap3A_108 = tpu.vector_load %arg8[%swap3A_106, %swap3A_107] {strides = array<i32>} : memref<448x128xf32, #tpu.memory_space<vmem>>, vector<1x16xf32>,
        %swap3A_109 = vector.shape_cast %swap3A_108 : vector<1x16xf32> to vector<16xf32>
        %swap3A_110 = vector.shape_cast %get3A_105 : vector<16xf32> to vector<1x16xf32>
        tpu.vector_store %arg8[%swap3A_106, %swap3A_107], %swap3A_110 {add = true, strides = array<i32>} : memref<448x128xf32, #tpu.memory_space<vmem>>, vector<1x16xf32>,
        %get3A_111 = arith.index_cast %scan3A_93 : i32 to index
        %get3A_112 = arith.constant 96 : index
        %get3A_113 = tpu.vector_load %arg9[%get3A_111, %get3A_112] {strides = array<i32>} : memref<448x128xf32, #tpu.memory_space<vmem>>, vector<1x16xf32>,
        %get3A_114 = vector.shape_cast %get3A_113 : vector<1x16xf32> to vector<16xf32>
        %swap3A_115 = arith.index_cast %scan3A_93 : i32 to index
        %swap3A_116 = arith.constant 32 : index
        %swap3A_117 = tpu.vector_load %arg8[%swap3A_115, %swap3A_116] {strides = array<i32>} : memref<448x128xf32, #tpu.memory_space<vmem>>, vector<1x16xf32>,
        %swap3A_118 = vector.shape_cast %swap3A_117 : vector<1x16xf32> to vector<16xf32>
        %swap3A_119 = vector.shape_cast %get3A_114 : vector<16xf32> to vector<1x16xf32>
        tpu.vector_store %arg8[%swap3A_115, %swap3A_116], %swap3A_119 {add = true, strides = array<i32>} : memref<448x128xf32, #tpu.memory_space<vmem>>, vector<1x16xf32>,
        %get3A_120 = arith.index_cast %scan3A_93 : i32 to index
        %get3A_121 = arith.constant 112 : index
        %get3A_122 = tpu.vector_load %arg9[%get3A_120, %get3A_121] {strides = array<i32>} : memref<448x128xf32, #tpu.memory_space<vmem>>, vector<1x16xf32>,
        %get3A_123 = vector.shape_cast %get3A_122 : vector<1x16xf32> to vector<16xf32>
        %swap3A_124 = arith.index_cast %scan3A_93 : i32 to index
        %swap3A_125 = arith.constant 48 : index
        %swap3A_126 = tpu.vector_load %arg8[%swap3A_124, %swap3A_125] {strides = array<i32>} : memref<448x128xf32, #tpu.memory_space<vmem>>, vector<1x16xf32>,
        %swap3A_127 = vector.shape_cast %swap3A_126 : vector<1x16xf32> to vector<16xf32>
        %swap3A_128 = vector.shape_cast %get3A_123 : vector<16xf32> to vector<1x16xf32>
        tpu.vector_store %arg8[%swap3A_124, %swap3A_125], %swap3A_128 {add = true, strides = array<i32>} : memref<448x128xf32, #tpu.memory_space<vmem>>, vector<1x16xf32>,
        %scan3A_129 = arith.constant 0 : i32
        scf.yield %scan3A_129 : i32
      }
      %scan3A_91 = arith.constant 448 : i32
      "tpu.region"() ({
        %run_scoped3A = tpu.sem_alloc : memref<!tpu.dma_semaphore, #tpu.memory_space<semaphore_mem>>
        %dma_start3A_93 = arith.constant 0 : i32
        %dma_start3A_94 = arith.constant 0 : i32
        %dma_start3A_95 = tpu.memref_slice %arg8[%dma_start3A_93, %dma_start3A_94] : memref<448x128xf32, #tpu.memory_space<vmem>> -> memref<448x128xf32, #tpu.memory_space<vmem>>
        %dma_start3A_96 = arith.constant 0 : i32
        %dma_start3A_97 = tpu.memref_slice %arg5[%add3A_52, %dma_start3A_96] : memref<800000x128xf32, #tpu.memory_space<hbm>> -> memref<448x128xf32, #tpu.memory_space<hbm>>
        %dma_start3A_98 = arith.constant 0 : i32
        %dma_start3A_99 = tpu.memref_slice %arg5[%add3A_52, %dma_start3A_98] : memref<800000x128xf32, #tpu.memory_space<hbm>> -> memref<448x128xf32, #tpu.memory_space<hbm>>
        %dma_start3A_100 = arith.constant 0 : i32
        %dma_start3A_101 = arith.constant 0 : i32
        %dma_start3A_102 = tpu.memref_slice %arg8[%dma_start3A_100, %dma_start3A_101] : memref<448x128xf32, #tpu.memory_space<vmem>> -> memref<448x128xf32, #tpu.memory_space<vmem>>
        tpu.enqueue_dma source(%dma_start3A_102 : memref<448x128xf32, #tpu.memory_space<vmem>>) target(%dma_start3A_99 : memref<448x128xf32, #tpu.memory_space<hbm>>) target_semaphore(%run_scoped3A : memref<!tpu.dma_semaphore, #tpu.memory_space<semaphore_mem>>)
        %dma_wait3A_103 = arith.constant 0 : i32
        %dma_wait3A_104 = arith.constant 0 : i32
        %dma_wait3A_105 = tpu.memref_slice %arg8[%dma_wait3A_103, %dma_wait3A_104] : memref<448x128xf32, #tpu.memory_space<vmem>> -> memref<448x128xf32, #tpu.memory_space<vmem>>
        %dma_wait3A_106 = arith.constant 0 : i32
        %dma_wait3A_107 = tpu.memref_slice %arg5[%add3A_52, %dma_wait3A_106] : memref<800000x128xf32, #tpu.memory_space<hbm>> -> memref<448x128xf32, #tpu.memory_space<hbm>>
        %dma_wait3A_108 = arith.constant 0 : i32
        %dma_wait3A_109 = tpu.memref_slice %arg5[%add3A_52, %dma_wait3A_108] : memref<800000x128xf32, #tpu.memory_space<hbm>> -> memref<448x128xf32, #tpu.memory_space<hbm>>
        %dma_wait3A_110 = arith.constant 0 : i32
        %dma_wait3A_111 = arith.constant 0 : i32
        %dma_wait3A_112 = tpu.memref_slice %arg8[%dma_wait3A_110, %dma_wait3A_111] : memref<448x128xf32, #tpu.memory_space<vmem>> -> memref<448x128xf32, #tpu.memory_space<vmem>>
        tpu.wait_dma2 semaphore(%run_scoped3A : memref<!tpu.dma_semaphore, #tpu.memory_space<semaphore_mem>>) src(%dma_wait3A_112 : memref<448x128xf32, #tpu.memory_space<vmem>>) dst(%dma_wait3A_109 : memref<448x128xf32, #tpu.memory_space<hbm>>)
        tpu.yield
      }) : () -> ()
      %scan3A_92 = arith.constant 0 : i32
      scf.yield %scan3A_92 : i32
    }
    %scan3A_8 = arith.constant 55 : i32
    %add3A_9 = arith.constant 24640 : i32
    %add3A_10 = arith.addi %mul3A_2, %add3A_9 : i32
    "tpu.region"() ({
      %run_scoped3A = tpu.sem_alloc : memref<!tpu.dma_semaphore, #tpu.memory_space<semaphore_mem>>
      %dma_start3A_48 = arith.constant 0 : i32
      %dma_start3A_49 = tpu.memref_slice %arg6[%dma_start3A_48] : memref<448xi32, #tpu.memory_space<vmem>> -> memref<360xi32, #tpu.memory_space<vmem>>
      %dma_start3A_50 = tpu.memref_slice %arg2[%add3A_10] : memref<800000xi32, #tpu.memory_space<hbm>> -> memref<360xi32, #tpu.memory_space<hbm>>
      %dma_start3A_51 = arith.constant 0 : i32
      %dma_start3A_52 = tpu.memref_slice %arg6[%dma_start3A_51] : memref<448xi32, #tpu.memory_space<vmem>> -> memref<360xi32, #tpu.memory_space<vmem>>
      %dma_start3A_53 = tpu.memref_slice %arg2[%add3A_10] : memref<800000xi32, #tpu.memory_space<hbm>> -> memref<360xi32, #tpu.memory_space<hbm>>
      tpu.enqueue_dma source(%dma_start3A_53 : memref<360xi32, #tpu.memory_space<hbm>>) target(%dma_start3A_52 : memref<360xi32, #tpu.memory_space<vmem>>) target_semaphore(%run_scoped3A : memref<!tpu.dma_semaphore, #tpu.memory_space<semaphore_mem>>)
      %dma_wait3A_54 = arith.constant 0 : i32
      %dma_wait3A_55 = tpu.memref_slice %arg6[%dma_wait3A_54] : memref<448xi32, #tpu.memory_space<vmem>> -> memref<360xi32, #tpu.memory_space<vmem>>
      %dma_wait3A_56 = tpu.memref_slice %arg2[%add3A_10] : memref<800000xi32, #tpu.memory_space<hbm>> -> memref<360xi32, #tpu.memory_space<hbm>>
      %dma_wait3A_57 = arith.constant 0 : i32
      %dma_wait3A_58 = tpu.memref_slice %arg6[%dma_wait3A_57] : memref<448xi32, #tpu.memory_space<vmem>> -> memref<360xi32, #tpu.memory_space<vmem>>
      %dma_wait3A_59 = tpu.memref_slice %arg2[%add3A_10] : memref<800000xi32, #tpu.memory_space<hbm>> -> memref<360xi32, #tpu.memory_space<hbm>>
      tpu.wait_dma2 semaphore(%run_scoped3A : memref<!tpu.dma_semaphore, #tpu.memory_space<semaphore_mem>>) src(%dma_wait3A_59 : memref<360xi32, #tpu.memory_space<hbm>>) dst(%dma_wait3A_58 : memref<360xi32, #tpu.memory_space<vmem>>)
      tpu.yield
    }) : () -> ()
    "tpu.region"() ({
      %run_scoped3A = tpu.sem_alloc : memref<!tpu.dma_semaphore, #tpu.memory_space<semaphore_mem>>
      %dma_start3A_48 = arith.constant 0 : i32
      %dma_start3A_49 = tpu.memref_slice %arg7[%dma_start3A_48] : memref<448xi32, #tpu.memory_space<vmem>> -> memref<360xi32, #tpu.memory_space<vmem>>
      %dma_start3A_50 = tpu.memref_slice %arg3[%add3A_10] : memref<800000xi32, #tpu.memory_space<hbm>> -> memref<360xi32, #tpu.memory_space<hbm>>
      %dma_start3A_51 = arith.constant 0 : i32
      %dma_start3A_52 = tpu.memref_slice %arg7[%dma_start3A_51] : memref<448xi32, #tpu.memory_space<vmem>> -> memref<360xi32, #tpu.memory_space<vmem>>
      %dma_start3A_53 = tpu.memref_slice %arg3[%add3A_10] : memref<800000xi32, #tpu.memory_space<hbm>> -> memref<360xi32, #tpu.memory_space<hbm>>
      tpu.enqueue_dma source(%dma_start3A_53 : memref<360xi32, #tpu.memory_space<hbm>>) target(%dma_start3A_52 : memref<360xi32, #tpu.memory_space<vmem>>) target_semaphore(%run_scoped3A : memref<!tpu.dma_semaphore, #tpu.memory_space<semaphore_mem>>)
      %dma_wait3A_54 = arith.constant 0 : i32
      %dma_wait3A_55 = tpu.memref_slice %arg7[%dma_wait3A_54] : memref<448xi32, #tpu.memory_space<vmem>> -> memref<360xi32, #tpu.memory_space<vmem>>
      %dma_wait3A_56 = tpu.memref_slice %arg3[%add3A_10] : memref<800000xi32, #tpu.memory_space<hbm>> -> memref<360xi32, #tpu.memory_space<hbm>>
      %dma_wait3A_57 = arith.constant 0 : i32
      %dma_wait3A_58 = tpu.memref_slice %arg7[%dma_wait3A_57] : memref<448xi32, #tpu.memory_space<vmem>> -> memref<360xi32, #tpu.memory_space<vmem>>
      %dma_wait3A_59 = tpu.memref_slice %arg3[%add3A_10] : memref<800000xi32, #tpu.memory_space<hbm>> -> memref<360xi32, #tpu.memory_space<hbm>>
      tpu.wait_dma2 semaphore(%run_scoped3A : memref<!tpu.dma_semaphore, #tpu.memory_space<semaphore_mem>>) src(%dma_wait3A_59 : memref<360xi32, #tpu.memory_space<hbm>>) dst(%dma_wait3A_58 : memref<360xi32, #tpu.memory_space<vmem>>)
      tpu.yield
    }) : () -> ()
    %dma_start3A = arith.constant 0 : i32
    %dma_start3A_11 = arith.constant 0 : i32
    %dma_start3A_12 = tpu.memref_slice %arg8[%dma_start3A, %dma_start3A_11] : memref<448x128xf32, #tpu.memory_space<vmem>> -> memref<360x128xf32, #tpu.memory_space<vmem>>
    %dma_start3A_13 = arith.constant 0 : i32
    %dma_start3A_14 = tpu.memref_slice %arg6[%dma_start3A_13] : memref<448xi32, #tpu.memory_space<vmem>> -> memref<360xi32, #tpu.memory_space<vmem>>
    %dma_start3A_15 = arith.constant 0 : i32
    %dma_start3A_16 = arith.constant 0 : i32
    %dma_start3A_17 = tpu.memref_slice %arg4[%dma_start3A_15, %dma_start3A_16] : memref<50000x128xf32, #tpu.memory_space<hbm>> -> memref<50000x128xf32, #tpu.memory_space<hbm>>
    tpu.enqueue_indirect_dma source(%dma_start3A_17 : memref<50000x128xf32, #tpu.memory_space<hbm>>) target(%dma_start3A_12 : memref<360x128xf32, #tpu.memory_space<vmem>>) offsets(%dma_start3A_14 : memref<360xi32, #tpu.memory_space<vmem>>) semaphore(%arg10 : memref<!tpu.dma_semaphore, #tpu.memory_space<semaphore_mem>>)
    %dma_start3A_18 = arith.constant 0 : i32
    %dma_start3A_19 = arith.constant 0 : i32
    %dma_start3A_20 = tpu.memref_slice %arg9[%dma_start3A_18, %dma_start3A_19] : memref<448x128xf32, #tpu.memory_space<vmem>> -> memref<360x128xf32, #tpu.memory_space<vmem>>
    %dma_start3A_21 = arith.constant 0 : i32
    %dma_start3A_22 = tpu.memref_slice %arg7[%dma_start3A_21] : memref<448xi32, #tpu.memory_space<vmem>> -> memref<360xi32, #tpu.memory_space<vmem>>
    %dma_start3A_23 = arith.constant 0 : i32
    %dma_start3A_24 = arith.constant 0 : i32
    %dma_start3A_25 = tpu.memref_slice %arg4[%dma_start3A_23, %dma_start3A_24] : memref<50000x128xf32, #tpu.memory_space<hbm>> -> memref<50000x128xf32, #tpu.memory_space<hbm>>
    tpu.enqueue_indirect_dma source(%dma_start3A_25 : memref<50000x128xf32, #tpu.memory_space<hbm>>) target(%dma_start3A_20 : memref<360x128xf32, #tpu.memory_space<vmem>>) offsets(%dma_start3A_22 : memref<360xi32, #tpu.memory_space<vmem>>) semaphore(%arg11 : memref<!tpu.dma_semaphore, #tpu.memory_space<semaphore_mem>>)
    %dma_wait3A = arith.constant 0 : i32
    %dma_wait3A_26 = arith.constant 0 : i32
    %dma_wait3A_27 = tpu.memref_slice %arg8[%dma_wait3A, %dma_wait3A_26] : memref<448x128xf32, #tpu.memory_space<vmem>> -> memref<360x128xf32, #tpu.memory_space<vmem>>
    %dma_wait3A_28 = arith.constant 0 : i32
    %dma_wait3A_29 = tpu.memref_slice %arg6[%dma_wait3A_28] : memref<448xi32, #tpu.memory_space<vmem>> -> memref<360xi32, #tpu.memory_space<vmem>>
    %dma_wait3A_30 = arith.constant 0 : i32
    %dma_wait3A_31 = arith.constant 0 : i32
    %dma_wait3A_32 = tpu.memref_slice %arg4[%dma_wait3A_30, %dma_wait3A_31] : memref<50000x128xf32, #tpu.memory_space<hbm>> -> memref<50000x128xf32, #tpu.memory_space<hbm>>
    tpu.wait_indirect_dma semaphore(%arg10 : memref<!tpu.dma_semaphore, #tpu.memory_space<semaphore_mem>>) src(%dma_wait3A_32 : memref<50000x128xf32, #tpu.memory_space<hbm>>) dst(%dma_wait3A_27 : memref<360x128xf32, #tpu.memory_space<vmem>>)
    %dma_wait3A_33 = arith.constant 0 : i32
    %dma_wait3A_34 = arith.constant 0 : i32
    %dma_wait3A_35 = tpu.memref_slice %arg9[%dma_wait3A_33, %dma_wait3A_34] : memref<448x128xf32, #tpu.memory_space<vmem>> -> memref<360x128xf32, #tpu.memory_space<vmem>>
    %dma_wait3A_36 = arith.constant 0 : i32
    %dma_wait3A_37 = tpu.memref_slice %arg7[%dma_wait3A_36] : memref<448xi32, #tpu.memory_space<vmem>> -> memref<360xi32, #tpu.memory_space<vmem>>
    %dma_wait3A_38 = arith.constant 0 : i32
    %dma_wait3A_39 = arith.constant 0 : i32
    %dma_wait3A_40 = tpu.memref_slice %arg4[%dma_wait3A_38, %dma_wait3A_39] : memref<50000x128xf32, #tpu.memory_space<hbm>> -> memref<50000x128xf32, #tpu.memory_space<hbm>>
    tpu.wait_indirect_dma semaphore(%arg11 : memref<!tpu.dma_semaphore, #tpu.memory_space<semaphore_mem>>) src(%dma_wait3A_40 : memref<50000x128xf32, #tpu.memory_space<hbm>>) dst(%dma_wait3A_35 : memref<360x128xf32, #tpu.memory_space<vmem>>)
    %scan3A_41 = arith.constant 0 : i32
    %scan3A_42 = arith.constant 0 : i32
    %scan3A_43 = arith.constant 360 : i32
    %scan3A_44 = arith.addi %scan3A_42, %scan3A_43 : i32
    %scan3A_45 = arith.constant 1 : i32
    %scan3A_46 = scf.for %scan3A_48 = %scan3A_42 to %scan3A_44 step %scan3A_45 iter_args(%scan3A_49 = %scan3A_41) -> (i32)  : i32 {
      %get3A = arith.index_cast %scan3A_48 : i32 to index
      %get3A_50 = arith.constant 64 : index
      %get3A_51 = tpu.vector_load %arg9[%get3A, %get3A_50] {strides = array<i32>} : memref<448x128xf32, #tpu.memory_space<vmem>>, vector<1x16xf32>,
      %get3A_52 = vector.shape_cast %get3A_51 : vector<1x16xf32> to vector<16xf32>
      %swap3A = arith.index_cast %scan3A_48 : i32 to index
      %swap3A_53 = arith.constant 0 : index
      %swap3A_54 = tpu.vector_load %arg8[%swap3A, %swap3A_53] {strides = array<i32>} : memref<448x128xf32, #tpu.memory_space<vmem>>, vector<1x16xf32>,
      %swap3A_55 = vector.shape_cast %swap3A_54 : vector<1x16xf32> to vector<16xf32>
      %swap3A_56 = vector.shape_cast %get3A_52 : vector<16xf32> to vector<1x16xf32>
      tpu.vector_store %arg8[%swap3A, %swap3A_53], %swap3A_56 {add = true, strides = array<i32>} : memref<448x128xf32, #tpu.memory_space<vmem>>, vector<1x16xf32>,
      %get3A_57 = arith.index_cast %scan3A_48 : i32 to index
      %get3A_58 = arith.constant 80 : index
      %get3A_59 = tpu.vector_load %arg9[%get3A_57, %get3A_58] {strides = array<i32>} : memref<448x128xf32, #tpu.memory_space<vmem>>, vector<1x16xf32>,
      %get3A_60 = vector.shape_cast %get3A_59 : vector<1x16xf32> to vector<16xf32>
      %swap3A_61 = arith.index_cast %scan3A_48 : i32 to index
      %swap3A_62 = arith.constant 16 : index
      %swap3A_63 = tpu.vector_load %arg8[%swap3A_61, %swap3A_62] {strides = array<i32>} : memref<448x128xf32, #tpu.memory_space<vmem>>, vector<1x16xf32>,
      %swap3A_64 = vector.shape_cast %swap3A_63 : vector<1x16xf32> to vector<16xf32>
      %swap3A_65 = vector.shape_cast %get3A_60 : vector<16xf32> to vector<1x16xf32>
      tpu.vector_store %arg8[%swap3A_61, %swap3A_62], %swap3A_65 {add = true, strides = array<i32>} : memref<448x128xf32, #tpu.memory_space<vmem>>, vector<1x16xf32>,
      %get3A_66 = arith.index_cast %scan3A_48 : i32 to index
      %get3A_67 = arith.constant 96 : index
      %get3A_68 = tpu.vector_load %arg9[%get3A_66, %get3A_67] {strides = array<i32>} : memref<448x128xf32, #tpu.memory_space<vmem>>, vector<1x16xf32>,
      %get3A_69 = vector.shape_cast %get3A_68 : vector<1x16xf32> to vector<16xf32>
      %swap3A_70 = arith.index_cast %scan3A_48 : i32 to index
      %swap3A_71 = arith.constant 32 : index
      %swap3A_72 = tpu.vector_load %arg8[%swap3A_70, %swap3A_71] {strides = array<i32>} : memref<448x128xf32, #tpu.memory_space<vmem>>, vector<1x16xf32>,
      %swap3A_73 = vector.shape_cast %swap3A_72 : vector<1x16xf32> to vector<16xf32>
      %swap3A_74 = vector.shape_cast %get3A_69 : vector<16xf32> to vector<1x16xf32>
      tpu.vector_store %arg8[%swap3A_70, %swap3A_71], %swap3A_74 {add = true, strides = array<i32>} : memref<448x128xf32, #tpu.memory_space<vmem>>, vector<1x16xf32>,
      %get3A_75 = arith.index_cast %scan3A_48 : i32 to index
      %get3A_76 = arith.constant 112 : index
      %get3A_77 = tpu.vector_load %arg9[%get3A_75, %get3A_76] {strides = array<i32>} : memref<448x128xf32, #tpu.memory_space<vmem>>, vector<1x16xf32>,
      %get3A_78 = vector.shape_cast %get3A_77 : vector<1x16xf32> to vector<16xf32>
      %swap3A_79 = arith.index_cast %scan3A_48 : i32 to index
      %swap3A_80 = arith.constant 48 : index
      %swap3A_81 = tpu.vector_load %arg8[%swap3A_79, %swap3A_80] {strides = array<i32>} : memref<448x128xf32, #tpu.memory_space<vmem>>, vector<1x16xf32>,
      %swap3A_82 = vector.shape_cast %swap3A_81 : vector<1x16xf32> to vector<16xf32>
      %swap3A_83 = vector.shape_cast %get3A_78 : vector<16xf32> to vector<1x16xf32>
      tpu.vector_store %arg8[%swap3A_79, %swap3A_80], %swap3A_83 {add = true, strides = array<i32>} : memref<448x128xf32, #tpu.memory_space<vmem>>, vector<1x16xf32>,
      %scan3A_84 = arith.constant 0 : i32
      scf.yield %scan3A_84 : i32
    }
    %scan3A_47 = arith.constant 360 : i32
    "tpu.region"() ({
      %run_scoped3A = tpu.sem_alloc : memref<!tpu.dma_semaphore, #tpu.memory_space<semaphore_mem>>
      %dma_start3A_48 = arith.constant 0 : i32
      %dma_start3A_49 = arith.constant 0 : i32
      %dma_start3A_50 = tpu.memref_slice %arg8[%dma_start3A_48, %dma_start3A_49] : memref<448x128xf32, #tpu.memory_space<vmem>> -> memref<360x128xf32, #tpu.memory_space<vmem>>
      %dma_start3A_51 = arith.constant 0 : i32
      %dma_start3A_52 = tpu.memref_slice %arg5[%add3A_10, %dma_start3A_51] : memref<800000x128xf32, #tpu.memory_space<hbm>> -> memref<360x128xf32, #tpu.memory_space<hbm>>
      %dma_start3A_53 = arith.constant 0 : i32
      %dma_start3A_54 = tpu.memref_slice %arg5[%add3A_10, %dma_start3A_53] : memref<800000x128xf32, #tpu.memory_space<hbm>> -> memref<360x128xf32, #tpu.memory_space<hbm>>
      %dma_start3A_55 = arith.constant 0 : i32
      %dma_start3A_56 = arith.constant 0 : i32
      %dma_start3A_57 = tpu.memref_slice %arg8[%dma_start3A_55, %dma_start3A_56] : memref<448x128xf32, #tpu.memory_space<vmem>> -> memref<360x128xf32, #tpu.memory_space<vmem>>
      tpu.enqueue_dma source(%dma_start3A_57 : memref<360x128xf32, #tpu.memory_space<vmem>>) target(%dma_start3A_54 : memref<360x128xf32, #tpu.memory_space<hbm>>) target_semaphore(%run_scoped3A : memref<!tpu.dma_semaphore, #tpu.memory_space<semaphore_mem>>)
      %dma_wait3A_58 = arith.constant 0 : i32
      %dma_wait3A_59 = arith.constant 0 : i32
      %dma_wait3A_60 = tpu.memref_slice %arg8[%dma_wait3A_58, %dma_wait3A_59] : memref<448x128xf32, #tpu.memory_space<vmem>> -> memref<360x128xf32, #tpu.memory_space<vmem>>
      %dma_wait3A_61 = arith.constant 0 : i32
      %dma_wait3A_62 = tpu.memref_slice %arg5[%add3A_10, %dma_wait3A_61] : memref<800000x128xf32, #tpu.memory_space<hbm>> -> memref<360x128xf32, #tpu.memory_space<hbm>>
      %dma_wait3A_63 = arith.constant 0 : i32
      %dma_wait3A_64 = tpu.memref_slice %arg5[%add3A_10, %dma_wait3A_63] : memref<800000x128xf32, #tpu.memory_space<hbm>> -> memref<360x128xf32, #tpu.memory_space<hbm>>
      %dma_wait3A_65 = arith.constant 0 : i32
      %dma_wait3A_66 = arith.constant 0 : i32
      %dma_wait3A_67 = tpu.memref_slice %arg8[%dma_wait3A_65, %dma_wait3A_66] : memref<448x128xf32, #tpu.memory_space<vmem>> -> memref<360x128xf32, #tpu.memory_space<vmem>>
      tpu.wait_dma2 semaphore(%run_scoped3A : memref<!tpu.dma_semaphore, #tpu.memory_space<semaphore_mem>>) src(%dma_wait3A_67 : memref<360x128xf32, #tpu.memory_space<vmem>>) dst(%dma_wait3A_64 : memref<360x128xf32, #tpu.memory_space<hbm>>)
      tpu.yield
    }) : () -> ()
    return
  }
}

#map = affine_map<(d0, d1) -> (0)>
module attributes {stable_mosaic.version = 14 : i64} {
  func.func @k4(%arg0: i32, %arg1: i32, %arg2: memref<800000xi32, #tpu.memory_space<hbm>>, %arg3: memref<51200000xf32, #tpu.memory_space<hbm>>, %arg4: memref<3203072xf32, #tpu.memory_space<hbm>>, %arg5: memref<1600xi32, #tpu.memory_space<vmem>>, %arg6: memref<1600xf32, #tpu.memory_space<vmem>>, %arg7: memref<1600xf32, #tpu.memory_space<vmem>>, %arg8: memref<50048xf32, #tpu.memory_space<vmem>>, %arg9: memref<50048xf32, #tpu.memory_space<vmem>>, %arg10: memref<1600xi32, #tpu.memory_space<vmem>>, %arg11: memref<1600xf32, #tpu.memory_space<vmem>>, %arg12: memref<1600xf32, #tpu.memory_space<vmem>>, %arg13: memref<1600xi32, #tpu.memory_space<vmem>>, %arg14: memref<1600xf32, #tpu.memory_space<vmem>>, %arg15: memref<1600xf32, #tpu.memory_space<vmem>>) attributes {dimension_semantics = [#tpu.dimension_semantics<core_parallel>, #tpu.dimension_semantics<subcore_parallel>], iteration_bounds = array<i64: 2, 16>, scalar_prefetch = 0 : i64, scratch_operands = 11 : i64, tpu.core_type = #tpu.core_type<sc_vector_subcore>, window_params = [{transform_indices = #map}, {transform_indices = #map}, {transform_indices = #map}]} {
    %mul3A = arith.constant 2 : i32
    %mul3A_0 = arith.muli %arg1, %mul3A : i32
    %add3A = arith.addi %mul3A_0, %arg0 : i32
    %mul3A_1 = arith.constant 2 : i32
    %mul3A_2 = arith.muli %add3A, %mul3A_1 : i32
    %scan3A = arith.constant 0 : i32
    %scan3A_3 = arith.constant 0 : i32
    %scan3A_4 = arith.constant 3128 : i32
    %scan3A_5 = arith.addi %scan3A_3, %scan3A_4 : i32
    %scan3A_6 = arith.constant 1 : i32
    %scan3A_7 = scf.for %scan3A_29 = %scan3A_3 to %scan3A_5 step %scan3A_6 iter_args(%scan3A_30 = %scan3A) -> (i32)  : i32 {
      %mul3A_31 = arith.constant 16 : i32
      %mul3A_32 = arith.muli %scan3A_29, %mul3A_31 : i32
      %broadcast_in_dim3A = arith.constant 0xFF800000 : f32
      %broadcast_in_dim3A_33 = vector.broadcast %broadcast_in_dim3A : f32 to vector<16xf32>
      %swap3A = arith.index_cast %mul3A_32 : i32 to index
      %swap3A_34 = tpu.vector_load %arg8[%swap3A] {strides = array<i32>} : memref<50048xf32, #tpu.memory_space<vmem>>, vector<16xf32>,
      tpu.vector_store %arg8[%swap3A], %broadcast_in_dim3A_33 {strides = array<i32>} : memref<50048xf32, #tpu.memory_space<vmem>>, vector<16xf32>,
      %broadcast_in_dim3A_35 = arith.constant 0xFF800000 : f32
      %broadcast_in_dim3A_36 = vector.broadcast %broadcast_in_dim3A_35 : f32 to vector<16xf32>
      %swap3A_37 = arith.index_cast %mul3A_32 : i32 to index
      %swap3A_38 = tpu.vector_load %arg9[%swap3A_37] {strides = array<i32>} : memref<50048xf32, #tpu.memory_space<vmem>>, vector<16xf32>,
      tpu.vector_store %arg9[%swap3A_37], %broadcast_in_dim3A_36 {strides = array<i32>} : memref<50048xf32, #tpu.memory_space<vmem>>, vector<16xf32>,
      %scan3A_39 = arith.constant 0 : i32
      scf.yield %scan3A_39 : i32
    }
    %scan3A_8 = arith.constant 3128 : i32
    %scan3A_9 = arith.constant 0 : i32
    %scan3A_10 = arith.constant 0 : i32
    %scan3A_11 = arith.constant 500 : i32
    %scan3A_12 = arith.addi %scan3A_10, %scan3A_11 : i32
    %scan3A_13 = arith.constant 1 : i32
    %scan3A_14 = scf.for %scan3A_29 = %scan3A_10 to %scan3A_12 step %scan3A_13 iter_args(%scan3A_30 = %scan3A_9) -> (i32)  : i32 {
      %mul3A_31 = arith.constant 1600 : i32
      %mul3A_32 = arith.muli %scan3A_29, %mul3A_31 : i32
      "tpu.region"() ({
        %run_scoped3A = tpu.sem_alloc : memref<!tpu.dma_semaphore, #tpu.memory_space<semaphore_mem>>
        %dma_start3A = tpu.memref_slice %arg2[%mul3A_32] : memref<800000xi32, #tpu.memory_space<hbm>> -> memref<1600xi32, #tpu.memory_space<hbm>>
        %dma_start3A_240 = tpu.memref_slice %arg2[%mul3A_32] : memref<800000xi32, #tpu.memory_space<hbm>> -> memref<1600xi32, #tpu.memory_space<hbm>>
        tpu.enqueue_dma source(%dma_start3A_240 : memref<1600xi32, #tpu.memory_space<hbm>>) target(%arg5 : memref<1600xi32, #tpu.memory_space<vmem>>) target_semaphore(%run_scoped3A : memref<!tpu.dma_semaphore, #tpu.memory_space<semaphore_mem>>)
        %dma_wait3A = tpu.memref_slice %arg2[%mul3A_32] : memref<800000xi32, #tpu.memory_space<hbm>> -> memref<1600xi32, #tpu.memory_space<hbm>>
        %dma_wait3A_241 = tpu.memref_slice %arg2[%mul3A_32] : memref<800000xi32, #tpu.memory_space<hbm>> -> memref<1600xi32, #tpu.memory_space<hbm>>
        tpu.wait_dma2 semaphore(%run_scoped3A : memref<!tpu.dma_semaphore, #tpu.memory_space<semaphore_mem>>) src(%dma_wait3A_241 : memref<1600xi32, #tpu.memory_space<hbm>>) dst(%arg5 : memref<1600xi32, #tpu.memory_space<vmem>>)
        tpu.yield
      }) : () -> ()
      %mul3A_33 = arith.constant 800000 : i32
      %mul3A_34 = arith.muli %mul3A_2, %mul3A_33 : i32
      %add3A_35 = arith.addi %mul3A_34, %mul3A_32 : i32
      "tpu.region"() ({
        %run_scoped3A = tpu.sem_alloc : memref<!tpu.dma_semaphore, #tpu.memory_space<semaphore_mem>>
        %dma_start3A = tpu.memref_slice %arg3[%add3A_35] : memref<51200000xf32, #tpu.memory_space<hbm>> -> memref<1600xf32, #tpu.memory_space<hbm>>
        %dma_start3A_240 = tpu.memref_slice %arg3[%add3A_35] : memref<51200000xf32, #tpu.memory_space<hbm>> -> memref<1600xf32, #tpu.memory_space<hbm>>
        tpu.enqueue_dma source(%dma_start3A_240 : memref<1600xf32, #tpu.memory_space<hbm>>) target(%arg6 : memref<1600xf32, #tpu.memory_space<vmem>>) target_semaphore(%run_scoped3A : memref<!tpu.dma_semaphore, #tpu.memory_space<semaphore_mem>>)
        %dma_wait3A = tpu.memref_slice %arg3[%add3A_35] : memref<51200000xf32, #tpu.memory_space<hbm>> -> memref<1600xf32, #tpu.memory_space<hbm>>
        %dma_wait3A_241 = tpu.memref_slice %arg3[%add3A_35] : memref<51200000xf32, #tpu.memory_space<hbm>> -> memref<1600xf32, #tpu.memory_space<hbm>>
        tpu.wait_dma2 semaphore(%run_scoped3A : memref<!tpu.dma_semaphore, #tpu.memory_space<semaphore_mem>>) src(%dma_wait3A_241 : memref<1600xf32, #tpu.memory_space<hbm>>) dst(%arg6 : memref<1600xf32, #tpu.memory_space<vmem>>)
        tpu.yield
      }) : () -> ()
      %add3A_36 = arith.constant 1 : i32
      %add3A_37 = arith.addi %mul3A_2, %add3A_36 : i32
      %mul3A_38 = arith.constant 800000 : i32
      %mul3A_39 = arith.muli %add3A_37, %mul3A_38 : i32
      %add3A_40 = arith.addi %mul3A_39, %mul3A_32 : i32
      "tpu.region"() ({
        %run_scoped3A = tpu.sem_alloc : memref<!tpu.dma_semaphore, #tpu.memory_space<semaphore_mem>>
        %dma_start3A = tpu.memref_slice %arg3[%add3A_40] : memref<51200000xf32, #tpu.memory_space<hbm>> -> memref<1600xf32, #tpu.memory_space<hbm>>
        %dma_start3A_240 = tpu.memref_slice %arg3[%add3A_40] : memref<51200000xf32, #tpu.memory_space<hbm>> -> memref<1600xf32, #tpu.memory_space<hbm>>
        tpu.enqueue_dma source(%dma_start3A_240 : memref<1600xf32, #tpu.memory_space<hbm>>) target(%arg7 : memref<1600xf32, #tpu.memory_space<vmem>>) target_semaphore(%run_scoped3A : memref<!tpu.dma_semaphore, #tpu.memory_space<semaphore_mem>>)
        %dma_wait3A = tpu.memref_slice %arg3[%add3A_40] : memref<51200000xf32, #tpu.memory_space<hbm>> -> memref<1600xf32, #tpu.memory_space<hbm>>
        %dma_wait3A_241 = tpu.memref_slice %arg3[%add3A_40] : memref<51200000xf32, #tpu.memory_space<hbm>> -> memref<1600xf32, #tpu.memory_space<hbm>>
        tpu.wait_dma2 semaphore(%run_scoped3A : memref<!tpu.dma_semaphore, #tpu.memory_space<semaphore_mem>>) src(%dma_wait3A_241 : memref<1600xf32, #tpu.memory_space<hbm>>) dst(%arg7 : memref<1600xf32, #tpu.memory_space<vmem>>)
        tpu.yield
      }) : () -> ()
      %scan3A_41 = arith.constant 0 : i32
      %scan3A_42 = arith.constant 0 : i32
      %scan3A_43 = arith.constant 100 : i32
      %scan3A_44 = arith.addi %scan3A_42, %scan3A_43 : i32
      %scan3A_45 = arith.constant 1 : i32
      %scan3A_46 = scf.for %scan3A_240 = %scan3A_42 to %scan3A_44 step %scan3A_45 iter_args(%scan3A_241 = %scan3A_41) -> (i32)  : i32 {
        %mul3A_242 = arith.constant 16 : i32
        %mul3A_243 = arith.muli %scan3A_240, %mul3A_242 : i32
        %get3A = arith.index_cast %mul3A_243 : i32 to index
        %get3A_244 = tpu.vector_load %arg5[%get3A] {strides = array<i32>} : memref<1600xi32, #tpu.memory_space<vmem>>, vector<16xi32>,
        %get3A_245 = arith.index_cast %mul3A_243 : i32 to index
        %get3A_246 = tpu.vector_load %arg6[%get3A_245] {strides = array<i32>} : memref<1600xf32, #tpu.memory_space<vmem>>, vector<16xf32>,
        %get3A_247 = arith.index_cast %mul3A_243 : i32 to index
        %get3A_248 = tpu.vector_load %arg7[%get3A_247] {strides = array<i32>} : memref<1600xf32, #tpu.memory_space<vmem>>, vector<16xf32>,
        %gather3A = tpu.vector_load_idx %arg8[%get3A_244] : memref<50048xf32, #tpu.memory_space<vmem>>[vector<16xi32>], vector<16xf32>,
        %max3A = arith.maximumf %gather3A, %get3A_246 : vector<16xf32>
        tpu.vector_store_idx %arg8[%get3A_244], %max3A : memref<50048xf32, #tpu.memory_space<vmem>>[vector<16xi32>], vector<16xf32>,
        %gather3A_249 = tpu.vector_load_idx %arg9[%get3A_244] : memref<50048xf32, #tpu.memory_space<vmem>>[vector<16xi32>], vector<16xf32>,
        %max3A_250 = arith.maximumf %gather3A_249, %get3A_248 : vector<16xf32>
        tpu.vector_store_idx %arg9[%get3A_244], %max3A_250 : memref<50048xf32, #tpu.memory_space<vmem>>[vector<16xi32>], vector<16xf32>,
        %gather3A_251 = tpu.vector_load_idx %arg8[%get3A_244] : memref<50048xf32, #tpu.memory_space<vmem>>[vector<16xi32>], vector<16xf32>,
        %gather3A_252 = tpu.vector_load_idx %arg9[%get3A_244] : memref<50048xf32, #tpu.memory_space<vmem>>[vector<16xi32>], vector<16xf32>,
        %lt3A = arith.cmpf olt, %gather3A_251, %get3A_246 : vector<16xf32>
        %lt3A_253 = arith.cmpf olt, %gather3A_252, %get3A_248 : vector<16xf32>
        %mul3A_254 = arith.constant 16 : i32
        %mul3A_255 = arith.muli %scan3A_241, %mul3A_254 : i32
        %swap3A = arith.index_cast %mul3A_255 : i32 to index
        %swap3A_256 = tpu.vector_load %arg10[%swap3A] {strides = array<i32>} : memref<1600xi32, #tpu.memory_space<vmem>>, vector<16xi32>,
        tpu.vector_store %arg10[%swap3A], %get3A_244 {strides = array<i32>} : memref<1600xi32, #tpu.memory_space<vmem>>, vector<16xi32>,
        %jit3A = arith.constant 0xFF800000 : f32
        %broadcast_in_dim3A = vector.broadcast %jit3A : f32 to vector<16xf32>
        %select_n3A = arith.select %lt3A, %get3A_246, %broadcast_in_dim3A : vector<16xi1>, vector<16xf32>
        %swap3A_257 = arith.index_cast %mul3A_255 : i32 to index
        %swap3A_258 = tpu.vector_load %arg11[%swap3A_257] {strides = array<i32>} : memref<1600xf32, #tpu.memory_space<vmem>>, vector<16xf32>,
        tpu.vector_store %arg11[%swap3A_257], %select_n3A {strides = array<i32>} : memref<1600xf32, #tpu.memory_space<vmem>>, vector<16xf32>,
        %jit3A_259 = arith.constant 0xFF800000 : f32
        %broadcast_in_dim3A_260 = vector.broadcast %jit3A_259 : f32 to vector<16xf32>
        %select_n3A_261 = arith.select %lt3A_253, %get3A_248, %broadcast_in_dim3A_260 : vector<16xi1>, vector<16xf32>
        %swap3A_262 = arith.index_cast %mul3A_255 : i32 to index
        %swap3A_263 = tpu.vector_load %arg12[%swap3A_262] {strides = array<i32>} : memref<1600xf32, #tpu.memory_space<vmem>>, vector<16xf32>,
        tpu.vector_store %arg12[%swap3A_262], %select_n3A_261 {strides = array<i32>} : memref<1600xf32, #tpu.memory_space<vmem>>, vector<16xf32>,
        %or3A = arith.ori %lt3A, %lt3A_253 : vector<16xi1>
        %reduce_or3A = arith.constant 1.000000e+00 : f32
        %reduce_or3A_264 = arith.constant 0.000000e+00 : f32
        %reduce_or3A_265 = vector.broadcast %reduce_or3A : f32 to vector<16xf32>
        %reduce_or3A_266 = vector.broadcast %reduce_or3A_264 : f32 to vector<16xf32>
        %reduce_or3A_267 = arith.select %or3A, %reduce_or3A_265, %reduce_or3A_266 : vector<16xi1>, vector<16xf32>
        %reduce_or3A_268 = arith.constant true
        %reduce_or3A_269 = vector.broadcast %reduce_or3A_268 : i1 to vector<16xi1>
        %reduce_or3A_270 = tpu.scan <max>, %reduce_or3A_267 masked %reduce_or3A_269 : vector<16xf32>, vector<16xi1> -> vector<16xf32>
        %reduce_or3A_271 = vector.extract %reduce_or3A_270[15] : f32 from vector<16xf32>
        %reduce_or3A_272 = arith.constant 0.000000e+00 : f32
        %reduce_or3A_273 = arith.cmpf ogt, %reduce_or3A_271, %reduce_or3A_272 : f32
        %jit3A_274 = arith.constant 1 : i32
        %jit3A_275 = arith.constant 0 : i32
        %select_n3A_276 = arith.select %reduce_or3A_273, %jit3A_274, %jit3A_275 : i32
        %add3A_277 = arith.addi %scan3A_241, %select_n3A_276 : i32
        scf.yield %add3A_277 : i32
      }
      %scan3A_47 = arith.constant 100 : i32
      %while3A = arith.constant 0 : i32
      %while3A_48 = arith.constant 0 : i32
      %while3A_49 = arith.subi %scan3A_46, %while3A : i32
      %while3A_50 = arith.addi %while3A, %while3A_49 : i32
      %while3A_51 = arith.constant 1 : i32
      %while3A_52 = arith.divsi %while3A_49, %while3A_51 : i32
      %while3A_53 = arith.muli %while3A_52, %while3A_51 : i32
      %while3A_54 = arith.addi %while3A, %while3A_53 : i32
      %while3A_55 = arith.constant 1 : i32
      %while3A_56 = scf.for %while3A_240 = %while3A to %while3A_54 step %while3A_55 iter_args(%while3A_241 = %while3A_48) -> (i32)  : i32 {
        %mul3A_242 = arith.constant 16 : i32
        %mul3A_243 = arith.muli %while3A_240, %mul3A_242 : i32
        %get3A = arith.index_cast %mul3A_243 : i32 to index
        %get3A_244 = tpu.vector_load %arg10[%get3A] {strides = array<i32>} : memref<1600xi32, #tpu.memory_space<vmem>>, vector<16xi32>,
        %get3A_245 = arith.index_cast %mul3A_243 : i32 to index
        %get3A_246 = tpu.vector_load %arg11[%get3A_245] {strides = array<i32>} : memref<1600xf32, #tpu.memory_space<vmem>>, vector<16xf32>,
        %get3A_247 = arith.index_cast %mul3A_243 : i32 to index
        %get3A_248 = tpu.vector_load %arg12[%get3A_247] {strides = array<i32>} : memref<1600xf32, #tpu.memory_space<vmem>>, vector<16xf32>,
        %gather3A = tpu.vector_load_idx %arg8[%get3A_244] : memref<50048xf32, #tpu.memory_space<vmem>>[vector<16xi32>], vector<16xf32>,
        %max3A = arith.maximumf %gather3A, %get3A_246 : vector<16xf32>
        tpu.vector_store_idx %arg8[%get3A_244], %max3A : memref<50048xf32, #tpu.memory_space<vmem>>[vector<16xi32>], vector<16xf32>,
        %gather3A_249 = tpu.vector_load_idx %arg9[%get3A_244] : memref<50048xf32, #tpu.memory_space<vmem>>[vector<16xi32>], vector<16xf32>,
        %max3A_250 = arith.maximumf %gather3A_249, %get3A_248 : vector<16xf32>
        tpu.vector_store_idx %arg9[%get3A_244], %max3A_250 : memref<50048xf32, #tpu.memory_space<vmem>>[vector<16xi32>], vector<16xf32>,
        %gather3A_251 = tpu.vector_load_idx %arg8[%get3A_244] : memref<50048xf32, #tpu.memory_space<vmem>>[vector<16xi32>], vector<16xf32>,
        %gather3A_252 = tpu.vector_load_idx %arg9[%get3A_244] : memref<50048xf32, #tpu.memory_space<vmem>>[vector<16xi32>], vector<16xf32>,
        %lt3A = arith.cmpf olt, %gather3A_251, %get3A_246 : vector<16xf32>
        %lt3A_253 = arith.cmpf olt, %gather3A_252, %get3A_248 : vector<16xf32>
        %mul3A_254 = arith.constant 16 : i32
        %mul3A_255 = arith.muli %while3A_241, %mul3A_254 : i32
        %swap3A = arith.index_cast %mul3A_255 : i32 to index
        %swap3A_256 = tpu.vector_load %arg13[%swap3A] {strides = array<i32>} : memref<1600xi32, #tpu.memory_space<vmem>>, vector<16xi32>,
        tpu.vector_store %arg13[%swap3A], %get3A_244 {strides = array<i32>} : memref<1600xi32, #tpu.memory_space<vmem>>, vector<16xi32>,
        %jit3A = arith.constant 0xFF800000 : f32
        %broadcast_in_dim3A = vector.broadcast %jit3A : f32 to vector<16xf32>
        %select_n3A = arith.select %lt3A, %get3A_246, %broadcast_in_dim3A : vector<16xi1>, vector<16xf32>
        %swap3A_257 = arith.index_cast %mul3A_255 : i32 to index
        %swap3A_258 = tpu.vector_load %arg14[%swap3A_257] {strides = array<i32>} : memref<1600xf32, #tpu.memory_space<vmem>>, vector<16xf32>,
        tpu.vector_store %arg14[%swap3A_257], %select_n3A {strides = array<i32>} : memref<1600xf32, #tpu.memory_space<vmem>>, vector<16xf32>,
        %jit3A_259 = arith.constant 0xFF800000 : f32
        %broadcast_in_dim3A_260 = vector.broadcast %jit3A_259 : f32 to vector<16xf32>
        %select_n3A_261 = arith.select %lt3A_253, %get3A_248, %broadcast_in_dim3A_260 : vector<16xi1>, vector<16xf32>
        %swap3A_262 = arith.index_cast %mul3A_255 : i32 to index
        %swap3A_263 = tpu.vector_load %arg15[%swap3A_262] {strides = array<i32>} : memref<1600xf32, #tpu.memory_space<vmem>>, vector<16xf32>,
        tpu.vector_store %arg15[%swap3A_262], %select_n3A_261 {strides = array<i32>} : memref<1600xf32, #tpu.memory_space<vmem>>, vector<16xf32>,
        %or3A = arith.ori %lt3A, %lt3A_253 : vector<16xi1>
        %reduce_or3A = arith.constant 1.000000e+00 : f32
        %reduce_or3A_264 = arith.constant 0.000000e+00 : f32
        %reduce_or3A_265 = vector.broadcast %reduce_or3A : f32 to vector<16xf32>
        %reduce_or3A_266 = vector.broadcast %reduce_or3A_264 : f32 to vector<16xf32>
        %reduce_or3A_267 = arith.select %or3A, %reduce_or3A_265, %reduce_or3A_266 : vector<16xi1>, vector<16xf32>
        %reduce_or3A_268 = arith.constant true
        %reduce_or3A_269 = vector.broadcast %reduce_or3A_268 : i1 to vector<16xi1>
        %reduce_or3A_270 = tpu.scan <max>, %reduce_or3A_267 masked %reduce_or3A_269 : vector<16xf32>, vector<16xi1> -> vector<16xf32>
        %reduce_or3A_271 = vector.extract %reduce_or3A_270[15] : f32 from vector<16xf32>
        %reduce_or3A_272 = arith.constant 0.000000e+00 : f32
        %reduce_or3A_273 = arith.cmpf ogt, %reduce_or3A_271, %reduce_or3A_272 : f32
        %jit3A_274 = arith.constant 1 : i32
        %jit3A_275 = arith.constant 0 : i32
        %select_n3A_276 = arith.select %reduce_or3A_273, %jit3A_274, %jit3A_275 : i32
        %add3A_277 = arith.addi %while3A_241, %select_n3A_276 : i32
        scf.yield %add3A_277 : i32
      }
      %while3A_57 = arith.constant 1 : i32
      %while3A_58 = scf.for %while3A_240 = %while3A_54 to %while3A_50 step %while3A_57 iter_args(%while3A_241 = %while3A_56) -> (i32)  : i32 {
        %mul3A_242 = arith.constant 16 : i32
        %mul3A_243 = arith.muli %while3A_240, %mul3A_242 : i32
        %get3A = arith.index_cast %mul3A_243 : i32 to index
        %get3A_244 = tpu.vector_load %arg10[%get3A] {strides = array<i32>} : memref<1600xi32, #tpu.memory_space<vmem>>, vector<16xi32>,
        %get3A_245 = arith.index_cast %mul3A_243 : i32 to index
        %get3A_246 = tpu.vector_load %arg11[%get3A_245] {strides = array<i32>} : memref<1600xf32, #tpu.memory_space<vmem>>, vector<16xf32>,
        %get3A_247 = arith.index_cast %mul3A_243 : i32 to index
        %get3A_248 = tpu.vector_load %arg12[%get3A_247] {strides = array<i32>} : memref<1600xf32, #tpu.memory_space<vmem>>, vector<16xf32>,
        %gather3A = tpu.vector_load_idx %arg8[%get3A_244] : memref<50048xf32, #tpu.memory_space<vmem>>[vector<16xi32>], vector<16xf32>,
        %max3A = arith.maximumf %gather3A, %get3A_246 : vector<16xf32>
        tpu.vector_store_idx %arg8[%get3A_244], %max3A : memref<50048xf32, #tpu.memory_space<vmem>>[vector<16xi32>], vector<16xf32>,
        %gather3A_249 = tpu.vector_load_idx %arg9[%get3A_244] : memref<50048xf32, #tpu.memory_space<vmem>>[vector<16xi32>], vector<16xf32>,
        %max3A_250 = arith.maximumf %gather3A_249, %get3A_248 : vector<16xf32>
        tpu.vector_store_idx %arg9[%get3A_244], %max3A_250 : memref<50048xf32, #tpu.memory_space<vmem>>[vector<16xi32>], vector<16xf32>,
        %gather3A_251 = tpu.vector_load_idx %arg8[%get3A_244] : memref<50048xf32, #tpu.memory_space<vmem>>[vector<16xi32>], vector<16xf32>,
        %gather3A_252 = tpu.vector_load_idx %arg9[%get3A_244] : memref<50048xf32, #tpu.memory_space<vmem>>[vector<16xi32>], vector<16xf32>,
        %lt3A = arith.cmpf olt, %gather3A_251, %get3A_246 : vector<16xf32>
        %lt3A_253 = arith.cmpf olt, %gather3A_252, %get3A_248 : vector<16xf32>
        %mul3A_254 = arith.constant 16 : i32
        %mul3A_255 = arith.muli %while3A_241, %mul3A_254 : i32
        %swap3A = arith.index_cast %mul3A_255 : i32 to index
        %swap3A_256 = tpu.vector_load %arg13[%swap3A] {strides = array<i32>} : memref<1600xi32, #tpu.memory_space<vmem>>, vector<16xi32>,
        tpu.vector_store %arg13[%swap3A], %get3A_244 {strides = array<i32>} : memref<1600xi32, #tpu.memory_space<vmem>>, vector<16xi32>,
        %jit3A = arith.constant 0xFF800000 : f32
        %broadcast_in_dim3A = vector.broadcast %jit3A : f32 to vector<16xf32>
        %select_n3A = arith.select %lt3A, %get3A_246, %broadcast_in_dim3A : vector<16xi1>, vector<16xf32>
        %swap3A_257 = arith.index_cast %mul3A_255 : i32 to index
        %swap3A_258 = tpu.vector_load %arg14[%swap3A_257] {strides = array<i32>} : memref<1600xf32, #tpu.memory_space<vmem>>, vector<16xf32>,
        tpu.vector_store %arg14[%swap3A_257], %select_n3A {strides = array<i32>} : memref<1600xf32, #tpu.memory_space<vmem>>, vector<16xf32>,
        %jit3A_259 = arith.constant 0xFF800000 : f32
        %broadcast_in_dim3A_260 = vector.broadcast %jit3A_259 : f32 to vector<16xf32>
        %select_n3A_261 = arith.select %lt3A_253, %get3A_248, %broadcast_in_dim3A_260 : vector<16xi1>, vector<16xf32>
        %swap3A_262 = arith.index_cast %mul3A_255 : i32 to index
        %swap3A_263 = tpu.vector_load %arg15[%swap3A_262] {strides = array<i32>} : memref<1600xf32, #tpu.memory_space<vmem>>, vector<16xf32>,
        tpu.vector_store %arg15[%swap3A_262], %select_n3A_261 {strides = array<i32>} : memref<1600xf32, #tpu.memory_space<vmem>>, vector<16xf32>,
        %or3A = arith.ori %lt3A, %lt3A_253 : vector<16xi1>
        %reduce_or3A = arith.constant 1.000000e+00 : f32
        %reduce_or3A_264 = arith.constant 0.000000e+00 : f32
        %reduce_or3A_265 = vector.broadcast %reduce_or3A : f32 to vector<16xf32>
        %reduce_or3A_266 = vector.broadcast %reduce_or3A_264 : f32 to vector<16xf32>
        %reduce_or3A_267 = arith.select %or3A, %reduce_or3A_265, %reduce_or3A_266 : vector<16xi1>, vector<16xf32>
        %reduce_or3A_268 = arith.constant true
        %reduce_or3A_269 = vector.broadcast %reduce_or3A_268 : i1 to vector<16xi1>
        %reduce_or3A_270 = tpu.scan <max>, %reduce_or3A_267 masked %reduce_or3A_269 : vector<16xf32>, vector<16xi1> -> vector<16xf32>
        %reduce_or3A_271 = vector.extract %reduce_or3A_270[15] : f32 from vector<16xf32>
        %reduce_or3A_272 = arith.constant 0.000000e+00 : f32
        %reduce_or3A_273 = arith.cmpf ogt, %reduce_or3A_271, %reduce_or3A_272 : f32
        %jit3A_274 = arith.constant 1 : i32
        %jit3A_275 = arith.constant 0 : i32
        %select_n3A_276 = arith.select %reduce_or3A_273, %jit3A_274, %jit3A_275 : i32
        %add3A_277 = arith.addi %while3A_241, %select_n3A_276 : i32
        scf.yield %add3A_277 : i32
      }
      %while3A_59 = arith.constant 0 : i32
      %while3A_60 = arith.constant 0 : i32
      %while3A_61 = arith.subi %while3A_58, %while3A_59 : i32
      %while3A_62 = arith.addi %while3A_59, %while3A_61 : i32
      %while3A_63 = arith.constant 1 : i32
      %while3A_64 = arith.divsi %while3A_61, %while3A_63 : i32
      %while3A_65 = arith.muli %while3A_64, %while3A_63 : i32
      %while3A_66 = arith.addi %while3A_59, %while3A_65 : i32
      %while3A_67 = arith.constant 1 : i32
      %while3A_68 = scf.for %while3A_240 = %while3A_59 to %while3A_66 step %while3A_67 iter_args(%while3A_241 = %while3A_60) -> (i32)  : i32 {
        %mul3A_242 = arith.constant 16 : i32
        %mul3A_243 = arith.muli %while3A_240, %mul3A_242 : i32
        %get3A = arith.index_cast %mul3A_243 : i32 to index
        %get3A_244 = tpu.vector_load %arg13[%get3A] {strides = array<i32>} : memref<1600xi32, #tpu.memory_space<vmem>>, vector<16xi32>,
        %get3A_245 = arith.index_cast %mul3A_243 : i32 to index
        %get3A_246 = tpu.vector_load %arg14[%get3A_245] {strides = array<i32>} : memref<1600xf32, #tpu.memory_space<vmem>>, vector<16xf32>,
        %get3A_247 = arith.index_cast %mul3A_243 : i32 to index
        %get3A_248 = tpu.vector_load %arg15[%get3A_247] {strides = array<i32>} : memref<1600xf32, #tpu.memory_space<vmem>>, vector<16xf32>,
        %gather3A = tpu.vector_load_idx %arg8[%get3A_244] : memref<50048xf32, #tpu.memory_space<vmem>>[vector<16xi32>], vector<16xf32>,
        %max3A = arith.maximumf %gather3A, %get3A_246 : vector<16xf32>
        tpu.vector_store_idx %arg8[%get3A_244], %max3A : memref<50048xf32, #tpu.memory_space<vmem>>[vector<16xi32>], vector<16xf32>,
        %gather3A_249 = tpu.vector_load_idx %arg9[%get3A_244] : memref<50048xf32, #tpu.memory_space<vmem>>[vector<16xi32>], vector<16xf32>,
        %max3A_250 = arith.maximumf %gather3A_249, %get3A_248 : vector<16xf32>
        tpu.vector_store_idx %arg9[%get3A_244], %max3A_250 : memref<50048xf32, #tpu.memory_space<vmem>>[vector<16xi32>], vector<16xf32>,
        %gather3A_251 = tpu.vector_load_idx %arg8[%get3A_244] : memref<50048xf32, #tpu.memory_space<vmem>>[vector<16xi32>], vector<16xf32>,
        %gather3A_252 = tpu.vector_load_idx %arg9[%get3A_244] : memref<50048xf32, #tpu.memory_space<vmem>>[vector<16xi32>], vector<16xf32>,
        %lt3A = arith.cmpf olt, %gather3A_251, %get3A_246 : vector<16xf32>
        %lt3A_253 = arith.cmpf olt, %gather3A_252, %get3A_248 : vector<16xf32>
        %mul3A_254 = arith.constant 16 : i32
        %mul3A_255 = arith.muli %while3A_241, %mul3A_254 : i32
        %swap3A = arith.index_cast %mul3A_255 : i32 to index
        %swap3A_256 = tpu.vector_load %arg10[%swap3A] {strides = array<i32>} : memref<1600xi32, #tpu.memory_space<vmem>>, vector<16xi32>,
        tpu.vector_store %arg10[%swap3A], %get3A_244 {strides = array<i32>} : memref<1600xi32, #tpu.memory_space<vmem>>, vector<16xi32>,
        %jit3A = arith.constant 0xFF800000 : f32
        %broadcast_in_dim3A = vector.broadcast %jit3A : f32 to vector<16xf32>
        %select_n3A = arith.select %lt3A, %get3A_246, %broadcast_in_dim3A : vector<16xi1>, vector<16xf32>
        %swap3A_257 = arith.index_cast %mul3A_255 : i32 to index
        %swap3A_258 = tpu.vector_load %arg11[%swap3A_257] {strides = array<i32>} : memref<1600xf32, #tpu.memory_space<vmem>>, vector<16xf32>,
        tpu.vector_store %arg11[%swap3A_257], %select_n3A {strides = array<i32>} : memref<1600xf32, #tpu.memory_space<vmem>>, vector<16xf32>,
        %jit3A_259 = arith.constant 0xFF800000 : f32
        %broadcast_in_dim3A_260 = vector.broadcast %jit3A_259 : f32 to vector<16xf32>
        %select_n3A_261 = arith.select %lt3A_253, %get3A_248, %broadcast_in_dim3A_260 : vector<16xi1>, vector<16xf32>
        %swap3A_262 = arith.index_cast %mul3A_255 : i32 to index
        %swap3A_263 = tpu.vector_load %arg12[%swap3A_262] {strides = array<i32>} : memref<1600xf32, #tpu.memory_space<vmem>>, vector<16xf32>,
        tpu.vector_store %arg12[%swap3A_262], %select_n3A_261 {strides = array<i32>} : memref<1600xf32, #tpu.memory_space<vmem>>, vector<16xf32>,
        %or3A = arith.ori %lt3A, %lt3A_253 : vector<16xi1>
        %reduce_or3A = arith.constant 1.000000e+00 : f32
        %reduce_or3A_264 = arith.constant 0.000000e+00 : f32
        %reduce_or3A_265 = vector.broadcast %reduce_or3A : f32 to vector<16xf32>
        %reduce_or3A_266 = vector.broadcast %reduce_or3A_264 : f32 to vector<16xf32>
        %reduce_or3A_267 = arith.select %or3A, %reduce_or3A_265, %reduce_or3A_266 : vector<16xi1>, vector<16xf32>
        %reduce_or3A_268 = arith.constant true
        %reduce_or3A_269 = vector.broadcast %reduce_or3A_268 : i1 to vector<16xi1>
        %reduce_or3A_270 = tpu.scan <max>, %reduce_or3A_267 masked %reduce_or3A_269 : vector<16xf32>, vector<16xi1> -> vector<16xf32>
        %reduce_or3A_271 = vector.extract %reduce_or3A_270[15] : f32 from vector<16xf32>
        %reduce_or3A_272 = arith.constant 0.000000e+00 : f32
        %reduce_or3A_273 = arith.cmpf ogt, %reduce_or3A_271, %reduce_or3A_272 : f32
        %jit3A_274 = arith.constant 1 : i32
        %jit3A_275 = arith.constant 0 : i32
        %select_n3A_276 = arith.select %reduce_or3A_273, %jit3A_274, %jit3A_275 : i32
        %add3A_277 = arith.addi %while3A_241, %select_n3A_276 : i32
        scf.yield %add3A_277 : i32
      }
      %while3A_69 = arith.constant 1 : i32
      %while3A_70 = scf.for %while3A_240 = %while3A_66 to %while3A_62 step %while3A_69 iter_args(%while3A_241 = %while3A_68) -> (i32)  : i32 {
        %mul3A_242 = arith.constant 16 : i32
        %mul3A_243 = arith.muli %while3A_240, %mul3A_242 : i32
        %get3A = arith.index_cast %mul3A_243 : i32 to index
        %get3A_244 = tpu.vector_load %arg13[%get3A] {strides = array<i32>} : memref<1600xi32, #tpu.memory_space<vmem>>, vector<16xi32>,
        %get3A_245 = arith.index_cast %mul3A_243 : i32 to index
        %get3A_246 = tpu.vector_load %arg14[%get3A_245] {strides = array<i32>} : memref<1600xf32, #tpu.memory_space<vmem>>, vector<16xf32>,
        %get3A_247 = arith.index_cast %mul3A_243 : i32 to index
        %get3A_248 = tpu.vector_load %arg15[%get3A_247] {strides = array<i32>} : memref<1600xf32, #tpu.memory_space<vmem>>, vector<16xf32>,
        %gather3A = tpu.vector_load_idx %arg8[%get3A_244] : memref<50048xf32, #tpu.memory_space<vmem>>[vector<16xi32>], vector<16xf32>,
        %max3A = arith.maximumf %gather3A, %get3A_246 : vector<16xf32>
        tpu.vector_store_idx %arg8[%get3A_244], %max3A : memref<50048xf32, #tpu.memory_space<vmem>>[vector<16xi32>], vector<16xf32>,
        %gather3A_249 = tpu.vector_load_idx %arg9[%get3A_244] : memref<50048xf32, #tpu.memory_space<vmem>>[vector<16xi32>], vector<16xf32>,
        %max3A_250 = arith.maximumf %gather3A_249, %get3A_248 : vector<16xf32>
        tpu.vector_store_idx %arg9[%get3A_244], %max3A_250 : memref<50048xf32, #tpu.memory_space<vmem>>[vector<16xi32>], vector<16xf32>,
        %gather3A_251 = tpu.vector_load_idx %arg8[%get3A_244] : memref<50048xf32, #tpu.memory_space<vmem>>[vector<16xi32>], vector<16xf32>,
        %gather3A_252 = tpu.vector_load_idx %arg9[%get3A_244] : memref<50048xf32, #tpu.memory_space<vmem>>[vector<16xi32>], vector<16xf32>,
        %lt3A = arith.cmpf olt, %gather3A_251, %get3A_246 : vector<16xf32>
        %lt3A_253 = arith.cmpf olt, %gather3A_252, %get3A_248 : vector<16xf32>
        %mul3A_254 = arith.constant 16 : i32
        %mul3A_255 = arith.muli %while3A_241, %mul3A_254 : i32
        %swap3A = arith.index_cast %mul3A_255 : i32 to index
        %swap3A_256 = tpu.vector_load %arg10[%swap3A] {strides = array<i32>} : memref<1600xi32, #tpu.memory_space<vmem>>, vector<16xi32>,
        tpu.vector_store %arg10[%swap3A], %get3A_244 {strides = array<i32>} : memref<1600xi32, #tpu.memory_space<vmem>>, vector<16xi32>,
        %jit3A = arith.constant 0xFF800000 : f32
        %broadcast_in_dim3A = vector.broadcast %jit3A : f32 to vector<16xf32>
        %select_n3A = arith.select %lt3A, %get3A_246, %broadcast_in_dim3A : vector<16xi1>, vector<16xf32>
        %swap3A_257 = arith.index_cast %mul3A_255 : i32 to index
        %swap3A_258 = tpu.vector_load %arg11[%swap3A_257] {strides = array<i32>} : memref<1600xf32, #tpu.memory_space<vmem>>, vector<16xf32>,
        tpu.vector_store %arg11[%swap3A_257], %select_n3A {strides = array<i32>} : memref<1600xf32, #tpu.memory_space<vmem>>, vector<16xf32>,
        %jit3A_259 = arith.constant 0xFF800000 : f32
        %broadcast_in_dim3A_260 = vector.broadcast %jit3A_259 : f32 to vector<16xf32>
        %select_n3A_261 = arith.select %lt3A_253, %get3A_248, %broadcast_in_dim3A_260 : vector<16xi1>, vector<16xf32>
        %swap3A_262 = arith.index_cast %mul3A_255 : i32 to index
        %swap3A_263 = tpu.vector_load %arg12[%swap3A_262] {strides = array<i32>} : memref<1600xf32, #tpu.memory_space<vmem>>, vector<16xf32>,
        tpu.vector_store %arg12[%swap3A_262], %select_n3A_261 {strides = array<i32>} : memref<1600xf32, #tpu.memory_space<vmem>>, vector<16xf32>,
        %or3A = arith.ori %lt3A, %lt3A_253 : vector<16xi1>
        %reduce_or3A = arith.constant 1.000000e+00 : f32
        %reduce_or3A_264 = arith.constant 0.000000e+00 : f32
        %reduce_or3A_265 = vector.broadcast %reduce_or3A : f32 to vector<16xf32>
        %reduce_or3A_266 = vector.broadcast %reduce_or3A_264 : f32 to vector<16xf32>
        %reduce_or3A_267 = arith.select %or3A, %reduce_or3A_265, %reduce_or3A_266 : vector<16xi1>, vector<16xf32>
        %reduce_or3A_268 = arith.constant true
        %reduce_or3A_269 = vector.broadcast %reduce_or3A_268 : i1 to vector<16xi1>
        %reduce_or3A_270 = tpu.scan <max>, %reduce_or3A_267 masked %reduce_or3A_269 : vector<16xf32>, vector<16xi1> -> vector<16xf32>
        %reduce_or3A_271 = vector.extract %reduce_or3A_270[15] : f32 from vector<16xf32>
        %reduce_or3A_272 = arith.constant 0.000000e+00 : f32
        %reduce_or3A_273 = arith.cmpf ogt, %reduce_or3A_271, %reduce_or3A_272 : f32
        %jit3A_274 = arith.constant 1 : i32
        %jit3A_275 = arith.constant 0 : i32
        %select_n3A_276 = arith.select %reduce_or3A_273, %jit3A_274, %jit3A_275 : i32
        %add3A_277 = arith.addi %while3A_241, %select_n3A_276 : i32
        scf.yield %add3A_277 : i32
      }
      %while3A_71 = arith.constant 0 : i32
      %while3A_72 = arith.constant 0 : i32
      %while3A_73 = arith.subi %while3A_70, %while3A_71 : i32
      %while3A_74 = arith.addi %while3A_71, %while3A_73 : i32
      %while3A_75 = arith.constant 1 : i32
      %while3A_76 = arith.divsi %while3A_73, %while3A_75 : i32
      %while3A_77 = arith.muli %while3A_76, %while3A_75 : i32
      %while3A_78 = arith.addi %while3A_71, %while3A_77 : i32
      %while3A_79 = arith.constant 1 : i32
      %while3A_80 = scf.for %while3A_240 = %while3A_71 to %while3A_78 step %while3A_79 iter_args(%while3A_241 = %while3A_72) -> (i32)  : i32 {
        %mul3A_242 = arith.constant 16 : i32
        %mul3A_243 = arith.muli %while3A_240, %mul3A_242 : i32
        %get3A = arith.index_cast %mul3A_243 : i32 to index
        %get3A_244 = tpu.vector_load %arg10[%get3A] {strides = array<i32>} : memref<1600xi32, #tpu.memory_space<vmem>>, vector<16xi32>,
        %get3A_245 = arith.index_cast %mul3A_243 : i32 to index
        %get3A_246 = tpu.vector_load %arg11[%get3A_245] {strides = array<i32>} : memref<1600xf32, #tpu.memory_space<vmem>>, vector<16xf32>,
        %get3A_247 = arith.index_cast %mul3A_243 : i32 to index
        %get3A_248 = tpu.vector_load %arg12[%get3A_247] {strides = array<i32>} : memref<1600xf32, #tpu.memory_space<vmem>>, vector<16xf32>,
        %gather3A = tpu.vector_load_idx %arg8[%get3A_244] : memref<50048xf32, #tpu.memory_space<vmem>>[vector<16xi32>], vector<16xf32>,
        %max3A = arith.maximumf %gather3A, %get3A_246 : vector<16xf32>
        tpu.vector_store_idx %arg8[%get3A_244], %max3A : memref<50048xf32, #tpu.memory_space<vmem>>[vector<16xi32>], vector<16xf32>,
        %gather3A_249 = tpu.vector_load_idx %arg9[%get3A_244] : memref<50048xf32, #tpu.memory_space<vmem>>[vector<16xi32>], vector<16xf32>,
        %max3A_250 = arith.maximumf %gather3A_249, %get3A_248 : vector<16xf32>
        tpu.vector_store_idx %arg9[%get3A_244], %max3A_250 : memref<50048xf32, #tpu.memory_space<vmem>>[vector<16xi32>], vector<16xf32>,
        %gather3A_251 = tpu.vector_load_idx %arg8[%get3A_244] : memref<50048xf32, #tpu.memory_space<vmem>>[vector<16xi32>], vector<16xf32>,
        %gather3A_252 = tpu.vector_load_idx %arg9[%get3A_244] : memref<50048xf32, #tpu.memory_space<vmem>>[vector<16xi32>], vector<16xf32>,
        %lt3A = arith.cmpf olt, %gather3A_251, %get3A_246 : vector<16xf32>
        %lt3A_253 = arith.cmpf olt, %gather3A_252, %get3A_248 : vector<16xf32>
        %mul3A_254 = arith.constant 16 : i32
        %mul3A_255 = arith.muli %while3A_241, %mul3A_254 : i32
        %swap3A = arith.index_cast %mul3A_255 : i32 to index
        %swap3A_256 = tpu.vector_load %arg13[%swap3A] {strides = array<i32>} : memref<1600xi32, #tpu.memory_space<vmem>>, vector<16xi32>,
        tpu.vector_store %arg13[%swap3A], %get3A_244 {strides = array<i32>} : memref<1600xi32, #tpu.memory_space<vmem>>, vector<16xi32>,
        %jit3A = arith.constant 0xFF800000 : f32
        %broadcast_in_dim3A = vector.broadcast %jit3A : f32 to vector<16xf32>
        %select_n3A = arith.select %lt3A, %get3A_246, %broadcast_in_dim3A : vector<16xi1>, vector<16xf32>
        %swap3A_257 = arith.index_cast %mul3A_255 : i32 to index
        %swap3A_258 = tpu.vector_load %arg14[%swap3A_257] {strides = array<i32>} : memref<1600xf32, #tpu.memory_space<vmem>>, vector<16xf32>,
        tpu.vector_store %arg14[%swap3A_257], %select_n3A {strides = array<i32>} : memref<1600xf32, #tpu.memory_space<vmem>>, vector<16xf32>,
        %jit3A_259 = arith.constant 0xFF800000 : f32
        %broadcast_in_dim3A_260 = vector.broadcast %jit3A_259 : f32 to vector<16xf32>
        %select_n3A_261 = arith.select %lt3A_253, %get3A_248, %broadcast_in_dim3A_260 : vector<16xi1>, vector<16xf32>
        %swap3A_262 = arith.index_cast %mul3A_255 : i32 to index
        %swap3A_263 = tpu.vector_load %arg15[%swap3A_262] {strides = array<i32>} : memref<1600xf32, #tpu.memory_space<vmem>>, vector<16xf32>,
        tpu.vector_store %arg15[%swap3A_262], %select_n3A_261 {strides = array<i32>} : memref<1600xf32, #tpu.memory_space<vmem>>, vector<16xf32>,
        %or3A = arith.ori %lt3A, %lt3A_253 : vector<16xi1>
        %reduce_or3A = arith.constant 1.000000e+00 : f32
        %reduce_or3A_264 = arith.constant 0.000000e+00 : f32
        %reduce_or3A_265 = vector.broadcast %reduce_or3A : f32 to vector<16xf32>
        %reduce_or3A_266 = vector.broadcast %reduce_or3A_264 : f32 to vector<16xf32>
        %reduce_or3A_267 = arith.select %or3A, %reduce_or3A_265, %reduce_or3A_266 : vector<16xi1>, vector<16xf32>
        %reduce_or3A_268 = arith.constant true
        %reduce_or3A_269 = vector.broadcast %reduce_or3A_268 : i1 to vector<16xi1>
        %reduce_or3A_270 = tpu.scan <max>, %reduce_or3A_267 masked %reduce_or3A_269 : vector<16xf32>, vector<16xi1> -> vector<16xf32>
        %reduce_or3A_271 = vector.extract %reduce_or3A_270[15] : f32 from vector<16xf32>
        %reduce_or3A_272 = arith.constant 0.000000e+00 : f32
        %reduce_or3A_273 = arith.cmpf ogt, %reduce_or3A_271, %reduce_or3A_272 : f32
        %jit3A_274 = arith.constant 1 : i32
        %jit3A_275 = arith.constant 0 : i32
        %select_n3A_276 = arith.select %reduce_or3A_273, %jit3A_274, %jit3A_275 : i32
        %add3A_277 = arith.addi %while3A_241, %select_n3A_276 : i32
        scf.yield %add3A_277 : i32
      }
      %while3A_81 = arith.constant 1 : i32
      %while3A_82 = scf.for %while3A_240 = %while3A_78 to %while3A_74 step %while3A_81 iter_args(%while3A_241 = %while3A_80) -> (i32)  : i32 {
        %mul3A_242 = arith.constant 16 : i32
        %mul3A_243 = arith.muli %while3A_240, %mul3A_242 : i32
        %get3A = arith.index_cast %mul3A_243 : i32 to index
        %get3A_244 = tpu.vector_load %arg10[%get3A] {strides = array<i32>} : memref<1600xi32, #tpu.memory_space<vmem>>, vector<16xi32>,
        %get3A_245 = arith.index_cast %mul3A_243 : i32 to index
        %get3A_246 = tpu.vector_load %arg11[%get3A_245] {strides = array<i32>} : memref<1600xf32, #tpu.memory_space<vmem>>, vector<16xf32>,
        %get3A_247 = arith.index_cast %mul3A_243 : i32 to index
        %get3A_248 = tpu.vector_load %arg12[%get3A_247] {strides = array<i32>} : memref<1600xf32, #tpu.memory_space<vmem>>, vector<16xf32>,
        %gather3A = tpu.vector_load_idx %arg8[%get3A_244] : memref<50048xf32, #tpu.memory_space<vmem>>[vector<16xi32>], vector<16xf32>,
        %max3A = arith.maximumf %gather3A, %get3A_246 : vector<16xf32>
        tpu.vector_store_idx %arg8[%get3A_244], %max3A : memref<50048xf32, #tpu.memory_space<vmem>>[vector<16xi32>], vector<16xf32>,
        %gather3A_249 = tpu.vector_load_idx %arg9[%get3A_244] : memref<50048xf32, #tpu.memory_space<vmem>>[vector<16xi32>], vector<16xf32>,
        %max3A_250 = arith.maximumf %gather3A_249, %get3A_248 : vector<16xf32>
        tpu.vector_store_idx %arg9[%get3A_244], %max3A_250 : memref<50048xf32, #tpu.memory_space<vmem>>[vector<16xi32>], vector<16xf32>,
        %gather3A_251 = tpu.vector_load_idx %arg8[%get3A_244] : memref<50048xf32, #tpu.memory_space<vmem>>[vector<16xi32>], vector<16xf32>,
        %gather3A_252 = tpu.vector_load_idx %arg9[%get3A_244] : memref<50048xf32, #tpu.memory_space<vmem>>[vector<16xi32>], vector<16xf32>,
        %lt3A = arith.cmpf olt, %gather3A_251, %get3A_246 : vector<16xf32>
        %lt3A_253 = arith.cmpf olt, %gather3A_252, %get3A_248 : vector<16xf32>
        %mul3A_254 = arith.constant 16 : i32
        %mul3A_255 = arith.muli %while3A_241, %mul3A_254 : i32
        %swap3A = arith.index_cast %mul3A_255 : i32 to index
        %swap3A_256 = tpu.vector_load %arg13[%swap3A] {strides = array<i32>} : memref<1600xi32, #tpu.memory_space<vmem>>, vector<16xi32>,
        tpu.vector_store %arg13[%swap3A], %get3A_244 {strides = array<i32>} : memref<1600xi32, #tpu.memory_space<vmem>>, vector<16xi32>,
        %jit3A = arith.constant 0xFF800000 : f32
        %broadcast_in_dim3A = vector.broadcast %jit3A : f32 to vector<16xf32>
        %select_n3A = arith.select %lt3A, %get3A_246, %broadcast_in_dim3A : vector<16xi1>, vector<16xf32>
        %swap3A_257 = arith.index_cast %mul3A_255 : i32 to index
        %swap3A_258 = tpu.vector_load %arg14[%swap3A_257] {strides = array<i32>} : memref<1600xf32, #tpu.memory_space<vmem>>, vector<16xf32>,
        tpu.vector_store %arg14[%swap3A_257], %select_n3A {strides = array<i32>} : memref<1600xf32, #tpu.memory_space<vmem>>, vector<16xf32>,
        %jit3A_259 = arith.constant 0xFF800000 : f32
        %broadcast_in_dim3A_260 = vector.broadcast %jit3A_259 : f32 to vector<16xf32>
        %select_n3A_261 = arith.select %lt3A_253, %get3A_248, %broadcast_in_dim3A_260 : vector<16xi1>, vector<16xf32>
        %swap3A_262 = arith.index_cast %mul3A_255 : i32 to index
        %swap3A_263 = tpu.vector_load %arg15[%swap3A_262] {strides = array<i32>} : memref<1600xf32, #tpu.memory_space<vmem>>, vector<16xf32>,
        tpu.vector_store %arg15[%swap3A_262], %select_n3A_261 {strides = array<i32>} : memref<1600xf32, #tpu.memory_space<vmem>>, vector<16xf32>,
        %or3A = arith.ori %lt3A, %lt3A_253 : vector<16xi1>
        %reduce_or3A = arith.constant 1.000000e+00 : f32
        %reduce_or3A_264 = arith.constant 0.000000e+00 : f32
        %reduce_or3A_265 = vector.broadcast %reduce_or3A : f32 to vector<16xf32>
        %reduce_or3A_266 = vector.broadcast %reduce_or3A_264 : f32 to vector<16xf32>
        %reduce_or3A_267 = arith.select %or3A, %reduce_or3A_265, %reduce_or3A_266 : vector<16xi1>, vector<16xf32>
        %reduce_or3A_268 = arith.constant true
        %reduce_or3A_269 = vector.broadcast %reduce_or3A_268 : i1 to vector<16xi1>
        %reduce_or3A_270 = tpu.scan <max>, %reduce_or3A_267 masked %reduce_or3A_269 : vector<16xf32>, vector<16xi1> -> vector<16xf32>
        %reduce_or3A_271 = vector.extract %reduce_or3A_270[15] : f32 from vector<16xf32>
        %reduce_or3A_272 = arith.constant 0.000000e+00 : f32
        %reduce_or3A_273 = arith.cmpf ogt, %reduce_or3A_271, %reduce_or3A_272 : f32
        %jit3A_274 = arith.constant 1 : i32
        %jit3A_275 = arith.constant 0 : i32
        %select_n3A_276 = arith.select %reduce_or3A_273, %jit3A_274, %jit3A_275 : i32
        %add3A_277 = arith.addi %while3A_241, %select_n3A_276 : i32
        scf.yield %add3A_277 : i32
      }
      %while3A_83 = arith.constant 0 : i32
      %while3A_84 = arith.constant 0 : i32
      %while3A_85 = arith.subi %while3A_82, %while3A_83 : i32
      %while3A_86 = arith.addi %while3A_83, %while3A_85 : i32
      %while3A_87 = arith.constant 1 : i32
      %while3A_88 = arith.divsi %while3A_85, %while3A_87 : i32
      %while3A_89 = arith.muli %while3A_88, %while3A_87 : i32
      %while3A_90 = arith.addi %while3A_83, %while3A_89 : i32
      %while3A_91 = arith.constant 1 : i32
      %while3A_92 = scf.for %while3A_240 = %while3A_83 to %while3A_90 step %while3A_91 iter_args(%while3A_241 = %while3A_84) -> (i32)  : i32 {
        %mul3A_242 = arith.constant 16 : i32
        %mul3A_243 = arith.muli %while3A_240, %mul3A_242 : i32
        %get3A = arith.index_cast %mul3A_243 : i32 to index
        %get3A_244 = tpu.vector_load %arg13[%get3A] {strides = array<i32>} : memref<1600xi32, #tpu.memory_space<vmem>>, vector<16xi32>,
        %get3A_245 = arith.index_cast %mul3A_243 : i32 to index
        %get3A_246 = tpu.vector_load %arg14[%get3A_245] {strides = array<i32>} : memref<1600xf32, #tpu.memory_space<vmem>>, vector<16xf32>,
        %get3A_247 = arith.index_cast %mul3A_243 : i32 to index
        %get3A_248 = tpu.vector_load %arg15[%get3A_247] {strides = array<i32>} : memref<1600xf32, #tpu.memory_space<vmem>>, vector<16xf32>,
        %gather3A = tpu.vector_load_idx %arg8[%get3A_244] : memref<50048xf32, #tpu.memory_space<vmem>>[vector<16xi32>], vector<16xf32>,
        %max3A = arith.maximumf %gather3A, %get3A_246 : vector<16xf32>
        tpu.vector_store_idx %arg8[%get3A_244], %max3A : memref<50048xf32, #tpu.memory_space<vmem>>[vector<16xi32>], vector<16xf32>,
        %gather3A_249 = tpu.vector_load_idx %arg9[%get3A_244] : memref<50048xf32, #tpu.memory_space<vmem>>[vector<16xi32>], vector<16xf32>,
        %max3A_250 = arith.maximumf %gather3A_249, %get3A_248 : vector<16xf32>
        tpu.vector_store_idx %arg9[%get3A_244], %max3A_250 : memref<50048xf32, #tpu.memory_space<vmem>>[vector<16xi32>], vector<16xf32>,
        %gather3A_251 = tpu.vector_load_idx %arg8[%get3A_244] : memref<50048xf32, #tpu.memory_space<vmem>>[vector<16xi32>], vector<16xf32>,
        %gather3A_252 = tpu.vector_load_idx %arg9[%get3A_244] : memref<50048xf32, #tpu.memory_space<vmem>>[vector<16xi32>], vector<16xf32>,
        %lt3A = arith.cmpf olt, %gather3A_251, %get3A_246 : vector<16xf32>
        %lt3A_253 = arith.cmpf olt, %gather3A_252, %get3A_248 : vector<16xf32>
        %mul3A_254 = arith.constant 16 : i32
        %mul3A_255 = arith.muli %while3A_241, %mul3A_254 : i32
        %swap3A = arith.index_cast %mul3A_255 : i32 to index
        %swap3A_256 = tpu.vector_load %arg10[%swap3A] {strides = array<i32>} : memref<1600xi32, #tpu.memory_space<vmem>>, vector<16xi32>,
        tpu.vector_store %arg10[%swap3A], %get3A_244 {strides = array<i32>} : memref<1600xi32, #tpu.memory_space<vmem>>, vector<16xi32>,
        %jit3A = arith.constant 0xFF800000 : f32
        %broadcast_in_dim3A = vector.broadcast %jit3A : f32 to vector<16xf32>
        %select_n3A = arith.select %lt3A, %get3A_246, %broadcast_in_dim3A : vector<16xi1>, vector<16xf32>
        %swap3A_257 = arith.index_cast %mul3A_255 : i32 to index
        %swap3A_258 = tpu.vector_load %arg11[%swap3A_257] {strides = array<i32>} : memref<1600xf32, #tpu.memory_space<vmem>>, vector<16xf32>,
        tpu.vector_store %arg11[%swap3A_257], %select_n3A {strides = array<i32>} : memref<1600xf32, #tpu.memory_space<vmem>>, vector<16xf32>,
        %jit3A_259 = arith.constant 0xFF800000 : f32
        %broadcast_in_dim3A_260 = vector.broadcast %jit3A_259 : f32 to vector<16xf32>
        %select_n3A_261 = arith.select %lt3A_253, %get3A_248, %broadcast_in_dim3A_260 : vector<16xi1>, vector<16xf32>
        %swap3A_262 = arith.index_cast %mul3A_255 : i32 to index
        %swap3A_263 = tpu.vector_load %arg12[%swap3A_262] {strides = array<i32>} : memref<1600xf32, #tpu.memory_space<vmem>>, vector<16xf32>,
        tpu.vector_store %arg12[%swap3A_262], %select_n3A_261 {strides = array<i32>} : memref<1600xf32, #tpu.memory_space<vmem>>, vector<16xf32>,
        %or3A = arith.ori %lt3A, %lt3A_253 : vector<16xi1>
        %reduce_or3A = arith.constant 1.000000e+00 : f32
        %reduce_or3A_264 = arith.constant 0.000000e+00 : f32
        %reduce_or3A_265 = vector.broadcast %reduce_or3A : f32 to vector<16xf32>
        %reduce_or3A_266 = vector.broadcast %reduce_or3A_264 : f32 to vector<16xf32>
        %reduce_or3A_267 = arith.select %or3A, %reduce_or3A_265, %reduce_or3A_266 : vector<16xi1>, vector<16xf32>
        %reduce_or3A_268 = arith.constant true
        %reduce_or3A_269 = vector.broadcast %reduce_or3A_268 : i1 to vector<16xi1>
        %reduce_or3A_270 = tpu.scan <max>, %reduce_or3A_267 masked %reduce_or3A_269 : vector<16xf32>, vector<16xi1> -> vector<16xf32>
        %reduce_or3A_271 = vector.extract %reduce_or3A_270[15] : f32 from vector<16xf32>
        %reduce_or3A_272 = arith.constant 0.000000e+00 : f32
        %reduce_or3A_273 = arith.cmpf ogt, %reduce_or3A_271, %reduce_or3A_272 : f32
        %jit3A_274 = arith.constant 1 : i32
        %jit3A_275 = arith.constant 0 : i32
        %select_n3A_276 = arith.select %reduce_or3A_273, %jit3A_274, %jit3A_275 : i32
        %add3A_277 = arith.addi %while3A_241, %select_n3A_276 : i32
        scf.yield %add3A_277 : i32
      }
      %while3A_93 = arith.constant 1 : i32
      %while3A_94 = scf.for %while3A_240 = %while3A_90 to %while3A_86 step %while3A_93 iter_args(%while3A_241 = %while3A_92) -> (i32)  : i32 {
        %mul3A_242 = arith.constant 16 : i32
        %mul3A_243 = arith.muli %while3A_240, %mul3A_242 : i32
        %get3A = arith.index_cast %mul3A_243 : i32 to index
        %get3A_244 = tpu.vector_load %arg13[%get3A] {strides = array<i32>} : memref<1600xi32, #tpu.memory_space<vmem>>, vector<16xi32>,
        %get3A_245 = arith.index_cast %mul3A_243 : i32 to index
        %get3A_246 = tpu.vector_load %arg14[%get3A_245] {strides = array<i32>} : memref<1600xf32, #tpu.memory_space<vmem>>, vector<16xf32>,
        %get3A_247 = arith.index_cast %mul3A_243 : i32 to index
        %get3A_248 = tpu.vector_load %arg15[%get3A_247] {strides = array<i32>} : memref<1600xf32, #tpu.memory_space<vmem>>, vector<16xf32>,
        %gather3A = tpu.vector_load_idx %arg8[%get3A_244] : memref<50048xf32, #tpu.memory_space<vmem>>[vector<16xi32>], vector<16xf32>,
        %max3A = arith.maximumf %gather3A, %get3A_246 : vector<16xf32>
        tpu.vector_store_idx %arg8[%get3A_244], %max3A : memref<50048xf32, #tpu.memory_space<vmem>>[vector<16xi32>], vector<16xf32>,
        %gather3A_249 = tpu.vector_load_idx %arg9[%get3A_244] : memref<50048xf32, #tpu.memory_space<vmem>>[vector<16xi32>], vector<16xf32>,
        %max3A_250 = arith.maximumf %gather3A_249, %get3A_248 : vector<16xf32>
        tpu.vector_store_idx %arg9[%get3A_244], %max3A_250 : memref<50048xf32, #tpu.memory_space<vmem>>[vector<16xi32>], vector<16xf32>,
        %gather3A_251 = tpu.vector_load_idx %arg8[%get3A_244] : memref<50048xf32, #tpu.memory_space<vmem>>[vector<16xi32>], vector<16xf32>,
        %gather3A_252 = tpu.vector_load_idx %arg9[%get3A_244] : memref<50048xf32, #tpu.memory_space<vmem>>[vector<16xi32>], vector<16xf32>,
        %lt3A = arith.cmpf olt, %gather3A_251, %get3A_246 : vector<16xf32>
        %lt3A_253 = arith.cmpf olt, %gather3A_252, %get3A_248 : vector<16xf32>
        %mul3A_254 = arith.constant 16 : i32
        %mul3A_255 = arith.muli %while3A_241, %mul3A_254 : i32
        %swap3A = arith.index_cast %mul3A_255 : i32 to index
        %swap3A_256 = tpu.vector_load %arg10[%swap3A] {strides = array<i32>} : memref<1600xi32, #tpu.memory_space<vmem>>, vector<16xi32>,
        tpu.vector_store %arg10[%swap3A], %get3A_244 {strides = array<i32>} : memref<1600xi32, #tpu.memory_space<vmem>>, vector<16xi32>,
        %jit3A = arith.constant 0xFF800000 : f32
        %broadcast_in_dim3A = vector.broadcast %jit3A : f32 to vector<16xf32>
        %select_n3A = arith.select %lt3A, %get3A_246, %broadcast_in_dim3A : vector<16xi1>, vector<16xf32>
        %swap3A_257 = arith.index_cast %mul3A_255 : i32 to index
        %swap3A_258 = tpu.vector_load %arg11[%swap3A_257] {strides = array<i32>} : memref<1600xf32, #tpu.memory_space<vmem>>, vector<16xf32>,
        tpu.vector_store %arg11[%swap3A_257], %select_n3A {strides = array<i32>} : memref<1600xf32, #tpu.memory_space<vmem>>, vector<16xf32>,
        %jit3A_259 = arith.constant 0xFF800000 : f32
        %broadcast_in_dim3A_260 = vector.broadcast %jit3A_259 : f32 to vector<16xf32>
        %select_n3A_261 = arith.select %lt3A_253, %get3A_248, %broadcast_in_dim3A_260 : vector<16xi1>, vector<16xf32>
        %swap3A_262 = arith.index_cast %mul3A_255 : i32 to index
        %swap3A_263 = tpu.vector_load %arg12[%swap3A_262] {strides = array<i32>} : memref<1600xf32, #tpu.memory_space<vmem>>, vector<16xf32>,
        tpu.vector_store %arg12[%swap3A_262], %select_n3A_261 {strides = array<i32>} : memref<1600xf32, #tpu.memory_space<vmem>>, vector<16xf32>,
        %or3A = arith.ori %lt3A, %lt3A_253 : vector<16xi1>
        %reduce_or3A = arith.constant 1.000000e+00 : f32
        %reduce_or3A_264 = arith.constant 0.000000e+00 : f32
        %reduce_or3A_265 = vector.broadcast %reduce_or3A : f32 to vector<16xf32>
        %reduce_or3A_266 = vector.broadcast %reduce_or3A_264 : f32 to vector<16xf32>
        %reduce_or3A_267 = arith.select %or3A, %reduce_or3A_265, %reduce_or3A_266 : vector<16xi1>, vector<16xf32>
        %reduce_or3A_268 = arith.constant true
        %reduce_or3A_269 = vector.broadcast %reduce_or3A_268 : i1 to vector<16xi1>
        %reduce_or3A_270 = tpu.scan <max>, %reduce_or3A_267 masked %reduce_or3A_269 : vector<16xf32>, vector<16xi1> -> vector<16xf32>
        %reduce_or3A_271 = vector.extract %reduce_or3A_270[15] : f32 from vector<16xf32>
        %reduce_or3A_272 = arith.constant 0.000000e+00 : f32
        %reduce_or3A_273 = arith.cmpf ogt, %reduce_or3A_271, %reduce_or3A_272 : f32
        %jit3A_274 = arith.constant 1 : i32
        %jit3A_275 = arith.constant 0 : i32
        %select_n3A_276 = arith.select %reduce_or3A_273, %jit3A_274, %jit3A_275 : i32
        %add3A_277 = arith.addi %while3A_241, %select_n3A_276 : i32
        scf.yield %add3A_277 : i32
      }
      %while3A_95 = arith.constant 0 : i32
      %while3A_96 = arith.constant 0 : i32
      %while3A_97 = arith.subi %while3A_94, %while3A_95 : i32
      %while3A_98 = arith.addi %while3A_95, %while3A_97 : i32
      %while3A_99 = arith.constant 1 : i32
      %while3A_100 = arith.divsi %while3A_97, %while3A_99 : i32
      %while3A_101 = arith.muli %while3A_100, %while3A_99 : i32
      %while3A_102 = arith.addi %while3A_95, %while3A_101 : i32
      %while3A_103 = arith.constant 1 : i32
      %while3A_104 = scf.for %while3A_240 = %while3A_95 to %while3A_102 step %while3A_103 iter_args(%while3A_241 = %while3A_96) -> (i32)  : i32 {
        %mul3A_242 = arith.constant 16 : i32
        %mul3A_243 = arith.muli %while3A_240, %mul3A_242 : i32
        %get3A = arith.index_cast %mul3A_243 : i32 to index
        %get3A_244 = tpu.vector_load %arg10[%get3A] {strides = array<i32>} : memref<1600xi32, #tpu.memory_space<vmem>>, vector<16xi32>,
        %get3A_245 = arith.index_cast %mul3A_243 : i32 to index
        %get3A_246 = tpu.vector_load %arg11[%get3A_245] {strides = array<i32>} : memref<1600xf32, #tpu.memory_space<vmem>>, vector<16xf32>,
        %get3A_247 = arith.index_cast %mul3A_243 : i32 to index
        %get3A_248 = tpu.vector_load %arg12[%get3A_247] {strides = array<i32>} : memref<1600xf32, #tpu.memory_space<vmem>>, vector<16xf32>,
        %gather3A = tpu.vector_load_idx %arg8[%get3A_244] : memref<50048xf32, #tpu.memory_space<vmem>>[vector<16xi32>], vector<16xf32>,
        %max3A = arith.maximumf %gather3A, %get3A_246 : vector<16xf32>
        tpu.vector_store_idx %arg8[%get3A_244], %max3A : memref<50048xf32, #tpu.memory_space<vmem>>[vector<16xi32>], vector<16xf32>,
        %gather3A_249 = tpu.vector_load_idx %arg9[%get3A_244] : memref<50048xf32, #tpu.memory_space<vmem>>[vector<16xi32>], vector<16xf32>,
        %max3A_250 = arith.maximumf %gather3A_249, %get3A_248 : vector<16xf32>
        tpu.vector_store_idx %arg9[%get3A_244], %max3A_250 : memref<50048xf32, #tpu.memory_space<vmem>>[vector<16xi32>], vector<16xf32>,
        %gather3A_251 = tpu.vector_load_idx %arg8[%get3A_244] : memref<50048xf32, #tpu.memory_space<vmem>>[vector<16xi32>], vector<16xf32>,
        %gather3A_252 = tpu.vector_load_idx %arg9[%get3A_244] : memref<50048xf32, #tpu.memory_space<vmem>>[vector<16xi32>], vector<16xf32>,
        %lt3A = arith.cmpf olt, %gather3A_251, %get3A_246 : vector<16xf32>
        %lt3A_253 = arith.cmpf olt, %gather3A_252, %get3A_248 : vector<16xf32>
        %mul3A_254 = arith.constant 16 : i32
        %mul3A_255 = arith.muli %while3A_241, %mul3A_254 : i32
        %swap3A = arith.index_cast %mul3A_255 : i32 to index
        %swap3A_256 = tpu.vector_load %arg13[%swap3A] {strides = array<i32>} : memref<1600xi32, #tpu.memory_space<vmem>>, vector<16xi32>,
        tpu.vector_store %arg13[%swap3A], %get3A_244 {strides = array<i32>} : memref<1600xi32, #tpu.memory_space<vmem>>, vector<16xi32>,
        %jit3A = arith.constant 0xFF800000 : f32
        %broadcast_in_dim3A = vector.broadcast %jit3A : f32 to vector<16xf32>
        %select_n3A = arith.select %lt3A, %get3A_246, %broadcast_in_dim3A : vector<16xi1>, vector<16xf32>
        %swap3A_257 = arith.index_cast %mul3A_255 : i32 to index
        %swap3A_258 = tpu.vector_load %arg14[%swap3A_257] {strides = array<i32>} : memref<1600xf32, #tpu.memory_space<vmem>>, vector<16xf32>,
        tpu.vector_store %arg14[%swap3A_257], %select_n3A {strides = array<i32>} : memref<1600xf32, #tpu.memory_space<vmem>>, vector<16xf32>,
        %jit3A_259 = arith.constant 0xFF800000 : f32
        %broadcast_in_dim3A_260 = vector.broadcast %jit3A_259 : f32 to vector<16xf32>
        %select_n3A_261 = arith.select %lt3A_253, %get3A_248, %broadcast_in_dim3A_260 : vector<16xi1>, vector<16xf32>
        %swap3A_262 = arith.index_cast %mul3A_255 : i32 to index
        %swap3A_263 = tpu.vector_load %arg15[%swap3A_262] {strides = array<i32>} : memref<1600xf32, #tpu.memory_space<vmem>>, vector<16xf32>,
        tpu.vector_store %arg15[%swap3A_262], %select_n3A_261 {strides = array<i32>} : memref<1600xf32, #tpu.memory_space<vmem>>, vector<16xf32>,
        %or3A = arith.ori %lt3A, %lt3A_253 : vector<16xi1>
        %reduce_or3A = arith.constant 1.000000e+00 : f32
        %reduce_or3A_264 = arith.constant 0.000000e+00 : f32
        %reduce_or3A_265 = vector.broadcast %reduce_or3A : f32 to vector<16xf32>
        %reduce_or3A_266 = vector.broadcast %reduce_or3A_264 : f32 to vector<16xf32>
        %reduce_or3A_267 = arith.select %or3A, %reduce_or3A_265, %reduce_or3A_266 : vector<16xi1>, vector<16xf32>
        %reduce_or3A_268 = arith.constant true
        %reduce_or3A_269 = vector.broadcast %reduce_or3A_268 : i1 to vector<16xi1>
        %reduce_or3A_270 = tpu.scan <max>, %reduce_or3A_267 masked %reduce_or3A_269 : vector<16xf32>, vector<16xi1> -> vector<16xf32>
        %reduce_or3A_271 = vector.extract %reduce_or3A_270[15] : f32 from vector<16xf32>
        %reduce_or3A_272 = arith.constant 0.000000e+00 : f32
        %reduce_or3A_273 = arith.cmpf ogt, %reduce_or3A_271, %reduce_or3A_272 : f32
        %jit3A_274 = arith.constant 1 : i32
        %jit3A_275 = arith.constant 0 : i32
        %select_n3A_276 = arith.select %reduce_or3A_273, %jit3A_274, %jit3A_275 : i32
        %add3A_277 = arith.addi %while3A_241, %select_n3A_276 : i32
        scf.yield %add3A_277 : i32
      }
      %while3A_105 = arith.constant 1 : i32
      %while3A_106 = scf.for %while3A_240 = %while3A_102 to %while3A_98 step %while3A_105 iter_args(%while3A_241 = %while3A_104) -> (i32)  : i32 {
        %mul3A_242 = arith.constant 16 : i32
        %mul3A_243 = arith.muli %while3A_240, %mul3A_242 : i32
        %get3A = arith.index_cast %mul3A_243 : i32 to index
        %get3A_244 = tpu.vector_load %arg10[%get3A] {strides = array<i32>} : memref<1600xi32, #tpu.memory_space<vmem>>, vector<16xi32>,
        %get3A_245 = arith.index_cast %mul3A_243 : i32 to index
        %get3A_246 = tpu.vector_load %arg11[%get3A_245] {strides = array<i32>} : memref<1600xf32, #tpu.memory_space<vmem>>, vector<16xf32>,
        %get3A_247 = arith.index_cast %mul3A_243 : i32 to index
        %get3A_248 = tpu.vector_load %arg12[%get3A_247] {strides = array<i32>} : memref<1600xf32, #tpu.memory_space<vmem>>, vector<16xf32>,
        %gather3A = tpu.vector_load_idx %arg8[%get3A_244] : memref<50048xf32, #tpu.memory_space<vmem>>[vector<16xi32>], vector<16xf32>,
        %max3A = arith.maximumf %gather3A, %get3A_246 : vector<16xf32>
        tpu.vector_store_idx %arg8[%get3A_244], %max3A : memref<50048xf32, #tpu.memory_space<vmem>>[vector<16xi32>], vector<16xf32>,
        %gather3A_249 = tpu.vector_load_idx %arg9[%get3A_244] : memref<50048xf32, #tpu.memory_space<vmem>>[vector<16xi32>], vector<16xf32>,
        %max3A_250 = arith.maximumf %gather3A_249, %get3A_248 : vector<16xf32>
        tpu.vector_store_idx %arg9[%get3A_244], %max3A_250 : memref<50048xf32, #tpu.memory_space<vmem>>[vector<16xi32>], vector<16xf32>,
        %gather3A_251 = tpu.vector_load_idx %arg8[%get3A_244] : memref<50048xf32, #tpu.memory_space<vmem>>[vector<16xi32>], vector<16xf32>,
        %gather3A_252 = tpu.vector_load_idx %arg9[%get3A_244] : memref<50048xf32, #tpu.memory_space<vmem>>[vector<16xi32>], vector<16xf32>,
        %lt3A = arith.cmpf olt, %gather3A_251, %get3A_246 : vector<16xf32>
        %lt3A_253 = arith.cmpf olt, %gather3A_252, %get3A_248 : vector<16xf32>
        %mul3A_254 = arith.constant 16 : i32
        %mul3A_255 = arith.muli %while3A_241, %mul3A_254 : i32
        %swap3A = arith.index_cast %mul3A_255 : i32 to index
        %swap3A_256 = tpu.vector_load %arg13[%swap3A] {strides = array<i32>} : memref<1600xi32, #tpu.memory_space<vmem>>, vector<16xi32>,
        tpu.vector_store %arg13[%swap3A], %get3A_244 {strides = array<i32>} : memref<1600xi32, #tpu.memory_space<vmem>>, vector<16xi32>,
        %jit3A = arith.constant 0xFF800000 : f32
        %broadcast_in_dim3A = vector.broadcast %jit3A : f32 to vector<16xf32>
        %select_n3A = arith.select %lt3A, %get3A_246, %broadcast_in_dim3A : vector<16xi1>, vector<16xf32>
        %swap3A_257 = arith.index_cast %mul3A_255 : i32 to index
        %swap3A_258 = tpu.vector_load %arg14[%swap3A_257] {strides = array<i32>} : memref<1600xf32, #tpu.memory_space<vmem>>, vector<16xf32>,
        tpu.vector_store %arg14[%swap3A_257], %select_n3A {strides = array<i32>} : memref<1600xf32, #tpu.memory_space<vmem>>, vector<16xf32>,
        %jit3A_259 = arith.constant 0xFF800000 : f32
        %broadcast_in_dim3A_260 = vector.broadcast %jit3A_259 : f32 to vector<16xf32>
        %select_n3A_261 = arith.select %lt3A_253, %get3A_248, %broadcast_in_dim3A_260 : vector<16xi1>, vector<16xf32>
        %swap3A_262 = arith.index_cast %mul3A_255 : i32 to index
        %swap3A_263 = tpu.vector_load %arg15[%swap3A_262] {strides = array<i32>} : memref<1600xf32, #tpu.memory_space<vmem>>, vector<16xf32>,
        tpu.vector_store %arg15[%swap3A_262], %select_n3A_261 {strides = array<i32>} : memref<1600xf32, #tpu.memory_space<vmem>>, vector<16xf32>,
        %or3A = arith.ori %lt3A, %lt3A_253 : vector<16xi1>
        %reduce_or3A = arith.constant 1.000000e+00 : f32
        %reduce_or3A_264 = arith.constant 0.000000e+00 : f32
        %reduce_or3A_265 = vector.broadcast %reduce_or3A : f32 to vector<16xf32>
        %reduce_or3A_266 = vector.broadcast %reduce_or3A_264 : f32 to vector<16xf32>
        %reduce_or3A_267 = arith.select %or3A, %reduce_or3A_265, %reduce_or3A_266 : vector<16xi1>, vector<16xf32>
        %reduce_or3A_268 = arith.constant true
        %reduce_or3A_269 = vector.broadcast %reduce_or3A_268 : i1 to vector<16xi1>
        %reduce_or3A_270 = tpu.scan <max>, %reduce_or3A_267 masked %reduce_or3A_269 : vector<16xf32>, vector<16xi1> -> vector<16xf32>
        %reduce_or3A_271 = vector.extract %reduce_or3A_270[15] : f32 from vector<16xf32>
        %reduce_or3A_272 = arith.constant 0.000000e+00 : f32
        %reduce_or3A_273 = arith.cmpf ogt, %reduce_or3A_271, %reduce_or3A_272 : f32
        %jit3A_274 = arith.constant 1 : i32
        %jit3A_275 = arith.constant 0 : i32
        %select_n3A_276 = arith.select %reduce_or3A_273, %jit3A_274, %jit3A_275 : i32
        %add3A_277 = arith.addi %while3A_241, %select_n3A_276 : i32
        scf.yield %add3A_277 : i32
      }
      %while3A_107 = arith.constant 0 : i32
      %while3A_108 = arith.constant 0 : i32
      %while3A_109 = arith.subi %while3A_106, %while3A_107 : i32
      %while3A_110 = arith.addi %while3A_107, %while3A_109 : i32
      %while3A_111 = arith.constant 1 : i32
      %while3A_112 = arith.divsi %while3A_109, %while3A_111 : i32
      %while3A_113 = arith.muli %while3A_112, %while3A_111 : i32
      %while3A_114 = arith.addi %while3A_107, %while3A_113 : i32
      %while3A_115 = arith.constant 1 : i32
      %while3A_116 = scf.for %while3A_240 = %while3A_107 to %while3A_114 step %while3A_115 iter_args(%while3A_241 = %while3A_108) -> (i32)  : i32 {
        %mul3A_242 = arith.constant 16 : i32
        %mul3A_243 = arith.muli %while3A_240, %mul3A_242 : i32
        %get3A = arith.index_cast %mul3A_243 : i32 to index
        %get3A_244 = tpu.vector_load %arg13[%get3A] {strides = array<i32>} : memref<1600xi32, #tpu.memory_space<vmem>>, vector<16xi32>,
        %get3A_245 = arith.index_cast %mul3A_243 : i32 to index
        %get3A_246 = tpu.vector_load %arg14[%get3A_245] {strides = array<i32>} : memref<1600xf32, #tpu.memory_space<vmem>>, vector<16xf32>,
        %get3A_247 = arith.index_cast %mul3A_243 : i32 to index
        %get3A_248 = tpu.vector_load %arg15[%get3A_247] {strides = array<i32>} : memref<1600xf32, #tpu.memory_space<vmem>>, vector<16xf32>,
        %gather3A = tpu.vector_load_idx %arg8[%get3A_244] : memref<50048xf32, #tpu.memory_space<vmem>>[vector<16xi32>], vector<16xf32>,
        %max3A = arith.maximumf %gather3A, %get3A_246 : vector<16xf32>
        tpu.vector_store_idx %arg8[%get3A_244], %max3A : memref<50048xf32, #tpu.memory_space<vmem>>[vector<16xi32>], vector<16xf32>,
        %gather3A_249 = tpu.vector_load_idx %arg9[%get3A_244] : memref<50048xf32, #tpu.memory_space<vmem>>[vector<16xi32>], vector<16xf32>,
        %max3A_250 = arith.maximumf %gather3A_249, %get3A_248 : vector<16xf32>
        tpu.vector_store_idx %arg9[%get3A_244], %max3A_250 : memref<50048xf32, #tpu.memory_space<vmem>>[vector<16xi32>], vector<16xf32>,
        %gather3A_251 = tpu.vector_load_idx %arg8[%get3A_244] : memref<50048xf32, #tpu.memory_space<vmem>>[vector<16xi32>], vector<16xf32>,
        %gather3A_252 = tpu.vector_load_idx %arg9[%get3A_244] : memref<50048xf32, #tpu.memory_space<vmem>>[vector<16xi32>], vector<16xf32>,
        %lt3A = arith.cmpf olt, %gather3A_251, %get3A_246 : vector<16xf32>
        %lt3A_253 = arith.cmpf olt, %gather3A_252, %get3A_248 : vector<16xf32>
        %mul3A_254 = arith.constant 16 : i32
        %mul3A_255 = arith.muli %while3A_241, %mul3A_254 : i32
        %swap3A = arith.index_cast %mul3A_255 : i32 to index
        %swap3A_256 = tpu.vector_load %arg10[%swap3A] {strides = array<i32>} : memref<1600xi32, #tpu.memory_space<vmem>>, vector<16xi32>,
        tpu.vector_store %arg10[%swap3A], %get3A_244 {strides = array<i32>} : memref<1600xi32, #tpu.memory_space<vmem>>, vector<16xi32>,
        %jit3A = arith.constant 0xFF800000 : f32
        %broadcast_in_dim3A = vector.broadcast %jit3A : f32 to vector<16xf32>
        %select_n3A = arith.select %lt3A, %get3A_246, %broadcast_in_dim3A : vector<16xi1>, vector<16xf32>
        %swap3A_257 = arith.index_cast %mul3A_255 : i32 to index
        %swap3A_258 = tpu.vector_load %arg11[%swap3A_257] {strides = array<i32>} : memref<1600xf32, #tpu.memory_space<vmem>>, vector<16xf32>,
        tpu.vector_store %arg11[%swap3A_257], %select_n3A {strides = array<i32>} : memref<1600xf32, #tpu.memory_space<vmem>>, vector<16xf32>,
        %jit3A_259 = arith.constant 0xFF800000 : f32
        %broadcast_in_dim3A_260 = vector.broadcast %jit3A_259 : f32 to vector<16xf32>
        %select_n3A_261 = arith.select %lt3A_253, %get3A_248, %broadcast_in_dim3A_260 : vector<16xi1>, vector<16xf32>
        %swap3A_262 = arith.index_cast %mul3A_255 : i32 to index
        %swap3A_263 = tpu.vector_load %arg12[%swap3A_262] {strides = array<i32>} : memref<1600xf32, #tpu.memory_space<vmem>>, vector<16xf32>,
        tpu.vector_store %arg12[%swap3A_262], %select_n3A_261 {strides = array<i32>} : memref<1600xf32, #tpu.memory_space<vmem>>, vector<16xf32>,
        %or3A = arith.ori %lt3A, %lt3A_253 : vector<16xi1>
        %reduce_or3A = arith.constant 1.000000e+00 : f32
        %reduce_or3A_264 = arith.constant 0.000000e+00 : f32
        %reduce_or3A_265 = vector.broadcast %reduce_or3A : f32 to vector<16xf32>
        %reduce_or3A_266 = vector.broadcast %reduce_or3A_264 : f32 to vector<16xf32>
        %reduce_or3A_267 = arith.select %or3A, %reduce_or3A_265, %reduce_or3A_266 : vector<16xi1>, vector<16xf32>
        %reduce_or3A_268 = arith.constant true
        %reduce_or3A_269 = vector.broadcast %reduce_or3A_268 : i1 to vector<16xi1>
        %reduce_or3A_270 = tpu.scan <max>, %reduce_or3A_267 masked %reduce_or3A_269 : vector<16xf32>, vector<16xi1> -> vector<16xf32>
        %reduce_or3A_271 = vector.extract %reduce_or3A_270[15] : f32 from vector<16xf32>
        %reduce_or3A_272 = arith.constant 0.000000e+00 : f32
        %reduce_or3A_273 = arith.cmpf ogt, %reduce_or3A_271, %reduce_or3A_272 : f32
        %jit3A_274 = arith.constant 1 : i32
        %jit3A_275 = arith.constant 0 : i32
        %select_n3A_276 = arith.select %reduce_or3A_273, %jit3A_274, %jit3A_275 : i32
        %add3A_277 = arith.addi %while3A_241, %select_n3A_276 : i32
        scf.yield %add3A_277 : i32
      }
      %while3A_117 = arith.constant 1 : i32
      %while3A_118 = scf.for %while3A_240 = %while3A_114 to %while3A_110 step %while3A_117 iter_args(%while3A_241 = %while3A_116) -> (i32)  : i32 {
        %mul3A_242 = arith.constant 16 : i32
        %mul3A_243 = arith.muli %while3A_240, %mul3A_242 : i32
        %get3A = arith.index_cast %mul3A_243 : i32 to index
        %get3A_244 = tpu.vector_load %arg13[%get3A] {strides = array<i32>} : memref<1600xi32, #tpu.memory_space<vmem>>, vector<16xi32>,
        %get3A_245 = arith.index_cast %mul3A_243 : i32 to index
        %get3A_246 = tpu.vector_load %arg14[%get3A_245] {strides = array<i32>} : memref<1600xf32, #tpu.memory_space<vmem>>, vector<16xf32>,
        %get3A_247 = arith.index_cast %mul3A_243 : i32 to index
        %get3A_248 = tpu.vector_load %arg15[%get3A_247] {strides = array<i32>} : memref<1600xf32, #tpu.memory_space<vmem>>, vector<16xf32>,
        %gather3A = tpu.vector_load_idx %arg8[%get3A_244] : memref<50048xf32, #tpu.memory_space<vmem>>[vector<16xi32>], vector<16xf32>,
        %max3A = arith.maximumf %gather3A, %get3A_246 : vector<16xf32>
        tpu.vector_store_idx %arg8[%get3A_244], %max3A : memref<50048xf32, #tpu.memory_space<vmem>>[vector<16xi32>], vector<16xf32>,
        %gather3A_249 = tpu.vector_load_idx %arg9[%get3A_244] : memref<50048xf32, #tpu.memory_space<vmem>>[vector<16xi32>], vector<16xf32>,
        %max3A_250 = arith.maximumf %gather3A_249, %get3A_248 : vector<16xf32>
        tpu.vector_store_idx %arg9[%get3A_244], %max3A_250 : memref<50048xf32, #tpu.memory_space<vmem>>[vector<16xi32>], vector<16xf32>,
        %gather3A_251 = tpu.vector_load_idx %arg8[%get3A_244] : memref<50048xf32, #tpu.memory_space<vmem>>[vector<16xi32>], vector<16xf32>,
        %gather3A_252 = tpu.vector_load_idx %arg9[%get3A_244] : memref<50048xf32, #tpu.memory_space<vmem>>[vector<16xi32>], vector<16xf32>,
        %lt3A = arith.cmpf olt, %gather3A_251, %get3A_246 : vector<16xf32>
        %lt3A_253 = arith.cmpf olt, %gather3A_252, %get3A_248 : vector<16xf32>
        %mul3A_254 = arith.constant 16 : i32
        %mul3A_255 = arith.muli %while3A_241, %mul3A_254 : i32
        %swap3A = arith.index_cast %mul3A_255 : i32 to index
        %swap3A_256 = tpu.vector_load %arg10[%swap3A] {strides = array<i32>} : memref<1600xi32, #tpu.memory_space<vmem>>, vector<16xi32>,
        tpu.vector_store %arg10[%swap3A], %get3A_244 {strides = array<i32>} : memref<1600xi32, #tpu.memory_space<vmem>>, vector<16xi32>,
        %jit3A = arith.constant 0xFF800000 : f32
        %broadcast_in_dim3A = vector.broadcast %jit3A : f32 to vector<16xf32>
        %select_n3A = arith.select %lt3A, %get3A_246, %broadcast_in_dim3A : vector<16xi1>, vector<16xf32>
        %swap3A_257 = arith.index_cast %mul3A_255 : i32 to index
        %swap3A_258 = tpu.vector_load %arg11[%swap3A_257] {strides = array<i32>} : memref<1600xf32, #tpu.memory_space<vmem>>, vector<16xf32>,
        tpu.vector_store %arg11[%swap3A_257], %select_n3A {strides = array<i32>} : memref<1600xf32, #tpu.memory_space<vmem>>, vector<16xf32>,
        %jit3A_259 = arith.constant 0xFF800000 : f32
        %broadcast_in_dim3A_260 = vector.broadcast %jit3A_259 : f32 to vector<16xf32>
        %select_n3A_261 = arith.select %lt3A_253, %get3A_248, %broadcast_in_dim3A_260 : vector<16xi1>, vector<16xf32>
        %swap3A_262 = arith.index_cast %mul3A_255 : i32 to index
        %swap3A_263 = tpu.vector_load %arg12[%swap3A_262] {strides = array<i32>} : memref<1600xf32, #tpu.memory_space<vmem>>, vector<16xf32>,
        tpu.vector_store %arg12[%swap3A_262], %select_n3A_261 {strides = array<i32>} : memref<1600xf32, #tpu.memory_space<vmem>>, vector<16xf32>,
        %or3A = arith.ori %lt3A, %lt3A_253 : vector<16xi1>
        %reduce_or3A = arith.constant 1.000000e+00 : f32
        %reduce_or3A_264 = arith.constant 0.000000e+00 : f32
        %reduce_or3A_265 = vector.broadcast %reduce_or3A : f32 to vector<16xf32>
        %reduce_or3A_266 = vector.broadcast %reduce_or3A_264 : f32 to vector<16xf32>
        %reduce_or3A_267 = arith.select %or3A, %reduce_or3A_265, %reduce_or3A_266 : vector<16xi1>, vector<16xf32>
        %reduce_or3A_268 = arith.constant true
        %reduce_or3A_269 = vector.broadcast %reduce_or3A_268 : i1 to vector<16xi1>
        %reduce_or3A_270 = tpu.scan <max>, %reduce_or3A_267 masked %reduce_or3A_269 : vector<16xf32>, vector<16xi1> -> vector<16xf32>
        %reduce_or3A_271 = vector.extract %reduce_or3A_270[15] : f32 from vector<16xf32>
        %reduce_or3A_272 = arith.constant 0.000000e+00 : f32
        %reduce_or3A_273 = arith.cmpf ogt, %reduce_or3A_271, %reduce_or3A_272 : f32
        %jit3A_274 = arith.constant 1 : i32
        %jit3A_275 = arith.constant 0 : i32
        %select_n3A_276 = arith.select %reduce_or3A_273, %jit3A_274, %jit3A_275 : i32
        %add3A_277 = arith.addi %while3A_241, %select_n3A_276 : i32
        scf.yield %add3A_277 : i32
      }
      %while3A_119 = arith.constant 0 : i32
      %while3A_120 = arith.constant 0 : i32
      %while3A_121 = arith.subi %while3A_118, %while3A_119 : i32
      %while3A_122 = arith.addi %while3A_119, %while3A_121 : i32
      %while3A_123 = arith.constant 1 : i32
      %while3A_124 = arith.divsi %while3A_121, %while3A_123 : i32
      %while3A_125 = arith.muli %while3A_124, %while3A_123 : i32
      %while3A_126 = arith.addi %while3A_119, %while3A_125 : i32
      %while3A_127 = arith.constant 1 : i32
      %while3A_128 = scf.for %while3A_240 = %while3A_119 to %while3A_126 step %while3A_127 iter_args(%while3A_241 = %while3A_120) -> (i32)  : i32 {
        %mul3A_242 = arith.constant 16 : i32
        %mul3A_243 = arith.muli %while3A_240, %mul3A_242 : i32
        %get3A = arith.index_cast %mul3A_243 : i32 to index
        %get3A_244 = tpu.vector_load %arg10[%get3A] {strides = array<i32>} : memref<1600xi32, #tpu.memory_space<vmem>>, vector<16xi32>,
        %get3A_245 = arith.index_cast %mul3A_243 : i32 to index
        %get3A_246 = tpu.vector_load %arg11[%get3A_245] {strides = array<i32>} : memref<1600xf32, #tpu.memory_space<vmem>>, vector<16xf32>,
        %get3A_247 = arith.index_cast %mul3A_243 : i32 to index
        %get3A_248 = tpu.vector_load %arg12[%get3A_247] {strides = array<i32>} : memref<1600xf32, #tpu.memory_space<vmem>>, vector<16xf32>,
        %gather3A = tpu.vector_load_idx %arg8[%get3A_244] : memref<50048xf32, #tpu.memory_space<vmem>>[vector<16xi32>], vector<16xf32>,
        %max3A = arith.maximumf %gather3A, %get3A_246 : vector<16xf32>
        tpu.vector_store_idx %arg8[%get3A_244], %max3A : memref<50048xf32, #tpu.memory_space<vmem>>[vector<16xi32>], vector<16xf32>,
        %gather3A_249 = tpu.vector_load_idx %arg9[%get3A_244] : memref<50048xf32, #tpu.memory_space<vmem>>[vector<16xi32>], vector<16xf32>,
        %max3A_250 = arith.maximumf %gather3A_249, %get3A_248 : vector<16xf32>
        tpu.vector_store_idx %arg9[%get3A_244], %max3A_250 : memref<50048xf32, #tpu.memory_space<vmem>>[vector<16xi32>], vector<16xf32>,
        %gather3A_251 = tpu.vector_load_idx %arg8[%get3A_244] : memref<50048xf32, #tpu.memory_space<vmem>>[vector<16xi32>], vector<16xf32>,
        %gather3A_252 = tpu.vector_load_idx %arg9[%get3A_244] : memref<50048xf32, #tpu.memory_space<vmem>>[vector<16xi32>], vector<16xf32>,
        %lt3A = arith.cmpf olt, %gather3A_251, %get3A_246 : vector<16xf32>
        %lt3A_253 = arith.cmpf olt, %gather3A_252, %get3A_248 : vector<16xf32>
        %mul3A_254 = arith.constant 16 : i32
        %mul3A_255 = arith.muli %while3A_241, %mul3A_254 : i32
        %swap3A = arith.index_cast %mul3A_255 : i32 to index
        %swap3A_256 = tpu.vector_load %arg13[%swap3A] {strides = array<i32>} : memref<1600xi32, #tpu.memory_space<vmem>>, vector<16xi32>,
        tpu.vector_store %arg13[%swap3A], %get3A_244 {strides = array<i32>} : memref<1600xi32, #tpu.memory_space<vmem>>, vector<16xi32>,
        %jit3A = arith.constant 0xFF800000 : f32
        %broadcast_in_dim3A = vector.broadcast %jit3A : f32 to vector<16xf32>
        %select_n3A = arith.select %lt3A, %get3A_246, %broadcast_in_dim3A : vector<16xi1>, vector<16xf32>
        %swap3A_257 = arith.index_cast %mul3A_255 : i32 to index
        %swap3A_258 = tpu.vector_load %arg14[%swap3A_257] {strides = array<i32>} : memref<1600xf32, #tpu.memory_space<vmem>>, vector<16xf32>,
        tpu.vector_store %arg14[%swap3A_257], %select_n3A {strides = array<i32>} : memref<1600xf32, #tpu.memory_space<vmem>>, vector<16xf32>,
        %jit3A_259 = arith.constant 0xFF800000 : f32
        %broadcast_in_dim3A_260 = vector.broadcast %jit3A_259 : f32 to vector<16xf32>
        %select_n3A_261 = arith.select %lt3A_253, %get3A_248, %broadcast_in_dim3A_260 : vector<16xi1>, vector<16xf32>
        %swap3A_262 = arith.index_cast %mul3A_255 : i32 to index
        %swap3A_263 = tpu.vector_load %arg15[%swap3A_262] {strides = array<i32>} : memref<1600xf32, #tpu.memory_space<vmem>>, vector<16xf32>,
        tpu.vector_store %arg15[%swap3A_262], %select_n3A_261 {strides = array<i32>} : memref<1600xf32, #tpu.memory_space<vmem>>, vector<16xf32>,
        %or3A = arith.ori %lt3A, %lt3A_253 : vector<16xi1>
        %reduce_or3A = arith.constant 1.000000e+00 : f32
        %reduce_or3A_264 = arith.constant 0.000000e+00 : f32
        %reduce_or3A_265 = vector.broadcast %reduce_or3A : f32 to vector<16xf32>
        %reduce_or3A_266 = vector.broadcast %reduce_or3A_264 : f32 to vector<16xf32>
        %reduce_or3A_267 = arith.select %or3A, %reduce_or3A_265, %reduce_or3A_266 : vector<16xi1>, vector<16xf32>
        %reduce_or3A_268 = arith.constant true
        %reduce_or3A_269 = vector.broadcast %reduce_or3A_268 : i1 to vector<16xi1>
        %reduce_or3A_270 = tpu.scan <max>, %reduce_or3A_267 masked %reduce_or3A_269 : vector<16xf32>, vector<16xi1> -> vector<16xf32>
        %reduce_or3A_271 = vector.extract %reduce_or3A_270[15] : f32 from vector<16xf32>
        %reduce_or3A_272 = arith.constant 0.000000e+00 : f32
        %reduce_or3A_273 = arith.cmpf ogt, %reduce_or3A_271, %reduce_or3A_272 : f32
        %jit3A_274 = arith.constant 1 : i32
        %jit3A_275 = arith.constant 0 : i32
        %select_n3A_276 = arith.select %reduce_or3A_273, %jit3A_274, %jit3A_275 : i32
        %add3A_277 = arith.addi %while3A_241, %select_n3A_276 : i32
        scf.yield %add3A_277 : i32
      }
      %while3A_129 = arith.constant 1 : i32
      %while3A_130 = scf.for %while3A_240 = %while3A_126 to %while3A_122 step %while3A_129 iter_args(%while3A_241 = %while3A_128) -> (i32)  : i32 {
        %mul3A_242 = arith.constant 16 : i32
        %mul3A_243 = arith.muli %while3A_240, %mul3A_242 : i32
        %get3A = arith.index_cast %mul3A_243 : i32 to index
        %get3A_244 = tpu.vector_load %arg10[%get3A] {strides = array<i32>} : memref<1600xi32, #tpu.memory_space<vmem>>, vector<16xi32>,
        %get3A_245 = arith.index_cast %mul3A_243 : i32 to index
        %get3A_246 = tpu.vector_load %arg11[%get3A_245] {strides = array<i32>} : memref<1600xf32, #tpu.memory_space<vmem>>, vector<16xf32>,
        %get3A_247 = arith.index_cast %mul3A_243 : i32 to index
        %get3A_248 = tpu.vector_load %arg12[%get3A_247] {strides = array<i32>} : memref<1600xf32, #tpu.memory_space<vmem>>, vector<16xf32>,
        %gather3A = tpu.vector_load_idx %arg8[%get3A_244] : memref<50048xf32, #tpu.memory_space<vmem>>[vector<16xi32>], vector<16xf32>,
        %max3A = arith.maximumf %gather3A, %get3A_246 : vector<16xf32>
        tpu.vector_store_idx %arg8[%get3A_244], %max3A : memref<50048xf32, #tpu.memory_space<vmem>>[vector<16xi32>], vector<16xf32>,
        %gather3A_249 = tpu.vector_load_idx %arg9[%get3A_244] : memref<50048xf32, #tpu.memory_space<vmem>>[vector<16xi32>], vector<16xf32>,
        %max3A_250 = arith.maximumf %gather3A_249, %get3A_248 : vector<16xf32>
        tpu.vector_store_idx %arg9[%get3A_244], %max3A_250 : memref<50048xf32, #tpu.memory_space<vmem>>[vector<16xi32>], vector<16xf32>,
        %gather3A_251 = tpu.vector_load_idx %arg8[%get3A_244] : memref<50048xf32, #tpu.memory_space<vmem>>[vector<16xi32>], vector<16xf32>,
        %gather3A_252 = tpu.vector_load_idx %arg9[%get3A_244] : memref<50048xf32, #tpu.memory_space<vmem>>[vector<16xi32>], vector<16xf32>,
        %lt3A = arith.cmpf olt, %gather3A_251, %get3A_246 : vector<16xf32>
        %lt3A_253 = arith.cmpf olt, %gather3A_252, %get3A_248 : vector<16xf32>
        %mul3A_254 = arith.constant 16 : i32
        %mul3A_255 = arith.muli %while3A_241, %mul3A_254 : i32
        %swap3A = arith.index_cast %mul3A_255 : i32 to index
        %swap3A_256 = tpu.vector_load %arg13[%swap3A] {strides = array<i32>} : memref<1600xi32, #tpu.memory_space<vmem>>, vector<16xi32>,
        tpu.vector_store %arg13[%swap3A], %get3A_244 {strides = array<i32>} : memref<1600xi32, #tpu.memory_space<vmem>>, vector<16xi32>,
        %jit3A = arith.constant 0xFF800000 : f32
        %broadcast_in_dim3A = vector.broadcast %jit3A : f32 to vector<16xf32>
        %select_n3A = arith.select %lt3A, %get3A_246, %broadcast_in_dim3A : vector<16xi1>, vector<16xf32>
        %swap3A_257 = arith.index_cast %mul3A_255 : i32 to index
        %swap3A_258 = tpu.vector_load %arg14[%swap3A_257] {strides = array<i32>} : memref<1600xf32, #tpu.memory_space<vmem>>, vector<16xf32>,
        tpu.vector_store %arg14[%swap3A_257], %select_n3A {strides = array<i32>} : memref<1600xf32, #tpu.memory_space<vmem>>, vector<16xf32>,
        %jit3A_259 = arith.constant 0xFF800000 : f32
        %broadcast_in_dim3A_260 = vector.broadcast %jit3A_259 : f32 to vector<16xf32>
        %select_n3A_261 = arith.select %lt3A_253, %get3A_248, %broadcast_in_dim3A_260 : vector<16xi1>, vector<16xf32>
        %swap3A_262 = arith.index_cast %mul3A_255 : i32 to index
        %swap3A_263 = tpu.vector_load %arg15[%swap3A_262] {strides = array<i32>} : memref<1600xf32, #tpu.memory_space<vmem>>, vector<16xf32>,
        tpu.vector_store %arg15[%swap3A_262], %select_n3A_261 {strides = array<i32>} : memref<1600xf32, #tpu.memory_space<vmem>>, vector<16xf32>,
        %or3A = arith.ori %lt3A, %lt3A_253 : vector<16xi1>
        %reduce_or3A = arith.constant 1.000000e+00 : f32
        %reduce_or3A_264 = arith.constant 0.000000e+00 : f32
        %reduce_or3A_265 = vector.broadcast %reduce_or3A : f32 to vector<16xf32>
        %reduce_or3A_266 = vector.broadcast %reduce_or3A_264 : f32 to vector<16xf32>
        %reduce_or3A_267 = arith.select %or3A, %reduce_or3A_265, %reduce_or3A_266 : vector<16xi1>, vector<16xf32>
        %reduce_or3A_268 = arith.constant true
        %reduce_or3A_269 = vector.broadcast %reduce_or3A_268 : i1 to vector<16xi1>
        %reduce_or3A_270 = tpu.scan <max>, %reduce_or3A_267 masked %reduce_or3A_269 : vector<16xf32>, vector<16xi1> -> vector<16xf32>
        %reduce_or3A_271 = vector.extract %reduce_or3A_270[15] : f32 from vector<16xf32>
        %reduce_or3A_272 = arith.constant 0.000000e+00 : f32
        %reduce_or3A_273 = arith.cmpf ogt, %reduce_or3A_271, %reduce_or3A_272 : f32
        %jit3A_274 = arith.constant 1 : i32
        %jit3A_275 = arith.constant 0 : i32
        %select_n3A_276 = arith.select %reduce_or3A_273, %jit3A_274, %jit3A_275 : i32
        %add3A_277 = arith.addi %while3A_241, %select_n3A_276 : i32
        scf.yield %add3A_277 : i32
      }
      %while3A_131 = arith.constant 0 : i32
      %while3A_132 = arith.constant 0 : i32
      %while3A_133 = arith.subi %while3A_130, %while3A_131 : i32
      %while3A_134 = arith.addi %while3A_131, %while3A_133 : i32
      %while3A_135 = arith.constant 1 : i32
      %while3A_136 = arith.divsi %while3A_133, %while3A_135 : i32
      %while3A_137 = arith.muli %while3A_136, %while3A_135 : i32
      %while3A_138 = arith.addi %while3A_131, %while3A_137 : i32
      %while3A_139 = arith.constant 1 : i32
      %while3A_140 = scf.for %while3A_240 = %while3A_131 to %while3A_138 step %while3A_139 iter_args(%while3A_241 = %while3A_132) -> (i32)  : i32 {
        %mul3A_242 = arith.constant 16 : i32
        %mul3A_243 = arith.muli %while3A_240, %mul3A_242 : i32
        %get3A = arith.index_cast %mul3A_243 : i32 to index
        %get3A_244 = tpu.vector_load %arg13[%get3A] {strides = array<i32>} : memref<1600xi32, #tpu.memory_space<vmem>>, vector<16xi32>,
        %get3A_245 = arith.index_cast %mul3A_243 : i32 to index
        %get3A_246 = tpu.vector_load %arg14[%get3A_245] {strides = array<i32>} : memref<1600xf32, #tpu.memory_space<vmem>>, vector<16xf32>,
        %get3A_247 = arith.index_cast %mul3A_243 : i32 to index
        %get3A_248 = tpu.vector_load %arg15[%get3A_247] {strides = array<i32>} : memref<1600xf32, #tpu.memory_space<vmem>>, vector<16xf32>,
        %gather3A = tpu.vector_load_idx %arg8[%get3A_244] : memref<50048xf32, #tpu.memory_space<vmem>>[vector<16xi32>], vector<16xf32>,
        %max3A = arith.maximumf %gather3A, %get3A_246 : vector<16xf32>
        tpu.vector_store_idx %arg8[%get3A_244], %max3A : memref<50048xf32, #tpu.memory_space<vmem>>[vector<16xi32>], vector<16xf32>,
        %gather3A_249 = tpu.vector_load_idx %arg9[%get3A_244] : memref<50048xf32, #tpu.memory_space<vmem>>[vector<16xi32>], vector<16xf32>,
        %max3A_250 = arith.maximumf %gather3A_249, %get3A_248 : vector<16xf32>
        tpu.vector_store_idx %arg9[%get3A_244], %max3A_250 : memref<50048xf32, #tpu.memory_space<vmem>>[vector<16xi32>], vector<16xf32>,
        %gather3A_251 = tpu.vector_load_idx %arg8[%get3A_244] : memref<50048xf32, #tpu.memory_space<vmem>>[vector<16xi32>], vector<16xf32>,
        %gather3A_252 = tpu.vector_load_idx %arg9[%get3A_244] : memref<50048xf32, #tpu.memory_space<vmem>>[vector<16xi32>], vector<16xf32>,
        %lt3A = arith.cmpf olt, %gather3A_251, %get3A_246 : vector<16xf32>
        %lt3A_253 = arith.cmpf olt, %gather3A_252, %get3A_248 : vector<16xf32>
        %mul3A_254 = arith.constant 16 : i32
        %mul3A_255 = arith.muli %while3A_241, %mul3A_254 : i32
        %swap3A = arith.index_cast %mul3A_255 : i32 to index
        %swap3A_256 = tpu.vector_load %arg10[%swap3A] {strides = array<i32>} : memref<1600xi32, #tpu.memory_space<vmem>>, vector<16xi32>,
        tpu.vector_store %arg10[%swap3A], %get3A_244 {strides = array<i32>} : memref<1600xi32, #tpu.memory_space<vmem>>, vector<16xi32>,
        %jit3A = arith.constant 0xFF800000 : f32
        %broadcast_in_dim3A = vector.broadcast %jit3A : f32 to vector<16xf32>
        %select_n3A = arith.select %lt3A, %get3A_246, %broadcast_in_dim3A : vector<16xi1>, vector<16xf32>
        %swap3A_257 = arith.index_cast %mul3A_255 : i32 to index
        %swap3A_258 = tpu.vector_load %arg11[%swap3A_257] {strides = array<i32>} : memref<1600xf32, #tpu.memory_space<vmem>>, vector<16xf32>,
        tpu.vector_store %arg11[%swap3A_257], %select_n3A {strides = array<i32>} : memref<1600xf32, #tpu.memory_space<vmem>>, vector<16xf32>,
        %jit3A_259 = arith.constant 0xFF800000 : f32
        %broadcast_in_dim3A_260 = vector.broadcast %jit3A_259 : f32 to vector<16xf32>
        %select_n3A_261 = arith.select %lt3A_253, %get3A_248, %broadcast_in_dim3A_260 : vector<16xi1>, vector<16xf32>
        %swap3A_262 = arith.index_cast %mul3A_255 : i32 to index
        %swap3A_263 = tpu.vector_load %arg12[%swap3A_262] {strides = array<i32>} : memref<1600xf32, #tpu.memory_space<vmem>>, vector<16xf32>,
        tpu.vector_store %arg12[%swap3A_262], %select_n3A_261 {strides = array<i32>} : memref<1600xf32, #tpu.memory_space<vmem>>, vector<16xf32>,
        %or3A = arith.ori %lt3A, %lt3A_253 : vector<16xi1>
        %reduce_or3A = arith.constant 1.000000e+00 : f32
        %reduce_or3A_264 = arith.constant 0.000000e+00 : f32
        %reduce_or3A_265 = vector.broadcast %reduce_or3A : f32 to vector<16xf32>
        %reduce_or3A_266 = vector.broadcast %reduce_or3A_264 : f32 to vector<16xf32>
        %reduce_or3A_267 = arith.select %or3A, %reduce_or3A_265, %reduce_or3A_266 : vector<16xi1>, vector<16xf32>
        %reduce_or3A_268 = arith.constant true
        %reduce_or3A_269 = vector.broadcast %reduce_or3A_268 : i1 to vector<16xi1>
        %reduce_or3A_270 = tpu.scan <max>, %reduce_or3A_267 masked %reduce_or3A_269 : vector<16xf32>, vector<16xi1> -> vector<16xf32>
        %reduce_or3A_271 = vector.extract %reduce_or3A_270[15] : f32 from vector<16xf32>
        %reduce_or3A_272 = arith.constant 0.000000e+00 : f32
        %reduce_or3A_273 = arith.cmpf ogt, %reduce_or3A_271, %reduce_or3A_272 : f32
        %jit3A_274 = arith.constant 1 : i32
        %jit3A_275 = arith.constant 0 : i32
        %select_n3A_276 = arith.select %reduce_or3A_273, %jit3A_274, %jit3A_275 : i32
        %add3A_277 = arith.addi %while3A_241, %select_n3A_276 : i32
        scf.yield %add3A_277 : i32
      }
      %while3A_141 = arith.constant 1 : i32
      %while3A_142 = scf.for %while3A_240 = %while3A_138 to %while3A_134 step %while3A_141 iter_args(%while3A_241 = %while3A_140) -> (i32)  : i32 {
        %mul3A_242 = arith.constant 16 : i32
        %mul3A_243 = arith.muli %while3A_240, %mul3A_242 : i32
        %get3A = arith.index_cast %mul3A_243 : i32 to index
        %get3A_244 = tpu.vector_load %arg13[%get3A] {strides = array<i32>} : memref<1600xi32, #tpu.memory_space<vmem>>, vector<16xi32>,
        %get3A_245 = arith.index_cast %mul3A_243 : i32 to index
        %get3A_246 = tpu.vector_load %arg14[%get3A_245] {strides = array<i32>} : memref<1600xf32, #tpu.memory_space<vmem>>, vector<16xf32>,
        %get3A_247 = arith.index_cast %mul3A_243 : i32 to index
        %get3A_248 = tpu.vector_load %arg15[%get3A_247] {strides = array<i32>} : memref<1600xf32, #tpu.memory_space<vmem>>, vector<16xf32>,
        %gather3A = tpu.vector_load_idx %arg8[%get3A_244] : memref<50048xf32, #tpu.memory_space<vmem>>[vector<16xi32>], vector<16xf32>,
        %max3A = arith.maximumf %gather3A, %get3A_246 : vector<16xf32>
        tpu.vector_store_idx %arg8[%get3A_244], %max3A : memref<50048xf32, #tpu.memory_space<vmem>>[vector<16xi32>], vector<16xf32>,
        %gather3A_249 = tpu.vector_load_idx %arg9[%get3A_244] : memref<50048xf32, #tpu.memory_space<vmem>>[vector<16xi32>], vector<16xf32>,
        %max3A_250 = arith.maximumf %gather3A_249, %get3A_248 : vector<16xf32>
        tpu.vector_store_idx %arg9[%get3A_244], %max3A_250 : memref<50048xf32, #tpu.memory_space<vmem>>[vector<16xi32>], vector<16xf32>,
        %gather3A_251 = tpu.vector_load_idx %arg8[%get3A_244] : memref<50048xf32, #tpu.memory_space<vmem>>[vector<16xi32>], vector<16xf32>,
        %gather3A_252 = tpu.vector_load_idx %arg9[%get3A_244] : memref<50048xf32, #tpu.memory_space<vmem>>[vector<16xi32>], vector<16xf32>,
        %lt3A = arith.cmpf olt, %gather3A_251, %get3A_246 : vector<16xf32>
        %lt3A_253 = arith.cmpf olt, %gather3A_252, %get3A_248 : vector<16xf32>
        %mul3A_254 = arith.constant 16 : i32
        %mul3A_255 = arith.muli %while3A_241, %mul3A_254 : i32
        %swap3A = arith.index_cast %mul3A_255 : i32 to index
        %swap3A_256 = tpu.vector_load %arg10[%swap3A] {strides = array<i32>} : memref<1600xi32, #tpu.memory_space<vmem>>, vector<16xi32>,
        tpu.vector_store %arg10[%swap3A], %get3A_244 {strides = array<i32>} : memref<1600xi32, #tpu.memory_space<vmem>>, vector<16xi32>,
        %jit3A = arith.constant 0xFF800000 : f32
        %broadcast_in_dim3A = vector.broadcast %jit3A : f32 to vector<16xf32>
        %select_n3A = arith.select %lt3A, %get3A_246, %broadcast_in_dim3A : vector<16xi1>, vector<16xf32>
        %swap3A_257 = arith.index_cast %mul3A_255 : i32 to index
        %swap3A_258 = tpu.vector_load %arg11[%swap3A_257] {strides = array<i32>} : memref<1600xf32, #tpu.memory_space<vmem>>, vector<16xf32>,
        tpu.vector_store %arg11[%swap3A_257], %select_n3A {strides = array<i32>} : memref<1600xf32, #tpu.memory_space<vmem>>, vector<16xf32>,
        %jit3A_259 = arith.constant 0xFF800000 : f32
        %broadcast_in_dim3A_260 = vector.broadcast %jit3A_259 : f32 to vector<16xf32>
        %select_n3A_261 = arith.select %lt3A_253, %get3A_248, %broadcast_in_dim3A_260 : vector<16xi1>, vector<16xf32>
        %swap3A_262 = arith.index_cast %mul3A_255 : i32 to index
        %swap3A_263 = tpu.vector_load %arg12[%swap3A_262] {strides = array<i32>} : memref<1600xf32, #tpu.memory_space<vmem>>, vector<16xf32>,
        tpu.vector_store %arg12[%swap3A_262], %select_n3A_261 {strides = array<i32>} : memref<1600xf32, #tpu.memory_space<vmem>>, vector<16xf32>,
        %or3A = arith.ori %lt3A, %lt3A_253 : vector<16xi1>
        %reduce_or3A = arith.constant 1.000000e+00 : f32
        %reduce_or3A_264 = arith.constant 0.000000e+00 : f32
        %reduce_or3A_265 = vector.broadcast %reduce_or3A : f32 to vector<16xf32>
        %reduce_or3A_266 = vector.broadcast %reduce_or3A_264 : f32 to vector<16xf32>
        %reduce_or3A_267 = arith.select %or3A, %reduce_or3A_265, %reduce_or3A_266 : vector<16xi1>, vector<16xf32>
        %reduce_or3A_268 = arith.constant true
        %reduce_or3A_269 = vector.broadcast %reduce_or3A_268 : i1 to vector<16xi1>
        %reduce_or3A_270 = tpu.scan <max>, %reduce_or3A_267 masked %reduce_or3A_269 : vector<16xf32>, vector<16xi1> -> vector<16xf32>
        %reduce_or3A_271 = vector.extract %reduce_or3A_270[15] : f32 from vector<16xf32>
        %reduce_or3A_272 = arith.constant 0.000000e+00 : f32
        %reduce_or3A_273 = arith.cmpf ogt, %reduce_or3A_271, %reduce_or3A_272 : f32
        %jit3A_274 = arith.constant 1 : i32
        %jit3A_275 = arith.constant 0 : i32
        %select_n3A_276 = arith.select %reduce_or3A_273, %jit3A_274, %jit3A_275 : i32
        %add3A_277 = arith.addi %while3A_241, %select_n3A_276 : i32
        scf.yield %add3A_277 : i32
      }
      %while3A_143 = arith.constant 0 : i32
      %while3A_144 = arith.constant 0 : i32
      %while3A_145 = arith.subi %while3A_142, %while3A_143 : i32
      %while3A_146 = arith.addi %while3A_143, %while3A_145 : i32
      %while3A_147 = arith.constant 1 : i32
      %while3A_148 = arith.divsi %while3A_145, %while3A_147 : i32
      %while3A_149 = arith.muli %while3A_148, %while3A_147 : i32
      %while3A_150 = arith.addi %while3A_143, %while3A_149 : i32
      %while3A_151 = arith.constant 1 : i32
      %while3A_152 = scf.for %while3A_240 = %while3A_143 to %while3A_150 step %while3A_151 iter_args(%while3A_241 = %while3A_144) -> (i32)  : i32 {
        %mul3A_242 = arith.constant 16 : i32
        %mul3A_243 = arith.muli %while3A_240, %mul3A_242 : i32
        %get3A = arith.index_cast %mul3A_243 : i32 to index
        %get3A_244 = tpu.vector_load %arg10[%get3A] {strides = array<i32>} : memref<1600xi32, #tpu.memory_space<vmem>>, vector<16xi32>,
        %get3A_245 = arith.index_cast %mul3A_243 : i32 to index
        %get3A_246 = tpu.vector_load %arg11[%get3A_245] {strides = array<i32>} : memref<1600xf32, #tpu.memory_space<vmem>>, vector<16xf32>,
        %get3A_247 = arith.index_cast %mul3A_243 : i32 to index
        %get3A_248 = tpu.vector_load %arg12[%get3A_247] {strides = array<i32>} : memref<1600xf32, #tpu.memory_space<vmem>>, vector<16xf32>,
        %gather3A = tpu.vector_load_idx %arg8[%get3A_244] : memref<50048xf32, #tpu.memory_space<vmem>>[vector<16xi32>], vector<16xf32>,
        %max3A = arith.maximumf %gather3A, %get3A_246 : vector<16xf32>
        tpu.vector_store_idx %arg8[%get3A_244], %max3A : memref<50048xf32, #tpu.memory_space<vmem>>[vector<16xi32>], vector<16xf32>,
        %gather3A_249 = tpu.vector_load_idx %arg9[%get3A_244] : memref<50048xf32, #tpu.memory_space<vmem>>[vector<16xi32>], vector<16xf32>,
        %max3A_250 = arith.maximumf %gather3A_249, %get3A_248 : vector<16xf32>
        tpu.vector_store_idx %arg9[%get3A_244], %max3A_250 : memref<50048xf32, #tpu.memory_space<vmem>>[vector<16xi32>], vector<16xf32>,
        %gather3A_251 = tpu.vector_load_idx %arg8[%get3A_244] : memref<50048xf32, #tpu.memory_space<vmem>>[vector<16xi32>], vector<16xf32>,
        %gather3A_252 = tpu.vector_load_idx %arg9[%get3A_244] : memref<50048xf32, #tpu.memory_space<vmem>>[vector<16xi32>], vector<16xf32>,
        %lt3A = arith.cmpf olt, %gather3A_251, %get3A_246 : vector<16xf32>
        %lt3A_253 = arith.cmpf olt, %gather3A_252, %get3A_248 : vector<16xf32>
        %mul3A_254 = arith.constant 16 : i32
        %mul3A_255 = arith.muli %while3A_241, %mul3A_254 : i32
        %swap3A = arith.index_cast %mul3A_255 : i32 to index
        %swap3A_256 = tpu.vector_load %arg13[%swap3A] {strides = array<i32>} : memref<1600xi32, #tpu.memory_space<vmem>>, vector<16xi32>,
        tpu.vector_store %arg13[%swap3A], %get3A_244 {strides = array<i32>} : memref<1600xi32, #tpu.memory_space<vmem>>, vector<16xi32>,
        %jit3A = arith.constant 0xFF800000 : f32
        %broadcast_in_dim3A = vector.broadcast %jit3A : f32 to vector<16xf32>
        %select_n3A = arith.select %lt3A, %get3A_246, %broadcast_in_dim3A : vector<16xi1>, vector<16xf32>
        %swap3A_257 = arith.index_cast %mul3A_255 : i32 to index
        %swap3A_258 = tpu.vector_load %arg14[%swap3A_257] {strides = array<i32>} : memref<1600xf32, #tpu.memory_space<vmem>>, vector<16xf32>,
        tpu.vector_store %arg14[%swap3A_257], %select_n3A {strides = array<i32>} : memref<1600xf32, #tpu.memory_space<vmem>>, vector<16xf32>,
        %jit3A_259 = arith.constant 0xFF800000 : f32
        %broadcast_in_dim3A_260 = vector.broadcast %jit3A_259 : f32 to vector<16xf32>
        %select_n3A_261 = arith.select %lt3A_253, %get3A_248, %broadcast_in_dim3A_260 : vector<16xi1>, vector<16xf32>
        %swap3A_262 = arith.index_cast %mul3A_255 : i32 to index
        %swap3A_263 = tpu.vector_load %arg15[%swap3A_262] {strides = array<i32>} : memref<1600xf32, #tpu.memory_space<vmem>>, vector<16xf32>,
        tpu.vector_store %arg15[%swap3A_262], %select_n3A_261 {strides = array<i32>} : memref<1600xf32, #tpu.memory_space<vmem>>, vector<16xf32>,
        %or3A = arith.ori %lt3A, %lt3A_253 : vector<16xi1>
        %reduce_or3A = arith.constant 1.000000e+00 : f32
        %reduce_or3A_264 = arith.constant 0.000000e+00 : f32
        %reduce_or3A_265 = vector.broadcast %reduce_or3A : f32 to vector<16xf32>
        %reduce_or3A_266 = vector.broadcast %reduce_or3A_264 : f32 to vector<16xf32>
        %reduce_or3A_267 = arith.select %or3A, %reduce_or3A_265, %reduce_or3A_266 : vector<16xi1>, vector<16xf32>
        %reduce_or3A_268 = arith.constant true
        %reduce_or3A_269 = vector.broadcast %reduce_or3A_268 : i1 to vector<16xi1>
        %reduce_or3A_270 = tpu.scan <max>, %reduce_or3A_267 masked %reduce_or3A_269 : vector<16xf32>, vector<16xi1> -> vector<16xf32>
        %reduce_or3A_271 = vector.extract %reduce_or3A_270[15] : f32 from vector<16xf32>
        %reduce_or3A_272 = arith.constant 0.000000e+00 : f32
        %reduce_or3A_273 = arith.cmpf ogt, %reduce_or3A_271, %reduce_or3A_272 : f32
        %jit3A_274 = arith.constant 1 : i32
        %jit3A_275 = arith.constant 0 : i32
        %select_n3A_276 = arith.select %reduce_or3A_273, %jit3A_274, %jit3A_275 : i32
        %add3A_277 = arith.addi %while3A_241, %select_n3A_276 : i32
        scf.yield %add3A_277 : i32
      }
      %while3A_153 = arith.constant 1 : i32
      %while3A_154 = scf.for %while3A_240 = %while3A_150 to %while3A_146 step %while3A_153 iter_args(%while3A_241 = %while3A_152) -> (i32)  : i32 {
        %mul3A_242 = arith.constant 16 : i32
        %mul3A_243 = arith.muli %while3A_240, %mul3A_242 : i32
        %get3A = arith.index_cast %mul3A_243 : i32 to index
        %get3A_244 = tpu.vector_load %arg10[%get3A] {strides = array<i32>} : memref<1600xi32, #tpu.memory_space<vmem>>, vector<16xi32>,
        %get3A_245 = arith.index_cast %mul3A_243 : i32 to index
        %get3A_246 = tpu.vector_load %arg11[%get3A_245] {strides = array<i32>} : memref<1600xf32, #tpu.memory_space<vmem>>, vector<16xf32>,
        %get3A_247 = arith.index_cast %mul3A_243 : i32 to index
        %get3A_248 = tpu.vector_load %arg12[%get3A_247] {strides = array<i32>} : memref<1600xf32, #tpu.memory_space<vmem>>, vector<16xf32>,
        %gather3A = tpu.vector_load_idx %arg8[%get3A_244] : memref<50048xf32, #tpu.memory_space<vmem>>[vector<16xi32>], vector<16xf32>,
        %max3A = arith.maximumf %gather3A, %get3A_246 : vector<16xf32>
        tpu.vector_store_idx %arg8[%get3A_244], %max3A : memref<50048xf32, #tpu.memory_space<vmem>>[vector<16xi32>], vector<16xf32>,
        %gather3A_249 = tpu.vector_load_idx %arg9[%get3A_244] : memref<50048xf32, #tpu.memory_space<vmem>>[vector<16xi32>], vector<16xf32>,
        %max3A_250 = arith.maximumf %gather3A_249, %get3A_248 : vector<16xf32>
        tpu.vector_store_idx %arg9[%get3A_244], %max3A_250 : memref<50048xf32, #tpu.memory_space<vmem>>[vector<16xi32>], vector<16xf32>,
        %gather3A_251 = tpu.vector_load_idx %arg8[%get3A_244] : memref<50048xf32, #tpu.memory_space<vmem>>[vector<16xi32>], vector<16xf32>,
        %gather3A_252 = tpu.vector_load_idx %arg9[%get3A_244] : memref<50048xf32, #tpu.memory_space<vmem>>[vector<16xi32>], vector<16xf32>,
        %lt3A = arith.cmpf olt, %gather3A_251, %get3A_246 : vector<16xf32>
        %lt3A_253 = arith.cmpf olt, %gather3A_252, %get3A_248 : vector<16xf32>
        %mul3A_254 = arith.constant 16 : i32
        %mul3A_255 = arith.muli %while3A_241, %mul3A_254 : i32
        %swap3A = arith.index_cast %mul3A_255 : i32 to index
        %swap3A_256 = tpu.vector_load %arg13[%swap3A] {strides = array<i32>} : memref<1600xi32, #tpu.memory_space<vmem>>, vector<16xi32>,
        tpu.vector_store %arg13[%swap3A], %get3A_244 {strides = array<i32>} : memref<1600xi32, #tpu.memory_space<vmem>>, vector<16xi32>,
        %jit3A = arith.constant 0xFF800000 : f32
        %broadcast_in_dim3A = vector.broadcast %jit3A : f32 to vector<16xf32>
        %select_n3A = arith.select %lt3A, %get3A_246, %broadcast_in_dim3A : vector<16xi1>, vector<16xf32>
        %swap3A_257 = arith.index_cast %mul3A_255 : i32 to index
        %swap3A_258 = tpu.vector_load %arg14[%swap3A_257] {strides = array<i32>} : memref<1600xf32, #tpu.memory_space<vmem>>, vector<16xf32>,
        tpu.vector_store %arg14[%swap3A_257], %select_n3A {strides = array<i32>} : memref<1600xf32, #tpu.memory_space<vmem>>, vector<16xf32>,
        %jit3A_259 = arith.constant 0xFF800000 : f32
        %broadcast_in_dim3A_260 = vector.broadcast %jit3A_259 : f32 to vector<16xf32>
        %select_n3A_261 = arith.select %lt3A_253, %get3A_248, %broadcast_in_dim3A_260 : vector<16xi1>, vector<16xf32>
        %swap3A_262 = arith.index_cast %mul3A_255 : i32 to index
        %swap3A_263 = tpu.vector_load %arg15[%swap3A_262] {strides = array<i32>} : memref<1600xf32, #tpu.memory_space<vmem>>, vector<16xf32>,
        tpu.vector_store %arg15[%swap3A_262], %select_n3A_261 {strides = array<i32>} : memref<1600xf32, #tpu.memory_space<vmem>>, vector<16xf32>,
        %or3A = arith.ori %lt3A, %lt3A_253 : vector<16xi1>
        %reduce_or3A = arith.constant 1.000000e+00 : f32
        %reduce_or3A_264 = arith.constant 0.000000e+00 : f32
        %reduce_or3A_265 = vector.broadcast %reduce_or3A : f32 to vector<16xf32>
        %reduce_or3A_266 = vector.broadcast %reduce_or3A_264 : f32 to vector<16xf32>
        %reduce_or3A_267 = arith.select %or3A, %reduce_or3A_265, %reduce_or3A_266 : vector<16xi1>, vector<16xf32>
        %reduce_or3A_268 = arith.constant true
        %reduce_or3A_269 = vector.broadcast %reduce_or3A_268 : i1 to vector<16xi1>
        %reduce_or3A_270 = tpu.scan <max>, %reduce_or3A_267 masked %reduce_or3A_269 : vector<16xf32>, vector<16xi1> -> vector<16xf32>
        %reduce_or3A_271 = vector.extract %reduce_or3A_270[15] : f32 from vector<16xf32>
        %reduce_or3A_272 = arith.constant 0.000000e+00 : f32
        %reduce_or3A_273 = arith.cmpf ogt, %reduce_or3A_271, %reduce_or3A_272 : f32
        %jit3A_274 = arith.constant 1 : i32
        %jit3A_275 = arith.constant 0 : i32
        %select_n3A_276 = arith.select %reduce_or3A_273, %jit3A_274, %jit3A_275 : i32
        %add3A_277 = arith.addi %while3A_241, %select_n3A_276 : i32
        scf.yield %add3A_277 : i32
      }
      %while3A_155 = arith.constant 0 : i32
      %while3A_156 = arith.constant 0 : i32
      %while3A_157 = arith.subi %while3A_154, %while3A_155 : i32
      %while3A_158 = arith.addi %while3A_155, %while3A_157 : i32
      %while3A_159 = arith.constant 1 : i32
      %while3A_160 = arith.divsi %while3A_157, %while3A_159 : i32
      %while3A_161 = arith.muli %while3A_160, %while3A_159 : i32
      %while3A_162 = arith.addi %while3A_155, %while3A_161 : i32
      %while3A_163 = arith.constant 1 : i32
      %while3A_164 = scf.for %while3A_240 = %while3A_155 to %while3A_162 step %while3A_163 iter_args(%while3A_241 = %while3A_156) -> (i32)  : i32 {
        %mul3A_242 = arith.constant 16 : i32
        %mul3A_243 = arith.muli %while3A_240, %mul3A_242 : i32
        %get3A = arith.index_cast %mul3A_243 : i32 to index
        %get3A_244 = tpu.vector_load %arg13[%get3A] {strides = array<i32>} : memref<1600xi32, #tpu.memory_space<vmem>>, vector<16xi32>,
        %get3A_245 = arith.index_cast %mul3A_243 : i32 to index
        %get3A_246 = tpu.vector_load %arg14[%get3A_245] {strides = array<i32>} : memref<1600xf32, #tpu.memory_space<vmem>>, vector<16xf32>,
        %get3A_247 = arith.index_cast %mul3A_243 : i32 to index
        %get3A_248 = tpu.vector_load %arg15[%get3A_247] {strides = array<i32>} : memref<1600xf32, #tpu.memory_space<vmem>>, vector<16xf32>,
        %gather3A = tpu.vector_load_idx %arg8[%get3A_244] : memref<50048xf32, #tpu.memory_space<vmem>>[vector<16xi32>], vector<16xf32>,
        %max3A = arith.maximumf %gather3A, %get3A_246 : vector<16xf32>
        tpu.vector_store_idx %arg8[%get3A_244], %max3A : memref<50048xf32, #tpu.memory_space<vmem>>[vector<16xi32>], vector<16xf32>,
        %gather3A_249 = tpu.vector_load_idx %arg9[%get3A_244] : memref<50048xf32, #tpu.memory_space<vmem>>[vector<16xi32>], vector<16xf32>,
        %max3A_250 = arith.maximumf %gather3A_249, %get3A_248 : vector<16xf32>
        tpu.vector_store_idx %arg9[%get3A_244], %max3A_250 : memref<50048xf32, #tpu.memory_space<vmem>>[vector<16xi32>], vector<16xf32>,
        %gather3A_251 = tpu.vector_load_idx %arg8[%get3A_244] : memref<50048xf32, #tpu.memory_space<vmem>>[vector<16xi32>], vector<16xf32>,
        %gather3A_252 = tpu.vector_load_idx %arg9[%get3A_244] : memref<50048xf32, #tpu.memory_space<vmem>>[vector<16xi32>], vector<16xf32>,
        %lt3A = arith.cmpf olt, %gather3A_251, %get3A_246 : vector<16xf32>
        %lt3A_253 = arith.cmpf olt, %gather3A_252, %get3A_248 : vector<16xf32>
        %mul3A_254 = arith.constant 16 : i32
        %mul3A_255 = arith.muli %while3A_241, %mul3A_254 : i32
        %swap3A = arith.index_cast %mul3A_255 : i32 to index
        %swap3A_256 = tpu.vector_load %arg10[%swap3A] {strides = array<i32>} : memref<1600xi32, #tpu.memory_space<vmem>>, vector<16xi32>,
        tpu.vector_store %arg10[%swap3A], %get3A_244 {strides = array<i32>} : memref<1600xi32, #tpu.memory_space<vmem>>, vector<16xi32>,
        %jit3A = arith.constant 0xFF800000 : f32
        %broadcast_in_dim3A = vector.broadcast %jit3A : f32 to vector<16xf32>
        %select_n3A = arith.select %lt3A, %get3A_246, %broadcast_in_dim3A : vector<16xi1>, vector<16xf32>
        %swap3A_257 = arith.index_cast %mul3A_255 : i32 to index
        %swap3A_258 = tpu.vector_load %arg11[%swap3A_257] {strides = array<i32>} : memref<1600xf32, #tpu.memory_space<vmem>>, vector<16xf32>,
        tpu.vector_store %arg11[%swap3A_257], %select_n3A {strides = array<i32>} : memref<1600xf32, #tpu.memory_space<vmem>>, vector<16xf32>,
        %jit3A_259 = arith.constant 0xFF800000 : f32
        %broadcast_in_dim3A_260 = vector.broadcast %jit3A_259 : f32 to vector<16xf32>
        %select_n3A_261 = arith.select %lt3A_253, %get3A_248, %broadcast_in_dim3A_260 : vector<16xi1>, vector<16xf32>
        %swap3A_262 = arith.index_cast %mul3A_255 : i32 to index
        %swap3A_263 = tpu.vector_load %arg12[%swap3A_262] {strides = array<i32>} : memref<1600xf32, #tpu.memory_space<vmem>>, vector<16xf32>,
        tpu.vector_store %arg12[%swap3A_262], %select_n3A_261 {strides = array<i32>} : memref<1600xf32, #tpu.memory_space<vmem>>, vector<16xf32>,
        %or3A = arith.ori %lt3A, %lt3A_253 : vector<16xi1>
        %reduce_or3A = arith.constant 1.000000e+00 : f32
        %reduce_or3A_264 = arith.constant 0.000000e+00 : f32
        %reduce_or3A_265 = vector.broadcast %reduce_or3A : f32 to vector<16xf32>
        %reduce_or3A_266 = vector.broadcast %reduce_or3A_264 : f32 to vector<16xf32>
        %reduce_or3A_267 = arith.select %or3A, %reduce_or3A_265, %reduce_or3A_266 : vector<16xi1>, vector<16xf32>
        %reduce_or3A_268 = arith.constant true
        %reduce_or3A_269 = vector.broadcast %reduce_or3A_268 : i1 to vector<16xi1>
        %reduce_or3A_270 = tpu.scan <max>, %reduce_or3A_267 masked %reduce_or3A_269 : vector<16xf32>, vector<16xi1> -> vector<16xf32>
        %reduce_or3A_271 = vector.extract %reduce_or3A_270[15] : f32 from vector<16xf32>
        %reduce_or3A_272 = arith.constant 0.000000e+00 : f32
        %reduce_or3A_273 = arith.cmpf ogt, %reduce_or3A_271, %reduce_or3A_272 : f32
        %jit3A_274 = arith.constant 1 : i32
        %jit3A_275 = arith.constant 0 : i32
        %select_n3A_276 = arith.select %reduce_or3A_273, %jit3A_274, %jit3A_275 : i32
        %add3A_277 = arith.addi %while3A_241, %select_n3A_276 : i32
        scf.yield %add3A_277 : i32
      }
      %while3A_165 = arith.constant 1 : i32
      %while3A_166 = scf.for %while3A_240 = %while3A_162 to %while3A_158 step %while3A_165 iter_args(%while3A_241 = %while3A_164) -> (i32)  : i32 {
        %mul3A_242 = arith.constant 16 : i32
        %mul3A_243 = arith.muli %while3A_240, %mul3A_242 : i32
        %get3A = arith.index_cast %mul3A_243 : i32 to index
        %get3A_244 = tpu.vector_load %arg13[%get3A] {strides = array<i32>} : memref<1600xi32, #tpu.memory_space<vmem>>, vector<16xi32>,
        %get3A_245 = arith.index_cast %mul3A_243 : i32 to index
        %get3A_246 = tpu.vector_load %arg14[%get3A_245] {strides = array<i32>} : memref<1600xf32, #tpu.memory_space<vmem>>, vector<16xf32>,
        %get3A_247 = arith.index_cast %mul3A_243 : i32 to index
        %get3A_248 = tpu.vector_load %arg15[%get3A_247] {strides = array<i32>} : memref<1600xf32, #tpu.memory_space<vmem>>, vector<16xf32>,
        %gather3A = tpu.vector_load_idx %arg8[%get3A_244] : memref<50048xf32, #tpu.memory_space<vmem>>[vector<16xi32>], vector<16xf32>,
        %max3A = arith.maximumf %gather3A, %get3A_246 : vector<16xf32>
        tpu.vector_store_idx %arg8[%get3A_244], %max3A : memref<50048xf32, #tpu.memory_space<vmem>>[vector<16xi32>], vector<16xf32>,
        %gather3A_249 = tpu.vector_load_idx %arg9[%get3A_244] : memref<50048xf32, #tpu.memory_space<vmem>>[vector<16xi32>], vector<16xf32>,
        %max3A_250 = arith.maximumf %gather3A_249, %get3A_248 : vector<16xf32>
        tpu.vector_store_idx %arg9[%get3A_244], %max3A_250 : memref<50048xf32, #tpu.memory_space<vmem>>[vector<16xi32>], vector<16xf32>,
        %gather3A_251 = tpu.vector_load_idx %arg8[%get3A_244] : memref<50048xf32, #tpu.memory_space<vmem>>[vector<16xi32>], vector<16xf32>,
        %gather3A_252 = tpu.vector_load_idx %arg9[%get3A_244] : memref<50048xf32, #tpu.memory_space<vmem>>[vector<16xi32>], vector<16xf32>,
        %lt3A = arith.cmpf olt, %gather3A_251, %get3A_246 : vector<16xf32>
        %lt3A_253 = arith.cmpf olt, %gather3A_252, %get3A_248 : vector<16xf32>
        %mul3A_254 = arith.constant 16 : i32
        %mul3A_255 = arith.muli %while3A_241, %mul3A_254 : i32
        %swap3A = arith.index_cast %mul3A_255 : i32 to index
        %swap3A_256 = tpu.vector_load %arg10[%swap3A] {strides = array<i32>} : memref<1600xi32, #tpu.memory_space<vmem>>, vector<16xi32>,
        tpu.vector_store %arg10[%swap3A], %get3A_244 {strides = array<i32>} : memref<1600xi32, #tpu.memory_space<vmem>>, vector<16xi32>,
        %jit3A = arith.constant 0xFF800000 : f32
        %broadcast_in_dim3A = vector.broadcast %jit3A : f32 to vector<16xf32>
        %select_n3A = arith.select %lt3A, %get3A_246, %broadcast_in_dim3A : vector<16xi1>, vector<16xf32>
        %swap3A_257 = arith.index_cast %mul3A_255 : i32 to index
        %swap3A_258 = tpu.vector_load %arg11[%swap3A_257] {strides = array<i32>} : memref<1600xf32, #tpu.memory_space<vmem>>, vector<16xf32>,
        tpu.vector_store %arg11[%swap3A_257], %select_n3A {strides = array<i32>} : memref<1600xf32, #tpu.memory_space<vmem>>, vector<16xf32>,
        %jit3A_259 = arith.constant 0xFF800000 : f32
        %broadcast_in_dim3A_260 = vector.broadcast %jit3A_259 : f32 to vector<16xf32>
        %select_n3A_261 = arith.select %lt3A_253, %get3A_248, %broadcast_in_dim3A_260 : vector<16xi1>, vector<16xf32>
        %swap3A_262 = arith.index_cast %mul3A_255 : i32 to index
        %swap3A_263 = tpu.vector_load %arg12[%swap3A_262] {strides = array<i32>} : memref<1600xf32, #tpu.memory_space<vmem>>, vector<16xf32>,
        tpu.vector_store %arg12[%swap3A_262], %select_n3A_261 {strides = array<i32>} : memref<1600xf32, #tpu.memory_space<vmem>>, vector<16xf32>,
        %or3A = arith.ori %lt3A, %lt3A_253 : vector<16xi1>
        %reduce_or3A = arith.constant 1.000000e+00 : f32
        %reduce_or3A_264 = arith.constant 0.000000e+00 : f32
        %reduce_or3A_265 = vector.broadcast %reduce_or3A : f32 to vector<16xf32>
        %reduce_or3A_266 = vector.broadcast %reduce_or3A_264 : f32 to vector<16xf32>
        %reduce_or3A_267 = arith.select %or3A, %reduce_or3A_265, %reduce_or3A_266 : vector<16xi1>, vector<16xf32>
        %reduce_or3A_268 = arith.constant true
        %reduce_or3A_269 = vector.broadcast %reduce_or3A_268 : i1 to vector<16xi1>
        %reduce_or3A_270 = tpu.scan <max>, %reduce_or3A_267 masked %reduce_or3A_269 : vector<16xf32>, vector<16xi1> -> vector<16xf32>
        %reduce_or3A_271 = vector.extract %reduce_or3A_270[15] : f32 from vector<16xf32>
        %reduce_or3A_272 = arith.constant 0.000000e+00 : f32
        %reduce_or3A_273 = arith.cmpf ogt, %reduce_or3A_271, %reduce_or3A_272 : f32
        %jit3A_274 = arith.constant 1 : i32
        %jit3A_275 = arith.constant 0 : i32
        %select_n3A_276 = arith.select %reduce_or3A_273, %jit3A_274, %jit3A_275 : i32
        %add3A_277 = arith.addi %while3A_241, %select_n3A_276 : i32
        scf.yield %add3A_277 : i32
      }
      %while3A_167 = arith.constant 0 : i32
      %while3A_168 = arith.constant 0 : i32
      %while3A_169 = arith.subi %while3A_166, %while3A_167 : i32
      %while3A_170 = arith.addi %while3A_167, %while3A_169 : i32
      %while3A_171 = arith.constant 1 : i32
      %while3A_172 = arith.divsi %while3A_169, %while3A_171 : i32
      %while3A_173 = arith.muli %while3A_172, %while3A_171 : i32
      %while3A_174 = arith.addi %while3A_167, %while3A_173 : i32
      %while3A_175 = arith.constant 1 : i32
      %while3A_176 = scf.for %while3A_240 = %while3A_167 to %while3A_174 step %while3A_175 iter_args(%while3A_241 = %while3A_168) -> (i32)  : i32 {
        %mul3A_242 = arith.constant 16 : i32
        %mul3A_243 = arith.muli %while3A_240, %mul3A_242 : i32
        %get3A = arith.index_cast %mul3A_243 : i32 to index
        %get3A_244 = tpu.vector_load %arg10[%get3A] {strides = array<i32>} : memref<1600xi32, #tpu.memory_space<vmem>>, vector<16xi32>,
        %get3A_245 = arith.index_cast %mul3A_243 : i32 to index
        %get3A_246 = tpu.vector_load %arg11[%get3A_245] {strides = array<i32>} : memref<1600xf32, #tpu.memory_space<vmem>>, vector<16xf32>,
        %get3A_247 = arith.index_cast %mul3A_243 : i32 to index
        %get3A_248 = tpu.vector_load %arg12[%get3A_247] {strides = array<i32>} : memref<1600xf32, #tpu.memory_space<vmem>>, vector<16xf32>,
        %gather3A = tpu.vector_load_idx %arg8[%get3A_244] : memref<50048xf32, #tpu.memory_space<vmem>>[vector<16xi32>], vector<16xf32>,
        %max3A = arith.maximumf %gather3A, %get3A_246 : vector<16xf32>
        tpu.vector_store_idx %arg8[%get3A_244], %max3A : memref<50048xf32, #tpu.memory_space<vmem>>[vector<16xi32>], vector<16xf32>,
        %gather3A_249 = tpu.vector_load_idx %arg9[%get3A_244] : memref<50048xf32, #tpu.memory_space<vmem>>[vector<16xi32>], vector<16xf32>,
        %max3A_250 = arith.maximumf %gather3A_249, %get3A_248 : vector<16xf32>
        tpu.vector_store_idx %arg9[%get3A_244], %max3A_250 : memref<50048xf32, #tpu.memory_space<vmem>>[vector<16xi32>], vector<16xf32>,
        %gather3A_251 = tpu.vector_load_idx %arg8[%get3A_244] : memref<50048xf32, #tpu.memory_space<vmem>>[vector<16xi32>], vector<16xf32>,
        %gather3A_252 = tpu.vector_load_idx %arg9[%get3A_244] : memref<50048xf32, #tpu.memory_space<vmem>>[vector<16xi32>], vector<16xf32>,
        %lt3A = arith.cmpf olt, %gather3A_251, %get3A_246 : vector<16xf32>
        %lt3A_253 = arith.cmpf olt, %gather3A_252, %get3A_248 : vector<16xf32>
        %mul3A_254 = arith.constant 16 : i32
        %mul3A_255 = arith.muli %while3A_241, %mul3A_254 : i32
        %swap3A = arith.index_cast %mul3A_255 : i32 to index
        %swap3A_256 = tpu.vector_load %arg13[%swap3A] {strides = array<i32>} : memref<1600xi32, #tpu.memory_space<vmem>>, vector<16xi32>,
        tpu.vector_store %arg13[%swap3A], %get3A_244 {strides = array<i32>} : memref<1600xi32, #tpu.memory_space<vmem>>, vector<16xi32>,
        %jit3A = arith.constant 0xFF800000 : f32
        %broadcast_in_dim3A = vector.broadcast %jit3A : f32 to vector<16xf32>
        %select_n3A = arith.select %lt3A, %get3A_246, %broadcast_in_dim3A : vector<16xi1>, vector<16xf32>
        %swap3A_257 = arith.index_cast %mul3A_255 : i32 to index
        %swap3A_258 = tpu.vector_load %arg14[%swap3A_257] {strides = array<i32>} : memref<1600xf32, #tpu.memory_space<vmem>>, vector<16xf32>,
        tpu.vector_store %arg14[%swap3A_257], %select_n3A {strides = array<i32>} : memref<1600xf32, #tpu.memory_space<vmem>>, vector<16xf32>,
        %jit3A_259 = arith.constant 0xFF800000 : f32
        %broadcast_in_dim3A_260 = vector.broadcast %jit3A_259 : f32 to vector<16xf32>
        %select_n3A_261 = arith.select %lt3A_253, %get3A_248, %broadcast_in_dim3A_260 : vector<16xi1>, vector<16xf32>
        %swap3A_262 = arith.index_cast %mul3A_255 : i32 to index
        %swap3A_263 = tpu.vector_load %arg15[%swap3A_262] {strides = array<i32>} : memref<1600xf32, #tpu.memory_space<vmem>>, vector<16xf32>,
        tpu.vector_store %arg15[%swap3A_262], %select_n3A_261 {strides = array<i32>} : memref<1600xf32, #tpu.memory_space<vmem>>, vector<16xf32>,
        %or3A = arith.ori %lt3A, %lt3A_253 : vector<16xi1>
        %reduce_or3A = arith.constant 1.000000e+00 : f32
        %reduce_or3A_264 = arith.constant 0.000000e+00 : f32
        %reduce_or3A_265 = vector.broadcast %reduce_or3A : f32 to vector<16xf32>
        %reduce_or3A_266 = vector.broadcast %reduce_or3A_264 : f32 to vector<16xf32>
        %reduce_or3A_267 = arith.select %or3A, %reduce_or3A_265, %reduce_or3A_266 : vector<16xi1>, vector<16xf32>
        %reduce_or3A_268 = arith.constant true
        %reduce_or3A_269 = vector.broadcast %reduce_or3A_268 : i1 to vector<16xi1>
        %reduce_or3A_270 = tpu.scan <max>, %reduce_or3A_267 masked %reduce_or3A_269 : vector<16xf32>, vector<16xi1> -> vector<16xf32>
        %reduce_or3A_271 = vector.extract %reduce_or3A_270[15] : f32 from vector<16xf32>
        %reduce_or3A_272 = arith.constant 0.000000e+00 : f32
        %reduce_or3A_273 = arith.cmpf ogt, %reduce_or3A_271, %reduce_or3A_272 : f32
        %jit3A_274 = arith.constant 1 : i32
        %jit3A_275 = arith.constant 0 : i32
        %select_n3A_276 = arith.select %reduce_or3A_273, %jit3A_274, %jit3A_275 : i32
        %add3A_277 = arith.addi %while3A_241, %select_n3A_276 : i32
        scf.yield %add3A_277 : i32
      }
      %while3A_177 = arith.constant 1 : i32
      %while3A_178 = scf.for %while3A_240 = %while3A_174 to %while3A_170 step %while3A_177 iter_args(%while3A_241 = %while3A_176) -> (i32)  : i32 {
        %mul3A_242 = arith.constant 16 : i32
        %mul3A_243 = arith.muli %while3A_240, %mul3A_242 : i32
        %get3A = arith.index_cast %mul3A_243 : i32 to index
        %get3A_244 = tpu.vector_load %arg10[%get3A] {strides = array<i32>} : memref<1600xi32, #tpu.memory_space<vmem>>, vector<16xi32>,
        %get3A_245 = arith.index_cast %mul3A_243 : i32 to index
        %get3A_246 = tpu.vector_load %arg11[%get3A_245] {strides = array<i32>} : memref<1600xf32, #tpu.memory_space<vmem>>, vector<16xf32>,
        %get3A_247 = arith.index_cast %mul3A_243 : i32 to index
        %get3A_248 = tpu.vector_load %arg12[%get3A_247] {strides = array<i32>} : memref<1600xf32, #tpu.memory_space<vmem>>, vector<16xf32>,
        %gather3A = tpu.vector_load_idx %arg8[%get3A_244] : memref<50048xf32, #tpu.memory_space<vmem>>[vector<16xi32>], vector<16xf32>,
        %max3A = arith.maximumf %gather3A, %get3A_246 : vector<16xf32>
        tpu.vector_store_idx %arg8[%get3A_244], %max3A : memref<50048xf32, #tpu.memory_space<vmem>>[vector<16xi32>], vector<16xf32>,
        %gather3A_249 = tpu.vector_load_idx %arg9[%get3A_244] : memref<50048xf32, #tpu.memory_space<vmem>>[vector<16xi32>], vector<16xf32>,
        %max3A_250 = arith.maximumf %gather3A_249, %get3A_248 : vector<16xf32>
        tpu.vector_store_idx %arg9[%get3A_244], %max3A_250 : memref<50048xf32, #tpu.memory_space<vmem>>[vector<16xi32>], vector<16xf32>,
        %gather3A_251 = tpu.vector_load_idx %arg8[%get3A_244] : memref<50048xf32, #tpu.memory_space<vmem>>[vector<16xi32>], vector<16xf32>,
        %gather3A_252 = tpu.vector_load_idx %arg9[%get3A_244] : memref<50048xf32, #tpu.memory_space<vmem>>[vector<16xi32>], vector<16xf32>,
        %lt3A = arith.cmpf olt, %gather3A_251, %get3A_246 : vector<16xf32>
        %lt3A_253 = arith.cmpf olt, %gather3A_252, %get3A_248 : vector<16xf32>
        %mul3A_254 = arith.constant 16 : i32
        %mul3A_255 = arith.muli %while3A_241, %mul3A_254 : i32
        %swap3A = arith.index_cast %mul3A_255 : i32 to index
        %swap3A_256 = tpu.vector_load %arg13[%swap3A] {strides = array<i32>} : memref<1600xi32, #tpu.memory_space<vmem>>, vector<16xi32>,
        tpu.vector_store %arg13[%swap3A], %get3A_244 {strides = array<i32>} : memref<1600xi32, #tpu.memory_space<vmem>>, vector<16xi32>,
        %jit3A = arith.constant 0xFF800000 : f32
        %broadcast_in_dim3A = vector.broadcast %jit3A : f32 to vector<16xf32>
        %select_n3A = arith.select %lt3A, %get3A_246, %broadcast_in_dim3A : vector<16xi1>, vector<16xf32>
        %swap3A_257 = arith.index_cast %mul3A_255 : i32 to index
        %swap3A_258 = tpu.vector_load %arg14[%swap3A_257] {strides = array<i32>} : memref<1600xf32, #tpu.memory_space<vmem>>, vector<16xf32>,
        tpu.vector_store %arg14[%swap3A_257], %select_n3A {strides = array<i32>} : memref<1600xf32, #tpu.memory_space<vmem>>, vector<16xf32>,
        %jit3A_259 = arith.constant 0xFF800000 : f32
        %broadcast_in_dim3A_260 = vector.broadcast %jit3A_259 : f32 to vector<16xf32>
        %select_n3A_261 = arith.select %lt3A_253, %get3A_248, %broadcast_in_dim3A_260 : vector<16xi1>, vector<16xf32>
        %swap3A_262 = arith.index_cast %mul3A_255 : i32 to index
        %swap3A_263 = tpu.vector_load %arg15[%swap3A_262] {strides = array<i32>} : memref<1600xf32, #tpu.memory_space<vmem>>, vector<16xf32>,
        tpu.vector_store %arg15[%swap3A_262], %select_n3A_261 {strides = array<i32>} : memref<1600xf32, #tpu.memory_space<vmem>>, vector<16xf32>,
        %or3A = arith.ori %lt3A, %lt3A_253 : vector<16xi1>
        %reduce_or3A = arith.constant 1.000000e+00 : f32
        %reduce_or3A_264 = arith.constant 0.000000e+00 : f32
        %reduce_or3A_265 = vector.broadcast %reduce_or3A : f32 to vector<16xf32>
        %reduce_or3A_266 = vector.broadcast %reduce_or3A_264 : f32 to vector<16xf32>
        %reduce_or3A_267 = arith.select %or3A, %reduce_or3A_265, %reduce_or3A_266 : vector<16xi1>, vector<16xf32>
        %reduce_or3A_268 = arith.constant true
        %reduce_or3A_269 = vector.broadcast %reduce_or3A_268 : i1 to vector<16xi1>
        %reduce_or3A_270 = tpu.scan <max>, %reduce_or3A_267 masked %reduce_or3A_269 : vector<16xf32>, vector<16xi1> -> vector<16xf32>
        %reduce_or3A_271 = vector.extract %reduce_or3A_270[15] : f32 from vector<16xf32>
        %reduce_or3A_272 = arith.constant 0.000000e+00 : f32
        %reduce_or3A_273 = arith.cmpf ogt, %reduce_or3A_271, %reduce_or3A_272 : f32
        %jit3A_274 = arith.constant 1 : i32
        %jit3A_275 = arith.constant 0 : i32
        %select_n3A_276 = arith.select %reduce_or3A_273, %jit3A_274, %jit3A_275 : i32
        %add3A_277 = arith.addi %while3A_241, %select_n3A_276 : i32
        scf.yield %add3A_277 : i32
      }
      %while3A_179 = arith.constant 0 : i32
      %while3A_180 = arith.constant 0 : i32
      %while3A_181 = arith.subi %while3A_178, %while3A_179 : i32
      %while3A_182 = arith.addi %while3A_179, %while3A_181 : i32
      %while3A_183 = arith.constant 1 : i32
      %while3A_184 = arith.divsi %while3A_181, %while3A_183 : i32
      %while3A_185 = arith.muli %while3A_184, %while3A_183 : i32
      %while3A_186 = arith.addi %while3A_179, %while3A_185 : i32
      %while3A_187 = arith.constant 1 : i32
      %while3A_188 = scf.for %while3A_240 = %while3A_179 to %while3A_186 step %while3A_187 iter_args(%while3A_241 = %while3A_180) -> (i32)  : i32 {
        %mul3A_242 = arith.constant 16 : i32
        %mul3A_243 = arith.muli %while3A_240, %mul3A_242 : i32
        %get3A = arith.index_cast %mul3A_243 : i32 to index
        %get3A_244 = tpu.vector_load %arg13[%get3A] {strides = array<i32>} : memref<1600xi32, #tpu.memory_space<vmem>>, vector<16xi32>,
        %get3A_245 = arith.index_cast %mul3A_243 : i32 to index
        %get3A_246 = tpu.vector_load %arg14[%get3A_245] {strides = array<i32>} : memref<1600xf32, #tpu.memory_space<vmem>>, vector<16xf32>,
        %get3A_247 = arith.index_cast %mul3A_243 : i32 to index
        %get3A_248 = tpu.vector_load %arg15[%get3A_247] {strides = array<i32>} : memref<1600xf32, #tpu.memory_space<vmem>>, vector<16xf32>,
        %gather3A = tpu.vector_load_idx %arg8[%get3A_244] : memref<50048xf32, #tpu.memory_space<vmem>>[vector<16xi32>], vector<16xf32>,
        %max3A = arith.maximumf %gather3A, %get3A_246 : vector<16xf32>
        tpu.vector_store_idx %arg8[%get3A_244], %max3A : memref<50048xf32, #tpu.memory_space<vmem>>[vector<16xi32>], vector<16xf32>,
        %gather3A_249 = tpu.vector_load_idx %arg9[%get3A_244] : memref<50048xf32, #tpu.memory_space<vmem>>[vector<16xi32>], vector<16xf32>,
        %max3A_250 = arith.maximumf %gather3A_249, %get3A_248 : vector<16xf32>
        tpu.vector_store_idx %arg9[%get3A_244], %max3A_250 : memref<50048xf32, #tpu.memory_space<vmem>>[vector<16xi32>], vector<16xf32>,
        %gather3A_251 = tpu.vector_load_idx %arg8[%get3A_244] : memref<50048xf32, #tpu.memory_space<vmem>>[vector<16xi32>], vector<16xf32>,
        %gather3A_252 = tpu.vector_load_idx %arg9[%get3A_244] : memref<50048xf32, #tpu.memory_space<vmem>>[vector<16xi32>], vector<16xf32>,
        %lt3A = arith.cmpf olt, %gather3A_251, %get3A_246 : vector<16xf32>
        %lt3A_253 = arith.cmpf olt, %gather3A_252, %get3A_248 : vector<16xf32>
        %mul3A_254 = arith.constant 16 : i32
        %mul3A_255 = arith.muli %while3A_241, %mul3A_254 : i32
        %swap3A = arith.index_cast %mul3A_255 : i32 to index
        %swap3A_256 = tpu.vector_load %arg10[%swap3A] {strides = array<i32>} : memref<1600xi32, #tpu.memory_space<vmem>>, vector<16xi32>,
        tpu.vector_store %arg10[%swap3A], %get3A_244 {strides = array<i32>} : memref<1600xi32, #tpu.memory_space<vmem>>, vector<16xi32>,
        %jit3A = arith.constant 0xFF800000 : f32
        %broadcast_in_dim3A = vector.broadcast %jit3A : f32 to vector<16xf32>
        %select_n3A = arith.select %lt3A, %get3A_246, %broadcast_in_dim3A : vector<16xi1>, vector<16xf32>
        %swap3A_257 = arith.index_cast %mul3A_255 : i32 to index
        %swap3A_258 = tpu.vector_load %arg11[%swap3A_257] {strides = array<i32>} : memref<1600xf32, #tpu.memory_space<vmem>>, vector<16xf32>,
        tpu.vector_store %arg11[%swap3A_257], %select_n3A {strides = array<i32>} : memref<1600xf32, #tpu.memory_space<vmem>>, vector<16xf32>,
        %jit3A_259 = arith.constant 0xFF800000 : f32
        %broadcast_in_dim3A_260 = vector.broadcast %jit3A_259 : f32 to vector<16xf32>
        %select_n3A_261 = arith.select %lt3A_253, %get3A_248, %broadcast_in_dim3A_260 : vector<16xi1>, vector<16xf32>
        %swap3A_262 = arith.index_cast %mul3A_255 : i32 to index
        %swap3A_263 = tpu.vector_load %arg12[%swap3A_262] {strides = array<i32>} : memref<1600xf32, #tpu.memory_space<vmem>>, vector<16xf32>,
        tpu.vector_store %arg12[%swap3A_262], %select_n3A_261 {strides = array<i32>} : memref<1600xf32, #tpu.memory_space<vmem>>, vector<16xf32>,
        %or3A = arith.ori %lt3A, %lt3A_253 : vector<16xi1>
        %reduce_or3A = arith.constant 1.000000e+00 : f32
        %reduce_or3A_264 = arith.constant 0.000000e+00 : f32
        %reduce_or3A_265 = vector.broadcast %reduce_or3A : f32 to vector<16xf32>
        %reduce_or3A_266 = vector.broadcast %reduce_or3A_264 : f32 to vector<16xf32>
        %reduce_or3A_267 = arith.select %or3A, %reduce_or3A_265, %reduce_or3A_266 : vector<16xi1>, vector<16xf32>
        %reduce_or3A_268 = arith.constant true
        %reduce_or3A_269 = vector.broadcast %reduce_or3A_268 : i1 to vector<16xi1>
        %reduce_or3A_270 = tpu.scan <max>, %reduce_or3A_267 masked %reduce_or3A_269 : vector<16xf32>, vector<16xi1> -> vector<16xf32>
        %reduce_or3A_271 = vector.extract %reduce_or3A_270[15] : f32 from vector<16xf32>
        %reduce_or3A_272 = arith.constant 0.000000e+00 : f32
        %reduce_or3A_273 = arith.cmpf ogt, %reduce_or3A_271, %reduce_or3A_272 : f32
        %jit3A_274 = arith.constant 1 : i32
        %jit3A_275 = arith.constant 0 : i32
        %select_n3A_276 = arith.select %reduce_or3A_273, %jit3A_274, %jit3A_275 : i32
        %add3A_277 = arith.addi %while3A_241, %select_n3A_276 : i32
        scf.yield %add3A_277 : i32
      }
      %while3A_189 = arith.constant 1 : i32
      %while3A_190 = scf.for %while3A_240 = %while3A_186 to %while3A_182 step %while3A_189 iter_args(%while3A_241 = %while3A_188) -> (i32)  : i32 {
        %mul3A_242 = arith.constant 16 : i32
        %mul3A_243 = arith.muli %while3A_240, %mul3A_242 : i32
        %get3A = arith.index_cast %mul3A_243 : i32 to index
        %get3A_244 = tpu.vector_load %arg13[%get3A] {strides = array<i32>} : memref<1600xi32, #tpu.memory_space<vmem>>, vector<16xi32>,
        %get3A_245 = arith.index_cast %mul3A_243 : i32 to index
        %get3A_246 = tpu.vector_load %arg14[%get3A_245] {strides = array<i32>} : memref<1600xf32, #tpu.memory_space<vmem>>, vector<16xf32>,
        %get3A_247 = arith.index_cast %mul3A_243 : i32 to index
        %get3A_248 = tpu.vector_load %arg15[%get3A_247] {strides = array<i32>} : memref<1600xf32, #tpu.memory_space<vmem>>, vector<16xf32>,
        %gather3A = tpu.vector_load_idx %arg8[%get3A_244] : memref<50048xf32, #tpu.memory_space<vmem>>[vector<16xi32>], vector<16xf32>,
        %max3A = arith.maximumf %gather3A, %get3A_246 : vector<16xf32>
        tpu.vector_store_idx %arg8[%get3A_244], %max3A : memref<50048xf32, #tpu.memory_space<vmem>>[vector<16xi32>], vector<16xf32>,
        %gather3A_249 = tpu.vector_load_idx %arg9[%get3A_244] : memref<50048xf32, #tpu.memory_space<vmem>>[vector<16xi32>], vector<16xf32>,
        %max3A_250 = arith.maximumf %gather3A_249, %get3A_248 : vector<16xf32>
        tpu.vector_store_idx %arg9[%get3A_244], %max3A_250 : memref<50048xf32, #tpu.memory_space<vmem>>[vector<16xi32>], vector<16xf32>,
        %gather3A_251 = tpu.vector_load_idx %arg8[%get3A_244] : memref<50048xf32, #tpu.memory_space<vmem>>[vector<16xi32>], vector<16xf32>,
        %gather3A_252 = tpu.vector_load_idx %arg9[%get3A_244] : memref<50048xf32, #tpu.memory_space<vmem>>[vector<16xi32>], vector<16xf32>,
        %lt3A = arith.cmpf olt, %gather3A_251, %get3A_246 : vector<16xf32>
        %lt3A_253 = arith.cmpf olt, %gather3A_252, %get3A_248 : vector<16xf32>
        %mul3A_254 = arith.constant 16 : i32
        %mul3A_255 = arith.muli %while3A_241, %mul3A_254 : i32
        %swap3A = arith.index_cast %mul3A_255 : i32 to index
        %swap3A_256 = tpu.vector_load %arg10[%swap3A] {strides = array<i32>} : memref<1600xi32, #tpu.memory_space<vmem>>, vector<16xi32>,
        tpu.vector_store %arg10[%swap3A], %get3A_244 {strides = array<i32>} : memref<1600xi32, #tpu.memory_space<vmem>>, vector<16xi32>,
        %jit3A = arith.constant 0xFF800000 : f32
        %broadcast_in_dim3A = vector.broadcast %jit3A : f32 to vector<16xf32>
        %select_n3A = arith.select %lt3A, %get3A_246, %broadcast_in_dim3A : vector<16xi1>, vector<16xf32>
        %swap3A_257 = arith.index_cast %mul3A_255 : i32 to index
        %swap3A_258 = tpu.vector_load %arg11[%swap3A_257] {strides = array<i32>} : memref<1600xf32, #tpu.memory_space<vmem>>, vector<16xf32>,
        tpu.vector_store %arg11[%swap3A_257], %select_n3A {strides = array<i32>} : memref<1600xf32, #tpu.memory_space<vmem>>, vector<16xf32>,
        %jit3A_259 = arith.constant 0xFF800000 : f32
        %broadcast_in_dim3A_260 = vector.broadcast %jit3A_259 : f32 to vector<16xf32>
        %select_n3A_261 = arith.select %lt3A_253, %get3A_248, %broadcast_in_dim3A_260 : vector<16xi1>, vector<16xf32>
        %swap3A_262 = arith.index_cast %mul3A_255 : i32 to index
        %swap3A_263 = tpu.vector_load %arg12[%swap3A_262] {strides = array<i32>} : memref<1600xf32, #tpu.memory_space<vmem>>, vector<16xf32>,
        tpu.vector_store %arg12[%swap3A_262], %select_n3A_261 {strides = array<i32>} : memref<1600xf32, #tpu.memory_space<vmem>>, vector<16xf32>,
        %or3A = arith.ori %lt3A, %lt3A_253 : vector<16xi1>
        %reduce_or3A = arith.constant 1.000000e+00 : f32
        %reduce_or3A_264 = arith.constant 0.000000e+00 : f32
        %reduce_or3A_265 = vector.broadcast %reduce_or3A : f32 to vector<16xf32>
        %reduce_or3A_266 = vector.broadcast %reduce_or3A_264 : f32 to vector<16xf32>
        %reduce_or3A_267 = arith.select %or3A, %reduce_or3A_265, %reduce_or3A_266 : vector<16xi1>, vector<16xf32>
        %reduce_or3A_268 = arith.constant true
        %reduce_or3A_269 = vector.broadcast %reduce_or3A_268 : i1 to vector<16xi1>
        %reduce_or3A_270 = tpu.scan <max>, %reduce_or3A_267 masked %reduce_or3A_269 : vector<16xf32>, vector<16xi1> -> vector<16xf32>
        %reduce_or3A_271 = vector.extract %reduce_or3A_270[15] : f32 from vector<16xf32>
        %reduce_or3A_272 = arith.constant 0.000000e+00 : f32
        %reduce_or3A_273 = arith.cmpf ogt, %reduce_or3A_271, %reduce_or3A_272 : f32
        %jit3A_274 = arith.constant 1 : i32
        %jit3A_275 = arith.constant 0 : i32
        %select_n3A_276 = arith.select %reduce_or3A_273, %jit3A_274, %jit3A_275 : i32
        %add3A_277 = arith.addi %while3A_241, %select_n3A_276 : i32
        scf.yield %add3A_277 : i32
      }
      %while3A_191 = arith.constant 0 : i32
      %while3A_192 = arith.constant 0 : i32
      %while3A_193 = arith.subi %while3A_190, %while3A_191 : i32
      %while3A_194 = arith.addi %while3A_191, %while3A_193 : i32
      %while3A_195 = arith.constant 1 : i32
      %while3A_196 = arith.divsi %while3A_193, %while3A_195 : i32
      %while3A_197 = arith.muli %while3A_196, %while3A_195 : i32
      %while3A_198 = arith.addi %while3A_191, %while3A_197 : i32
      %while3A_199 = arith.constant 1 : i32
      %while3A_200 = scf.for %while3A_240 = %while3A_191 to %while3A_198 step %while3A_199 iter_args(%while3A_241 = %while3A_192) -> (i32)  : i32 {
        %mul3A_242 = arith.constant 16 : i32
        %mul3A_243 = arith.muli %while3A_240, %mul3A_242 : i32
        %get3A = arith.index_cast %mul3A_243 : i32 to index
        %get3A_244 = tpu.vector_load %arg10[%get3A] {strides = array<i32>} : memref<1600xi32, #tpu.memory_space<vmem>>, vector<16xi32>,
        %get3A_245 = arith.index_cast %mul3A_243 : i32 to index
        %get3A_246 = tpu.vector_load %arg11[%get3A_245] {strides = array<i32>} : memref<1600xf32, #tpu.memory_space<vmem>>, vector<16xf32>,
        %get3A_247 = arith.index_cast %mul3A_243 : i32 to index
        %get3A_248 = tpu.vector_load %arg12[%get3A_247] {strides = array<i32>} : memref<1600xf32, #tpu.memory_space<vmem>>, vector<16xf32>,
        %gather3A = tpu.vector_load_idx %arg8[%get3A_244] : memref<50048xf32, #tpu.memory_space<vmem>>[vector<16xi32>], vector<16xf32>,
        %max3A = arith.maximumf %gather3A, %get3A_246 : vector<16xf32>
        tpu.vector_store_idx %arg8[%get3A_244], %max3A : memref<50048xf32, #tpu.memory_space<vmem>>[vector<16xi32>], vector<16xf32>,
        %gather3A_249 = tpu.vector_load_idx %arg9[%get3A_244] : memref<50048xf32, #tpu.memory_space<vmem>>[vector<16xi32>], vector<16xf32>,
        %max3A_250 = arith.maximumf %gather3A_249, %get3A_248 : vector<16xf32>
        tpu.vector_store_idx %arg9[%get3A_244], %max3A_250 : memref<50048xf32, #tpu.memory_space<vmem>>[vector<16xi32>], vector<16xf32>,
        %gather3A_251 = tpu.vector_load_idx %arg8[%get3A_244] : memref<50048xf32, #tpu.memory_space<vmem>>[vector<16xi32>], vector<16xf32>,
        %gather3A_252 = tpu.vector_load_idx %arg9[%get3A_244] : memref<50048xf32, #tpu.memory_space<vmem>>[vector<16xi32>], vector<16xf32>,
        %lt3A = arith.cmpf olt, %gather3A_251, %get3A_246 : vector<16xf32>
        %lt3A_253 = arith.cmpf olt, %gather3A_252, %get3A_248 : vector<16xf32>
        %mul3A_254 = arith.constant 16 : i32
        %mul3A_255 = arith.muli %while3A_241, %mul3A_254 : i32
        %swap3A = arith.index_cast %mul3A_255 : i32 to index
        %swap3A_256 = tpu.vector_load %arg13[%swap3A] {strides = array<i32>} : memref<1600xi32, #tpu.memory_space<vmem>>, vector<16xi32>,
        tpu.vector_store %arg13[%swap3A], %get3A_244 {strides = array<i32>} : memref<1600xi32, #tpu.memory_space<vmem>>, vector<16xi32>,
        %jit3A = arith.constant 0xFF800000 : f32
        %broadcast_in_dim3A = vector.broadcast %jit3A : f32 to vector<16xf32>
        %select_n3A = arith.select %lt3A, %get3A_246, %broadcast_in_dim3A : vector<16xi1>, vector<16xf32>
        %swap3A_257 = arith.index_cast %mul3A_255 : i32 to index
        %swap3A_258 = tpu.vector_load %arg14[%swap3A_257] {strides = array<i32>} : memref<1600xf32, #tpu.memory_space<vmem>>, vector<16xf32>,
        tpu.vector_store %arg14[%swap3A_257], %select_n3A {strides = array<i32>} : memref<1600xf32, #tpu.memory_space<vmem>>, vector<16xf32>,
        %jit3A_259 = arith.constant 0xFF800000 : f32
        %broadcast_in_dim3A_260 = vector.broadcast %jit3A_259 : f32 to vector<16xf32>
        %select_n3A_261 = arith.select %lt3A_253, %get3A_248, %broadcast_in_dim3A_260 : vector<16xi1>, vector<16xf32>
        %swap3A_262 = arith.index_cast %mul3A_255 : i32 to index
        %swap3A_263 = tpu.vector_load %arg15[%swap3A_262] {strides = array<i32>} : memref<1600xf32, #tpu.memory_space<vmem>>, vector<16xf32>,
        tpu.vector_store %arg15[%swap3A_262], %select_n3A_261 {strides = array<i32>} : memref<1600xf32, #tpu.memory_space<vmem>>, vector<16xf32>,
        %or3A = arith.ori %lt3A, %lt3A_253 : vector<16xi1>
        %reduce_or3A = arith.constant 1.000000e+00 : f32
        %reduce_or3A_264 = arith.constant 0.000000e+00 : f32
        %reduce_or3A_265 = vector.broadcast %reduce_or3A : f32 to vector<16xf32>
        %reduce_or3A_266 = vector.broadcast %reduce_or3A_264 : f32 to vector<16xf32>
        %reduce_or3A_267 = arith.select %or3A, %reduce_or3A_265, %reduce_or3A_266 : vector<16xi1>, vector<16xf32>
        %reduce_or3A_268 = arith.constant true
        %reduce_or3A_269 = vector.broadcast %reduce_or3A_268 : i1 to vector<16xi1>
        %reduce_or3A_270 = tpu.scan <max>, %reduce_or3A_267 masked %reduce_or3A_269 : vector<16xf32>, vector<16xi1> -> vector<16xf32>
        %reduce_or3A_271 = vector.extract %reduce_or3A_270[15] : f32 from vector<16xf32>
        %reduce_or3A_272 = arith.constant 0.000000e+00 : f32
        %reduce_or3A_273 = arith.cmpf ogt, %reduce_or3A_271, %reduce_or3A_272 : f32
        %jit3A_274 = arith.constant 1 : i32
        %jit3A_275 = arith.constant 0 : i32
        %select_n3A_276 = arith.select %reduce_or3A_273, %jit3A_274, %jit3A_275 : i32
        %add3A_277 = arith.addi %while3A_241, %select_n3A_276 : i32
        scf.yield %add3A_277 : i32
      }
      %while3A_201 = arith.constant 1 : i32
      %while3A_202 = scf.for %while3A_240 = %while3A_198 to %while3A_194 step %while3A_201 iter_args(%while3A_241 = %while3A_200) -> (i32)  : i32 {
        %mul3A_242 = arith.constant 16 : i32
        %mul3A_243 = arith.muli %while3A_240, %mul3A_242 : i32
        %get3A = arith.index_cast %mul3A_243 : i32 to index
        %get3A_244 = tpu.vector_load %arg10[%get3A] {strides = array<i32>} : memref<1600xi32, #tpu.memory_space<vmem>>, vector<16xi32>,
        %get3A_245 = arith.index_cast %mul3A_243 : i32 to index
        %get3A_246 = tpu.vector_load %arg11[%get3A_245] {strides = array<i32>} : memref<1600xf32, #tpu.memory_space<vmem>>, vector<16xf32>,
        %get3A_247 = arith.index_cast %mul3A_243 : i32 to index
        %get3A_248 = tpu.vector_load %arg12[%get3A_247] {strides = array<i32>} : memref<1600xf32, #tpu.memory_space<vmem>>, vector<16xf32>,
        %gather3A = tpu.vector_load_idx %arg8[%get3A_244] : memref<50048xf32, #tpu.memory_space<vmem>>[vector<16xi32>], vector<16xf32>,
        %max3A = arith.maximumf %gather3A, %get3A_246 : vector<16xf32>
        tpu.vector_store_idx %arg8[%get3A_244], %max3A : memref<50048xf32, #tpu.memory_space<vmem>>[vector<16xi32>], vector<16xf32>,
        %gather3A_249 = tpu.vector_load_idx %arg9[%get3A_244] : memref<50048xf32, #tpu.memory_space<vmem>>[vector<16xi32>], vector<16xf32>,
        %max3A_250 = arith.maximumf %gather3A_249, %get3A_248 : vector<16xf32>
        tpu.vector_store_idx %arg9[%get3A_244], %max3A_250 : memref<50048xf32, #tpu.memory_space<vmem>>[vector<16xi32>], vector<16xf32>,
        %gather3A_251 = tpu.vector_load_idx %arg8[%get3A_244] : memref<50048xf32, #tpu.memory_space<vmem>>[vector<16xi32>], vector<16xf32>,
        %gather3A_252 = tpu.vector_load_idx %arg9[%get3A_244] : memref<50048xf32, #tpu.memory_space<vmem>>[vector<16xi32>], vector<16xf32>,
        %lt3A = arith.cmpf olt, %gather3A_251, %get3A_246 : vector<16xf32>
        %lt3A_253 = arith.cmpf olt, %gather3A_252, %get3A_248 : vector<16xf32>
        %mul3A_254 = arith.constant 16 : i32
        %mul3A_255 = arith.muli %while3A_241, %mul3A_254 : i32
        %swap3A = arith.index_cast %mul3A_255 : i32 to index
        %swap3A_256 = tpu.vector_load %arg13[%swap3A] {strides = array<i32>} : memref<1600xi32, #tpu.memory_space<vmem>>, vector<16xi32>,
        tpu.vector_store %arg13[%swap3A], %get3A_244 {strides = array<i32>} : memref<1600xi32, #tpu.memory_space<vmem>>, vector<16xi32>,
        %jit3A = arith.constant 0xFF800000 : f32
        %broadcast_in_dim3A = vector.broadcast %jit3A : f32 to vector<16xf32>
        %select_n3A = arith.select %lt3A, %get3A_246, %broadcast_in_dim3A : vector<16xi1>, vector<16xf32>
        %swap3A_257 = arith.index_cast %mul3A_255 : i32 to index
        %swap3A_258 = tpu.vector_load %arg14[%swap3A_257] {strides = array<i32>} : memref<1600xf32, #tpu.memory_space<vmem>>, vector<16xf32>,
        tpu.vector_store %arg14[%swap3A_257], %select_n3A {strides = array<i32>} : memref<1600xf32, #tpu.memory_space<vmem>>, vector<16xf32>,
        %jit3A_259 = arith.constant 0xFF800000 : f32
        %broadcast_in_dim3A_260 = vector.broadcast %jit3A_259 : f32 to vector<16xf32>
        %select_n3A_261 = arith.select %lt3A_253, %get3A_248, %broadcast_in_dim3A_260 : vector<16xi1>, vector<16xf32>
        %swap3A_262 = arith.index_cast %mul3A_255 : i32 to index
        %swap3A_263 = tpu.vector_load %arg15[%swap3A_262] {strides = array<i32>} : memref<1600xf32, #tpu.memory_space<vmem>>, vector<16xf32>,
        tpu.vector_store %arg15[%swap3A_262], %select_n3A_261 {strides = array<i32>} : memref<1600xf32, #tpu.memory_space<vmem>>, vector<16xf32>,
        %or3A = arith.ori %lt3A, %lt3A_253 : vector<16xi1>
        %reduce_or3A = arith.constant 1.000000e+00 : f32
        %reduce_or3A_264 = arith.constant 0.000000e+00 : f32
        %reduce_or3A_265 = vector.broadcast %reduce_or3A : f32 to vector<16xf32>
        %reduce_or3A_266 = vector.broadcast %reduce_or3A_264 : f32 to vector<16xf32>
        %reduce_or3A_267 = arith.select %or3A, %reduce_or3A_265, %reduce_or3A_266 : vector<16xi1>, vector<16xf32>
        %reduce_or3A_268 = arith.constant true
        %reduce_or3A_269 = vector.broadcast %reduce_or3A_268 : i1 to vector<16xi1>
        %reduce_or3A_270 = tpu.scan <max>, %reduce_or3A_267 masked %reduce_or3A_269 : vector<16xf32>, vector<16xi1> -> vector<16xf32>
        %reduce_or3A_271 = vector.extract %reduce_or3A_270[15] : f32 from vector<16xf32>
        %reduce_or3A_272 = arith.constant 0.000000e+00 : f32
        %reduce_or3A_273 = arith.cmpf ogt, %reduce_or3A_271, %reduce_or3A_272 : f32
        %jit3A_274 = arith.constant 1 : i32
        %jit3A_275 = arith.constant 0 : i32
        %select_n3A_276 = arith.select %reduce_or3A_273, %jit3A_274, %jit3A_275 : i32
        %add3A_277 = arith.addi %while3A_241, %select_n3A_276 : i32
        scf.yield %add3A_277 : i32
      }
      %while3A_203 = arith.constant 0 : i32
      %while3A_204 = arith.constant 0 : i32
      %while3A_205 = arith.subi %while3A_202, %while3A_203 : i32
      %while3A_206 = arith.addi %while3A_203, %while3A_205 : i32
      %while3A_207 = arith.constant 1 : i32
      %while3A_208 = arith.divsi %while3A_205, %while3A_207 : i32
      %while3A_209 = arith.muli %while3A_208, %while3A_207 : i32
      %while3A_210 = arith.addi %while3A_203, %while3A_209 : i32
      %while3A_211 = arith.constant 1 : i32
      %while3A_212 = scf.for %while3A_240 = %while3A_203 to %while3A_210 step %while3A_211 iter_args(%while3A_241 = %while3A_204) -> (i32)  : i32 {
        %mul3A_242 = arith.constant 16 : i32
        %mul3A_243 = arith.muli %while3A_240, %mul3A_242 : i32
        %get3A = arith.index_cast %mul3A_243 : i32 to index
        %get3A_244 = tpu.vector_load %arg13[%get3A] {strides = array<i32>} : memref<1600xi32, #tpu.memory_space<vmem>>, vector<16xi32>,
        %get3A_245 = arith.index_cast %mul3A_243 : i32 to index
        %get3A_246 = tpu.vector_load %arg14[%get3A_245] {strides = array<i32>} : memref<1600xf32, #tpu.memory_space<vmem>>, vector<16xf32>,
        %get3A_247 = arith.index_cast %mul3A_243 : i32 to index
        %get3A_248 = tpu.vector_load %arg15[%get3A_247] {strides = array<i32>} : memref<1600xf32, #tpu.memory_space<vmem>>, vector<16xf32>,
        %gather3A = tpu.vector_load_idx %arg8[%get3A_244] : memref<50048xf32, #tpu.memory_space<vmem>>[vector<16xi32>], vector<16xf32>,
        %max3A = arith.maximumf %gather3A, %get3A_246 : vector<16xf32>
        tpu.vector_store_idx %arg8[%get3A_244], %max3A : memref<50048xf32, #tpu.memory_space<vmem>>[vector<16xi32>], vector<16xf32>,
        %gather3A_249 = tpu.vector_load_idx %arg9[%get3A_244] : memref<50048xf32, #tpu.memory_space<vmem>>[vector<16xi32>], vector<16xf32>,
        %max3A_250 = arith.maximumf %gather3A_249, %get3A_248 : vector<16xf32>
        tpu.vector_store_idx %arg9[%get3A_244], %max3A_250 : memref<50048xf32, #tpu.memory_space<vmem>>[vector<16xi32>], vector<16xf32>,
        %gather3A_251 = tpu.vector_load_idx %arg8[%get3A_244] : memref<50048xf32, #tpu.memory_space<vmem>>[vector<16xi32>], vector<16xf32>,
        %gather3A_252 = tpu.vector_load_idx %arg9[%get3A_244] : memref<50048xf32, #tpu.memory_space<vmem>>[vector<16xi32>], vector<16xf32>,
        %lt3A = arith.cmpf olt, %gather3A_251, %get3A_246 : vector<16xf32>
        %lt3A_253 = arith.cmpf olt, %gather3A_252, %get3A_248 : vector<16xf32>
        %mul3A_254 = arith.constant 16 : i32
        %mul3A_255 = arith.muli %while3A_241, %mul3A_254 : i32
        %swap3A = arith.index_cast %mul3A_255 : i32 to index
        %swap3A_256 = tpu.vector_load %arg10[%swap3A] {strides = array<i32>} : memref<1600xi32, #tpu.memory_space<vmem>>, vector<16xi32>,
        tpu.vector_store %arg10[%swap3A], %get3A_244 {strides = array<i32>} : memref<1600xi32, #tpu.memory_space<vmem>>, vector<16xi32>,
        %jit3A = arith.constant 0xFF800000 : f32
        %broadcast_in_dim3A = vector.broadcast %jit3A : f32 to vector<16xf32>
        %select_n3A = arith.select %lt3A, %get3A_246, %broadcast_in_dim3A : vector<16xi1>, vector<16xf32>
        %swap3A_257 = arith.index_cast %mul3A_255 : i32 to index
        %swap3A_258 = tpu.vector_load %arg11[%swap3A_257] {strides = array<i32>} : memref<1600xf32, #tpu.memory_space<vmem>>, vector<16xf32>,
        tpu.vector_store %arg11[%swap3A_257], %select_n3A {strides = array<i32>} : memref<1600xf32, #tpu.memory_space<vmem>>, vector<16xf32>,
        %jit3A_259 = arith.constant 0xFF800000 : f32
        %broadcast_in_dim3A_260 = vector.broadcast %jit3A_259 : f32 to vector<16xf32>
        %select_n3A_261 = arith.select %lt3A_253, %get3A_248, %broadcast_in_dim3A_260 : vector<16xi1>, vector<16xf32>
        %swap3A_262 = arith.index_cast %mul3A_255 : i32 to index
        %swap3A_263 = tpu.vector_load %arg12[%swap3A_262] {strides = array<i32>} : memref<1600xf32, #tpu.memory_space<vmem>>, vector<16xf32>,
        tpu.vector_store %arg12[%swap3A_262], %select_n3A_261 {strides = array<i32>} : memref<1600xf32, #tpu.memory_space<vmem>>, vector<16xf32>,
        %or3A = arith.ori %lt3A, %lt3A_253 : vector<16xi1>
        %reduce_or3A = arith.constant 1.000000e+00 : f32
        %reduce_or3A_264 = arith.constant 0.000000e+00 : f32
        %reduce_or3A_265 = vector.broadcast %reduce_or3A : f32 to vector<16xf32>
        %reduce_or3A_266 = vector.broadcast %reduce_or3A_264 : f32 to vector<16xf32>
        %reduce_or3A_267 = arith.select %or3A, %reduce_or3A_265, %reduce_or3A_266 : vector<16xi1>, vector<16xf32>
        %reduce_or3A_268 = arith.constant true
        %reduce_or3A_269 = vector.broadcast %reduce_or3A_268 : i1 to vector<16xi1>
        %reduce_or3A_270 = tpu.scan <max>, %reduce_or3A_267 masked %reduce_or3A_269 : vector<16xf32>, vector<16xi1> -> vector<16xf32>
        %reduce_or3A_271 = vector.extract %reduce_or3A_270[15] : f32 from vector<16xf32>
        %reduce_or3A_272 = arith.constant 0.000000e+00 : f32
        %reduce_or3A_273 = arith.cmpf ogt, %reduce_or3A_271, %reduce_or3A_272 : f32
        %jit3A_274 = arith.constant 1 : i32
        %jit3A_275 = arith.constant 0 : i32
        %select_n3A_276 = arith.select %reduce_or3A_273, %jit3A_274, %jit3A_275 : i32
        %add3A_277 = arith.addi %while3A_241, %select_n3A_276 : i32
        scf.yield %add3A_277 : i32
      }
      %while3A_213 = arith.constant 1 : i32
      %while3A_214 = scf.for %while3A_240 = %while3A_210 to %while3A_206 step %while3A_213 iter_args(%while3A_241 = %while3A_212) -> (i32)  : i32 {
        %mul3A_242 = arith.constant 16 : i32
        %mul3A_243 = arith.muli %while3A_240, %mul3A_242 : i32
        %get3A = arith.index_cast %mul3A_243 : i32 to index
        %get3A_244 = tpu.vector_load %arg13[%get3A] {strides = array<i32>} : memref<1600xi32, #tpu.memory_space<vmem>>, vector<16xi32>,
        %get3A_245 = arith.index_cast %mul3A_243 : i32 to index
        %get3A_246 = tpu.vector_load %arg14[%get3A_245] {strides = array<i32>} : memref<1600xf32, #tpu.memory_space<vmem>>, vector<16xf32>,
        %get3A_247 = arith.index_cast %mul3A_243 : i32 to index
        %get3A_248 = tpu.vector_load %arg15[%get3A_247] {strides = array<i32>} : memref<1600xf32, #tpu.memory_space<vmem>>, vector<16xf32>,
        %gather3A = tpu.vector_load_idx %arg8[%get3A_244] : memref<50048xf32, #tpu.memory_space<vmem>>[vector<16xi32>], vector<16xf32>,
        %max3A = arith.maximumf %gather3A, %get3A_246 : vector<16xf32>
        tpu.vector_store_idx %arg8[%get3A_244], %max3A : memref<50048xf32, #tpu.memory_space<vmem>>[vector<16xi32>], vector<16xf32>,
        %gather3A_249 = tpu.vector_load_idx %arg9[%get3A_244] : memref<50048xf32, #tpu.memory_space<vmem>>[vector<16xi32>], vector<16xf32>,
        %max3A_250 = arith.maximumf %gather3A_249, %get3A_248 : vector<16xf32>
        tpu.vector_store_idx %arg9[%get3A_244], %max3A_250 : memref<50048xf32, #tpu.memory_space<vmem>>[vector<16xi32>], vector<16xf32>,
        %gather3A_251 = tpu.vector_load_idx %arg8[%get3A_244] : memref<50048xf32, #tpu.memory_space<vmem>>[vector<16xi32>], vector<16xf32>,
        %gather3A_252 = tpu.vector_load_idx %arg9[%get3A_244] : memref<50048xf32, #tpu.memory_space<vmem>>[vector<16xi32>], vector<16xf32>,
        %lt3A = arith.cmpf olt, %gather3A_251, %get3A_246 : vector<16xf32>
        %lt3A_253 = arith.cmpf olt, %gather3A_252, %get3A_248 : vector<16xf32>
        %mul3A_254 = arith.constant 16 : i32
        %mul3A_255 = arith.muli %while3A_241, %mul3A_254 : i32
        %swap3A = arith.index_cast %mul3A_255 : i32 to index
        %swap3A_256 = tpu.vector_load %arg10[%swap3A] {strides = array<i32>} : memref<1600xi32, #tpu.memory_space<vmem>>, vector<16xi32>,
        tpu.vector_store %arg10[%swap3A], %get3A_244 {strides = array<i32>} : memref<1600xi32, #tpu.memory_space<vmem>>, vector<16xi32>,
        %jit3A = arith.constant 0xFF800000 : f32
        %broadcast_in_dim3A = vector.broadcast %jit3A : f32 to vector<16xf32>
        %select_n3A = arith.select %lt3A, %get3A_246, %broadcast_in_dim3A : vector<16xi1>, vector<16xf32>
        %swap3A_257 = arith.index_cast %mul3A_255 : i32 to index
        %swap3A_258 = tpu.vector_load %arg11[%swap3A_257] {strides = array<i32>} : memref<1600xf32, #tpu.memory_space<vmem>>, vector<16xf32>,
        tpu.vector_store %arg11[%swap3A_257], %select_n3A {strides = array<i32>} : memref<1600xf32, #tpu.memory_space<vmem>>, vector<16xf32>,
        %jit3A_259 = arith.constant 0xFF800000 : f32
        %broadcast_in_dim3A_260 = vector.broadcast %jit3A_259 : f32 to vector<16xf32>
        %select_n3A_261 = arith.select %lt3A_253, %get3A_248, %broadcast_in_dim3A_260 : vector<16xi1>, vector<16xf32>
        %swap3A_262 = arith.index_cast %mul3A_255 : i32 to index
        %swap3A_263 = tpu.vector_load %arg12[%swap3A_262] {strides = array<i32>} : memref<1600xf32, #tpu.memory_space<vmem>>, vector<16xf32>,
        tpu.vector_store %arg12[%swap3A_262], %select_n3A_261 {strides = array<i32>} : memref<1600xf32, #tpu.memory_space<vmem>>, vector<16xf32>,
        %or3A = arith.ori %lt3A, %lt3A_253 : vector<16xi1>
        %reduce_or3A = arith.constant 1.000000e+00 : f32
        %reduce_or3A_264 = arith.constant 0.000000e+00 : f32
        %reduce_or3A_265 = vector.broadcast %reduce_or3A : f32 to vector<16xf32>
        %reduce_or3A_266 = vector.broadcast %reduce_or3A_264 : f32 to vector<16xf32>
        %reduce_or3A_267 = arith.select %or3A, %reduce_or3A_265, %reduce_or3A_266 : vector<16xi1>, vector<16xf32>
        %reduce_or3A_268 = arith.constant true
        %reduce_or3A_269 = vector.broadcast %reduce_or3A_268 : i1 to vector<16xi1>
        %reduce_or3A_270 = tpu.scan <max>, %reduce_or3A_267 masked %reduce_or3A_269 : vector<16xf32>, vector<16xi1> -> vector<16xf32>
        %reduce_or3A_271 = vector.extract %reduce_or3A_270[15] : f32 from vector<16xf32>
        %reduce_or3A_272 = arith.constant 0.000000e+00 : f32
        %reduce_or3A_273 = arith.cmpf ogt, %reduce_or3A_271, %reduce_or3A_272 : f32
        %jit3A_274 = arith.constant 1 : i32
        %jit3A_275 = arith.constant 0 : i32
        %select_n3A_276 = arith.select %reduce_or3A_273, %jit3A_274, %jit3A_275 : i32
        %add3A_277 = arith.addi %while3A_241, %select_n3A_276 : i32
        scf.yield %add3A_277 : i32
      }
      %while3A_215 = arith.constant 0 : i32
      %while3A_216 = arith.constant 0 : i32
      %while3A_217 = arith.subi %while3A_214, %while3A_215 : i32
      %while3A_218 = arith.addi %while3A_215, %while3A_217 : i32
      %while3A_219 = arith.constant 1 : i32
      %while3A_220 = arith.divsi %while3A_217, %while3A_219 : i32
      %while3A_221 = arith.muli %while3A_220, %while3A_219 : i32
      %while3A_222 = arith.addi %while3A_215, %while3A_221 : i32
      %while3A_223 = arith.constant 1 : i32
      %while3A_224 = scf.for %while3A_240 = %while3A_215 to %while3A_222 step %while3A_223 iter_args(%while3A_241 = %while3A_216) -> (i32)  : i32 {
        %mul3A_242 = arith.constant 16 : i32
        %mul3A_243 = arith.muli %while3A_240, %mul3A_242 : i32
        %get3A = arith.index_cast %mul3A_243 : i32 to index
        %get3A_244 = tpu.vector_load %arg10[%get3A] {strides = array<i32>} : memref<1600xi32, #tpu.memory_space<vmem>>, vector<16xi32>,
        %get3A_245 = arith.index_cast %mul3A_243 : i32 to index
        %get3A_246 = tpu.vector_load %arg11[%get3A_245] {strides = array<i32>} : memref<1600xf32, #tpu.memory_space<vmem>>, vector<16xf32>,
        %get3A_247 = arith.index_cast %mul3A_243 : i32 to index
        %get3A_248 = tpu.vector_load %arg12[%get3A_247] {strides = array<i32>} : memref<1600xf32, #tpu.memory_space<vmem>>, vector<16xf32>,
        %gather3A = tpu.vector_load_idx %arg8[%get3A_244] : memref<50048xf32, #tpu.memory_space<vmem>>[vector<16xi32>], vector<16xf32>,
        %max3A = arith.maximumf %gather3A, %get3A_246 : vector<16xf32>
        tpu.vector_store_idx %arg8[%get3A_244], %max3A : memref<50048xf32, #tpu.memory_space<vmem>>[vector<16xi32>], vector<16xf32>,
        %gather3A_249 = tpu.vector_load_idx %arg9[%get3A_244] : memref<50048xf32, #tpu.memory_space<vmem>>[vector<16xi32>], vector<16xf32>,
        %max3A_250 = arith.maximumf %gather3A_249, %get3A_248 : vector<16xf32>
        tpu.vector_store_idx %arg9[%get3A_244], %max3A_250 : memref<50048xf32, #tpu.memory_space<vmem>>[vector<16xi32>], vector<16xf32>,
        %gather3A_251 = tpu.vector_load_idx %arg8[%get3A_244] : memref<50048xf32, #tpu.memory_space<vmem>>[vector<16xi32>], vector<16xf32>,
        %gather3A_252 = tpu.vector_load_idx %arg9[%get3A_244] : memref<50048xf32, #tpu.memory_space<vmem>>[vector<16xi32>], vector<16xf32>,
        %lt3A = arith.cmpf olt, %gather3A_251, %get3A_246 : vector<16xf32>
        %lt3A_253 = arith.cmpf olt, %gather3A_252, %get3A_248 : vector<16xf32>
        %mul3A_254 = arith.constant 16 : i32
        %mul3A_255 = arith.muli %while3A_241, %mul3A_254 : i32
        %swap3A = arith.index_cast %mul3A_255 : i32 to index
        %swap3A_256 = tpu.vector_load %arg13[%swap3A] {strides = array<i32>} : memref<1600xi32, #tpu.memory_space<vmem>>, vector<16xi32>,
        tpu.vector_store %arg13[%swap3A], %get3A_244 {strides = array<i32>} : memref<1600xi32, #tpu.memory_space<vmem>>, vector<16xi32>,
        %jit3A = arith.constant 0xFF800000 : f32
        %broadcast_in_dim3A = vector.broadcast %jit3A : f32 to vector<16xf32>
        %select_n3A = arith.select %lt3A, %get3A_246, %broadcast_in_dim3A : vector<16xi1>, vector<16xf32>
        %swap3A_257 = arith.index_cast %mul3A_255 : i32 to index
        %swap3A_258 = tpu.vector_load %arg14[%swap3A_257] {strides = array<i32>} : memref<1600xf32, #tpu.memory_space<vmem>>, vector<16xf32>,
        tpu.vector_store %arg14[%swap3A_257], %select_n3A {strides = array<i32>} : memref<1600xf32, #tpu.memory_space<vmem>>, vector<16xf32>,
        %jit3A_259 = arith.constant 0xFF800000 : f32
        %broadcast_in_dim3A_260 = vector.broadcast %jit3A_259 : f32 to vector<16xf32>
        %select_n3A_261 = arith.select %lt3A_253, %get3A_248, %broadcast_in_dim3A_260 : vector<16xi1>, vector<16xf32>
        %swap3A_262 = arith.index_cast %mul3A_255 : i32 to index
        %swap3A_263 = tpu.vector_load %arg15[%swap3A_262] {strides = array<i32>} : memref<1600xf32, #tpu.memory_space<vmem>>, vector<16xf32>,
        tpu.vector_store %arg15[%swap3A_262], %select_n3A_261 {strides = array<i32>} : memref<1600xf32, #tpu.memory_space<vmem>>, vector<16xf32>,
        %or3A = arith.ori %lt3A, %lt3A_253 : vector<16xi1>
        %reduce_or3A = arith.constant 1.000000e+00 : f32
        %reduce_or3A_264 = arith.constant 0.000000e+00 : f32
        %reduce_or3A_265 = vector.broadcast %reduce_or3A : f32 to vector<16xf32>
        %reduce_or3A_266 = vector.broadcast %reduce_or3A_264 : f32 to vector<16xf32>
        %reduce_or3A_267 = arith.select %or3A, %reduce_or3A_265, %reduce_or3A_266 : vector<16xi1>, vector<16xf32>
        %reduce_or3A_268 = arith.constant true
        %reduce_or3A_269 = vector.broadcast %reduce_or3A_268 : i1 to vector<16xi1>
        %reduce_or3A_270 = tpu.scan <max>, %reduce_or3A_267 masked %reduce_or3A_269 : vector<16xf32>, vector<16xi1> -> vector<16xf32>
        %reduce_or3A_271 = vector.extract %reduce_or3A_270[15] : f32 from vector<16xf32>
        %reduce_or3A_272 = arith.constant 0.000000e+00 : f32
        %reduce_or3A_273 = arith.cmpf ogt, %reduce_or3A_271, %reduce_or3A_272 : f32
        %jit3A_274 = arith.constant 1 : i32
        %jit3A_275 = arith.constant 0 : i32
        %select_n3A_276 = arith.select %reduce_or3A_273, %jit3A_274, %jit3A_275 : i32
        %add3A_277 = arith.addi %while3A_241, %select_n3A_276 : i32
        scf.yield %add3A_277 : i32
      }
      %while3A_225 = arith.constant 1 : i32
      %while3A_226 = scf.for %while3A_240 = %while3A_222 to %while3A_218 step %while3A_225 iter_args(%while3A_241 = %while3A_224) -> (i32)  : i32 {
        %mul3A_242 = arith.constant 16 : i32
        %mul3A_243 = arith.muli %while3A_240, %mul3A_242 : i32
        %get3A = arith.index_cast %mul3A_243 : i32 to index
        %get3A_244 = tpu.vector_load %arg10[%get3A] {strides = array<i32>} : memref<1600xi32, #tpu.memory_space<vmem>>, vector<16xi32>,
        %get3A_245 = arith.index_cast %mul3A_243 : i32 to index
        %get3A_246 = tpu.vector_load %arg11[%get3A_245] {strides = array<i32>} : memref<1600xf32, #tpu.memory_space<vmem>>, vector<16xf32>,
        %get3A_247 = arith.index_cast %mul3A_243 : i32 to index
        %get3A_248 = tpu.vector_load %arg12[%get3A_247] {strides = array<i32>} : memref<1600xf32, #tpu.memory_space<vmem>>, vector<16xf32>,
        %gather3A = tpu.vector_load_idx %arg8[%get3A_244] : memref<50048xf32, #tpu.memory_space<vmem>>[vector<16xi32>], vector<16xf32>,
        %max3A = arith.maximumf %gather3A, %get3A_246 : vector<16xf32>
        tpu.vector_store_idx %arg8[%get3A_244], %max3A : memref<50048xf32, #tpu.memory_space<vmem>>[vector<16xi32>], vector<16xf32>,
        %gather3A_249 = tpu.vector_load_idx %arg9[%get3A_244] : memref<50048xf32, #tpu.memory_space<vmem>>[vector<16xi32>], vector<16xf32>,
        %max3A_250 = arith.maximumf %gather3A_249, %get3A_248 : vector<16xf32>
        tpu.vector_store_idx %arg9[%get3A_244], %max3A_250 : memref<50048xf32, #tpu.memory_space<vmem>>[vector<16xi32>], vector<16xf32>,
        %gather3A_251 = tpu.vector_load_idx %arg8[%get3A_244] : memref<50048xf32, #tpu.memory_space<vmem>>[vector<16xi32>], vector<16xf32>,
        %gather3A_252 = tpu.vector_load_idx %arg9[%get3A_244] : memref<50048xf32, #tpu.memory_space<vmem>>[vector<16xi32>], vector<16xf32>,
        %lt3A = arith.cmpf olt, %gather3A_251, %get3A_246 : vector<16xf32>
        %lt3A_253 = arith.cmpf olt, %gather3A_252, %get3A_248 : vector<16xf32>
        %mul3A_254 = arith.constant 16 : i32
        %mul3A_255 = arith.muli %while3A_241, %mul3A_254 : i32
        %swap3A = arith.index_cast %mul3A_255 : i32 to index
        %swap3A_256 = tpu.vector_load %arg13[%swap3A] {strides = array<i32>} : memref<1600xi32, #tpu.memory_space<vmem>>, vector<16xi32>,
        tpu.vector_store %arg13[%swap3A], %get3A_244 {strides = array<i32>} : memref<1600xi32, #tpu.memory_space<vmem>>, vector<16xi32>,
        %jit3A = arith.constant 0xFF800000 : f32
        %broadcast_in_dim3A = vector.broadcast %jit3A : f32 to vector<16xf32>
        %select_n3A = arith.select %lt3A, %get3A_246, %broadcast_in_dim3A : vector<16xi1>, vector<16xf32>
        %swap3A_257 = arith.index_cast %mul3A_255 : i32 to index
        %swap3A_258 = tpu.vector_load %arg14[%swap3A_257] {strides = array<i32>} : memref<1600xf32, #tpu.memory_space<vmem>>, vector<16xf32>,
        tpu.vector_store %arg14[%swap3A_257], %select_n3A {strides = array<i32>} : memref<1600xf32, #tpu.memory_space<vmem>>, vector<16xf32>,
        %jit3A_259 = arith.constant 0xFF800000 : f32
        %broadcast_in_dim3A_260 = vector.broadcast %jit3A_259 : f32 to vector<16xf32>
        %select_n3A_261 = arith.select %lt3A_253, %get3A_248, %broadcast_in_dim3A_260 : vector<16xi1>, vector<16xf32>
        %swap3A_262 = arith.index_cast %mul3A_255 : i32 to index
        %swap3A_263 = tpu.vector_load %arg15[%swap3A_262] {strides = array<i32>} : memref<1600xf32, #tpu.memory_space<vmem>>, vector<16xf32>,
        tpu.vector_store %arg15[%swap3A_262], %select_n3A_261 {strides = array<i32>} : memref<1600xf32, #tpu.memory_space<vmem>>, vector<16xf32>,
        %or3A = arith.ori %lt3A, %lt3A_253 : vector<16xi1>
        %reduce_or3A = arith.constant 1.000000e+00 : f32
        %reduce_or3A_264 = arith.constant 0.000000e+00 : f32
        %reduce_or3A_265 = vector.broadcast %reduce_or3A : f32 to vector<16xf32>
        %reduce_or3A_266 = vector.broadcast %reduce_or3A_264 : f32 to vector<16xf32>
        %reduce_or3A_267 = arith.select %or3A, %reduce_or3A_265, %reduce_or3A_266 : vector<16xi1>, vector<16xf32>
        %reduce_or3A_268 = arith.constant true
        %reduce_or3A_269 = vector.broadcast %reduce_or3A_268 : i1 to vector<16xi1>
        %reduce_or3A_270 = tpu.scan <max>, %reduce_or3A_267 masked %reduce_or3A_269 : vector<16xf32>, vector<16xi1> -> vector<16xf32>
        %reduce_or3A_271 = vector.extract %reduce_or3A_270[15] : f32 from vector<16xf32>
        %reduce_or3A_272 = arith.constant 0.000000e+00 : f32
        %reduce_or3A_273 = arith.cmpf ogt, %reduce_or3A_271, %reduce_or3A_272 : f32
        %jit3A_274 = arith.constant 1 : i32
        %jit3A_275 = arith.constant 0 : i32
        %select_n3A_276 = arith.select %reduce_or3A_273, %jit3A_274, %jit3A_275 : i32
        %add3A_277 = arith.addi %while3A_241, %select_n3A_276 : i32
        scf.yield %add3A_277 : i32
      }
      %while3A_227 = arith.constant 0 : i32
      %while3A_228 = arith.constant 0 : i32
      %while3A_229 = arith.subi %while3A_226, %while3A_227 : i32
      %while3A_230 = arith.addi %while3A_227, %while3A_229 : i32
      %while3A_231 = arith.constant 1 : i32
      %while3A_232 = arith.divsi %while3A_229, %while3A_231 : i32
      %while3A_233 = arith.muli %while3A_232, %while3A_231 : i32
      %while3A_234 = arith.addi %while3A_227, %while3A_233 : i32
      %while3A_235 = arith.constant 1 : i32
      %while3A_236 = scf.for %while3A_240 = %while3A_227 to %while3A_234 step %while3A_235 iter_args(%while3A_241 = %while3A_228) -> (i32)  : i32 {
        %mul3A_242 = arith.constant 16 : i32
        %mul3A_243 = arith.muli %while3A_240, %mul3A_242 : i32
        %get3A = arith.index_cast %mul3A_243 : i32 to index
        %get3A_244 = tpu.vector_load %arg13[%get3A] {strides = array<i32>} : memref<1600xi32, #tpu.memory_space<vmem>>, vector<16xi32>,
        %get3A_245 = arith.index_cast %mul3A_243 : i32 to index
        %get3A_246 = tpu.vector_load %arg14[%get3A_245] {strides = array<i32>} : memref<1600xf32, #tpu.memory_space<vmem>>, vector<16xf32>,
        %get3A_247 = arith.index_cast %mul3A_243 : i32 to index
        %get3A_248 = tpu.vector_load %arg15[%get3A_247] {strides = array<i32>} : memref<1600xf32, #tpu.memory_space<vmem>>, vector<16xf32>,
        %gather3A = tpu.vector_load_idx %arg8[%get3A_244] : memref<50048xf32, #tpu.memory_space<vmem>>[vector<16xi32>], vector<16xf32>,
        %max3A = arith.maximumf %gather3A, %get3A_246 : vector<16xf32>
        tpu.vector_store_idx %arg8[%get3A_244], %max3A : memref<50048xf32, #tpu.memory_space<vmem>>[vector<16xi32>], vector<16xf32>,
        %gather3A_249 = tpu.vector_load_idx %arg9[%get3A_244] : memref<50048xf32, #tpu.memory_space<vmem>>[vector<16xi32>], vector<16xf32>,
        %max3A_250 = arith.maximumf %gather3A_249, %get3A_248 : vector<16xf32>
        tpu.vector_store_idx %arg9[%get3A_244], %max3A_250 : memref<50048xf32, #tpu.memory_space<vmem>>[vector<16xi32>], vector<16xf32>,
        %gather3A_251 = tpu.vector_load_idx %arg8[%get3A_244] : memref<50048xf32, #tpu.memory_space<vmem>>[vector<16xi32>], vector<16xf32>,
        %gather3A_252 = tpu.vector_load_idx %arg9[%get3A_244] : memref<50048xf32, #tpu.memory_space<vmem>>[vector<16xi32>], vector<16xf32>,
        %lt3A = arith.cmpf olt, %gather3A_251, %get3A_246 : vector<16xf32>
        %lt3A_253 = arith.cmpf olt, %gather3A_252, %get3A_248 : vector<16xf32>
        %mul3A_254 = arith.constant 16 : i32
        %mul3A_255 = arith.muli %while3A_241, %mul3A_254 : i32
        %swap3A = arith.index_cast %mul3A_255 : i32 to index
        %swap3A_256 = tpu.vector_load %arg10[%swap3A] {strides = array<i32>} : memref<1600xi32, #tpu.memory_space<vmem>>, vector<16xi32>,
        tpu.vector_store %arg10[%swap3A], %get3A_244 {strides = array<i32>} : memref<1600xi32, #tpu.memory_space<vmem>>, vector<16xi32>,
        %jit3A = arith.constant 0xFF800000 : f32
        %broadcast_in_dim3A = vector.broadcast %jit3A : f32 to vector<16xf32>
        %select_n3A = arith.select %lt3A, %get3A_246, %broadcast_in_dim3A : vector<16xi1>, vector<16xf32>
        %swap3A_257 = arith.index_cast %mul3A_255 : i32 to index
        %swap3A_258 = tpu.vector_load %arg11[%swap3A_257] {strides = array<i32>} : memref<1600xf32, #tpu.memory_space<vmem>>, vector<16xf32>,
        tpu.vector_store %arg11[%swap3A_257], %select_n3A {strides = array<i32>} : memref<1600xf32, #tpu.memory_space<vmem>>, vector<16xf32>,
        %jit3A_259 = arith.constant 0xFF800000 : f32
        %broadcast_in_dim3A_260 = vector.broadcast %jit3A_259 : f32 to vector<16xf32>
        %select_n3A_261 = arith.select %lt3A_253, %get3A_248, %broadcast_in_dim3A_260 : vector<16xi1>, vector<16xf32>
        %swap3A_262 = arith.index_cast %mul3A_255 : i32 to index
        %swap3A_263 = tpu.vector_load %arg12[%swap3A_262] {strides = array<i32>} : memref<1600xf32, #tpu.memory_space<vmem>>, vector<16xf32>,
        tpu.vector_store %arg12[%swap3A_262], %select_n3A_261 {strides = array<i32>} : memref<1600xf32, #tpu.memory_space<vmem>>, vector<16xf32>,
        %or3A = arith.ori %lt3A, %lt3A_253 : vector<16xi1>
        %reduce_or3A = arith.constant 1.000000e+00 : f32
        %reduce_or3A_264 = arith.constant 0.000000e+00 : f32
        %reduce_or3A_265 = vector.broadcast %reduce_or3A : f32 to vector<16xf32>
        %reduce_or3A_266 = vector.broadcast %reduce_or3A_264 : f32 to vector<16xf32>
        %reduce_or3A_267 = arith.select %or3A, %reduce_or3A_265, %reduce_or3A_266 : vector<16xi1>, vector<16xf32>
        %reduce_or3A_268 = arith.constant true
        %reduce_or3A_269 = vector.broadcast %reduce_or3A_268 : i1 to vector<16xi1>
        %reduce_or3A_270 = tpu.scan <max>, %reduce_or3A_267 masked %reduce_or3A_269 : vector<16xf32>, vector<16xi1> -> vector<16xf32>
        %reduce_or3A_271 = vector.extract %reduce_or3A_270[15] : f32 from vector<16xf32>
        %reduce_or3A_272 = arith.constant 0.000000e+00 : f32
        %reduce_or3A_273 = arith.cmpf ogt, %reduce_or3A_271, %reduce_or3A_272 : f32
        %jit3A_274 = arith.constant 1 : i32
        %jit3A_275 = arith.constant 0 : i32
        %select_n3A_276 = arith.select %reduce_or3A_273, %jit3A_274, %jit3A_275 : i32
        %add3A_277 = arith.addi %while3A_241, %select_n3A_276 : i32
        scf.yield %add3A_277 : i32
      }
      %while3A_237 = arith.constant 1 : i32
      %while3A_238 = scf.for %while3A_240 = %while3A_234 to %while3A_230 step %while3A_237 iter_args(%while3A_241 = %while3A_236) -> (i32)  : i32 {
        %mul3A_242 = arith.constant 16 : i32
        %mul3A_243 = arith.muli %while3A_240, %mul3A_242 : i32
        %get3A = arith.index_cast %mul3A_243 : i32 to index
        %get3A_244 = tpu.vector_load %arg13[%get3A] {strides = array<i32>} : memref<1600xi32, #tpu.memory_space<vmem>>, vector<16xi32>,
        %get3A_245 = arith.index_cast %mul3A_243 : i32 to index
        %get3A_246 = tpu.vector_load %arg14[%get3A_245] {strides = array<i32>} : memref<1600xf32, #tpu.memory_space<vmem>>, vector<16xf32>,
        %get3A_247 = arith.index_cast %mul3A_243 : i32 to index
        %get3A_248 = tpu.vector_load %arg15[%get3A_247] {strides = array<i32>} : memref<1600xf32, #tpu.memory_space<vmem>>, vector<16xf32>,
        %gather3A = tpu.vector_load_idx %arg8[%get3A_244] : memref<50048xf32, #tpu.memory_space<vmem>>[vector<16xi32>], vector<16xf32>,
        %max3A = arith.maximumf %gather3A, %get3A_246 : vector<16xf32>
        tpu.vector_store_idx %arg8[%get3A_244], %max3A : memref<50048xf32, #tpu.memory_space<vmem>>[vector<16xi32>], vector<16xf32>,
        %gather3A_249 = tpu.vector_load_idx %arg9[%get3A_244] : memref<50048xf32, #tpu.memory_space<vmem>>[vector<16xi32>], vector<16xf32>,
        %max3A_250 = arith.maximumf %gather3A_249, %get3A_248 : vector<16xf32>
        tpu.vector_store_idx %arg9[%get3A_244], %max3A_250 : memref<50048xf32, #tpu.memory_space<vmem>>[vector<16xi32>], vector<16xf32>,
        %gather3A_251 = tpu.vector_load_idx %arg8[%get3A_244] : memref<50048xf32, #tpu.memory_space<vmem>>[vector<16xi32>], vector<16xf32>,
        %gather3A_252 = tpu.vector_load_idx %arg9[%get3A_244] : memref<50048xf32, #tpu.memory_space<vmem>>[vector<16xi32>], vector<16xf32>,
        %lt3A = arith.cmpf olt, %gather3A_251, %get3A_246 : vector<16xf32>
        %lt3A_253 = arith.cmpf olt, %gather3A_252, %get3A_248 : vector<16xf32>
        %mul3A_254 = arith.constant 16 : i32
        %mul3A_255 = arith.muli %while3A_241, %mul3A_254 : i32
        %swap3A = arith.index_cast %mul3A_255 : i32 to index
        %swap3A_256 = tpu.vector_load %arg10[%swap3A] {strides = array<i32>} : memref<1600xi32, #tpu.memory_space<vmem>>, vector<16xi32>,
        tpu.vector_store %arg10[%swap3A], %get3A_244 {strides = array<i32>} : memref<1600xi32, #tpu.memory_space<vmem>>, vector<16xi32>,
        %jit3A = arith.constant 0xFF800000 : f32
        %broadcast_in_dim3A = vector.broadcast %jit3A : f32 to vector<16xf32>
        %select_n3A = arith.select %lt3A, %get3A_246, %broadcast_in_dim3A : vector<16xi1>, vector<16xf32>
        %swap3A_257 = arith.index_cast %mul3A_255 : i32 to index
        %swap3A_258 = tpu.vector_load %arg11[%swap3A_257] {strides = array<i32>} : memref<1600xf32, #tpu.memory_space<vmem>>, vector<16xf32>,
        tpu.vector_store %arg11[%swap3A_257], %select_n3A {strides = array<i32>} : memref<1600xf32, #tpu.memory_space<vmem>>, vector<16xf32>,
        %jit3A_259 = arith.constant 0xFF800000 : f32
        %broadcast_in_dim3A_260 = vector.broadcast %jit3A_259 : f32 to vector<16xf32>
        %select_n3A_261 = arith.select %lt3A_253, %get3A_248, %broadcast_in_dim3A_260 : vector<16xi1>, vector<16xf32>
        %swap3A_262 = arith.index_cast %mul3A_255 : i32 to index
        %swap3A_263 = tpu.vector_load %arg12[%swap3A_262] {strides = array<i32>} : memref<1600xf32, #tpu.memory_space<vmem>>, vector<16xf32>,
        tpu.vector_store %arg12[%swap3A_262], %select_n3A_261 {strides = array<i32>} : memref<1600xf32, #tpu.memory_space<vmem>>, vector<16xf32>,
        %or3A = arith.ori %lt3A, %lt3A_253 : vector<16xi1>
        %reduce_or3A = arith.constant 1.000000e+00 : f32
        %reduce_or3A_264 = arith.constant 0.000000e+00 : f32
        %reduce_or3A_265 = vector.broadcast %reduce_or3A : f32 to vector<16xf32>
        %reduce_or3A_266 = vector.broadcast %reduce_or3A_264 : f32 to vector<16xf32>
        %reduce_or3A_267 = arith.select %or3A, %reduce_or3A_265, %reduce_or3A_266 : vector<16xi1>, vector<16xf32>
        %reduce_or3A_268 = arith.constant true
        %reduce_or3A_269 = vector.broadcast %reduce_or3A_268 : i1 to vector<16xi1>
        %reduce_or3A_270 = tpu.scan <max>, %reduce_or3A_267 masked %reduce_or3A_269 : vector<16xf32>, vector<16xi1> -> vector<16xf32>
        %reduce_or3A_271 = vector.extract %reduce_or3A_270[15] : f32 from vector<16xf32>
        %reduce_or3A_272 = arith.constant 0.000000e+00 : f32
        %reduce_or3A_273 = arith.cmpf ogt, %reduce_or3A_271, %reduce_or3A_272 : f32
        %jit3A_274 = arith.constant 1 : i32
        %jit3A_275 = arith.constant 0 : i32
        %select_n3A_276 = arith.select %reduce_or3A_273, %jit3A_274, %jit3A_275 : i32
        %add3A_277 = arith.addi %while3A_241, %select_n3A_276 : i32
        scf.yield %add3A_277 : i32
      }
      %scan3A_239 = arith.constant 0 : i32
      scf.yield %scan3A_239 : i32
    }
    %scan3A_15 = arith.constant 500 : i32
    %scan3A_16 = arith.constant 0 : i32
    %scan3A_17 = arith.constant 0 : i32
    %scan3A_18 = arith.constant 3128 : i32
    %scan3A_19 = arith.addi %scan3A_17, %scan3A_18 : i32
    %scan3A_20 = arith.constant 1 : i32
    %scan3A_21 = scf.for %scan3A_29 = %scan3A_17 to %scan3A_19 step %scan3A_20 iter_args(%scan3A_30 = %scan3A_16) -> (i32)  : i32 {
      %mul3A_31 = arith.constant 16 : i32
      %mul3A_32 = arith.muli %scan3A_29, %mul3A_31 : i32
      %get3A = arith.index_cast %mul3A_32 : i32 to index
      %get3A_33 = tpu.vector_load %arg8[%get3A] {strides = array<i32>} : memref<50048xf32, #tpu.memory_space<vmem>>, vector<16xf32>,
      %gt3A = arith.constant 0xFF800000 : f32
      %gt3A_34 = vector.broadcast %gt3A : f32 to vector<16xf32>
      %gt3A_35 = arith.cmpf ogt, %get3A_33, %gt3A_34 : vector<16xf32>
      %lt3A = arith.constant 0x7F800000 : f32
      %lt3A_36 = vector.broadcast %lt3A : f32 to vector<16xf32>
      %lt3A_37 = arith.cmpf olt, %get3A_33, %lt3A_36 : vector<16xf32>
      %and3A = arith.andi %gt3A_35, %lt3A_37 : vector<16xi1>
      %jit3A = arith.constant 0.000000e+00 : f32
      %broadcast_in_dim3A = vector.broadcast %jit3A : f32 to vector<16xf32>
      %select_n3A = arith.select %and3A, %get3A_33, %broadcast_in_dim3A : vector<16xi1>, vector<16xf32>
      %swap3A = arith.index_cast %mul3A_32 : i32 to index
      %swap3A_38 = tpu.vector_load %arg8[%swap3A] {strides = array<i32>} : memref<50048xf32, #tpu.memory_space<vmem>>, vector<16xf32>,
      tpu.vector_store %arg8[%swap3A], %select_n3A {strides = array<i32>} : memref<50048xf32, #tpu.memory_space<vmem>>, vector<16xf32>,
      %get3A_39 = arith.index_cast %mul3A_32 : i32 to index
      %get3A_40 = tpu.vector_load %arg9[%get3A_39] {strides = array<i32>} : memref<50048xf32, #tpu.memory_space<vmem>>, vector<16xf32>,
      %gt3A_41 = arith.constant 0xFF800000 : f32
      %gt3A_42 = vector.broadcast %gt3A_41 : f32 to vector<16xf32>
      %gt3A_43 = arith.cmpf ogt, %get3A_40, %gt3A_42 : vector<16xf32>
      %lt3A_44 = arith.constant 0x7F800000 : f32
      %lt3A_45 = vector.broadcast %lt3A_44 : f32 to vector<16xf32>
      %lt3A_46 = arith.cmpf olt, %get3A_40, %lt3A_45 : vector<16xf32>
      %and3A_47 = arith.andi %gt3A_43, %lt3A_46 : vector<16xi1>
      %jit3A_48 = arith.constant 0.000000e+00 : f32
      %broadcast_in_dim3A_49 = vector.broadcast %jit3A_48 : f32 to vector<16xf32>
      %select_n3A_50 = arith.select %and3A_47, %get3A_40, %broadcast_in_dim3A_49 : vector<16xi1>, vector<16xf32>
      %swap3A_51 = arith.index_cast %mul3A_32 : i32 to index
      %swap3A_52 = tpu.vector_load %arg9[%swap3A_51] {strides = array<i32>} : memref<50048xf32, #tpu.memory_space<vmem>>, vector<16xf32>,
      tpu.vector_store %arg9[%swap3A_51], %select_n3A_50 {strides = array<i32>} : memref<50048xf32, #tpu.memory_space<vmem>>, vector<16xf32>,
      %scan3A_53 = arith.constant 0 : i32
      scf.yield %scan3A_53 : i32
    }
    %scan3A_22 = arith.constant 3128 : i32
    %mul3A_23 = arith.constant 50048 : i32
    %mul3A_24 = arith.muli %mul3A_2, %mul3A_23 : i32
    "tpu.region"() ({
      %run_scoped3A = tpu.sem_alloc : memref<!tpu.dma_semaphore, #tpu.memory_space<semaphore_mem>>
      %dma_start3A = tpu.memref_slice %arg4[%mul3A_24] : memref<3203072xf32, #tpu.memory_space<hbm>> -> memref<50048xf32, #tpu.memory_space<hbm>>
      %dma_start3A_29 = tpu.memref_slice %arg4[%mul3A_24] : memref<3203072xf32, #tpu.memory_space<hbm>> -> memref<50048xf32, #tpu.memory_space<hbm>>
      tpu.enqueue_dma source(%arg8 : memref<50048xf32, #tpu.memory_space<vmem>>) target(%dma_start3A_29 : memref<50048xf32, #tpu.memory_space<hbm>>) target_semaphore(%run_scoped3A : memref<!tpu.dma_semaphore, #tpu.memory_space<semaphore_mem>>)
      %dma_wait3A = tpu.memref_slice %arg4[%mul3A_24] : memref<3203072xf32, #tpu.memory_space<hbm>> -> memref<50048xf32, #tpu.memory_space<hbm>>
      %dma_wait3A_30 = tpu.memref_slice %arg4[%mul3A_24] : memref<3203072xf32, #tpu.memory_space<hbm>> -> memref<50048xf32, #tpu.memory_space<hbm>>
      tpu.wait_dma2 semaphore(%run_scoped3A : memref<!tpu.dma_semaphore, #tpu.memory_space<semaphore_mem>>) src(%arg8 : memref<50048xf32, #tpu.memory_space<vmem>>) dst(%dma_wait3A_30 : memref<50048xf32, #tpu.memory_space<hbm>>)
      tpu.yield
    }) : () -> ()
    %add3A_25 = arith.constant 1 : i32
    %add3A_26 = arith.addi %mul3A_2, %add3A_25 : i32
    %mul3A_27 = arith.constant 50048 : i32
    %mul3A_28 = arith.muli %add3A_26, %mul3A_27 : i32
    "tpu.region"() ({
      %run_scoped3A = tpu.sem_alloc : memref<!tpu.dma_semaphore, #tpu.memory_space<semaphore_mem>>
      %dma_start3A = tpu.memref_slice %arg4[%mul3A_28] : memref<3203072xf32, #tpu.memory_space<hbm>> -> memref<50048xf32, #tpu.memory_space<hbm>>
      %dma_start3A_29 = tpu.memref_slice %arg4[%mul3A_28] : memref<3203072xf32, #tpu.memory_space<hbm>> -> memref<50048xf32, #tpu.memory_space<hbm>>
      tpu.enqueue_dma source(%arg9 : memref<50048xf32, #tpu.memory_space<vmem>>) target(%dma_start3A_29 : memref<50048xf32, #tpu.memory_space<hbm>>) target_semaphore(%run_scoped3A : memref<!tpu.dma_semaphore, #tpu.memory_space<semaphore_mem>>)
      %dma_wait3A = tpu.memref_slice %arg4[%mul3A_28] : memref<3203072xf32, #tpu.memory_space<hbm>> -> memref<50048xf32, #tpu.memory_space<hbm>>
      %dma_wait3A_30 = tpu.memref_slice %arg4[%mul3A_28] : memref<3203072xf32, #tpu.memory_space<hbm>> -> memref<50048xf32, #tpu.memory_space<hbm>>
      tpu.wait_dma2 semaphore(%run_scoped3A : memref<!tpu.dma_semaphore, #tpu.memory_space<semaphore_mem>>) src(%arg9 : memref<50048xf32, #tpu.memory_space<vmem>>) dst(%dma_wait3A_30 : memref<50048xf32, #tpu.memory_space<hbm>>)
      tpu.yield
    }) : () -> ()
    return
  }
}

module attributes {stable_mosaic.version = 14 : i64} {
  func.func @_k1_body(%arg0: i32, %arg1: memref<2000x67xf32, #tpu.memory_space<vmem>>, %arg2: memref<67x128xf32, #tpu.memory_space<vmem>>, %arg3: memref<1x128xf32, #tpu.memory_space<vmem>>, %arg4: memref<2000x128xf32, #tpu.memory_space<vmem>>) attributes {dimension_semantics = [#tpu.dimension_semantics<arbitrary>], iteration_bounds = array<i64: 25>, scalar_prefetch = 0 : i64, scratch_operands = 0 : i64, tpu.core_type = #tpu.core_type<tc>, window_params = [{transform_indices = @transform_0, window_bounds = array<i64: 2000, 67>}, {pipeline_mode = #tpu.pipeline_mode<synchronous>, transform_indices = @transform_1, window_bounds = array<i64: 67, 128>}, {pipeline_mode = #tpu.pipeline_mode<synchronous>, transform_indices = @transform_2, window_bounds = array<i64: 1, 128>}, {transform_indices = @transform_3, window_bounds = array<i64: 2000, 128>}]} {
    %get3A = arith.constant 0 : index
    %get3A_0 = arith.constant 0 : index
    %get3A_1 = vector.load %arg1[%get3A, %get3A_0] : memref<2000x67xf32, #tpu.memory_space<vmem>>, vector<2000x67xf32>
    %get3A_2 = arith.constant 0 : index
    %get3A_3 = arith.constant 0 : index
    %get3A_4 = vector.load %arg2[%get3A_2, %get3A_3] : memref<67x128xf32, #tpu.memory_space<vmem>>, vector<67x128xf32>
    %dot_general3A = arith.constant dense<0.000000e+00> : vector<2000x128xf32>
    %dot_general3A_5 = tpu.matmul %get3A_1, %get3A_4, %dot_general3A {dimension_numbers = #tpu.dot_dimension_numbers<[1], [0], [0], [1], [0, 0, 1, 1], [], []>, transpose_lhs_hint = false} : vector<2000x67xf32>, vector<67x128xf32>, vector<2000x128xf32> -> vector<2000x128xf32>
    %get3A_6 = arith.constant 0 : index
    %get3A_7 = arith.constant 0 : index
    %get3A_8 = vector.load %arg3[%get3A_6, %get3A_7] : memref<1x128xf32, #tpu.memory_space<vmem>>, vector<1x128xf32>
    %add3A = vector.broadcast %get3A_8 : vector<1x128xf32> to vector<2000x128xf32>
    %add3A_9 = arith.addf %dot_general3A_5, %add3A : vector<2000x128xf32>
    %swap3A = arith.constant 0 : index
    %swap3A_10 = arith.constant 0 : index
    %swap3A_11 = vector.load %arg4[%swap3A, %swap3A_10] : memref<2000x128xf32, #tpu.memory_space<vmem>>, vector<2000x128xf32>
    tpu.vector_store %arg4[%swap3A, %swap3A_10], %add3A_9 {strides = array<i32>} : memref<2000x128xf32, #tpu.memory_space<vmem>>, vector<2000x128xf32>,
    return
  }
  func.func @transform_0(%arg0: i32) -> (i32, i32) {
    %c0_i32 = arith.constant 0 : i32
    %c0_i32_0 = arith.constant 0 : i32
    return %arg0, %c0_i32 : i32, i32
  }
  func.func @transform_1(%arg0: i32) -> (i32, i32) {
    %c0_i32 = arith.constant 0 : i32
    %c0_i32_0 = arith.constant 0 : i32
    %c0_i32_1 = arith.constant 0 : i32
    return %c0_i32, %c0_i32_0 : i32, i32
  }
  func.func @transform_2(%arg0: i32) -> (i32, i32) {
    %c0_i32 = arith.constant 0 : i32
    %c0_i32_0 = arith.constant 0 : i32
    %c0_i32_1 = arith.constant 0 : i32
    return %c0_i32, %c0_i32_0 : i32, i32
  }
  func.func @transform_3(%arg0: i32) -> (i32, i32) {
    %c0_i32 = arith.constant 0 : i32
    %c0_i32_0 = arith.constant 0 : i32
    return %arg0, %c0_i32 : i32, i32
  }
}

module attributes {stable_mosaic.version = 14 : i64} {
  func.func @_k3_body(%arg0: i32, %arg1: memref<6400x128xf32, #tpu.memory_space<vmem>>, %arg2: memref<1x1x6400xf32, #tpu.memory_space<vmem>>, %arg3: memref<64x64xf32, #tpu.memory_space<vmem>>, %arg4: memref<64x64xf32, #tpu.memory_space<vmem>>, %arg5: memref<8x64xf32, #tpu.memory_space<vmem>>, %arg6: memref<64x6400xf32, #tpu.memory_space<vmem>>) attributes {dimension_semantics = [#tpu.dimension_semantics<arbitrary>], iteration_bounds = array<i64: 125>, scalar_prefetch = 0 : i64, scratch_operands = 0 : i64, tpu.core_type = #tpu.core_type<tc>, window_params = [{transform_indices = @transform_0, window_bounds = array<i64: 6400, 128>}, {transform_indices = @transform_1, window_bounds = array<i64: 1, 1, 6400>}, {pipeline_mode = #tpu.pipeline_mode<synchronous>, transform_indices = @transform_2, window_bounds = array<i64: 64, 64>}, {pipeline_mode = #tpu.pipeline_mode<synchronous>, transform_indices = @transform_3, window_bounds = array<i64: 64, 64>}, {pipeline_mode = #tpu.pipeline_mode<synchronous>, transform_indices = @transform_4, window_bounds = array<i64: 8, 64>}, {transform_indices = @transform_5, window_bounds = array<i64: 64, 6400>}]} {
    %get3A = arith.constant 0 : index
    %get3A_0 = arith.constant 0 : index
    %get3A_1 = vector.load %arg5[%get3A, %get3A_0] : memref<8x64xf32, #tpu.memory_space<vmem>>, vector<1x64xf32>
    %get3A_2 = arith.constant 1 : index
    %get3A_3 = arith.constant 0 : index
    %get3A_4 = vector.load %arg5[%get3A_2, %get3A_3] : memref<8x64xf32, #tpu.memory_space<vmem>>, vector<1x64xf32>
    %get3A_5 = arith.constant 2 : index
    %get3A_6 = arith.constant 0 : index
    %get3A_7 = vector.load %arg5[%get3A_5, %get3A_6] : memref<8x64xf32, #tpu.memory_space<vmem>>, vector<1x64xf32>
    %get3A_8 = arith.constant 3 : index
    %get3A_9 = arith.constant 0 : index
    %get3A_10 = vector.load %arg5[%get3A_8, %get3A_9] : memref<8x64xf32, #tpu.memory_space<vmem>>, vector<1x64xf32>
    %get3A_11 = arith.constant 4 : index
    %get3A_12 = arith.constant 0 : index
    %get3A_13 = vector.load %arg5[%get3A_11, %get3A_12] : memref<8x64xf32, #tpu.memory_space<vmem>>, vector<1x64xf32>
    %get3A_14 = arith.constant 5 : index
    %get3A_15 = arith.constant 0 : index
    %get3A_16 = vector.load %arg5[%get3A_14, %get3A_15] : memref<8x64xf32, #tpu.memory_space<vmem>>, vector<1x64xf32>
    %get3A_17 = arith.constant 6 : index
    %get3A_18 = arith.constant 0 : index
    %get3A_19 = vector.load %arg5[%get3A_17, %get3A_18] : memref<8x64xf32, #tpu.memory_space<vmem>>, vector<1x64xf32>
    %get3A_20 = arith.constant 7 : index
    %get3A_21 = arith.constant 0 : index
    %get3A_22 = vector.load %arg5[%get3A_20, %get3A_21] : memref<8x64xf32, #tpu.memory_space<vmem>>, vector<1x64xf32>
    %get3A_23 = arith.constant 0 : index
    %get3A_24 = arith.constant 0 : index
    %get3A_25 = vector.load %arg1[%get3A_23, %get3A_24] : memref<6400x128xf32, #tpu.memory_space<vmem>>, vector<6400x64xf32>
    %max3A = arith.constant 0.000000e+00 : f32
    %max3A_26 = vector.broadcast %max3A : f32 to vector<6400x64xf32>
    %max3A_27 = arith.maximumf %get3A_25, %max3A_26 : vector<6400x64xf32>
    %mul3A = vector.broadcast %get3A_1 : vector<1x64xf32> to vector<6400x64xf32>
    %mul3A_28 = arith.mulf %max3A_27, %mul3A : vector<6400x64xf32>
    %add3A = vector.broadcast %get3A_4 : vector<1x64xf32> to vector<6400x64xf32>
    %add3A_29 = arith.addf %mul3A_28, %add3A : vector<6400x64xf32>
    %get3A_30 = arith.constant 0 : index
    %get3A_31 = arith.constant 0 : index
    %get3A_32 = vector.load %arg3[%get3A_30, %get3A_31] : memref<64x64xf32, #tpu.memory_space<vmem>>, vector<64x64xf32>
    %dot_general3A = arith.constant dense<0.000000e+00> : vector<6400x64xf32>
    %dot_general3A_33 = tpu.matmul %add3A_29, %get3A_32, %dot_general3A {dimension_numbers = #tpu.dot_dimension_numbers<[1], [0], [0], [1], [0, 0, 1, 1], [], []>, transpose_lhs_hint = false} : vector<6400x64xf32>, vector<64x64xf32>, vector<6400x64xf32> -> vector<6400x64xf32>
    %add3A_34 = vector.broadcast %get3A_7 : vector<1x64xf32> to vector<6400x64xf32>
    %add3A_35 = arith.addf %dot_general3A_33, %add3A_34 : vector<6400x64xf32>
    %max3A_36 = arith.constant 0.000000e+00 : f32
    %max3A_37 = vector.broadcast %max3A_36 : f32 to vector<6400x64xf32>
    %max3A_38 = arith.maximumf %add3A_35, %max3A_37 : vector<6400x64xf32>
    %mul3A_39 = vector.broadcast %get3A_10 : vector<1x64xf32> to vector<6400x64xf32>
    %mul3A_40 = arith.mulf %max3A_38, %mul3A_39 : vector<6400x64xf32>
    %add3A_41 = vector.broadcast %get3A_13 : vector<1x64xf32> to vector<6400x64xf32>
    %add3A_42 = arith.addf %mul3A_40, %add3A_41 : vector<6400x64xf32>
    %get3A_43 = arith.constant 0 : index
    %get3A_44 = arith.constant 0 : index
    %get3A_45 = vector.load %arg4[%get3A_43, %get3A_44] : memref<64x64xf32, #tpu.memory_space<vmem>>, vector<64x64xf32>
    %dot_general3A_46 = arith.constant dense<0.000000e+00> : vector<6400x64xf32>
    %dot_general3A_47 = tpu.matmul %add3A_42, %get3A_45, %dot_general3A_46 {dimension_numbers = #tpu.dot_dimension_numbers<[1], [0], [0], [1], [0, 0, 1, 1], [], []>, transpose_lhs_hint = false} : vector<6400x64xf32>, vector<64x64xf32>, vector<6400x64xf32> -> vector<6400x64xf32>
    %add3A_48 = vector.broadcast %get3A_16 : vector<1x64xf32> to vector<6400x64xf32>
    %add3A_49 = arith.addf %dot_general3A_47, %add3A_48 : vector<6400x64xf32>
    %max3A_50 = arith.constant 0.000000e+00 : f32
    %max3A_51 = vector.broadcast %max3A_50 : f32 to vector<6400x64xf32>
    %max3A_52 = arith.maximumf %add3A_49, %max3A_51 : vector<6400x64xf32>
    %mul3A_53 = vector.broadcast %get3A_19 : vector<1x64xf32> to vector<6400x64xf32>
    %mul3A_54 = arith.mulf %max3A_52, %mul3A_53 : vector<6400x64xf32>
    %add3A_55 = vector.broadcast %get3A_22 : vector<1x64xf32> to vector<6400x64xf32>
    %add3A_56 = arith.addf %mul3A_54, %add3A_55 : vector<6400x64xf32>
    %transpose3A = tpu.transpose %add3A_56, [1, 0] : vector<6400x64xf32> -> vector<64x6400xf32>
    %get3A_57 = arith.constant 0 : index
    %get3A_58 = arith.constant 0 : index
    %get3A_59 = arith.constant 0 : index
    %get3A_60 = vector.load %arg2[%get3A_57, %get3A_58, %get3A_59] : memref<1x1x6400xf32, #tpu.memory_space<vmem>>, vector<1x1x6400xf32>
    %get3A_61 = vector.shape_cast %get3A_60 : vector<1x1x6400xf32> to vector<1x6400xf32>
    %mul3A_62 = vector.broadcast %get3A_61 : vector<1x6400xf32> to vector<64x6400xf32>
    %mul3A_63 = arith.mulf %transpose3A, %mul3A_62 : vector<64x6400xf32>
    %swap3A = arith.constant 0 : index
    %swap3A_64 = arith.constant 0 : index
    %swap3A_65 = vector.load %arg6[%swap3A, %swap3A_64] : memref<64x6400xf32, #tpu.memory_space<vmem>>, vector<64x6400xf32>
    tpu.vector_store %arg6[%swap3A, %swap3A_64], %mul3A_63 {strides = array<i32>} : memref<64x6400xf32, #tpu.memory_space<vmem>>, vector<64x6400xf32>,
    return
  }
  func.func @transform_0(%arg0: i32) -> (i32, i32) {
    %c0_i32 = arith.constant 0 : i32
    %c0_i32_0 = arith.constant 0 : i32
    return %arg0, %c0_i32 : i32, i32
  }
  func.func @transform_1(%arg0: i32) -> (i32, i32, i32) {
    %c0_i32 = arith.constant 0 : i32
    %c0_i32_0 = arith.constant 0 : i32
    %c0_i32_1 = arith.constant 0 : i32
    return %arg0, %c0_i32, %c0_i32_0 : i32, i32, i32
  }
  func.func @transform_2(%arg0: i32) -> (i32, i32) {
    %c0_i32 = arith.constant 0 : i32
    %c0_i32_0 = arith.constant 0 : i32
    %c0_i32_1 = arith.constant 0 : i32
    return %c0_i32, %c0_i32_0 : i32, i32
  }
  func.func @transform_3(%arg0: i32) -> (i32, i32) {
    %c0_i32 = arith.constant 0 : i32
    %c0_i32_0 = arith.constant 0 : i32
    %c0_i32_1 = arith.constant 0 : i32
    return %c0_i32, %c0_i32_0 : i32, i32
  }
  func.func @transform_4(%arg0: i32) -> (i32, i32) {
    %c0_i32 = arith.constant 0 : i32
    %c0_i32_0 = arith.constant 0 : i32
    %c0_i32_1 = arith.constant 0 : i32
    return %c0_i32, %c0_i32_0 : i32, i32
  }
  func.func @transform_5(%arg0: i32) -> (i32, i32) {
    %c0_i32 = arith.constant 0 : i32
    %c0_i32_0 = arith.constant 0 : i32
    return %c0_i32, %arg0 : i32, i32
  }
}

module attributes {stable_mosaic.version = 14 : i64} {
  func.func @_k5_body(%arg0: i32, %arg1: memref<64x2944xf32, #tpu.memory_space<vmem>>, %arg2: memref<2944x64xf32, #tpu.memory_space<vmem>>) attributes {dimension_semantics = [#tpu.dimension_semantics<arbitrary>], iteration_bounds = array<i64: 17>, scalar_prefetch = 0 : i64, scratch_operands = 0 : i64, tpu.core_type = #tpu.core_type<tc>, window_params = [{transform_indices = @transform_0, window_bounds = array<i64: 64, 2944>}, {transform_indices = @transform_1, window_bounds = array<i64: 2944, 64>}]} {
    %get3A = arith.constant 0 : index
    %get3A_0 = arith.constant 0 : index
    %get3A_1 = vector.load %arg1[%get3A, %get3A_0] : memref<64x2944xf32, #tpu.memory_space<vmem>>, vector<64x2944xf32>
    %transpose3A = tpu.transpose %get3A_1, [1, 0] : vector<64x2944xf32> -> vector<2944x64xf32>
    %swap3A = arith.constant 0 : index
    %swap3A_2 = arith.constant 0 : index
    %swap3A_3 = vector.load %arg2[%swap3A, %swap3A_2] : memref<2944x64xf32, #tpu.memory_space<vmem>>, vector<2944x64xf32>
    tpu.vector_store %arg2[%swap3A, %swap3A_2], %transpose3A {strides = array<i32>} : memref<2944x64xf32, #tpu.memory_space<vmem>>, vector<2944x64xf32>,
    return
  }
  func.func @transform_0(%arg0: i32) -> (i32, i32) {
    %c0_i32 = arith.constant 0 : i32
    %c0_i32_0 = arith.constant 0 : i32
    return %c0_i32, %arg0 : i32, i32
  }
  func.func @transform_1(%arg0: i32) -> (i32, i32) {
    %c0_i32 = arith.constant 0 : i32
    %c0_i32_0 = arith.constant 0 : i32
    return %arg0, %c0_i32 : i32, i32
  }
}

</mosaic_0001>

<sc_bundles>
// kernel: kernel.10.cloned.1.call-start
scs
__scs_entry_jumppad:
0x0: {  	(pc) =	sbr.rel $0x88, $3  }
0x1: {  	(tag) =	ssettag $0x0;
	lr =	simm.s32 $0x1  }
0x2: {  	[smem:$0x3F91] =	sst lr;
	_ =	strace $0xD0000000  }
0x3: {  	_ = 	snop  }
0x4: {  	_ = 	snop  }
0x5: {  	_ = 	snop  }
0x6: {  	_ = 	snop  }
0x7: {  	_ = 	snop  }
__scs_overlays_trampoline_lowered:
0x8: {  	[smem:$0x3FA0] =	sst s0  }
0x9: {  	[smem:$0x3FA1] =	sst s1  }
0xa: {  	[smem:$0x3FA2] =	sst s2  }
0xb: {  	[smem:$0x3FA3] =	sst s3  }
0xc: {  	[smem:$0x3FA4] =	sst s4  }
0xd: {  	[smem:$0x3FA5] =	sst s5  }
0xe: {  	[smem:$0x3FA6] =	sst s6  }
0xf: {  	[smem:$0x3FA7] =	sst s7  }
0x10: {  	[smem:$0x3FA8] =	sst s8  }
0x11: {  	[smem:$0x3FA9] =	sst s9;
	s0 =	simm.s32 @!p0 $0x0  }
0x12: {  	s1 =	sld [smem:$0x3F8F];
	s0 =	simm.s32 @p0 $0x1  }
0x13: {  	[smem:$0x3FAA] =	sst s0;
	s0 =	simm.s32 @!p1 $0x0  }
0x14: {  	s2 =	sld [smem:$0x3F8E];
	s0 =	simm.s32 @p1 $0x1  }
0x15: {  	[smem:$0x3FAB] =	sst s0;
	s0 =	simm.s32 @!p2 $0x0  }
0x16: {  	s3 =	sld [smem:$0x3FDB];
	s0 =	simm.s32 @p2 $0x1  }
0x17: {  	s4 =	simm.s32 $0x1BF5;
	[smem:$0x3FAD] =	sst s0  }
0x18: {  	s0 =	sld [smem:$0x3F90];
	_ =	swait.ge [sflag:s4], $0x0  }
0x19: {  	s7 =	sld [smem:$0x3F91]  }
0x1a: {  	s8 =	sadd.s32 $0xFFFFE003, lr  }
0x1b: {  	s9 =	sadd.s32 $0xFFFFFEF7, lr;
	s5 =	simm.s32 $0xFFFFFFFF;
	p2 =	slt.u32 s8, $0xFFFFF086  }
0x1c: {  	p1 =	slt.u32 s9, $0xF7A;
	s5 =	simm.s32 @!p2 $0x0  }
0x1d: {  	s5 =	simm.s32 @p1 $0x1;
	p0 =	seq.s32 s7, s2  }
0x1e: {  	s7 =	smul.u32 @!p0 $0xF7A, s2;
	p2 =	seq.s32 @!p0 s5, $0x0  }
0x1f: {  	s9 =	smul.u32 $0xF7A, s1;
	s8 =	simm.s32 @!p0 $0x1BF5;
	p2 =	por !p2, p0  }
0x20: {  	[sflag:s8] =	ssyncset.s32 @!p0 $0xFFFFF086;
	s6 =	sadd.s32 @!p0 s3, s7;
	s7 =	simm.s32 @!p0 $0x108  }
0x21: {  	s3 =	sadd.s32 s3, s9;
	s6 =	sadd.s32 @!p0 $0x88, s6;
	s7 =	simm.s32 @p2 $0x1082  }
0x22: {  	[simem:s7], [sflag:s8] =	dma.local @!p0 [hbm:s6], $0xF7A  }
0x23: {  	s9 =	sor.u32 $0xD0000000, s2;
	s6 =	simm.s32 $0x108;
	_ =	swait.ge @!p0 [sflag:s8], $0x0  }
0x24: {  	s3 =	sadd.s32 $0x88, s3;
	s6 =	simm.s32 @!p1 $0x1082;
	[sflag:s4] =	ssyncset.s32 $0xFFFFF086  }
0x25: {  	[simem:s6], [sflag:s4] =	dma.local [hbm:s3], $0xF7A  }
0x26: {  	[smem:$0x3F91] =	sst s1;
	(tag) =	ssettag s2;
	_ =	strace s9  }
0x27: {  	s1 =	sld [smem:$0x3FA1]  }
0x28: {  	s2 =	sld [smem:$0x3FA2]  }
0x29: {  	s4 =	sld [smem:$0x3FA4]  }
0x2a: {  	p0 =	seq.s32 s5, $0x0;
	s5 =	sld [smem:$0x3FA5]  }
0x2b: {  	s6 =	sld [smem:$0x3FA6]  }
0x2c: {  	s7 =	sld [smem:$0x3FA7]  }
0x2d: {  	s3 =	simm.s32 $0x108;
	s8 =	sld [smem:$0x3FA8]  }
0x2e: {  	s3 =	simm.s32 @!p0 $0x1082;
	s9 =	sld [smem:$0x3FA9]  }
0x2f: {  	lr =	sadd.s32 s0, s3;
	s0 =	sld [smem:$0x3FA0]  }
0x30: {  	s3 =	sld [smem:$0x3FA3]  }
0x31: {  	[smem:$0x3FAC] =	sst s10  }
0x32: {  	s10 =	sld [smem:$0x3FAA];
	_ =	sdelay $0x3  }
0x33: {  	p0 =	seq.s32 s10, $0x1;
	s10 =	sld [smem:$0x3FAC];
	_ =	sdelay $0x3  }
0x34: {  	[smem:$0x3FAC] =	sst s10  }
0x35: {  	s10 =	sld [smem:$0x3FAB];
	_ =	sdelay $0x3  }
0x36: {  	p1 =	seq.s32 s10, $0x1;
	s10 =	sld [smem:$0x3FAC];
	_ =	sdelay $0x3  }
0x37: {  	[smem:$0x3FAC] =	sst s10  }
0x38: {  	s10 =	sld [smem:$0x3FAD]  }
0x39: {  	_ = 	snop;
	(pc) =	sbr.ind lr, $3  }
0x3a: {  	_ = 	snop  }
0x3b: {  	_ = 	snop  }
0x3c: {  	p2 =	seq.s32 s10, $0x1;
	s10 =	sld [smem:$0x3FAC]  }
0x3d: {  	_ =	shalt  }
0x3e: {  	_ =	shalt  }
0x3f: {  	_ =	shalt  }
0x40: {  	_ =	shalt  }
0x41: {  	_ =	shalt  }
0x42: {  	_ =	shalt  }
0x43: {  	_ =	shalt  }
0x44: {  	_ =	shalt  }
0x45: {  	_ =	shalt  }
0x46: {  	_ =	shalt  }
0x47: {  	_ =	shalt  }
0x48: {  	_ =	shalt  }
0x49: {  	_ =	shalt  }
0x4a: {  	_ =	shalt  }
0x4b: {  	_ =	shalt  }
0x4c: {  	_ =	shalt  }
0x4d: {  	_ =	shalt  }
0x4e: {  	_ =	shalt  }
0x4f: {  	_ =	shalt  }
0x50: {  	_ =	shalt  }
0x51: {  	_ =	shalt  }
0x52: {  	_ =	shalt  }
0x53: {  	_ =	shalt  }
0x54: {  	_ =	shalt  }
0x55: {  	_ =	shalt  }
0x56: {  	_ =	shalt  }
0x57: {  	_ =	shalt  }
0x58: {  	_ =	shalt  }
0x59: {  	_ =	shalt  }
0x5a: {  	_ =	shalt  }
0x5b: {  	_ =	shalt  }
0x5c: {  	_ =	shalt  }
0x5d: {  	_ =	shalt  }
0x5e: {  	_ =	shalt  }
0x5f: {  	_ =	shalt  }
0x60: {  	_ =	shalt  }
0x61: {  	_ =	shalt  }
0x62: {  	_ =	shalt  }
0x63: {  	_ =	shalt  }
0x64: {  	_ =	shalt  }
0x65: {  	_ =	shalt  }
0x66: {  	_ =	shalt  }
0x67: {  	_ =	shalt  }
0x68: {  	_ =	shalt  }
0x69: {  	_ =	shalt  }
0x6a: {  	_ =	shalt  }
0x6b: {  	_ =	shalt  }
0x6c: {  	_ =	shalt  }
0x6d: {  	_ =	shalt  }
0x6e: {  	_ =	shalt  }
0x6f: {  	_ =	shalt  }
0x70: {  	_ =	shalt  }
0x71: {  	_ =	shalt  }
0x72: {  	_ =	shalt  }
0x73: {  	_ =	shalt  }
0x74: {  	_ =	shalt  }
0x75: {  	_ =	shalt  }
0x76: {  	_ =	shalt  }
0x77: {  	_ =	shalt  }
0x78: {  	_ =	shalt  }
0x79: {  	_ =	shalt  }
0x7a: {  	_ =	shalt  }
0x7b: {  	_ =	shalt  }
0x7c: {  	_ =	shalt  }
0x7d: {  	_ =	shalt  }
0x7e: {  	_ =	shalt  }
0x7f: {  	_ =	shalt  }
0x80: {  	_ =	shalt  }
0x81: {  	_ =	shalt  }
0x82: {  	_ =	shalt  }
0x83: {  	_ =	shalt  }
0x84: {  	_ =	shalt  }
0x85: {  	_ =	shalt  }
0x86: {  	_ =	shalt  }
0x87: {  	_ =	shalt  }
.Lfunc_end0:
.L_simem_size_0:
called_computation.1_lowered:
.L_overlay_start_0:
0x88: {  	s2 =	sld [smem:$0x3FD9]  }
0x89: {  	s3 =	sld [smem:$0x3FFE];
	_ =	sdelay $0x1  }
0x8a: {  	s1 =	srdreg.scid  }
0x8b: {  	s0 =	sand.u32 $0x1, s1  }
0x8c: {  	s17 =	sshll.u32 s0, $0xA;
	s2 =	sadd.s32 s3, s2  }
0x8d: {  	s2 =	sadd.s32 s2, s17  }
0x8e: {  	[smem:$0x3FB8] =	sst s2  }
0x8f: {  	_ = 	snop  }
0x90: {  	s2 =	sld [smem:$0x3FD0];
	(tm) =	ssettm $0x1  }
0x91: {  	s18 =	sld [smem:$0x3FFB];
	_ =	sdelay $0x3  }
0x92: {  	_ =	strace s18  }
0x93: {  	s3 =	sld [smem:$0x3FFC];
	_ =	sdelay $0x3  }
0x94: {  	_ =	strace s3  }
0x95: {  	s3 =	sld [smem:$0x3FFD];
	_ =	sdelay $0x3  }
0x96: {  	_ =	strace s3  }
0x97: {  	_ =	strace $0x8FFFFFFF  }
0x98: {  	s19 =	sld [smem:$0x3FDB];
	_ =	sdelay $0x1  }
0x99: {  	s4 =	simm.s32 $_scs_section_size  }
0x9a: {  	s5 =	simm.s32 $_size__tile_overlayer_lowered;
	s6 =	simm.s32 $_tile_overlayer_lowered  }
0x9b: {  	s22 =	simm.s32 $0x1BFF;
	s21 =	sshll.u32 s6, $0x1;
	s3 =	sadd.s32 s4, s19  }
0x9c: {  	s7 =	simm.s32 $0x0;
	s20 =	sshll.u32 s5, $0x1;
	s5 =	sadd.s32 s21, s3  }
0x9d: {  	[timem:s7], [sflag:s22] =	dma.local [hbm:s5], s20  }
0x9e: {  	_ =	swait.ge [sflag:s22], s20  }
0x9f: {  	s4 =	ssub.s32 $0x0, s20;
	[sflag:s22] =	ssyncset.done $0x0  }
0xa0: {  	[sflag:s22] =	ssyncadd.s32 s4;
	_ =	sdelay $0x1  }
0xa1: {  	s23 =	simm.s32 $0x1B8B  }
0xa2: {  	_ =	swait.ge [sflag:s23], $0x1  }
0xa3: {  	[sflag:s23] =	ssyncset.done $0x0  }
0xa4: {  	s25 =	simm.s32 $0x1B8E;
	s24 =	sld [smem:$0x3FFE];
	[sflag:s23] =	ssyncadd.s32 $0xFFFFFFFF  }
0xa5: {  	s26 =	simm.s32 $execute0_lowered;
	[smem:$0x3FD2] =	sst s25  }
0xa6: {  	s5 =	sshll.u32 s26, $0x1;
	_ =	strace $0x80000049;
	[dreg:$0x1] =	wrdreg $0xFFFFFFFF  }
0xa7: {  	s28 =	simm.s32 $_size_execute0_lowered;
	s3 =	sadd.s32 s3, s5;
	[dreg:$0x0] =	wrdreg $0x0  }
0xa8: {  	s5 =	sshll.u32 s28, $0x1;
	[dreg:$0x2] =	wrdreg s3  }
0xa9: {  	[dreg:$0x3] =	wrdreg s5  }
0xaa: {  	[dreg:$0x4] =	wrdreg $0xC0  }
0xab: {  	_ =	task [dreg:s7], $0x5FFFF  }
0xac: {  	[dreg:$0x1] =	wrdreg $0xFFFFFFFF  }
0xad: {  	[dreg:$0x0] =	wrdreg $0x60  }
0xae: {  	[dreg:$0x2] =	wrdreg s24  }
0xaf: {  	[dreg:$0x3] =	wrdreg s2  }
0xb0: {  	[dreg:$0x4] =	wrdreg $0x9  }
0xb1: {  	_ =	task.clear_ibuf [dreg:s7], $0x5FFFF;
	_ =	strace $0x90000049  }
0xb2: {  	s29 =	simm.s32 $0x9;
	_ =	strace $0x8000004B  }
0xb3: {  	_ =	swait.ge [sflag:s29], $0x1  }
0xb4: {  	[sflag:s29] =	ssyncadd.s32 $0xFFFFFFFF  }
0xb5: {  	_ =	strace $0x9000004B  }
0xb6: {  	_ =	sfence  }
0xb7: {  	s30 =	sld [smem:$0x0];
	_ =	sdelay $0x2  }
0xb8: {  	s31 =	sshll.u32 s1, $0xD;
	s1 =	sshrl.u32 s1, $0x2  }
0xb9: {  	s3 =	sand.u32 $0x4000, s31;
	s1 =	sadd.s32 s1, s30  }
0xba: {  	s0 =	sor.u32 s3, s0;
	s1 =	sshll.u32 s1, $0x11  }
0xbb: {  	s0 =	sor.u32 s1, s0  }
0xbc: {  	s0 =	sadd.s32 $0x8F2B, s0  }
0xbd: {  	[sflag:s0] =	ssyncadd.remote.s32 $0x1  }
0xbe: {  	_ =	sfence.sel $0xFFFF  }
0xbf: {  	[dreg:$0x0] =	wrdreg $0xFFFFFFFF;
	(pc) =	sbr.abs _section_cstart, $3  }
0xc0: {  	[dreg:$0x1] =	wrdreg $0xFFFFFFFF  }
0xc1: {  	_ =	task.clear_ibuf [dreg:s7], $0x2FFFF;
	_ =	strace $0x9FFFFFFF  }
0xc2: {  	(tm) =	ssettm $0x7FFFFFFF  }
0xc3: {  	_ =	shalt  }
tec
execute0_lowered:
.L_overlay_start_1:
0x0: {  	(tag) =	ssettag $0x1  }
0x1: {  	s4 =	rddreg [dreg:$0x0]  }
0x2: {  	s7 =	rddreg [dreg:$0x1]  }
0x3: {  	s0 =	rddreg [dreg:$0x2];
	s3 =	srdreg.scid  }
0x4: {  	s1 =	stileid.u32;
	s2 =	simm.s32 $0x0;
	s12 =	simm.s32 $0xD00  }
0x5: {  	s13 =	simm.s32 $0x1380;
	s5 =	sand.u32 $0x1, s3;
	s31 =	sshll.u32 s1, $0x1  }
0x6: {  	s14 =	simm.s32 $0xD700;
	s15 =	simm.s32 $0x0;
	s6 =	sor.u32 s5, s31  }
0x7: {  	[smem:$0x7FF] =	sst s2;
	s3 =	sadd.s32 $0xC5A00, s4;
	s8 =	smul.u32 $0x18700, s6  }
0x8: {  	s4 =	sadd.s32 $0xD13200, s4;
	s9 =	ssub.s32 $0x2, s5;
	s5 =	smul.u32 $0x186A00, s6  }
0x9: {  	_ =	strace $0x8000004A;
	s10 =	sshrl.u32 s9, $0x1;
	s11 =	smul.u32 $0x30E0, s6  }
0xa: {  	s9 =	ssub.s32 s9, s10;
	s10 =	simm.s32 $0x1;
	s8 =	sshrl.u32 s8, $0x3  }
0xb: {  	s6 =	sadd.s32 $0xC3500, s5;
	s9 =	smax.u32 s9, $0x1;
	s8 =	sadd.s32 s7, s8  }
0xc: {  	v0 =	vimm.f32 $-Inf;
	v1 =	vimm.f32 $0.0e+00;
	s7 =	sadd.s32 s7, s11;
	s11 =	simm.s32 $0x680;
	s8 =	sadd.s32 $0x1870, s8  }
.LBB2_1:
0xd: {  	s16 =	simm.s32 $0x40;
	s17 =	simm.s32 $0x0  }
.LBB2_2:
0xe: {  	p0 =	sne.s32 s16, $0x30DC0;
	[tilespmem:s17+$0x1380] =	vst v0;
	s18 =	smov.u32 s16;
	s16 =	sadd.s32 $0x40, s16  }
.Ltmp0:
0xf: {  	[tilespmem:s17+$0xD700] =	vst v0;
	(pc) =	sbr.rel @p0 .LBB2_2-.Ltmp0, $2  }
0x10: {  	_ =	sdelay $0x2  }
0x11: {  	s17 =	sshra.s32 s18, $0x2  }
.Ltmp1:
0x12: {  	(pc) =	sbr.rel .LBB2_4-.Ltmp1, $3  }
0x13: {  	_ =	sdelay $0x1  }
0x14: {  	[tilespmem:s17+$0x1380] =	vst v0  }
0x15: {  	s16 =	simm.s32 $0x0;
	[tilespmem:s17+$0xD700] =	vst v0;
	s17 =	simm.s32 $0x0  }
.LBB2_109:
0x16: {  	s20 =	simm.s32 $0x0  }
.LBB2_117:
0x17: {  	_ =	sdelay $0x3  }
0x18: {  	v5 =	vld.idx.msk [tilespmem:v2+s13+$0x0], $0xffff  }
0x19: {  	v6 =	vld.idx.msk [tilespmem:v2+s14+$0x0], $0xffff;
	_ =	sdelay $0x4  }
0x1a: {  	vm0 =	vlt.f32 v5, v3;
	vm1 =	vlt.f32 v6, v4  }
0x1b: {  	vm2 =	vmor vm0, vm1  }
0x1c: {  	v63 =	vsel vm2, $0x3F800000, v1  }
0x1d: {  	(xrf0) =	vmax.scan.msk.f32 $0xffff, v63;
	_ =	sdelay $0x5  }
0x1e: {  	v5, _, _ =	vpop (xrf0)  }
0x1f: {  	(v2sf) =	vpush v5, $0xF;
	_ =	sdelay $0x7  }
0x20: {  	p1 =	por !p2, !p0;
	s19 =	simm.s32 $0x1  }
0x21: {  	s19 =	simm.s32 @p1 $0x0  }
0x22: {  	s19 =	sadd.s32 @p0 s19, s20  }
0x23: {  	s18 =	smov.u32 @p0 s19  }
0x24: {  	s18 =	sshll.u32 s18, $0x4  }
0x25: {  	[tilespmem:s18+$0x19A80] =	vst v2;
	v3 =	vnsel vm0, $0xFF800000, v3  }
0x26: {  	[tilespmem:s18+$0x1A100] =	vst v3;
	v3 =	vnsel vm1, $0xFF800000, v4  }
0x27: {  	[tilespmem:s18+$0x1A780] =	vst v3;
	s31 =	spop (v2sf)  }
.LBB2_118:
0x28: {  	s17 =	sadd.s32 $0x1, s17  }
0x29: {  	p0 =	sne.s32 s17, $0x1F4  }
.Ltmp2:
0x2a: {  	_ = 	snop;
	(pc) =	sbr.rel @!p0 .LBB2_119-.Ltmp2, $1  }
0x2b: {  	_ =	sdelay $0x3  }
.LBB2_4:
0x2c: {  	s18 =	smul.u32 $0x640, s17;
	_ =	sdelay $0x1  }
0x2d: {  	s19 =	sshrl.u32 s18, $0x3  }
0x2e: {  	s19 =	sadd.s32 s3, s19  }
0x2f: {  	[tilespmem:s16], [sflag:$0x1] =	stream.linear.gather [hbm4b:s19+s16], $0x640, $0x38;
	[tilespmem:$0x1C180] =	vst v63  }
0x30: {  	s26 =	sadd.s32 s5, s18;
	_ =	swait.ge [sflag:s10], $0x640  }
0x31: {  	s19 =	sshrl.u32 s26, $0x3;
	[sflag:s10] =	ssyncset.done $0x0  }
0x32: {  	s19 =	sadd.s32 s4, s19;
	[sflag:s10] =	ssyncadd.s32 $0xFFFFF9C0  }
0x33: {  	[tilespmem:s11], [sflag:$0x1] =	stream.linear.gather [hbm4b:s19+s16], $0x640, $0x38;
	[tilespmem:$0x1C180] =	vst v63  }
0x34: {  	s18 =	sadd.s32 s6, s18;
	_ =	swait.ge [sflag:s10], $0x640  }
0x35: {  	s18 =	sshrl.u32 s18, $0x3;
	[sflag:s10] =	ssyncset.done $0x0  }
0x36: {  	s18 =	sadd.s32 s4, s18;
	[sflag:s10] =	ssyncadd.s32 $0xFFFFF9C0  }
0x37: {  	[tilespmem:s12], [sflag:$0x1] =	stream.linear.gather [hbm4b:s18+s16], $0x640, $0x38;
	[tilespmem:$0x1C180] =	vst v63  }
0x38: {  	_ =	swait.ge [sflag:s10], $0x640  }
0x39: {  	[sflag:s10] =	ssyncset.done $0x0  }
0x3a: {  	s28 =	simm.s32 $0x0;
	[sflag:s10] =	ssyncadd.s32 $0xFFFFF9C0  }
0x3b: {  	v2 =	vld [tilespmem:s28+$0x0];
	_ =	sdelay $0x6  }
0x3c: {  	v4 =	vld [tilespmem:s28+$0x680]  }
0x3d: {  	v3 =	vld.idx.msk [tilespmem:v2+s13+$0x0], $0xffff;
	_ =	sdelay $0x4  }
0x3e: {  	v3 =	vmax.f32 v3, v4  }
0x3f: {  	v5 =	vld [tilespmem:s28+$0xD00];
	[tilespmem:v2+s13+$0x0] =	vst.idx.msk $0xffff, v3  }
0x40: {  	v3 =	vld.idx.msk [tilespmem:v2+s14+$0x0], $0xffff;
	_ =	sdelay $0x4  }
0x41: {  	v3 =	vmax.f32 v3, v5  }
0x42: {  	[tilespmem:v2+s14+$0x0] =	vst.idx.msk $0xffff, v3  }
0x43: {  	v3 =	vld.idx.msk [tilespmem:v2+s13+$0x0], $0xffff  }
0x44: {  	v6 =	vld.idx.msk [tilespmem:v2+s14+$0x0], $0xffff;
	_ =	sdelay $0x3  }
0x45: {  	vm0 =	vlt.f32 v3, v4  }
0x46: {  	s29 =	simm.s32 $0x0;
	vm1 =	vlt.f32 v6, v5;
	v3 =	vnsel vm0, $0xFF800000, v4  }
0x47: {  	vm0 =	vmor vm0, vm1;
	[tilespmem:s29+$0x1A100] =	vst v3;
	v3 =	vnsel vm1, $0xFF800000, v5  }
0x48: {  	[tilespmem:s29+$0x1A780] =	vst v3;
	v3 =	vsel vm0, $0x3F800000, v1  }
0x49: {  	(xrf0) =	vmax.scan.msk.f32 $0xffff, v3  }
0x4a: {  	s30 =	simm.s32 $0x10;
	[tilespmem:s29+$0x19A80] =	vst v2  }
0x4b: {  	v2 =	vld [tilespmem:s30+$0x0];
	_ =	sdelay $0x3  }
0x4c: {  	v3, _, _ =	vpop (xrf0)  }
0x4d: {  	(v2sf) =	vpush v3, $0xF;
	_ =	sdelay $0x1  }
0x4e: {  	v3 =	vld [tilespmem:s30+$0x680]  }
0x4f: {  	v5 =	vld.idx.msk [tilespmem:v2+s13+$0x0], $0xffff;
	_ =	sdelay $0x4  }
0x50: {  	v5 =	vmax.f32 v5, v3  }
0x51: {  	v4 =	vld [tilespmem:s30+$0xD00];
	[tilespmem:v2+s13+$0x0] =	vst.idx.msk $0xffff, v5  }
0x52: {  	v5 =	vld.idx.msk [tilespmem:v2+s14+$0x0], $0xffff;
	_ =	sdelay $0x4  }
0x53: {  	v5 =	vmax.f32 v5, v4;
	s31 =	spop (v2sf)  }
0x54: {  	s19 =	simm.s32 $0x80;
	s18 =	simm.s32 $0x0;
	[tilespmem:v2+s14+$0x0] =	vst.idx.msk $0xffff, v5;
	p1 =	sgt.f32 s31, $0.0e+00  }
.LBB2_5:
0x55: {  	p0 =	seq.s32 s19, $0x18C0;
	s20 =	simm.s32 $0x1  }
0x56: {  	v5 =	vld.idx.msk [tilespmem:v2+s13+$0x0], $0xffff;
	s21 =	smov.u32 s19;
	s19 =	sadd.s32 $0x40, s19;
	s20 =	simm.s32 @!p1 $0x0  }
0x57: {  	v6 =	vld.idx.msk [tilespmem:v2+s14+$0x0], $0xffff;
	s18 =	sadd.s32 s20, s18;
	_ =	sdelay $0x4  }
0x58: {  	vm0 =	vlt.f32 v5, v3  }
0x59: {  	s20 =	sshll.u32 s18, $0x4;
	v3 =	vnsel vm0, $0xFF800000, v3;
	vm1 =	vlt.f32 v6, v4  }
0x5a: {  	vm0 =	vmor vm0, vm1;
	[tilespmem:s20+$0x1A100] =	vst v3;
	v3 =	vnsel vm1, $0xFF800000, v4  }
0x5b: {  	[tilespmem:s20+$0x1A780] =	vst v3;
	v3 =	vsel vm0, $0x3F800000, v1  }
0x5c: {  	s21 =	sshra.s32 s21, $0x2;
	[tilespmem:s20+$0x19A80] =	vst v2;
	(xrf0) =	vmax.scan.msk.f32 $0xffff, v3  }
0x5d: {  	v2 =	vld [tilespmem:s21+$0x0];
	_ =	sdelay $0x4  }
0x5e: {  	v3, _, _ =	vpop (xrf0)  }
0x5f: {  	(v2sf) =	vpush v3, $0xF;
	_ =	sdelay $0x1  }
0x60: {  	v5 =	vld.idx.msk [tilespmem:v2+s13+$0x0], $0xffff  }
0x61: {  	v3 =	vld [tilespmem:s21+$0x680];
	_ =	sdelay $0x4  }
0x62: {  	v4 =	vld [tilespmem:s21+$0xD00];
	v5 =	vmax.f32 v5, v3  }
0x63: {  	[tilespmem:v2+s13+$0x0] =	vst.idx.msk $0xffff, v5  }
0x64: {  	v5 =	vld.idx.msk [tilespmem:v2+s14+$0x0], $0xffff;
	_ =	sdelay $0x2  }
.Ltmp3:
0x65: {  	(pc) =	sbr.rel @!p0 .LBB2_5-.Ltmp3, $4  }
0x66: {  	_ = 	snop  }
0x67: {  	s20 =	spop (v2sf)  }
0x68: {  	v5 =	vmax.f32 v5, v4;
	p1 =	sgt.f32 s20, $0.0e+00  }
0x69: {  	[tilespmem:v2+s14+$0x0] =	vst.idx.msk $0xffff, v5  }
0x6a: {  	_ =	sdelay $0x3  }
0x6b: {  	v5 =	vld.idx.msk [tilespmem:v2+s13+$0x0], $0xffff  }
0x6c: {  	v6 =	vld.idx.msk [tilespmem:v2+s14+$0x0], $0xffff;
	_ =	sdelay $0x4  }
0x6d: {  	vm0 =	vlt.f32 v5, v3;
	vm1 =	vlt.f32 v6, v4  }
0x6e: {  	vm2 =	vmor vm0, vm1  }
0x6f: {  	v63 =	vsel vm2, $0x3F800000, v1  }
0x70: {  	(xrf0) =	vmax.scan.msk.f32 $0xffff, v63;
	_ =	sdelay $0x5  }
0x71: {  	v5, _, _ =	vpop (xrf0)  }
0x72: {  	(v2sf) =	vpush v5, $0xF;
	_ =	sdelay $0xe  }
0x73: {  	s19 =	simm.s32 $0x1;
	s30 =	spop (v2sf)  }
0x74: {  	s19 =	simm.s32 @!p1 $0x0;
	p0 =	sgt.f32 s30, $0.0e+00  }
0x75: {  	s18 =	sadd.s32 s19, s18;
	s19 =	simm.s32 $0x1  }
0x76: {  	s19 =	simm.s32 @!p0 $0x0  }
0x77: {  	s31 =	sadd.s32 s19, s18  }
0x78: {  	p0 =	slt.s32 s31, $0x1  }
.Ltmp4:
0x79: {  	_ = 	snop;
	(pc) =	sbr.rel @p0 .LBB2_118-.Ltmp4, $4  }
0x7a: {  	s20 =	sshll.u32 s18, $0x4  }
0x7b: {  	[tilespmem:s20+$0x19A80] =	vst v2;
	v3 =	vnsel vm0, $0xFF800000, v3  }
0x7c: {  	[tilespmem:s20+$0x1A100] =	vst v3;
	v3 =	vnsel vm1, $0xFF800000, v4  }
0x7d: {  	[tilespmem:s20+$0x1A780] =	vst v3  }
0x7e: {  	s22 =	simm.s32 $0x19A80  }
0x7f: {  	v2 =	vld [tilespmem:s22+$0x0];
	_ =	sdelay $0x5  }
0x80: {  	s21 =	simm.s32 $0x1A100  }
0x81: {  	v3 =	vld [tilespmem:s21+$0x0]  }
0x82: {  	v5 =	vld.idx.msk [tilespmem:v2+s13+$0x0], $0xffff;
	_ =	sdelay $0x4  }
0x83: {  	s20 =	simm.s32 $0x1A780;
	v5 =	vmax.f32 v5, v3  }
0x84: {  	v4 =	vld [tilespmem:s20+$0x0];
	[tilespmem:v2+s13+$0x0] =	vst.idx.msk $0xffff, v5  }
0x85: {  	s19 =	sadd.s32 s19, s18;
	v5 =	vld.idx.msk [tilespmem:v2+s14+$0x0], $0xffff  }
0x86: {  	p1 =	seq.s32 s19, $0x1  }
.Ltmp5:
0x87: {  	_ = 	snop;
	(pc) =	sbr.rel @p1 .LBB2_8-.Ltmp5, $3  }
0x88: {  	_ =	sdelay $0x1  }
0x89: {  	v5 =	vmax.f32 v5, v4  }
0x8a: {  	s18 =	simm.s32 $0x0;
	p0 =	por $0x0, $0x0;
	s20 =	sadd.s32 $0xFFFFFFFF, s19;
	[tilespmem:v2+s14+$0x0] =	vst.idx.msk $0xffff, v5  }
0x8b: {  	_ =	sdelay $0x3  }
0x8c: {  	v5 =	vld.idx.msk [tilespmem:v2+s13+$0x0], $0xffff  }
0x8d: {  	v6 =	vld.idx.msk [tilespmem:v2+s14+$0x0], $0xffff;
	_ =	sdelay $0x3  }
0x8e: {  	vm0 =	vlt.f32 v5, v3  }
0x8f: {  	s19 =	simm.s32 $0x0;
	vm1 =	vlt.f32 v6, v4;
	v3 =	vnsel vm0, $0xFF800000, v3  }
0x90: {  	vm0 =	vmor vm0, vm1;
	[tilespmem:s19+$0x1B480] =	vst v3;
	v3 =	vnsel vm1, $0xFF800000, v4  }
0x91: {  	[tilespmem:s19+$0x1BB00] =	vst v3;
	v3 =	vsel vm0, $0x3F800000, v1  }
0x92: {  	(xrf0) =	vmax.scan.msk.f32 $0xffff, v3  }
0x93: {  	[tilespmem:s19+$0x1AE00] =	vst v2;
	s19 =	simm.s32 $0x19A90  }
0x94: {  	v2 =	vld [tilespmem:s19+$0x0];
	_ =	sdelay $0x3  }
0x95: {  	v3, _, _ =	vpop (xrf0)  }
0x96: {  	(v2sf) =	vpush v3, $0xF  }
0x97: {  	s21 =	simm.s32 $0x1A110  }
0x98: {  	v3 =	vld [tilespmem:s21+$0x0]  }
0x99: {  	v5 =	vld.idx.msk [tilespmem:v2+s13+$0x0], $0xffff;
	_ =	sdelay $0x4  }
0x9a: {  	s22 =	simm.s32 $0x1A790;
	v5 =	vmax.f32 v5, v3  }
0x9b: {  	v4 =	vld [tilespmem:s22+$0x0];
	[tilespmem:v2+s13+$0x0] =	vst.idx.msk $0xffff, v5  }
0x9c: {  	v5 =	vld.idx.msk [tilespmem:v2+s14+$0x0], $0xffff  }
0x9d: {  	p1 =	seq.s32 s20, $0x1  }
.Ltmp6:
0x9e: {  	_ = 	snop;
	(pc) =	sbr.rel @p1 .LBB2_13-.Ltmp6, $3  }
0x9f: {  	_ =	sdelay $0x1  }
0xa0: {  	s23 =	sadd.s32 $0xFFFFFFFF, s20;
	v5 =	vmax.f32 v5, v4;
	s31 =	spop (v2sf)  }
0xa1: {  	p0 =	por $0x1, $0x1;
	s20 =	simm.s32 $0x0;
	[tilespmem:v2+s14+$0x0] =	vst.idx.msk $0xffff, v5;
	p2 =	sgt.f32 s31, $0.0e+00  }
.LBB2_14:
0xa2: {  	s24 =	simm.s32 $0x1  }
0xa3: {  	p1 =	seq.s32 s23, $0x1;
	s23 =	sadd.s32 $0xFFFFFFFF, s23;
	v5 =	vld.idx.msk [tilespmem:v2+s13+$0x0], $0xffff;
	s24 =	simm.s32 @!p2 $0x0  }
0xa4: {  	v6 =	vld.idx.msk [tilespmem:v2+s14+$0x0], $0xffff;
	s20 =	sadd.s32 s24, s20;
	_ =	sdelay $0x4  }
0xa5: {  	vm0 =	vlt.f32 v5, v3  }
0xa6: {  	s24 =	sshll.u32 s20, $0x4;
	v3 =	vnsel vm0, $0xFF800000, v3;
	vm1 =	vlt.f32 v6, v4  }
0xa7: {  	vm0 =	vmor vm0, vm1;
	[tilespmem:s24+$0x1B480] =	vst v3;
	v3 =	vnsel vm1, $0xFF800000, v4  }
0xa8: {  	[tilespmem:s24+$0x1BB00] =	vst v3;
	v3 =	vsel vm0, $0x3F800000, v1  }
0xa9: {  	s19 =	sadd.s32 $0x10, s19;
	[tilespmem:s24+$0x1AE00] =	vst v2;
	(xrf0) =	vmax.scan.msk.f32 $0xffff, v3  }
0xaa: {  	v2 =	vld [tilespmem:s19+$0x0];
	_ =	sdelay $0x4  }
0xab: {  	v3, _, _ =	vpop (xrf0)  }
0xac: {  	(v2sf) =	vpush v3, $0xF;
	_ =	sdelay $0x1  }
0xad: {  	s21 =	sadd.s32 $0x10, s21;
	v5 =	vld.idx.msk [tilespmem:v2+s13+$0x0], $0xffff  }
0xae: {  	v3 =	vld [tilespmem:s21+$0x0];
	_ =	sdelay $0x3  }
0xaf: {  	s22 =	sadd.s32 $0x10, s22  }
0xb0: {  	v4 =	vld [tilespmem:s22+$0x0];
	v5 =	vmax.f32 v5, v3  }
0xb1: {  	[tilespmem:v2+s13+$0x0] =	vst.idx.msk $0xffff, v5  }
0xb2: {  	v5 =	vld.idx.msk [tilespmem:v2+s14+$0x0], $0xffff;
	_ =	sdelay $0x2  }
.Ltmp7:
0xb3: {  	(pc) =	sbr.rel @!p1 .LBB2_14-.Ltmp7, $4  }
0xb4: {  	_ = 	snop  }
0xb5: {  	s24 =	spop (v2sf)  }
0xb6: {  	v5 =	vmax.f32 v5, v4;
	p2 =	sgt.f32 s24, $0.0e+00  }
0xb7: {  	[tilespmem:v2+s14+$0x0] =	vst.idx.msk $0xffff, v5  }
.LBB2_15:
0xb8: {  	_ =	sdelay $0x3  }
0xb9: {  	v5 =	vld.idx.msk [tilespmem:v2+s13+$0x0], $0xffff  }
0xba: {  	v6 =	vld.idx.msk [tilespmem:v2+s14+$0x0], $0xffff;
	_ =	sdelay $0x4  }
0xbb: {  	vm0 =	vlt.f32 v5, v3;
	vm1 =	vlt.f32 v6, v4  }
0xbc: {  	vm2 =	vmor vm0, vm1  }
0xbd: {  	v63 =	vsel vm2, $0x3F800000, v1  }
0xbe: {  	(xrf0) =	vmax.scan.msk.f32 $0xffff, v63;
	_ =	sdelay $0x5  }
0xbf: {  	v5, _, _ =	vpop (xrf0)  }
0xc0: {  	(v2sf) =	vpush v5, $0xF;
	_ =	sdelay $0xb  }
0xc1: {  	p1 =	por !p2, !p0;
	s19 =	simm.s32 $0x1  }
0xc2: {  	s19 =	simm.s32 @p1 $0x0  }
0xc3: {  	s19 =	sadd.s32 @p0 s19, s20  }
0xc4: {  	s18 =	smov.u32 @p0 s19;
	s30 =	spop (v2sf)  }
0xc5: {  	s31 =	sshll.u32 s18, $0x4;
	p0 =	sgt.f32 s30, $0.0e+00  }
0xc6: {  	s19 =	simm.s32 $0x1;
	[tilespmem:s31+$0x1AE00] =	vst v2;
	v3 =	vnsel vm0, $0xFF800000, v3  }
0xc7: {  	[tilespmem:s31+$0x1B480] =	vst v3;
	v3 =	vnsel vm1, $0xFF800000, v4;
	s19 =	simm.s32 @!p0 $0x0  }
0xc8: {  	[tilespmem:s31+$0x1BB00] =	vst v3;
	s19 =	sadd.s32 s19, s18  }
0xc9: {  	p0 =	slt.s32 s19, $0x1  }
.Ltmp8:
0xca: {  	_ = 	snop;
	(pc) =	sbr.rel @p0 .LBB2_118-.Ltmp8, $1  }
0xcb: {  	_ =	sdelay $0x3  }
0xcc: {  	s22 =	simm.s32 $0x1AE00  }
0xcd: {  	v2 =	vld [tilespmem:s22+$0x0];
	_ =	sdelay $0x5  }
0xce: {  	s21 =	simm.s32 $0x1B480  }
0xcf: {  	v3 =	vld [tilespmem:s21+$0x0]  }
0xd0: {  	v5 =	vld.idx.msk [tilespmem:v2+s13+$0x0], $0xffff;
	_ =	sdelay $0x4  }
0xd1: {  	s20 =	simm.s32 $0x1BB00;
	v5 =	vmax.f32 v5, v3  }
0xd2: {  	v4 =	vld [tilespmem:s20+$0x0];
	[tilespmem:v2+s13+$0x0] =	vst.idx.msk $0xffff, v5  }
0xd3: {  	v5 =	vld.idx.msk [tilespmem:v2+s14+$0x0], $0xffff  }
0xd4: {  	p1 =	seq.s32 s19, $0x1  }
.Ltmp9:
0xd5: {  	_ = 	snop;
	(pc) =	sbr.rel @p1 .LBB2_11-.Ltmp9, $3  }
0xd6: {  	_ =	sdelay $0x1  }
0xd7: {  	v5 =	vmax.f32 v5, v4  }
0xd8: {  	s18 =	simm.s32 $0x0;
	p0 =	por $0x0, $0x0;
	s20 =	sadd.s32 $0xFFFFFFFF, s19;
	[tilespmem:v2+s14+$0x0] =	vst.idx.msk $0xffff, v5  }
0xd9: {  	_ =	sdelay $0x3  }
0xda: {  	v5 =	vld.idx.msk [tilespmem:v2+s13+$0x0], $0xffff  }
0xdb: {  	v6 =	vld.idx.msk [tilespmem:v2+s14+$0x0], $0xffff;
	_ =	sdelay $0x3  }
0xdc: {  	vm0 =	vlt.f32 v5, v3  }
0xdd: {  	s19 =	simm.s32 $0x0;
	vm1 =	vlt.f32 v6, v4;
	v3 =	vnsel vm0, $0xFF800000, v3  }
0xde: {  	vm0 =	vmor vm0, vm1;
	[tilespmem:s19+$0x1A100] =	vst v3;
	v3 =	vnsel vm1, $0xFF800000, v4  }
0xdf: {  	[tilespmem:s19+$0x1A780] =	vst v3;
	v3 =	vsel vm0, $0x3F800000, v1  }
0xe0: {  	(xrf0) =	vmax.scan.msk.f32 $0xffff, v3  }
0xe1: {  	[tilespmem:s19+$0x19A80] =	vst v2;
	s19 =	simm.s32 $0x1AE10  }
0xe2: {  	v2 =	vld [tilespmem:s19+$0x0];
	_ =	sdelay $0x3  }
0xe3: {  	v3, _, _ =	vpop (xrf0)  }
0xe4: {  	(v2sf) =	vpush v3, $0xF  }
0xe5: {  	s21 =	simm.s32 $0x1B490  }
0xe6: {  	v3 =	vld [tilespmem:s21+$0x0]  }
0xe7: {  	v5 =	vld.idx.msk [tilespmem:v2+s13+$0x0], $0xffff;
	_ =	sdelay $0x4  }
0xe8: {  	s22 =	simm.s32 $0x1BB10;
	v5 =	vmax.f32 v5, v3  }
0xe9: {  	v4 =	vld [tilespmem:s22+$0x0];
	[tilespmem:v2+s13+$0x0] =	vst.idx.msk $0xffff, v5  }
0xea: {  	v5 =	vld.idx.msk [tilespmem:v2+s14+$0x0], $0xffff  }
0xeb: {  	p1 =	seq.s32 s20, $0x1  }
.Ltmp10:
0xec: {  	_ = 	snop;
	(pc) =	sbr.rel @p1 .LBB2_20-.Ltmp10, $3  }
0xed: {  	_ =	sdelay $0x1  }
0xee: {  	s23 =	sadd.s32 $0xFFFFFFFF, s20;
	v5 =	vmax.f32 v5, v4;
	s31 =	spop (v2sf)  }
0xef: {  	p0 =	por $0x1, $0x1;
	s20 =	simm.s32 $0x0;
	[tilespmem:v2+s14+$0x0] =	vst.idx.msk $0xffff, v5;
	p2 =	sgt.f32 s31, $0.0e+00  }
.LBB2_21:
0xf0: {  	s24 =	simm.s32 $0x1  }
0xf1: {  	p1 =	seq.s32 s23, $0x1;
	s23 =	sadd.s32 $0xFFFFFFFF, s23;
	v5 =	vld.idx.msk [tilespmem:v2+s13+$0x0], $0xffff;
	s24 =	simm.s32 @!p2 $0x0  }
0xf2: {  	v6 =	vld.idx.msk [tilespmem:v2+s14+$0x0], $0xffff;
	s20 =	sadd.s32 s24, s20;
	_ =	sdelay $0x4  }
0xf3: {  	vm0 =	vlt.f32 v5, v3  }
0xf4: {  	s24 =	sshll.u32 s20, $0x4;
	v3 =	vnsel vm0, $0xFF800000, v3;
	vm1 =	vlt.f32 v6, v4  }
0xf5: {  	vm0 =	vmor vm0, vm1;
	[tilespmem:s24+$0x1A100] =	vst v3;
	v3 =	vnsel vm1, $0xFF800000, v4  }
0xf6: {  	[tilespmem:s24+$0x1A780] =	vst v3;
	v3 =	vsel vm0, $0x3F800000, v1  }
0xf7: {  	s19 =	sadd.s32 $0x10, s19;
	[tilespmem:s24+$0x19A80] =	vst v2;
	(xrf0) =	vmax.scan.msk.f32 $0xffff, v3  }
0xf8: {  	v2 =	vld [tilespmem:s19+$0x0];
	_ =	sdelay $0x4  }
0xf9: {  	v3, _, _ =	vpop (xrf0)  }
0xfa: {  	(v2sf) =	vpush v3, $0xF;
	_ =	sdelay $0x1  }
0xfb: {  	s21 =	sadd.s32 $0x10, s21;
	v5 =	vld.idx.msk [tilespmem:v2+s13+$0x0], $0xffff  }
0xfc: {  	v3 =	vld [tilespmem:s21+$0x0];
	_ =	sdelay $0x3  }
0xfd: {  	s22 =	sadd.s32 $0x10, s22  }
0xfe: {  	v4 =	vld [tilespmem:s22+$0x0];
	v5 =	vmax.f32 v5, v3  }
0xff: {  	[tilespmem:v2+s13+$0x0] =	vst.idx.msk $0xffff, v5  }
0x100: {  	v5 =	vld.idx.msk [tilespmem:v2+s14+$0x0], $0xffff;
	_ =	sdelay $0x2  }
.Ltmp11:
0x101: {  	(pc) =	sbr.rel @!p1 .LBB2_21-.Ltmp11, $4  }
0x102: {  	_ = 	snop  }
0x103: {  	s24 =	spop (v2sf)  }
0x104: {  	v5 =	vmax.f32 v5, v4;
	p2 =	sgt.f32 s24, $0.0e+00  }
0x105: {  	[tilespmem:v2+s14+$0x0] =	vst.idx.msk $0xffff, v5  }
.LBB2_22:
0x106: {  	_ =	sdelay $0x3  }
0x107: {  	v5 =	vld.idx.msk [tilespmem:v2+s13+$0x0], $0xffff  }
0x108: {  	v6 =	vld.idx.msk [tilespmem:v2+s14+$0x0], $0xffff;
	_ =	sdelay $0x4  }
0x109: {  	vm0 =	vlt.f32 v5, v3;
	vm1 =	vlt.f32 v6, v4  }
0x10a: {  	vm2 =	vmor vm0, vm1  }
0x10b: {  	v63 =	vsel vm2, $0x3F800000, v1  }
0x10c: {  	(xrf0) =	vmax.scan.msk.f32 $0xffff, v63;
	_ =	sdelay $0x5  }
0x10d: {  	v5, _, _ =	vpop (xrf0)  }
0x10e: {  	(v2sf) =	vpush v5, $0xF;
	_ =	sdelay $0xb  }
0x10f: {  	p1 =	por !p2, !p0;
	s19 =	simm.s32 $0x1  }
0x110: {  	s19 =	simm.s32 @p1 $0x0  }
0x111: {  	s19 =	sadd.s32 @p0 s19, s20  }
0x112: {  	s18 =	smov.u32 @p0 s19;
	s30 =	spop (v2sf)  }
0x113: {  	s31 =	sshll.u32 s18, $0x4;
	p0 =	sgt.f32 s30, $0.0e+00  }
0x114: {  	s19 =	simm.s32 $0x1;
	[tilespmem:s31+$0x19A80] =	vst v2;
	v3 =	vnsel vm0, $0xFF800000, v3  }
0x115: {  	[tilespmem:s31+$0x1A100] =	vst v3;
	v3 =	vnsel vm1, $0xFF800000, v4;
	s19 =	simm.s32 @!p0 $0x0  }
0x116: {  	[tilespmem:s31+$0x1A780] =	vst v3;
	s19 =	sadd.s32 s19, s18  }
0x117: {  	p0 =	slt.s32 s19, $0x1  }
.Ltmp12:
0x118: {  	_ = 	snop;
	(pc) =	sbr.rel @p0 .LBB2_118-.Ltmp12, $1  }
0x119: {  	_ =	sdelay $0x3  }
0x11a: {  	s22 =	simm.s32 $0x19A80  }
0x11b: {  	v2 =	vld [tilespmem:s22+$0x0];
	_ =	sdelay $0x5  }
0x11c: {  	s21 =	simm.s32 $0x1A100  }
0x11d: {  	v3 =	vld [tilespmem:s21+$0x0]  }
0x11e: {  	v5 =	vld.idx.msk [tilespmem:v2+s13+$0x0], $0xffff;
	_ =	sdelay $0x4  }
0x11f: {  	s20 =	simm.s32 $0x1A780;
	v5 =	vmax.f32 v5, v3  }
0x120: {  	v4 =	vld [tilespmem:s20+$0x0];
	[tilespmem:v2+s13+$0x0] =	vst.idx.msk $0xffff, v5  }
0x121: {  	v5 =	vld.idx.msk [tilespmem:v2+s14+$0x0], $0xffff  }
0x122: {  	p1 =	seq.s32 s19, $0x1  }
.Ltmp13:
0x123: {  	_ = 	snop;
	(pc) =	sbr.rel @p1 .LBB2_18-.Ltmp13, $3  }
0x124: {  	_ =	sdelay $0x1  }
0x125: {  	v5 =	vmax.f32 v5, v4  }
0x126: {  	s18 =	simm.s32 $0x0;
	p0 =	por $0x0, $0x0;
	s20 =	sadd.s32 $0xFFFFFFFF, s19;
	[tilespmem:v2+s14+$0x0] =	vst.idx.msk $0xffff, v5  }
0x127: {  	_ =	sdelay $0x3  }
0x128: {  	v5 =	vld.idx.msk [tilespmem:v2+s13+$0x0], $0xffff  }
0x129: {  	v6 =	vld.idx.msk [tilespmem:v2+s14+$0x0], $0xffff;
	_ =	sdelay $0x3  }
0x12a: {  	vm0 =	vlt.f32 v5, v3  }
0x12b: {  	s19 =	simm.s32 $0x0;
	vm1 =	vlt.f32 v6, v4;
	v3 =	vnsel vm0, $0xFF800000, v3  }
0x12c: {  	vm0 =	vmor vm0, vm1;
	[tilespmem:s19+$0x1B480] =	vst v3;
	v3 =	vnsel vm1, $0xFF800000, v4  }
0x12d: {  	[tilespmem:s19+$0x1BB00] =	vst v3;
	v3 =	vsel vm0, $0x3F800000, v1  }
0x12e: {  	(xrf0) =	vmax.scan.msk.f32 $0xffff, v3  }
0x12f: {  	[tilespmem:s19+$0x1AE00] =	vst v2;
	s19 =	simm.s32 $0x19A90  }
0x130: {  	v2 =	vld [tilespmem:s19+$0x0];
	_ =	sdelay $0x3  }
0x131: {  	v3, _, _ =	vpop (xrf0)  }
0x132: {  	(v2sf) =	vpush v3, $0xF  }
0x133: {  	s21 =	simm.s32 $0x1A110  }
0x134: {  	v3 =	vld [tilespmem:s21+$0x0]  }
0x135: {  	v5 =	vld.idx.msk [tilespmem:v2+s13+$0x0], $0xffff;
	_ =	sdelay $0x4  }
0x136: {  	s22 =	simm.s32 $0x1A790;
	v5 =	vmax.f32 v5, v3  }
0x137: {  	v4 =	vld [tilespmem:s22+$0x0];
	[tilespmem:v2+s13+$0x0] =	vst.idx.msk $0xffff, v5  }
0x138: {  	v5 =	vld.idx.msk [tilespmem:v2+s14+$0x0], $0xffff  }
0x139: {  	p1 =	seq.s32 s20, $0x1  }
.Ltmp14:
0x13a: {  	_ = 	snop;
	(pc) =	sbr.rel @p1 .LBB2_27-.Ltmp14, $3  }
0x13b: {  	_ =	sdelay $0x1  }
0x13c: {  	s23 =	sadd.s32 $0xFFFFFFFF, s20;
	v5 =	vmax.f32 v5, v4;
	s31 =	spop (v2sf)  }
0x13d: {  	p0 =	por $0x1, $0x1;
	s20 =	simm.s32 $0x0;
	[tilespmem:v2+s14+$0x0] =	vst.idx.msk $0xffff, v5;
	p2 =	sgt.f32 s31, $0.0e+00  }
.LBB2_28:
0x13e: {  	s24 =	simm.s32 $0x1  }
0x13f: {  	p1 =	seq.s32 s23, $0x1;
	s23 =	sadd.s32 $0xFFFFFFFF, s23;
	v5 =	vld.idx.msk [tilespmem:v2+s13+$0x0], $0xffff;
	s24 =	simm.s32 @!p2 $0x0  }
0x140: {  	v6 =	vld.idx.msk [tilespmem:v2+s14+$0x0], $0xffff;
	s20 =	sadd.s32 s24, s20;
	_ =	sdelay $0x4  }
0x141: {  	vm0 =	vlt.f32 v5, v3  }
0x142: {  	s24 =	sshll.u32 s20, $0x4;
	v3 =	vnsel vm0, $0xFF800000, v3;
	vm1 =	vlt.f32 v6, v4  }
0x143: {  	vm0 =	vmor vm0, vm1;
	[tilespmem:s24+$0x1B480] =	vst v3;
	v3 =	vnsel vm1, $0xFF800000, v4  }
0x144: {  	[tilespmem:s24+$0x1BB00] =	vst v3;
	v3 =	vsel vm0, $0x3F800000, v1  }
0x145: {  	s19 =	sadd.s32 $0x10, s19;
	[tilespmem:s24+$0x1AE00] =	vst v2;
	(xrf0) =	vmax.scan.msk.f32 $0xffff, v3  }
0x146: {  	v2 =	vld [tilespmem:s19+$0x0];
	_ =	sdelay $0x4  }
0x147: {  	v3, _, _ =	vpop (xrf0)  }
0x148: {  	(v2sf) =	vpush v3, $0xF;
	_ =	sdelay $0x1  }
0x149: {  	s21 =	sadd.s32 $0x10, s21;
	v5 =	vld.idx.msk [tilespmem:v2+s13+$0x0], $0xffff  }
0x14a: {  	v3 =	vld [tilespmem:s21+$0x0];
	_ =	sdelay $0x3  }
0x14b: {  	s22 =	sadd.s32 $0x10, s22  }
0x14c: {  	v4 =	vld [tilespmem:s22+$0x0];
	v5 =	vmax.f32 v5, v3  }
0x14d: {  	[tilespmem:v2+s13+$0x0] =	vst.idx.msk $0xffff, v5  }
0x14e: {  	v5 =	vld.idx.msk [tilespmem:v2+s14+$0x0], $0xffff;
	_ =	sdelay $0x2  }
.Ltmp15:
0x14f: {  	(pc) =	sbr.rel @!p1 .LBB2_28-.Ltmp15, $4  }
0x150: {  	_ = 	snop  }
0x151: {  	s24 =	spop (v2sf)  }
0x152: {  	v5 =	vmax.f32 v5, v4;
	p2 =	sgt.f32 s24, $0.0e+00  }
0x153: {  	[tilespmem:v2+s14+$0x0] =	vst.idx.msk $0xffff, v5  }
.LBB2_29:
0x154: {  	_ =	sdelay $0x3  }
0x155: {  	v5 =	vld.idx.msk [tilespmem:v2+s13+$0x0], $0xffff  }
0x156: {  	v6 =	vld.idx.msk [tilespmem:v2+s14+$0x0], $0xffff;
	_ =	sdelay $0x4  }
0x157: {  	vm0 =	vlt.f32 v5, v3;
	vm1 =	vlt.f32 v6, v4  }
0x158: {  	vm2 =	vmor vm0, vm1  }
0x159: {  	v63 =	vsel vm2, $0x3F800000, v1  }
0x15a: {  	(xrf0) =	vmax.scan.msk.f32 $0xffff, v63;
	_ =	sdelay $0x5  }
0x15b: {  	v5, _, _ =	vpop (xrf0)  }
0x15c: {  	(v2sf) =	vpush v5, $0xF;
	_ =	sdelay $0xb  }
0x15d: {  	p1 =	por !p2, !p0;
	s19 =	simm.s32 $0x1  }
0x15e: {  	s19 =	simm.s32 @p1 $0x0  }
0x15f: {  	s19 =	sadd.s32 @p0 s19, s20  }
0x160: {  	s18 =	smov.u32 @p0 s19;
	s30 =	spop (v2sf)  }
0x161: {  	s31 =	sshll.u32 s18, $0x4;
	p0 =	sgt.f32 s30, $0.0e+00  }
0x162: {  	s19 =	simm.s32 $0x1;
	[tilespmem:s31+$0x1AE00] =	vst v2;
	v3 =	vnsel vm0, $0xFF800000, v3  }
0x163: {  	[tilespmem:s31+$0x1B480] =	vst v3;
	v3 =	vnsel vm1, $0xFF800000, v4;
	s19 =	simm.s32 @!p0 $0x0  }
0x164: {  	[tilespmem:s31+$0x1BB00] =	vst v3;
	s19 =	sadd.s32 s19, s18  }
0x165: {  	p0 =	slt.s32 s19, $0x1  }
.Ltmp16:
0x166: {  	_ = 	snop;
	(pc) =	sbr.rel @p0 .LBB2_118-.Ltmp16, $1  }
0x167: {  	_ =	sdelay $0x3  }
0x168: {  	s22 =	simm.s32 $0x1AE00  }
0x169: {  	v2 =	vld [tilespmem:s22+$0x0];
	_ =	sdelay $0x5  }
0x16a: {  	s21 =	simm.s32 $0x1B480  }
0x16b: {  	v3 =	vld [tilespmem:s21+$0x0]  }
0x16c: {  	v5 =	vld.idx.msk [tilespmem:v2+s13+$0x0], $0xffff;
	_ =	sdelay $0x4  }
0x16d: {  	s20 =	simm.s32 $0x1BB00;
	v5 =	vmax.f32 v5, v3  }
0x16e: {  	v4 =	vld [tilespmem:s20+$0x0];
	[tilespmem:v2+s13+$0x0] =	vst.idx.msk $0xffff, v5  }
0x16f: {  	v5 =	vld.idx.msk [tilespmem:v2+s14+$0x0], $0xffff  }
0x170: {  	p1 =	seq.s32 s19, $0x1  }
.Ltmp17:
0x171: {  	_ = 	snop;
	(pc) =	sbr.rel @p1 .LBB2_25-.Ltmp17, $3  }
0x172: {  	_ =	sdelay $0x1  }
0x173: {  	v5 =	vmax.f32 v5, v4  }
0x174: {  	s18 =	simm.s32 $0x0;
	p0 =	por $0x0, $0x0;
	s20 =	sadd.s32 $0xFFFFFFFF, s19;
	[tilespmem:v2+s14+$0x0] =	vst.idx.msk $0xffff, v5  }
0x175: {  	_ =	sdelay $0x3  }
0x176: {  	v5 =	vld.idx.msk [tilespmem:v2+s13+$0x0], $0xffff  }
0x177: {  	v6 =	vld.idx.msk [tilespmem:v2+s14+$0x0], $0xffff;
	_ =	sdelay $0x3  }
0x178: {  	vm0 =	vlt.f32 v5, v3  }
0x179: {  	s19 =	simm.s32 $0x0;
	vm1 =	vlt.f32 v6, v4;
	v3 =	vnsel vm0, $0xFF800000, v3  }
0x17a: {  	vm0 =	vmor vm0, vm1;
	[tilespmem:s19+$0x1A100] =	vst v3;
	v3 =	vnsel vm1, $0xFF800000, v4  }
0x17b: {  	[tilespmem:s19+$0x1A780] =	vst v3;
	v3 =	vsel vm0, $0x3F800000, v1  }
0x17c: {  	(xrf0) =	vmax.scan.msk.f32 $0xffff, v3  }
0x17d: {  	[tilespmem:s19+$0x19A80] =	vst v2;
	s19 =	simm.s32 $0x1AE10  }
0x17e: {  	v2 =	vld [tilespmem:s19+$0x0];
	_ =	sdelay $0x3  }
0x17f: {  	v3, _, _ =	vpop (xrf0)  }
0x180: {  	(v2sf) =	vpush v3, $0xF  }
0x181: {  	s21 =	simm.s32 $0x1B490  }
0x182: {  	v3 =	vld [tilespmem:s21+$0x0]  }
0x183: {  	v5 =	vld.idx.msk [tilespmem:v2+s13+$0x0], $0xffff;
	_ =	sdelay $0x4  }
0x184: {  	s22 =	simm.s32 $0x1BB10;
	v5 =	vmax.f32 v5, v3  }
0x185: {  	v4 =	vld [tilespmem:s22+$0x0];
	[tilespmem:v2+s13+$0x0] =	vst.idx.msk $0xffff, v5  }
0x186: {  	v5 =	vld.idx.msk [tilespmem:v2+s14+$0x0], $0xffff  }
0x187: {  	p1 =	seq.s32 s20, $0x1  }
.Ltmp18:
0x188: {  	_ = 	snop;
	(pc) =	sbr.rel @p1 .LBB2_34-.Ltmp18, $3  }
0x189: {  	_ =	sdelay $0x1  }
0x18a: {  	s23 =	sadd.s32 $0xFFFFFFFF, s20;
	v5 =	vmax.f32 v5, v4;
	s31 =	spop (v2sf)  }
0x18b: {  	p0 =	por $0x1, $0x1;
	s20 =	simm.s32 $0x0;
	[tilespmem:v2+s14+$0x0] =	vst.idx.msk $0xffff, v5;
	p2 =	sgt.f32 s31, $0.0e+00  }
.LBB2_35:
0x18c: {  	s24 =	simm.s32 $0x1  }
0x18d: {  	p1 =	seq.s32 s23, $0x1;
	s23 =	sadd.s32 $0xFFFFFFFF, s23;
	v5 =	vld.idx.msk [tilespmem:v2+s13+$0x0], $0xffff;
	s24 =	simm.s32 @!p2 $0x0  }
0x18e: {  	v6 =	vld.idx.msk [tilespmem:v2+s14+$0x0], $0xffff;
	s20 =	sadd.s32 s24, s20;
	_ =	sdelay $0x4  }
0x18f: {  	vm0 =	vlt.f32 v5, v3  }
0x190: {  	s24 =	sshll.u32 s20, $0x4;
	v3 =	vnsel vm0, $0xFF800000, v3;
	vm1 =	vlt.f32 v6, v4  }
0x191: {  	vm0 =	vmor vm0, vm1;
	[tilespmem:s24+$0x1A100] =	vst v3;
	v3 =	vnsel vm1, $0xFF800000, v4  }
0x192: {  	[tilespmem:s24+$0x1A780] =	vst v3;
	v3 =	vsel vm0, $0x3F800000, v1  }
0x193: {  	s19 =	sadd.s32 $0x10, s19;
	[tilespmem:s24+$0x19A80] =	vst v2;
	(xrf0) =	vmax.scan.msk.f32 $0xffff, v3  }
0x194: {  	v2 =	vld [tilespmem:s19+$0x0];
	_ =	sdelay $0x4  }
0x195: {  	v3, _, _ =	vpop (xrf0)  }
0x196: {  	(v2sf) =	vpush v3, $0xF;
	_ =	sdelay $0x1  }
0x197: {  	s21 =	sadd.s32 $0x10, s21;
	v5 =	vld.idx.msk [tilespmem:v2+s13+$0x0], $0xffff  }
0x198: {  	v3 =	vld [tilespmem:s21+$0x0];
	_ =	sdelay $0x3  }
0x199: {  	s22 =	sadd.s32 $0x10, s22  }
0x19a: {  	v4 =	vld [tilespmem:s22+$0x0];
	v5 =	vmax.f32 v5, v3  }
0x19b: {  	[tilespmem:v2+s13+$0x0] =	vst.idx.msk $0xffff, v5  }
0x19c: {  	v5 =	vld.idx.msk [tilespmem:v2+s14+$0x0], $0xffff;
	_ =	sdelay $0x2  }
.Ltmp19:
0x19d: {  	(pc) =	sbr.rel @!p1 .LBB2_35-.Ltmp19, $4  }
0x19e: {  	_ = 	snop  }
0x19f: {  	s24 =	spop (v2sf)  }
0x1a0: {  	v5 =	vmax.f32 v5, v4;
	p2 =	sgt.f32 s24, $0.0e+00  }
0x1a1: {  	[tilespmem:v2+s14+$0x0] =	vst.idx.msk $0xffff, v5  }
.LBB2_36:
0x1a2: {  	_ =	sdelay $0x3  }
0x1a3: {  	v5 =	vld.idx.msk [tilespmem:v2+s13+$0x0], $0xffff  }
0x1a4: {  	v6 =	vld.idx.msk [tilespmem:v2+s14+$0x0], $0xffff;
	_ =	sdelay $0x4  }
0x1a5: {  	vm0 =	vlt.f32 v5, v3;
	vm1 =	vlt.f32 v6, v4  }
0x1a6: {  	vm2 =	vmor vm0, vm1  }
0x1a7: {  	v63 =	vsel vm2, $0x3F800000, v1  }
0x1a8: {  	(xrf0) =	vmax.scan.msk.f32 $0xffff, v63;
	_ =	sdelay $0x5  }
0x1a9: {  	v5, _, _ =	vpop (xrf0)  }
0x1aa: {  	(v2sf) =	vpush v5, $0xF;
	_ =	sdelay $0xb  }
0x1ab: {  	p1 =	por !p2, !p0;
	s19 =	simm.s32 $0x1  }
0x1ac: {  	s19 =	simm.s32 @p1 $0x0  }
0x1ad: {  	s19 =	sadd.s32 @p0 s19, s20  }
0x1ae: {  	s18 =	smov.u32 @p0 s19;
	s30 =	spop (v2sf)  }
0x1af: {  	s31 =	sshll.u32 s18, $0x4;
	p0 =	sgt.f32 s30, $0.0e+00  }
0x1b0: {  	s19 =	simm.s32 $0x1;
	[tilespmem:s31+$0x19A80] =	vst v2;
	v3 =	vnsel vm0, $0xFF800000, v3  }
0x1b1: {  	[tilespmem:s31+$0x1A100] =	vst v3;
	v3 =	vnsel vm1, $0xFF800000, v4;
	s19 =	simm.s32 @!p0 $0x0  }
0x1b2: {  	[tilespmem:s31+$0x1A780] =	vst v3;
	s19 =	sadd.s32 s19, s18  }
0x1b3: {  	p0 =	slt.s32 s19, $0x1  }
.Ltmp20:
0x1b4: {  	_ = 	snop;
	(pc) =	sbr.rel @p0 .LBB2_118-.Ltmp20, $1  }
0x1b5: {  	_ =	sdelay $0x3  }
0x1b6: {  	s22 =	simm.s32 $0x19A80  }
0x1b7: {  	v2 =	vld [tilespmem:s22+$0x0];
	_ =	sdelay $0x5  }
0x1b8: {  	s21 =	simm.s32 $0x1A100  }
0x1b9: {  	v3 =	vld [tilespmem:s21+$0x0]  }
0x1ba: {  	v5 =	vld.idx.msk [tilespmem:v2+s13+$0x0], $0xffff;
	_ =	sdelay $0x4  }
0x1bb: {  	s20 =	simm.s32 $0x1A780;
	v5 =	vmax.f32 v5, v3  }
0x1bc: {  	v4 =	vld [tilespmem:s20+$0x0];
	[tilespmem:v2+s13+$0x0] =	vst.idx.msk $0xffff, v5  }
0x1bd: {  	v5 =	vld.idx.msk [tilespmem:v2+s14+$0x0], $0xffff  }
0x1be: {  	p1 =	seq.s32 s19, $0x1  }
.Ltmp21:
0x1bf: {  	_ = 	snop;
	(pc) =	sbr.rel @p1 .LBB2_32-.Ltmp21, $3  }
0x1c0: {  	_ =	sdelay $0x1  }
0x1c1: {  	v5 =	vmax.f32 v5, v4  }
0x1c2: {  	s18 =	simm.s32 $0x0;
	p0 =	por $0x0, $0x0;
	s20 =	sadd.s32 $0xFFFFFFFF, s19;
	[tilespmem:v2+s14+$0x0] =	vst.idx.msk $0xffff, v5  }
0x1c3: {  	_ =	sdelay $0x3  }
0x1c4: {  	v5 =	vld.idx.msk [tilespmem:v2+s13+$0x0], $0xffff  }
0x1c5: {  	v6 =	vld.idx.msk [tilespmem:v2+s14+$0x0], $0xffff;
	_ =	sdelay $0x3  }
0x1c6: {  	vm0 =	vlt.f32 v5, v3  }
0x1c7: {  	s19 =	simm.s32 $0x0;
	vm1 =	vlt.f32 v6, v4;
	v3 =	vnsel vm0, $0xFF800000, v3  }
0x1c8: {  	vm0 =	vmor vm0, vm1;
	[tilespmem:s19+$0x1B480] =	vst v3;
	v3 =	vnsel vm1, $0xFF800000, v4  }
0x1c9: {  	[tilespmem:s19+$0x1BB00] =	vst v3;
	v3 =	vsel vm0, $0x3F800000, v1  }
0x1ca: {  	(xrf0) =	vmax.scan.msk.f32 $0xffff, v3  }
0x1cb: {  	[tilespmem:s19+$0x1AE00] =	vst v2;
	s19 =	simm.s32 $0x19A90  }
0x1cc: {  	v2 =	vld [tilespmem:s19+$0x0];
	_ =	sdelay $0x3  }
0x1cd: {  	v3, _, _ =	vpop (xrf0)  }
0x1ce: {  	(v2sf) =	vpush v3, $0xF  }
0x1cf: {  	s21 =	simm.s32 $0x1A110  }
0x1d0: {  	v3 =	vld [tilespmem:s21+$0x0]  }
0x1d1: {  	v5 =	vld.idx.msk [tilespmem:v2+s13+$0x0], $0xffff;
	_ =	sdelay $0x4  }
0x1d2: {  	s22 =	simm.s32 $0x1A790;
	v5 =	vmax.f32 v5, v3  }
0x1d3: {  	v4 =	vld [tilespmem:s22+$0x0];
	[tilespmem:v2+s13+$0x0] =	vst.idx.msk $0xffff, v5  }
0x1d4: {  	v5 =	vld.idx.msk [tilespmem:v2+s14+$0x0], $0xffff  }
0x1d5: {  	p1 =	seq.s32 s20, $0x1  }
.Ltmp22:
0x1d6: {  	_ = 	snop;
	(pc) =	sbr.rel @p1 .LBB2_41-.Ltmp22, $3  }
0x1d7: {  	_ =	sdelay $0x1  }
0x1d8: {  	s23 =	sadd.s32 $0xFFFFFFFF, s20;
	v5 =	vmax.f32 v5, v4;
	s31 =	spop (v2sf)  }
0x1d9: {  	p0 =	por $0x1, $0x1;
	s20 =	simm.s32 $0x0;
	[tilespmem:v2+s14+$0x0] =	vst.idx.msk $0xffff, v5;
	p2 =	sgt.f32 s31, $0.0e+00  }
.LBB2_42:
0x1da: {  	s24 =	simm.s32 $0x1  }
0x1db: {  	p1 =	seq.s32 s23, $0x1;
	s23 =	sadd.s32 $0xFFFFFFFF, s23;
	v5 =	vld.idx.msk [tilespmem:v2+s13+$0x0], $0xffff;
	s24 =	simm.s32 @!p2 $0x0  }
0x1dc: {  	v6 =	vld.idx.msk [tilespmem:v2+s14+$0x0], $0xffff;
	s20 =	sadd.s32 s24, s20;
	_ =	sdelay $0x4  }
0x1dd: {  	vm0 =	vlt.f32 v5, v3  }
0x1de: {  	s24 =	sshll.u32 s20, $0x4;
	v3 =	vnsel vm0, $0xFF800000, v3;
	vm1 =	vlt.f32 v6, v4  }
0x1df: {  	vm0 =	vmor vm0, vm1;
	[tilespmem:s24+$0x1B480] =	vst v3;
	v3 =	vnsel vm1, $0xFF800000, v4  }
0x1e0: {  	[tilespmem:s24+$0x1BB00] =	vst v3;
	v3 =	vsel vm0, $0x3F800000, v1  }
0x1e1: {  	s19 =	sadd.s32 $0x10, s19;
	[tilespmem:s24+$0x1AE00] =	vst v2;
	(xrf0) =	vmax.scan.msk.f32 $0xffff, v3  }
0x1e2: {  	v2 =	vld [tilespmem:s19+$0x0];
	_ =	sdelay $0x4  }
0x1e3: {  	v3, _, _ =	vpop (xrf0)  }
0x1e4: {  	(v2sf) =	vpush v3, $0xF;
	_ =	sdelay $0x1  }
0x1e5: {  	s21 =	sadd.s32 $0x10, s21;
	v5 =	vld.idx.msk [tilespmem:v2+s13+$0x0], $0xffff  }
0x1e6: {  	v3 =	vld [tilespmem:s21+$0x0];
	_ =	sdelay $0x3  }
0x1e7: {  	s22 =	sadd.s32 $0x10, s22  }
0x1e8: {  	v4 =	vld [tilespmem:s22+$0x0];
	v5 =	vmax.f32 v5, v3  }
0x1e9: {  	[tilespmem:v2+s13+$0x0] =	vst.idx.msk $0xffff, v5  }
0x1ea: {  	v5 =	vld.idx.msk [tilespmem:v2+s14+$0x0], $0xffff;
	_ =	sdelay $0x2  }
.Ltmp23:
0x1eb: {  	(pc) =	sbr.rel @!p1 .LBB2_42-.Ltmp23, $4  }
0x1ec: {  	_ = 	snop  }
0x1ed: {  	s24 =	spop (v2sf)  }
0x1ee: {  	v5 =	vmax.f32 v5, v4;
	p2 =	sgt.f32 s24, $0.0e+00  }
0x1ef: {  	[tilespmem:v2+s14+$0x0] =	vst.idx.msk $0xffff, v5  }
.LBB2_43:
0x1f0: {  	_ =	sdelay $0x3  }
0x1f1: {  	v5 =	vld.idx.msk [tilespmem:v2+s13+$0x0], $0xffff  }
0x1f2: {  	v6 =	vld.idx.msk [tilespmem:v2+s14+$0x0], $0xffff;
	_ =	sdelay $0x4  }
0x1f3: {  	vm0 =	vlt.f32 v5, v3;
	vm1 =	vlt.f32 v6, v4  }
0x1f4: {  	vm2 =	vmor vm0, vm1  }
0x1f5: {  	v63 =	vsel vm2, $0x3F800000, v1  }
0x1f6: {  	(xrf0) =	vmax.scan.msk.f32 $0xffff, v63;
	_ =	sdelay $0x5  }
0x1f7: {  	v5, _, _ =	vpop (xrf0)  }
0x1f8: {  	(v2sf) =	vpush v5, $0xF;
	_ =	sdelay $0xb  }
0x1f9: {  	p1 =	por !p2, !p0;
	s19 =	simm.s32 $0x1  }
0x1fa: {  	s19 =	simm.s32 @p1 $0x0  }
0x1fb: {  	s19 =	sadd.s32 @p0 s19, s20  }
0x1fc: {  	s18 =	smov.u32 @p0 s19;
	s30 =	spop (v2sf)  }
0x1fd: {  	s31 =	sshll.u32 s18, $0x4;
	p0 =	sgt.f32 s30, $0.0e+00  }
0x1fe: {  	s19 =	simm.s32 $0x1;
	[tilespmem:s31+$0x1AE00] =	vst v2;
	v3 =	vnsel vm0, $0xFF800000, v3  }
0x1ff: {  	[tilespmem:s31+$0x1B480] =	vst v3;
	v3 =	vnsel vm1, $0xFF800000, v4;
	s19 =	simm.s32 @!p0 $0x0  }
0x200: {  	[tilespmem:s31+$0x1BB00] =	vst v3;
	s19 =	sadd.s32 s19, s18  }
0x201: {  	p0 =	slt.s32 s19, $0x1  }
.Ltmp24:
0x202: {  	_ = 	snop;
	(pc) =	sbr.rel @p0 .LBB2_118-.Ltmp24, $1  }
0x203: {  	_ =	sdelay $0x3  }
0x204: {  	s22 =	simm.s32 $0x1AE00  }
0x205: {  	v2 =	vld [tilespmem:s22+$0x0];
	_ =	sdelay $0x5  }
0x206: {  	s21 =	simm.s32 $0x1B480  }
0x207: {  	v3 =	vld [tilespmem:s21+$0x0]  }
0x208: {  	v5 =	vld.idx.msk [tilespmem:v2+s13+$0x0], $0xffff;
	_ =	sdelay $0x4  }
0x209: {  	s20 =	simm.s32 $0x1BB00;
	v5 =	vmax.f32 v5, v3  }
0x20a: {  	v4 =	vld [tilespmem:s20+$0x0];
	[tilespmem:v2+s13+$0x0] =	vst.idx.msk $0xffff, v5  }
0x20b: {  	v5 =	vld.idx.msk [tilespmem:v2+s14+$0x0], $0xffff  }
0x20c: {  	p1 =	seq.s32 s19, $0x1  }
.Ltmp25:
0x20d: {  	_ = 	snop;
	(pc) =	sbr.rel @p1 .LBB2_39-.Ltmp25, $3  }
0x20e: {  	_ =	sdelay $0x1  }
0x20f: {  	v5 =	vmax.f32 v5, v4  }
0x210: {  	s18 =	simm.s32 $0x0;
	p0 =	por $0x0, $0x0;
	s20 =	sadd.s32 $0xFFFFFFFF, s19;
	[tilespmem:v2+s14+$0x0] =	vst.idx.msk $0xffff, v5  }
0x211: {  	_ =	sdelay $0x3  }
0x212: {  	v5 =	vld.idx.msk [tilespmem:v2+s13+$0x0], $0xffff  }
0x213: {  	v6 =	vld.idx.msk [tilespmem:v2+s14+$0x0], $0xffff;
	_ =	sdelay $0x3  }
0x214: {  	vm0 =	vlt.f32 v5, v3  }
0x215: {  	s19 =	simm.s32 $0x0;
	vm1 =	vlt.f32 v6, v4;
	v3 =	vnsel vm0, $0xFF800000, v3  }
0x216: {  	vm0 =	vmor vm0, vm1;
	[tilespmem:s19+$0x1A100] =	vst v3;
	v3 =	vnsel vm1, $0xFF800000, v4  }
0x217: {  	[tilespmem:s19+$0x1A780] =	vst v3;
	v3 =	vsel vm0, $0x3F800000, v1  }
0x218: {  	(xrf0) =	vmax.scan.msk.f32 $0xffff, v3  }
0x219: {  	[tilespmem:s19+$0x19A80] =	vst v2;
	s19 =	simm.s32 $0x1AE10  }
0x21a: {  	v2 =	vld [tilespmem:s19+$0x0];
	_ =	sdelay $0x3  }
0x21b: {  	v3, _, _ =	vpop (xrf0)  }
0x21c: {  	(v2sf) =	vpush v3, $0xF  }
0x21d: {  	s21 =	simm.s32 $0x1B490  }
0x21e: {  	v3 =	vld [tilespmem:s21+$0x0]  }
0x21f: {  	v5 =	vld.idx.msk [tilespmem:v2+s13+$0x0], $0xffff;
	_ =	sdelay $0x4  }
0x220: {  	s22 =	simm.s32 $0x1BB10;
	v5 =	vmax.f32 v5, v3  }
0x221: {  	v4 =	vld [tilespmem:s22+$0x0];
	[tilespmem:v2+s13+$0x0] =	vst.idx.msk $0xffff, v5  }
0x222: {  	v5 =	vld.idx.msk [tilespmem:v2+s14+$0x0], $0xffff  }
0x223: {  	p1 =	seq.s32 s20, $0x1  }
.Ltmp26:
0x224: {  	_ = 	snop;
	(pc) =	sbr.rel @p1 .LBB2_48-.Ltmp26, $3  }
0x225: {  	_ =	sdelay $0x1  }
0x226: {  	s23 =	sadd.s32 $0xFFFFFFFF, s20;
	v5 =	vmax.f32 v5, v4;
	s31 =	spop (v2sf)  }
0x227: {  	p0 =	por $0x1, $0x1;
	s20 =	simm.s32 $0x0;
	[tilespmem:v2+s14+$0x0] =	vst.idx.msk $0xffff, v5;
	p2 =	sgt.f32 s31, $0.0e+00  }
.LBB2_49:
0x228: {  	s24 =	simm.s32 $0x1  }
0x229: {  	p1 =	seq.s32 s23, $0x1;
	s23 =	sadd.s32 $0xFFFFFFFF, s23;
	v5 =	vld.idx.msk [tilespmem:v2+s13+$0x0], $0xffff;
	s24 =	simm.s32 @!p2 $0x0  }
0x22a: {  	v6 =	vld.idx.msk [tilespmem:v2+s14+$0x0], $0xffff;
	s20 =	sadd.s32 s24, s20;
	_ =	sdelay $0x4  }
0x22b: {  	vm0 =	vlt.f32 v5, v3  }
0x22c: {  	s24 =	sshll.u32 s20, $0x4;
	v3 =	vnsel vm0, $0xFF800000, v3;
	vm1 =	vlt.f32 v6, v4  }
0x22d: {  	vm0 =	vmor vm0, vm1;
	[tilespmem:s24+$0x1A100] =	vst v3;
	v3 =	vnsel vm1, $0xFF800000, v4  }
0x22e: {  	[tilespmem:s24+$0x1A780] =	vst v3;
	v3 =	vsel vm0, $0x3F800000, v1  }
0x22f: {  	s19 =	sadd.s32 $0x10, s19;
	[tilespmem:s24+$0x19A80] =	vst v2;
	(xrf0) =	vmax.scan.msk.f32 $0xffff, v3  }
0x230: {  	v2 =	vld [tilespmem:s19+$0x0];
	_ =	sdelay $0x4  }
0x231: {  	v3, _, _ =	vpop (xrf0)  }
0x232: {  	(v2sf) =	vpush v3, $0xF;
	_ =	sdelay $0x1  }
0x233: {  	s21 =	sadd.s32 $0x10, s21;
	v5 =	vld.idx.msk [tilespmem:v2+s13+$0x0], $0xffff  }
0x234: {  	v3 =	vld [tilespmem:s21+$0x0];
	_ =	sdelay $0x3  }
0x235: {  	s22 =	sadd.s32 $0x10, s22  }
0x236: {  	v4 =	vld [tilespmem:s22+$0x0];
	v5 =	vmax.f32 v5, v3  }
0x237: {  	[tilespmem:v2+s13+$0x0] =	vst.idx.msk $0xffff, v5  }
0x238: {  	v5 =	vld.idx.msk [tilespmem:v2+s14+$0x0], $0xffff;
	_ =	sdelay $0x2  }
.Ltmp27:
0x239: {  	(pc) =	sbr.rel @!p1 .LBB2_49-.Ltmp27, $4  }
0x23a: {  	_ = 	snop  }
0x23b: {  	s24 =	spop (v2sf)  }
0x23c: {  	v5 =	vmax.f32 v5, v4;
	p2 =	sgt.f32 s24, $0.0e+00  }
0x23d: {  	[tilespmem:v2+s14+$0x0] =	vst.idx.msk $0xffff, v5  }
.LBB2_50:
0x23e: {  	_ =	sdelay $0x3  }
0x23f: {  	v5 =	vld.idx.msk [tilespmem:v2+s13+$0x0], $0xffff  }
0x240: {  	v6 =	vld.idx.msk [tilespmem:v2+s14+$0x0], $0xffff;
	_ =	sdelay $0x4  }
0x241: {  	vm0 =	vlt.f32 v5, v3;
	vm1 =	vlt.f32 v6, v4  }
0x242: {  	vm2 =	vmor vm0, vm1  }
0x243: {  	v63 =	vsel vm2, $0x3F800000, v1  }
0x244: {  	(xrf0) =	vmax.scan.msk.f32 $0xffff, v63;
	_ =	sdelay $0x5  }
0x245: {  	v5, _, _ =	vpop (xrf0)  }
0x246: {  	(v2sf) =	vpush v5, $0xF;
	_ =	sdelay $0xb  }
0x247: {  	p1 =	por !p2, !p0;
	s19 =	simm.s32 $0x1  }
0x248: {  	s19 =	simm.s32 @p1 $0x0  }
0x249: {  	s19 =	sadd.s32 @p0 s19, s20  }
0x24a: {  	s18 =	smov.u32 @p0 s19;
	s30 =	spop (v2sf)  }
0x24b: {  	s31 =	sshll.u32 s18, $0x4;
	p0 =	sgt.f32 s30, $0.0e+00  }
0x24c: {  	s19 =	simm.s32 $0x1;
	[tilespmem:s31+$0x19A80] =	vst v2;
	v3 =	vnsel vm0, $0xFF800000, v3  }
0x24d: {  	[tilespmem:s31+$0x1A100] =	vst v3;
	v3 =	vnsel vm1, $0xFF800000, v4;
	s19 =	simm.s32 @!p0 $0x0  }
0x24e: {  	[tilespmem:s31+$0x1A780] =	vst v3;
	s19 =	sadd.s32 s19, s18  }
0x24f: {  	p0 =	slt.s32 s19, $0x1  }
.Ltmp28:
0x250: {  	_ = 	snop;
	(pc) =	sbr.rel @p0 .LBB2_118-.Ltmp28, $1  }
0x251: {  	_ =	sdelay $0x3  }
0x252: {  	s22 =	simm.s32 $0x19A80  }
0x253: {  	v2 =	vld [tilespmem:s22+$0x0];
	_ =	sdelay $0x5  }
0x254: {  	s21 =	simm.s32 $0x1A100  }
0x255: {  	v3 =	vld [tilespmem:s21+$0x0]  }
0x256: {  	v5 =	vld.idx.msk [tilespmem:v2+s13+$0x0], $0xffff;
	_ =	sdelay $0x4  }
0x257: {  	s20 =	simm.s32 $0x1A780;
	v5 =	vmax.f32 v5, v3  }
0x258: {  	v4 =	vld [tilespmem:s20+$0x0];
	[tilespmem:v2+s13+$0x0] =	vst.idx.msk $0xffff, v5  }
0x259: {  	v5 =	vld.idx.msk [tilespmem:v2+s14+$0x0], $0xffff  }
0x25a: {  	p1 =	seq.s32 s19, $0x1  }
.Ltmp29:
0x25b: {  	_ = 	snop;
	(pc) =	sbr.rel @p1 .LBB2_46-.Ltmp29, $3  }
0x25c: {  	_ =	sdelay $0x1  }
0x25d: {  	v5 =	vmax.f32 v5, v4  }
0x25e: {  	s18 =	simm.s32 $0x0;
	p0 =	por $0x0, $0x0;
	s20 =	sadd.s32 $0xFFFFFFFF, s19;
	[tilespmem:v2+s14+$0x0] =	vst.idx.msk $0xffff, v5  }
0x25f: {  	_ =	sdelay $0x3  }
0x260: {  	v5 =	vld.idx.msk [tilespmem:v2+s13+$0x0], $0xffff  }
0x261: {  	v6 =	vld.idx.msk [tilespmem:v2+s14+$0x0], $0xffff;
	_ =	sdelay $0x3  }
0x262: {  	vm0 =	vlt.f32 v5, v3  }
0x263: {  	s19 =	simm.s32 $0x0;
	vm1 =	vlt.f32 v6, v4;
	v3 =	vnsel vm0, $0xFF800000, v3  }
0x264: {  	vm0 =	vmor vm0, vm1;
	[tilespmem:s19+$0x1B480] =	vst v3;
	v3 =	vnsel vm1, $0xFF800000, v4  }
0x265: {  	[tilespmem:s19+$0x1BB00] =	vst v3;
	v3 =	vsel vm0, $0x3F800000, v1  }
0x266: {  	(xrf0) =	vmax.scan.msk.f32 $0xffff, v3  }
0x267: {  	[tilespmem:s19+$0x1AE00] =	vst v2;
	s19 =	simm.s32 $0x19A90  }
0x268: {  	v2 =	vld [tilespmem:s19+$0x0];
	_ =	sdelay $0x3  }
0x269: {  	v3, _, _ =	vpop (xrf0)  }
0x26a: {  	(v2sf) =	vpush v3, $0xF  }
0x26b: {  	s21 =	simm.s32 $0x1A110  }
0x26c: {  	v3 =	vld [tilespmem:s21+$0x0]  }
0x26d: {  	v5 =	vld.idx.msk [tilespmem:v2+s13+$0x0], $0xffff;
	_ =	sdelay $0x4  }
0x26e: {  	s22 =	simm.s32 $0x1A790;
	v5 =	vmax.f32 v5, v3  }
0x26f: {  	v4 =	vld [tilespmem:s22+$0x0];
	[tilespmem:v2+s13+$0x0] =	vst.idx.msk $0xffff, v5  }
0x270: {  	v5 =	vld.idx.msk [tilespmem:v2+s14+$0x0], $0xffff  }
0x271: {  	p1 =	seq.s32 s20, $0x1  }
.Ltmp30:
0x272: {  	_ = 	snop;
	(pc) =	sbr.rel @p1 .LBB2_55-.Ltmp30, $3  }
0x273: {  	_ =	sdelay $0x1  }
0x274: {  	s23 =	sadd.s32 $0xFFFFFFFF, s20;
	v5 =	vmax.f32 v5, v4;
	s31 =	spop (v2sf)  }
0x275: {  	p0 =	por $0x1, $0x1;
	s20 =	simm.s32 $0x0;
	[tilespmem:v2+s14+$0x0] =	vst.idx.msk $0xffff, v5;
	p2 =	sgt.f32 s31, $0.0e+00  }
.LBB2_56:
0x276: {  	s24 =	simm.s32 $0x1  }
0x277: {  	p1 =	seq.s32 s23, $0x1;
	s23 =	sadd.s32 $0xFFFFFFFF, s23;
	v5 =	vld.idx.msk [tilespmem:v2+s13+$0x0], $0xffff;
	s24 =	simm.s32 @!p2 $0x0  }
0x278: {  	v6 =	vld.idx.msk [tilespmem:v2+s14+$0x0], $0xffff;
	s20 =	sadd.s32 s24, s20;
	_ =	sdelay $0x4  }
0x279: {  	vm0 =	vlt.f32 v5, v3  }
0x27a: {  	s24 =	sshll.u32 s20, $0x4;
	v3 =	vnsel vm0, $0xFF800000, v3;
	vm1 =	vlt.f32 v6, v4  }
0x27b: {  	vm0 =	vmor vm0, vm1;
	[tilespmem:s24+$0x1B480] =	vst v3;
	v3 =	vnsel vm1, $0xFF800000, v4  }
0x27c: {  	[tilespmem:s24+$0x1BB00] =	vst v3;
	v3 =	vsel vm0, $0x3F800000, v1  }
0x27d: {  	s19 =	sadd.s32 $0x10, s19;
	[tilespmem:s24+$0x1AE00] =	vst v2;
	(xrf0) =	vmax.scan.msk.f32 $0xffff, v3  }
0x27e: {  	v2 =	vld [tilespmem:s19+$0x0];
	_ =	sdelay $0x4  }
0x27f: {  	v3, _, _ =	vpop (xrf0)  }
0x280: {  	(v2sf) =	vpush v3, $0xF;
	_ =	sdelay $0x1  }
0x281: {  	s21 =	sadd.s32 $0x10, s21;
	v5 =	vld.idx.msk [tilespmem:v2+s13+$0x0], $0xffff  }
0x282: {  	v3 =	vld [tilespmem:s21+$0x0];
	_ =	sdelay $0x3  }
0x283: {  	s22 =	sadd.s32 $0x10, s22  }
0x284: {  	v4 =	vld [tilespmem:s22+$0x0];
	v5 =	vmax.f32 v5, v3  }
0x285: {  	[tilespmem:v2+s13+$0x0] =	vst.idx.msk $0xffff, v5  }
0x286: {  	v5 =	vld.idx.msk [tilespmem:v2+s14+$0x0], $0xffff;
	_ =	sdelay $0x2  }
.Ltmp31:
0x287: {  	(pc) =	sbr.rel @!p1 .LBB2_56-.Ltmp31, $4  }
0x288: {  	_ = 	snop  }
0x289: {  	s24 =	spop (v2sf)  }
0x28a: {  	v5 =	vmax.f32 v5, v4;
	p2 =	sgt.f32 s24, $0.0e+00  }
0x28b: {  	[tilespmem:v2+s14+$0x0] =	vst.idx.msk $0xffff, v5  }
.LBB2_57:
0x28c: {  	_ =	sdelay $0x3  }
0x28d: {  	v5 =	vld.idx.msk [tilespmem:v2+s13+$0x0], $0xffff  }
0x28e: {  	v6 =	vld.idx.msk [tilespmem:v2+s14+$0x0], $0xffff;
	_ =	sdelay $0x4  }
0x28f: {  	vm0 =	vlt.f32 v5, v3;
	vm1 =	vlt.f32 v6, v4  }
0x290: {  	vm2 =	vmor vm0, vm1  }
0x291: {  	v63 =	vsel vm2, $0x3F800000, v1  }
0x292: {  	(xrf0) =	vmax.scan.msk.f32 $0xffff, v63;
	_ =	sdelay $0x5  }
0x293: {  	v5, _, _ =	vpop (xrf0)  }
0x294: {  	(v2sf) =	vpush v5, $0xF;
	_ =	sdelay $0xb  }
0x295: {  	p1 =	por !p2, !p0;
	s19 =	simm.s32 $0x1  }
0x296: {  	s19 =	simm.s32 @p1 $0x0  }
0x297: {  	s19 =	sadd.s32 @p0 s19, s20  }
0x298: {  	s18 =	smov.u32 @p0 s19;
	s30 =	spop (v2sf)  }
0x299: {  	s31 =	sshll.u32 s18, $0x4;
	p0 =	sgt.f32 s30, $0.0e+00  }
0x29a: {  	s19 =	simm.s32 $0x1;
	[tilespmem:s31+$0x1AE00] =	vst v2;
	v3 =	vnsel vm0, $0xFF800000, v3  }
0x29b: {  	[tilespmem:s31+$0x1B480] =	vst v3;
	v3 =	vnsel vm1, $0xFF800000, v4;
	s19 =	simm.s32 @!p0 $0x0  }
0x29c: {  	[tilespmem:s31+$0x1BB00] =	vst v3;
	s19 =	sadd.s32 s19, s18  }
0x29d: {  	p0 =	slt.s32 s19, $0x1  }
.Ltmp32:
0x29e: {  	_ = 	snop;
	(pc) =	sbr.rel @p0 .LBB2_118-.Ltmp32, $1  }
0x29f: {  	_ =	sdelay $0x3  }
0x2a0: {  	s22 =	simm.s32 $0x1AE00  }
0x2a1: {  	v2 =	vld [tilespmem:s22+$0x0];
	_ =	sdelay $0x5  }
0x2a2: {  	s21 =	simm.s32 $0x1B480  }
0x2a3: {  	v3 =	vld [tilespmem:s21+$0x0]  }
0x2a4: {  	v5 =	vld.idx.msk [tilespmem:v2+s13+$0x0], $0xffff;
	_ =	sdelay $0x4  }
0x2a5: {  	s20 =	simm.s32 $0x1BB00;
	v5 =	vmax.f32 v5, v3  }
0x2a6: {  	v4 =	vld [tilespmem:s20+$0x0];
	[tilespmem:v2+s13+$0x0] =	vst.idx.msk $0xffff, v5  }
0x2a7: {  	v5 =	vld.idx.msk [tilespmem:v2+s14+$0x0], $0xffff  }
0x2a8: {  	p1 =	seq.s32 s19, $0x1  }
.Ltmp33:
0x2a9: {  	_ = 	snop;
	(pc) =	sbr.rel @p1 .LBB2_53-.Ltmp33, $3  }
0x2aa: {  	_ =	sdelay $0x1  }
0x2ab: {  	v5 =	vmax.f32 v5, v4  }
0x2ac: {  	s18 =	simm.s32 $0x0;
	p0 =	por $0x0, $0x0;
	s20 =	sadd.s32 $0xFFFFFFFF, s19;
	[tilespmem:v2+s14+$0x0] =	vst.idx.msk $0xffff, v5  }
0x2ad: {  	_ =	sdelay $0x3  }
0x2ae: {  	v5 =	vld.idx.msk [tilespmem:v2+s13+$0x0], $0xffff  }
0x2af: {  	v6 =	vld.idx.msk [tilespmem:v2+s14+$0x0], $0xffff;
	_ =	sdelay $0x3  }
0x2b0: {  	vm0 =	vlt.f32 v5, v3  }
0x2b1: {  	s19 =	simm.s32 $0x0;
	vm1 =	vlt.f32 v6, v4;
	v3 =	vnsel vm0, $0xFF800000, v3  }
0x2b2: {  	vm0 =	vmor vm0, vm1;
	[tilespmem:s19+$0x1A100] =	vst v3;
	v3 =	vnsel vm1, $0xFF800000, v4  }
0x2b3: {  	[tilespmem:s19+$0x1A780] =	vst v3;
	v3 =	vsel vm0, $0x3F800000, v1  }
0x2b4: {  	(xrf0) =	vmax.scan.msk.f32 $0xffff, v3  }
0x2b5: {  	[tilespmem:s19+$0x19A80] =	vst v2;
	s19 =	simm.s32 $0x1AE10  }
0x2b6: {  	v2 =	vld [tilespmem:s19+$0x0];
	_ =	sdelay $0x3  }
0x2b7: {  	v3, _, _ =	vpop (xrf0)  }
0x2b8: {  	(v2sf) =	vpush v3, $0xF  }
0x2b9: {  	s21 =	simm.s32 $0x1B490  }
0x2ba: {  	v3 =	vld [tilespmem:s21+$0x0]  }
0x2bb: {  	v5 =	vld.idx.msk [tilespmem:v2+s13+$0x0], $0xffff;
	_ =	sdelay $0x4  }
0x2bc: {  	s22 =	simm.s32 $0x1BB10;
	v5 =	vmax.f32 v5, v3  }
0x2bd: {  	v4 =	vld [tilespmem:s22+$0x0];
	[tilespmem:v2+s13+$0x0] =	vst.idx.msk $0xffff, v5  }
0x2be: {  	v5 =	vld.idx.msk [tilespmem:v2+s14+$0x0], $0xffff  }
0x2bf: {  	p1 =	seq.s32 s20, $0x1  }
.Ltmp34:
0x2c0: {  	_ = 	snop;
	(pc) =	sbr.rel @p1 .LBB2_62-.Ltmp34, $3  }
0x2c1: {  	_ =	sdelay $0x1  }
0x2c2: {  	s23 =	sadd.s32 $0xFFFFFFFF, s20;
	v5 =	vmax.f32 v5, v4;
	s31 =	spop (v2sf)  }
0x2c3: {  	p0 =	por $0x1, $0x1;
	s20 =	simm.s32 $0x0;
	[tilespmem:v2+s14+$0x0] =	vst.idx.msk $0xffff, v5;
	p2 =	sgt.f32 s31, $0.0e+00  }
.LBB2_63:
0x2c4: {  	s24 =	simm.s32 $0x1  }
0x2c5: {  	p1 =	seq.s32 s23, $0x1;
	s23 =	sadd.s32 $0xFFFFFFFF, s23;
	v5 =	vld.idx.msk [tilespmem:v2+s13+$0x0], $0xffff;
	s24 =	simm.s32 @!p2 $0x0  }
0x2c6: {  	v6 =	vld.idx.msk [tilespmem:v2+s14+$0x0], $0xffff;
	s20 =	sadd.s32 s24, s20;
	_ =	sdelay $0x4  }
0x2c7: {  	vm0 =	vlt.f32 v5, v3  }
0x2c8: {  	s24 =	sshll.u32 s20, $0x4;
	v3 =	vnsel vm0, $0xFF800000, v3;
	vm1 =	vlt.f32 v6, v4  }
0x2c9: {  	vm0 =	vmor vm0, vm1;
	[tilespmem:s24+$0x1A100] =	vst v3;
	v3 =	vnsel vm1, $0xFF800000, v4  }
0x2ca: {  	[tilespmem:s24+$0x1A780] =	vst v3;
	v3 =	vsel vm0, $0x3F800000, v1  }
0x2cb: {  	s19 =	sadd.s32 $0x10, s19;
	[tilespmem:s24+$0x19A80] =	vst v2;
	(xrf0) =	vmax.scan.msk.f32 $0xffff, v3  }
0x2cc: {  	v2 =	vld [tilespmem:s19+$0x0];
	_ =	sdelay $0x4  }
0x2cd: {  	v3, _, _ =	vpop (xrf0)  }
0x2ce: {  	(v2sf) =	vpush v3, $0xF;
	_ =	sdelay $0x1  }
0x2cf: {  	s21 =	sadd.s32 $0x10, s21;
	v5 =	vld.idx.msk [tilespmem:v2+s13+$0x0], $0xffff  }
0x2d0: {  	v3 =	vld [tilespmem:s21+$0x0];
	_ =	sdelay $0x3  }
0x2d1: {  	s22 =	sadd.s32 $0x10, s22  }
0x2d2: {  	v4 =	vld [tilespmem:s22+$0x0];
	v5 =	vmax.f32 v5, v3  }
0x2d3: {  	[tilespmem:v2+s13+$0x0] =	vst.idx.msk $0xffff, v5  }
0x2d4: {  	v5 =	vld.idx.msk [tilespmem:v2+s14+$0x0], $0xffff;
	_ =	sdelay $0x2  }
.Ltmp35:
0x2d5: {  	(pc) =	sbr.rel @!p1 .LBB2_63-.Ltmp35, $4  }
0x2d6: {  	_ = 	snop  }
0x2d7: {  	s24 =	spop (v2sf)  }
0x2d8: {  	v5 =	vmax.f32 v5, v4;
	p2 =	sgt.f32 s24, $0.0e+00  }
0x2d9: {  	[tilespmem:v2+s14+$0x0] =	vst.idx.msk $0xffff, v5  }
.LBB2_64:
0x2da: {  	_ =	sdelay $0x3  }
0x2db: {  	v5 =	vld.idx.msk [tilespmem:v2+s13+$0x0], $0xffff  }
0x2dc: {  	v6 =	vld.idx.msk [tilespmem:v2+s14+$0x0], $0xffff;
	_ =	sdelay $0x4  }
0x2dd: {  	vm0 =	vlt.f32 v5, v3;
	vm1 =	vlt.f32 v6, v4  }
0x2de: {  	vm2 =	vmor vm0, vm1  }
0x2df: {  	v63 =	vsel vm2, $0x3F800000, v1  }
0x2e0: {  	(xrf0) =	vmax.scan.msk.f32 $0xffff, v63;
	_ =	sdelay $0x5  }
0x2e1: {  	v5, _, _ =	vpop (xrf0)  }
0x2e2: {  	(v2sf) =	vpush v5, $0xF;
	_ =	sdelay $0xb  }
0x2e3: {  	p1 =	por !p2, !p0;
	s19 =	simm.s32 $0x1  }
0x2e4: {  	s19 =	simm.s32 @p1 $0x0  }
0x2e5: {  	s19 =	sadd.s32 @p0 s19, s20  }
0x2e6: {  	s18 =	smov.u32 @p0 s19;
	s30 =	spop (v2sf)  }
0x2e7: {  	s31 =	sshll.u32 s18, $0x4;
	p0 =	sgt.f32 s30, $0.0e+00  }
0x2e8: {  	s19 =	simm.s32 $0x1;
	[tilespmem:s31+$0x19A80] =	vst v2;
	v3 =	vnsel vm0, $0xFF800000, v3  }
0x2e9: {  	[tilespmem:s31+$0x1A100] =	vst v3;
	v3 =	vnsel vm1, $0xFF800000, v4;
	s19 =	simm.s32 @!p0 $0x0  }
0x2ea: {  	[tilespmem:s31+$0x1A780] =	vst v3;
	s19 =	sadd.s32 s19, s18  }
0x2eb: {  	p0 =	slt.s32 s19, $0x1  }
.Ltmp36:
0x2ec: {  	_ = 	snop;
	(pc) =	sbr.rel @p0 .LBB2_118-.Ltmp36, $1  }
0x2ed: {  	_ =	sdelay $0x3  }
0x2ee: {  	s22 =	simm.s32 $0x19A80  }
0x2ef: {  	v2 =	vld [tilespmem:s22+$0x0];
	_ =	sdelay $0x5  }
0x2f0: {  	s21 =	simm.s32 $0x1A100  }
0x2f1: {  	v3 =	vld [tilespmem:s21+$0x0]  }
0x2f2: {  	v5 =	vld.idx.msk [tilespmem:v2+s13+$0x0], $0xffff;
	_ =	sdelay $0x4  }
0x2f3: {  	s20 =	simm.s32 $0x1A780;
	v5 =	vmax.f32 v5, v3  }
0x2f4: {  	v4 =	vld [tilespmem:s20+$0x0];
	[tilespmem:v2+s13+$0x0] =	vst.idx.msk $0xffff, v5  }
0x2f5: {  	v5 =	vld.idx.msk [tilespmem:v2+s14+$0x0], $0xffff  }
0x2f6: {  	p1 =	seq.s32 s19, $0x1  }
.Ltmp37:
0x2f7: {  	_ = 	snop;
	(pc) =	sbr.rel @p1 .LBB2_60-.Ltmp37, $3  }
0x2f8: {  	_ =	sdelay $0x1  }
0x2f9: {  	v5 =	vmax.f32 v5, v4  }
0x2fa: {  	s18 =	simm.s32 $0x0;
	p0 =	por $0x0, $0x0;
	s20 =	sadd.s32 $0xFFFFFFFF, s19;
	[tilespmem:v2+s14+$0x0] =	vst.idx.msk $0xffff, v5  }
0x2fb: {  	_ =	sdelay $0x3  }
0x2fc: {  	v5 =	vld.idx.msk [tilespmem:v2+s13+$0x0], $0xffff  }
0x2fd: {  	v6 =	vld.idx.msk [tilespmem:v2+s14+$0x0], $0xffff;
	_ =	sdelay $0x3  }
0x2fe: {  	vm0 =	vlt.f32 v5, v3  }
0x2ff: {  	s19 =	simm.s32 $0x0;
	vm1 =	vlt.f32 v6, v4;
	v3 =	vnsel vm0, $0xFF800000, v3  }
0x300: {  	vm0 =	vmor vm0, vm1;
	[tilespmem:s19+$0x1B480] =	vst v3;
	v3 =	vnsel vm1, $0xFF800000, v4  }
0x301: {  	[tilespmem:s19+$0x1BB00] =	vst v3;
	v3 =	vsel vm0, $0x3F800000, v1  }
0x302: {  	(xrf0) =	vmax.scan.msk.f32 $0xffff, v3  }
0x303: {  	[tilespmem:s19+$0x1AE00] =	vst v2;
	s19 =	simm.s32 $0x19A90  }
0x304: {  	v2 =	vld [tilespmem:s19+$0x0];
	_ =	sdelay $0x3  }
0x305: {  	v3, _, _ =	vpop (xrf0)  }
0x306: {  	(v2sf) =	vpush v3, $0xF  }
0x307: {  	s21 =	simm.s32 $0x1A110  }
0x308: {  	v3 =	vld [tilespmem:s21+$0x0]  }
0x309: {  	v5 =	vld.idx.msk [tilespmem:v2+s13+$0x0], $0xffff;
	_ =	sdelay $0x4  }
0x30a: {  	s22 =	simm.s32 $0x1A790;
	v5 =	vmax.f32 v5, v3  }
0x30b: {  	v4 =	vld [tilespmem:s22+$0x0];
	[tilespmem:v2+s13+$0x0] =	vst.idx.msk $0xffff, v5  }
0x30c: {  	v5 =	vld.idx.msk [tilespmem:v2+s14+$0x0], $0xffff  }
0x30d: {  	p1 =	seq.s32 s20, $0x1  }
.Ltmp38:
0x30e: {  	_ = 	snop;
	(pc) =	sbr.rel @p1 .LBB2_69-.Ltmp38, $3  }
0x30f: {  	_ =	sdelay $0x1  }
0x310: {  	s23 =	sadd.s32 $0xFFFFFFFF, s20;
	v5 =	vmax.f32 v5, v4;
	s31 =	spop (v2sf)  }
0x311: {  	p0 =	por $0x1, $0x1;
	s20 =	simm.s32 $0x0;
	[tilespmem:v2+s14+$0x0] =	vst.idx.msk $0xffff, v5;
	p2 =	sgt.f32 s31, $0.0e+00  }
.LBB2_70:
0x312: {  	s24 =	simm.s32 $0x1  }
0x313: {  	p1 =	seq.s32 s23, $0x1;
	s23 =	sadd.s32 $0xFFFFFFFF, s23;
	v5 =	vld.idx.msk [tilespmem:v2+s13+$0x0], $0xffff;
	s24 =	simm.s32 @!p2 $0x0  }
0x314: {  	v6 =	vld.idx.msk [tilespmem:v2+s14+$0x0], $0xffff;
	s20 =	sadd.s32 s24, s20;
	_ =	sdelay $0x4  }
0x315: {  	vm0 =	vlt.f32 v5, v3  }
0x316: {  	s24 =	sshll.u32 s20, $0x4;
	v3 =	vnsel vm0, $0xFF800000, v3;
	vm1 =	vlt.f32 v6, v4  }
0x317: {  	vm0 =	vmor vm0, vm1;
	[tilespmem:s24+$0x1B480] =	vst v3;
	v3 =	vnsel vm1, $0xFF800000, v4  }
0x318: {  	[tilespmem:s24+$0x1BB00] =	vst v3;
	v3 =	vsel vm0, $0x3F800000, v1  }
0x319: {  	s19 =	sadd.s32 $0x10, s19;
	[tilespmem:s24+$0x1AE00] =	vst v2;
	(xrf0) =	vmax.scan.msk.f32 $0xffff, v3  }
0x31a: {  	v2 =	vld [tilespmem:s19+$0x0];
	_ =	sdelay $0x4  }
0x31b: {  	v3, _, _ =	vpop (xrf0)  }
0x31c: {  	(v2sf) =	vpush v3, $0xF;
	_ =	sdelay $0x1  }
0x31d: {  	s21 =	sadd.s32 $0x10, s21;
	v5 =	vld.idx.msk [tilespmem:v2+s13+$0x0], $0xffff  }
0x31e: {  	v3 =	vld [tilespmem:s21+$0x0];
	_ =	sdelay $0x3  }
0x31f: {  	s22 =	sadd.s32 $0x10, s22  }
0x320: {  	v4 =	vld [tilespmem:s22+$0x0];
	v5 =	vmax.f32 v5, v3  }
0x321: {  	[tilespmem:v2+s13+$0x0] =	vst.idx.msk $0xffff, v5  }
0x322: {  	v5 =	vld.idx.msk [tilespmem:v2+s14+$0x0], $0xffff;
	_ =	sdelay $0x2  }
.Ltmp39:
0x323: {  	(pc) =	sbr.rel @!p1 .LBB2_70-.Ltmp39, $4  }
0x324: {  	_ = 	snop  }
0x325: {  	s24 =	spop (v2sf)  }
0x326: {  	v5 =	vmax.f32 v5, v4;
	p2 =	sgt.f32 s24, $0.0e+00  }
0x327: {  	[tilespmem:v2+s14+$0x0] =	vst.idx.msk $0xffff, v5  }
.LBB2_71:
0x328: {  	_ =	sdelay $0x3  }
0x329: {  	v5 =	vld.idx.msk [tilespmem:v2+s13+$0x0], $0xffff  }
0x32a: {  	v6 =	vld.idx.msk [tilespmem:v2+s14+$0x0], $0xffff;
	_ =	sdelay $0x4  }
0x32b: {  	vm0 =	vlt.f32 v5, v3;
	vm1 =	vlt.f32 v6, v4  }
0x32c: {  	vm2 =	vmor vm0, vm1  }
0x32d: {  	v63 =	vsel vm2, $0x3F800000, v1  }
0x32e: {  	(xrf0) =	vmax.scan.msk.f32 $0xffff, v63;
	_ =	sdelay $0x5  }
0x32f: {  	v5, _, _ =	vpop (xrf0)  }
0x330: {  	(v2sf) =	vpush v5, $0xF;
	_ =	sdelay $0xb  }
0x331: {  	p1 =	por !p2, !p0;
	s19 =	simm.s32 $0x1  }
0x332: {  	s19 =	simm.s32 @p1 $0x0  }
0x333: {  	s19 =	sadd.s32 @p0 s19, s20  }
0x334: {  	s18 =	smov.u32 @p0 s19;
	s30 =	spop (v2sf)  }
0x335: {  	s31 =	sshll.u32 s18, $0x4;
	p0 =	sgt.f32 s30, $0.0e+00  }
0x336: {  	s19 =	simm.s32 $0x1;
	[tilespmem:s31+$0x1AE00] =	vst v2;
	v3 =	vnsel vm0, $0xFF800000, v3  }
0x337: {  	[tilespmem:s31+$0x1B480] =	vst v3;
	v3 =	vnsel vm1, $0xFF800000, v4;
	s19 =	simm.s32 @!p0 $0x0  }
0x338: {  	[tilespmem:s31+$0x1BB00] =	vst v3;
	s19 =	sadd.s32 s19, s18  }
0x339: {  	p0 =	slt.s32 s19, $0x1  }
.Ltmp40:
0x33a: {  	_ = 	snop;
	(pc) =	sbr.rel @p0 .LBB2_118-.Ltmp40, $1  }
0x33b: {  	_ =	sdelay $0x3  }
0x33c: {  	s22 =	simm.s32 $0x1AE00  }
0x33d: {  	v2 =	vld [tilespmem:s22+$0x0];
	_ =	sdelay $0x5  }
0x33e: {  	s21 =	simm.s32 $0x1B480  }
0x33f: {  	v3 =	vld [tilespmem:s21+$0x0]  }
0x340: {  	v5 =	vld.idx.msk [tilespmem:v2+s13+$0x0], $0xffff;
	_ =	sdelay $0x4  }
0x341: {  	s20 =	simm.s32 $0x1BB00;
	v5 =	vmax.f32 v5, v3  }
0x342: {  	v4 =	vld [tilespmem:s20+$0x0];
	[tilespmem:v2+s13+$0x0] =	vst.idx.msk $0xffff, v5  }
0x343: {  	v5 =	vld.idx.msk [tilespmem:v2+s14+$0x0], $0xffff  }
0x344: {  	p1 =	seq.s32 s19, $0x1  }
.Ltmp41:
0x345: {  	_ = 	snop;
	(pc) =	sbr.rel @p1 .LBB2_67-.Ltmp41, $3  }
0x346: {  	_ =	sdelay $0x1  }
0x347: {  	v5 =	vmax.f32 v5, v4  }
0x348: {  	s18 =	simm.s32 $0x0;
	p0 =	por $0x0, $0x0;
	s20 =	sadd.s32 $0xFFFFFFFF, s19;
	[tilespmem:v2+s14+$0x0] =	vst.idx.msk $0xffff, v5  }
0x349: {  	_ =	sdelay $0x3  }
0x34a: {  	v5 =	vld.idx.msk [tilespmem:v2+s13+$0x0], $0xffff  }
0x34b: {  	v6 =	vld.idx.msk [tilespmem:v2+s14+$0x0], $0xffff;
	_ =	sdelay $0x3  }
0x34c: {  	vm0 =	vlt.f32 v5, v3  }
0x34d: {  	s19 =	simm.s32 $0x0;
	vm1 =	vlt.f32 v6, v4;
	v3 =	vnsel vm0, $0xFF800000, v3  }
0x34e: {  	vm0 =	vmor vm0, vm1;
	[tilespmem:s19+$0x1A100] =	vst v3;
	v3 =	vnsel vm1, $0xFF800000, v4  }
0x34f: {  	[tilespmem:s19+$0x1A780] =	vst v3;
	v3 =	vsel vm0, $0x3F800000, v1  }
0x350: {  	(xrf0) =	vmax.scan.msk.f32 $0xffff, v3  }
0x351: {  	[tilespmem:s19+$0x19A80] =	vst v2;
	s19 =	simm.s32 $0x1AE10  }
0x352: {  	v2 =	vld [tilespmem:s19+$0x0];
	_ =	sdelay $0x3  }
0x353: {  	v3, _, _ =	vpop (xrf0)  }
0x354: {  	(v2sf) =	vpush v3, $0xF  }
0x355: {  	s21 =	simm.s32 $0x1B490  }
0x356: {  	v3 =	vld [tilespmem:s21+$0x0]  }
0x357: {  	v5 =	vld.idx.msk [tilespmem:v2+s13+$0x0], $0xffff;
	_ =	sdelay $0x4  }
0x358: {  	s22 =	simm.s32 $0x1BB10;
	v5 =	vmax.f32 v5, v3  }
0x359: {  	v4 =	vld [tilespmem:s22+$0x0];
	[tilespmem:v2+s13+$0x0] =	vst.idx.msk $0xffff, v5  }
0x35a: {  	v5 =	vld.idx.msk [tilespmem:v2+s14+$0x0], $0xffff  }
0x35b: {  	p1 =	seq.s32 s20, $0x1  }
.Ltmp42:
0x35c: {  	_ = 	snop;
	(pc) =	sbr.rel @p1 .LBB2_76-.Ltmp42, $3  }
0x35d: {  	_ =	sdelay $0x1  }
0x35e: {  	s23 =	sadd.s32 $0xFFFFFFFF, s20;
	v5 =	vmax.f32 v5, v4;
	s31 =	spop (v2sf)  }
0x35f: {  	p0 =	por $0x1, $0x1;
	s20 =	simm.s32 $0x0;
	[tilespmem:v2+s14+$0x0] =	vst.idx.msk $0xffff, v5;
	p2 =	sgt.f32 s31, $0.0e+00  }
.LBB2_77:
0x360: {  	s24 =	simm.s32 $0x1  }
0x361: {  	p1 =	seq.s32 s23, $0x1;
	s23 =	sadd.s32 $0xFFFFFFFF, s23;
	v5 =	vld.idx.msk [tilespmem:v2+s13+$0x0], $0xffff;
	s24 =	simm.s32 @!p2 $0x0  }
0x362: {  	v6 =	vld.idx.msk [tilespmem:v2+s14+$0x0], $0xffff;
	s20 =	sadd.s32 s24, s20;
	_ =	sdelay $0x4  }
0x363: {  	vm0 =	vlt.f32 v5, v3  }
0x364: {  	s24 =	sshll.u32 s20, $0x4;
	v3 =	vnsel vm0, $0xFF800000, v3;
	vm1 =	vlt.f32 v6, v4  }
0x365: {  	vm0 =	vmor vm0, vm1;
	[tilespmem:s24+$0x1A100] =	vst v3;
	v3 =	vnsel vm1, $0xFF800000, v4  }
0x366: {  	[tilespmem:s24+$0x1A780] =	vst v3;
	v3 =	vsel vm0, $0x3F800000, v1  }
0x367: {  	s19 =	sadd.s32 $0x10, s19;
	[tilespmem:s24+$0x19A80] =	vst v2;
	(xrf0) =	vmax.scan.msk.f32 $0xffff, v3  }
0x368: {  	v2 =	vld [tilespmem:s19+$0x0];
	_ =	sdelay $0x4  }
0x369: {  	v3, _, _ =	vpop (xrf0)  }
0x36a: {  	(v2sf) =	vpush v3, $0xF;
	_ =	sdelay $0x1  }
0x36b: {  	s21 =	sadd.s32 $0x10, s21;
	v5 =	vld.idx.msk [tilespmem:v2+s13+$0x0], $0xffff  }
0x36c: {  	v3 =	vld [tilespmem:s21+$0x0];
	_ =	sdelay $0x3  }
0x36d: {  	s22 =	sadd.s32 $0x10, s22  }
0x36e: {  	v4 =	vld [tilespmem:s22+$0x0];
	v5 =	vmax.f32 v5, v3  }
0x36f: {  	[tilespmem:v2+s13+$0x0] =	vst.idx.msk $0xffff, v5  }
0x370: {  	v5 =	vld.idx.msk [tilespmem:v2+s14+$0x0], $0xffff;
	_ =	sdelay $0x2  }
.Ltmp43:
0x371: {  	(pc) =	sbr.rel @!p1 .LBB2_77-.Ltmp43, $4  }
0x372: {  	_ = 	snop  }
0x373: {  	s24 =	spop (v2sf)  }
0x374: {  	v5 =	vmax.f32 v5, v4;
	p2 =	sgt.f32 s24, $0.0e+00  }
0x375: {  	[tilespmem:v2+s14+$0x0] =	vst.idx.msk $0xffff, v5  }
.LBB2_78:
0x376: {  	_ =	sdelay $0x3  }
0x377: {  	v5 =	vld.idx.msk [tilespmem:v2+s13+$0x0], $0xffff  }
0x378: {  	v6 =	vld.idx.msk [tilespmem:v2+s14+$0x0], $0xffff;
	_ =	sdelay $0x4  }
0x379: {  	vm0 =	vlt.f32 v5, v3;
	vm1 =	vlt.f32 v6, v4  }
0x37a: {  	vm2 =	vmor vm0, vm1  }
0x37b: {  	v63 =	vsel vm2, $0x3F800000, v1  }
0x37c: {  	(xrf0) =	vmax.scan.msk.f32 $0xffff, v63;
	_ =	sdelay $0x5  }
0x37d: {  	v5, _, _ =	vpop (xrf0)  }
0x37e: {  	(v2sf) =	vpush v5, $0xF;
	_ =	sdelay $0xb  }
0x37f: {  	p1 =	por !p2, !p0;
	s19 =	simm.s32 $0x1  }
0x380: {  	s19 =	simm.s32 @p1 $0x0  }
0x381: {  	s19 =	sadd.s32 @p0 s19, s20  }
0x382: {  	s18 =	smov.u32 @p0 s19;
	s30 =	spop (v2sf)  }
0x383: {  	s31 =	sshll.u32 s18, $0x4;
	p0 =	sgt.f32 s30, $0.0e+00  }
0x384: {  	s19 =	simm.s32 $0x1;
	[tilespmem:s31+$0x19A80] =	vst v2;
	v3 =	vnsel vm0, $0xFF800000, v3  }
0x385: {  	[tilespmem:s31+$0x1A100] =	vst v3;
	v3 =	vnsel vm1, $0xFF800000, v4;
	s19 =	simm.s32 @!p0 $0x0  }
0x386: {  	[tilespmem:s31+$0x1A780] =	vst v3;
	s19 =	sadd.s32 s19, s18  }
0x387: {  	p0 =	slt.s32 s19, $0x1  }
.Ltmp44:
0x388: {  	_ = 	snop;
	(pc) =	sbr.rel @p0 .LBB2_118-.Ltmp44, $1  }
0x389: {  	_ =	sdelay $0x3  }
0x38a: {  	s22 =	simm.s32 $0x19A80  }
0x38b: {  	v2 =	vld [tilespmem:s22+$0x0];
	_ =	sdelay $0x5  }
0x38c: {  	s21 =	simm.s32 $0x1A100  }
0x38d: {  	v3 =	vld [tilespmem:s21+$0x0]  }
0x38e: {  	v5 =	vld.idx.msk [tilespmem:v2+s13+$0x0], $0xffff;
	_ =	sdelay $0x4  }
0x38f: {  	s20 =	simm.s32 $0x1A780;
	v5 =	vmax.f32 v5, v3  }
0x390: {  	v4 =	vld [tilespmem:s20+$0x0];
	[tilespmem:v2+s13+$0x0] =	vst.idx.msk $0xffff, v5  }
0x391: {  	v5 =	vld.idx.msk [tilespmem:v2+s14+$0x0], $0xffff  }
0x392: {  	p1 =	seq.s32 s19, $0x1  }
.Ltmp45:
0x393: {  	_ = 	snop;
	(pc) =	sbr.rel @p1 .LBB2_74-.Ltmp45, $3  }
0x394: {  	_ =	sdelay $0x1  }
0x395: {  	v5 =	vmax.f32 v5, v4  }
0x396: {  	s18 =	simm.s32 $0x0;
	p0 =	por $0x0, $0x0;
	s20 =	sadd.s32 $0xFFFFFFFF, s19;
	[tilespmem:v2+s14+$0x0] =	vst.idx.msk $0xffff, v5  }
0x397: {  	_ =	sdelay $0x3  }
0x398: {  	v5 =	vld.idx.msk [tilespmem:v2+s13+$0x0], $0xffff  }
0x399: {  	v6 =	vld.idx.msk [tilespmem:v2+s14+$0x0], $0xffff;
	_ =	sdelay $0x3  }
0x39a: {  	vm0 =	vlt.f32 v5, v3  }
0x39b: {  	s19 =	simm.s32 $0x0;
	vm1 =	vlt.f32 v6, v4;
	v3 =	vnsel vm0, $0xFF800000, v3  }
0x39c: {  	vm0 =	vmor vm0, vm1;
	[tilespmem:s19+$0x1B480] =	vst v3;
	v3 =	vnsel vm1, $0xFF800000, v4  }
0x39d: {  	[tilespmem:s19+$0x1BB00] =	vst v3;
	v3 =	vsel vm0, $0x3F800000, v1  }
0x39e: {  	(xrf0) =	vmax.scan.msk.f32 $0xffff, v3  }
0x39f: {  	[tilespmem:s19+$0x1AE00] =	vst v2;
	s19 =	simm.s32 $0x19A90  }
0x3a0: {  	v2 =	vld [tilespmem:s19+$0x0];
	_ =	sdelay $0x3  }
0x3a1: {  	v3, _, _ =	vpop (xrf0)  }
0x3a2: {  	(v2sf) =	vpush v3, $0xF  }
0x3a3: {  	s21 =	simm.s32 $0x1A110  }
0x3a4: {  	v3 =	vld [tilespmem:s21+$0x0]  }
0x3a5: {  	v5 =	vld.idx.msk [tilespmem:v2+s13+$0x0], $0xffff;
	_ =	sdelay $0x4  }
0x3a6: {  	s22 =	simm.s32 $0x1A790;
	v5 =	vmax.f32 v5, v3  }
0x3a7: {  	v4 =	vld [tilespmem:s22+$0x0];
	[tilespmem:v2+s13+$0x0] =	vst.idx.msk $0xffff, v5  }
0x3a8: {  	v5 =	vld.idx.msk [tilespmem:v2+s14+$0x0], $0xffff  }
0x3a9: {  	p1 =	seq.s32 s20, $0x1  }
.Ltmp46:
0x3aa: {  	_ = 	snop;
	(pc) =	sbr.rel @p1 .LBB2_83-.Ltmp46, $3  }
0x3ab: {  	_ =	sdelay $0x1  }
0x3ac: {  	s23 =	sadd.s32 $0xFFFFFFFF, s20;
	v5 =	vmax.f32 v5, v4;
	s31 =	spop (v2sf)  }
0x3ad: {  	p0 =	por $0x1, $0x1;
	s20 =	simm.s32 $0x0;
	[tilespmem:v2+s14+$0x0] =	vst.idx.msk $0xffff, v5;
	p2 =	sgt.f32 s31, $0.0e+00  }
.LBB2_84:
0x3ae: {  	s24 =	simm.s32 $0x1  }
0x3af: {  	p1 =	seq.s32 s23, $0x1;
	s23 =	sadd.s32 $0xFFFFFFFF, s23;
	v5 =	vld.idx.msk [tilespmem:v2+s13+$0x0], $0xffff;
	s24 =	simm.s32 @!p2 $0x0  }
0x3b0: {  	v6 =	vld.idx.msk [tilespmem:v2+s14+$0x0], $0xffff;
	s20 =	sadd.s32 s24, s20;
	_ =	sdelay $0x4  }
0x3b1: {  	vm0 =	vlt.f32 v5, v3  }
0x3b2: {  	s24 =	sshll.u32 s20, $0x4;
	v3 =	vnsel vm0, $0xFF800000, v3;
	vm1 =	vlt.f32 v6, v4  }
0x3b3: {  	vm0 =	vmor vm0, vm1;
	[tilespmem:s24+$0x1B480] =	vst v3;
	v3 =	vnsel vm1, $0xFF800000, v4  }
0x3b4: {  	[tilespmem:s24+$0x1BB00] =	vst v3;
	v3 =	vsel vm0, $0x3F800000, v1  }
0x3b5: {  	s19 =	sadd.s32 $0x10, s19;
	[tilespmem:s24+$0x1AE00] =	vst v2;
	(xrf0) =	vmax.scan.msk.f32 $0xffff, v3  }
0x3b6: {  	v2 =	vld [tilespmem:s19+$0x0];
	_ =	sdelay $0x4  }
0x3b7: {  	v3, _, _ =	vpop (xrf0)  }
0x3b8: {  	(v2sf) =	vpush v3, $0xF;
	_ =	sdelay $0x1  }
0x3b9: {  	s21 =	sadd.s32 $0x10, s21;
	v5 =	vld.idx.msk [tilespmem:v2+s13+$0x0], $0xffff  }
0x3ba: {  	v3 =	vld [tilespmem:s21+$0x0];
	_ =	sdelay $0x3  }
0x3bb: {  	s22 =	sadd.s32 $0x10, s22  }
0x3bc: {  	v4 =	vld [tilespmem:s22+$0x0];
	v5 =	vmax.f32 v5, v3  }
0x3bd: {  	[tilespmem:v2+s13+$0x0] =	vst.idx.msk $0xffff, v5  }
0x3be: {  	v5 =	vld.idx.msk [tilespmem:v2+s14+$0x0], $0xffff;
	_ =	sdelay $0x2  }
.Ltmp47:
0x3bf: {  	(pc) =	sbr.rel @!p1 .LBB2_84-.Ltmp47, $4  }
0x3c0: {  	_ = 	snop  }
0x3c1: {  	s24 =	spop (v2sf)  }
0x3c2: {  	v5 =	vmax.f32 v5, v4;
	p2 =	sgt.f32 s24, $0.0e+00  }
0x3c3: {  	[tilespmem:v2+s14+$0x0] =	vst.idx.msk $0xffff, v5  }
.LBB2_85:
0x3c4: {  	_ =	sdelay $0x3  }
0x3c5: {  	v5 =	vld.idx.msk [tilespmem:v2+s13+$0x0], $0xffff  }
0x3c6: {  	v6 =	vld.idx.msk [tilespmem:v2+s14+$0x0], $0xffff;
	_ =	sdelay $0x4  }
0x3c7: {  	vm0 =	vlt.f32 v5, v3;
	vm1 =	vlt.f32 v6, v4  }
0x3c8: {  	vm2 =	vmor vm0, vm1  }
0x3c9: {  	v63 =	vsel vm2, $0x3F800000, v1  }
0x3ca: {  	(xrf0) =	vmax.scan.msk.f32 $0xffff, v63;
	_ =	sdelay $0x5  }
0x3cb: {  	v5, _, _ =	vpop (xrf0)  }
0x3cc: {  	(v2sf) =	vpush v5, $0xF;
	_ =	sdelay $0xb  }
0x3cd: {  	p1 =	por !p2, !p0;
	s19 =	simm.s32 $0x1  }
0x3ce: {  	s19 =	simm.s32 @p1 $0x0  }
0x3cf: {  	s19 =	sadd.s32 @p0 s19, s20  }
0x3d0: {  	s18 =	smov.u32 @p0 s19;
	s30 =	spop (v2sf)  }
0x3d1: {  	s31 =	sshll.u32 s18, $0x4;
	p0 =	sgt.f32 s30, $0.0e+00  }
0x3d2: {  	s19 =	simm.s32 $0x1;
	[tilespmem:s31+$0x1AE00] =	vst v2;
	v3 =	vnsel vm0, $0xFF800000, v3  }
0x3d3: {  	[tilespmem:s31+$0x1B480] =	vst v3;
	v3 =	vnsel vm1, $0xFF800000, v4;
	s19 =	simm.s32 @!p0 $0x0  }
0x3d4: {  	[tilespmem:s31+$0x1BB00] =	vst v3;
	s19 =	sadd.s32 s19, s18  }
0x3d5: {  	p0 =	slt.s32 s19, $0x1  }
.Ltmp48:
0x3d6: {  	_ = 	snop;
	(pc) =	sbr.rel @p0 .LBB2_118-.Ltmp48, $1  }
0x3d7: {  	_ =	sdelay $0x3  }
0x3d8: {  	s22 =	simm.s32 $0x1AE00  }
0x3d9: {  	v2 =	vld [tilespmem:s22+$0x0];
	_ =	sdelay $0x5  }
0x3da: {  	s21 =	simm.s32 $0x1B480  }
0x3db: {  	v3 =	vld [tilespmem:s21+$0x0]  }
0x3dc: {  	v5 =	vld.idx.msk [tilespmem:v2+s13+$0x0], $0xffff;
	_ =	sdelay $0x4  }
0x3dd: {  	s20 =	simm.s32 $0x1BB00;
	v5 =	vmax.f32 v5, v3  }
0x3de: {  	v4 =	vld [tilespmem:s20+$0x0];
	[tilespmem:v2+s13+$0x0] =	vst.idx.msk $0xffff, v5  }
0x3df: {  	v5 =	vld.idx.msk [tilespmem:v2+s14+$0x0], $0xffff  }
0x3e0: {  	p1 =	seq.s32 s19, $0x1  }
.Ltmp49:
0x3e1: {  	_ = 	snop;
	(pc) =	sbr.rel @p1 .LBB2_81-.Ltmp49, $3  }
0x3e2: {  	_ =	sdelay $0x1  }
0x3e3: {  	v5 =	vmax.f32 v5, v4  }
0x3e4: {  	s18 =	simm.s32 $0x0;
	p0 =	por $0x0, $0x0;
	s20 =	sadd.s32 $0xFFFFFFFF, s19;
	[tilespmem:v2+s14+$0x0] =	vst.idx.msk $0xffff, v5  }
0x3e5: {  	_ =	sdelay $0x3  }
0x3e6: {  	v5 =	vld.idx.msk [tilespmem:v2+s13+$0x0], $0xffff  }
0x3e7: {  	v6 =	vld.idx.msk [tilespmem:v2+s14+$0x0], $0xffff;
	_ =	sdelay $0x3  }
0x3e8: {  	vm0 =	vlt.f32 v5, v3  }
0x3e9: {  	s19 =	simm.s32 $0x0;
	vm1 =	vlt.f32 v6, v4;
	v3 =	vnsel vm0, $0xFF800000, v3  }
0x3ea: {  	vm0 =	vmor vm0, vm1;
	[tilespmem:s19+$0x1A100] =	vst v3;
	v3 =	vnsel vm1, $0xFF800000, v4  }
0x3eb: {  	[tilespmem:s19+$0x1A780] =	vst v3;
	v3 =	vsel vm0, $0x3F800000, v1  }
0x3ec: {  	(xrf0) =	vmax.scan.msk.f32 $0xffff, v3  }
0x3ed: {  	[tilespmem:s19+$0x19A80] =	vst v2;
	s19 =	simm.s32 $0x1AE10  }
0x3ee: {  	v2 =	vld [tilespmem:s19+$0x0];
	_ =	sdelay $0x3  }
0x3ef: {  	v3, _, _ =	vpop (xrf0)  }
0x3f0: {  	(v2sf) =	vpush v3, $0xF  }
0x3f1: {  	s21 =	simm.s32 $0x1B490  }
0x3f2: {  	v3 =	vld [tilespmem:s21+$0x0]  }
0x3f3: {  	v5 =	vld.idx.msk [tilespmem:v2+s13+$0x0], $0xffff;
	_ =	sdelay $0x4  }
0x3f4: {  	s22 =	simm.s32 $0x1BB10;
	v5 =	vmax.f32 v5, v3  }
0x3f5: {  	v4 =	vld [tilespmem:s22+$0x0];
	[tilespmem:v2+s13+$0x0] =	vst.idx.msk $0xffff, v5  }
0x3f6: {  	v5 =	vld.idx.msk [tilespmem:v2+s14+$0x0], $0xffff  }
0x3f7: {  	p1 =	seq.s32 s20, $0x1  }
.Ltmp50:
0x3f8: {  	_ = 	snop;
	(pc) =	sbr.rel @p1 .LBB2_90-.Ltmp50, $3  }
0x3f9: {  	_ =	sdelay $0x1  }
0x3fa: {  	s23 =	sadd.s32 $0xFFFFFFFF, s20;
	v5 =	vmax.f32 v5, v4;
	s31 =	spop (v2sf)  }
0x3fb: {  	p0 =	por $0x1, $0x1;
	s20 =	simm.s32 $0x0;
	[tilespmem:v2+s14+$0x0] =	vst.idx.msk $0xffff, v5;
	p2 =	sgt.f32 s31, $0.0e+00  }
.LBB2_91:
0x3fc: {  	s24 =	simm.s32 $0x1  }
0x3fd: {  	p1 =	seq.s32 s23, $0x1;
	s23 =	sadd.s32 $0xFFFFFFFF, s23;
	v5 =	vld.idx.msk [tilespmem:v2+s13+$0x0], $0xffff;
	s24 =	simm.s32 @!p2 $0x0  }
0x3fe: {  	v6 =	vld.idx.msk [tilespmem:v2+s14+$0x0], $0xffff;
	s20 =	sadd.s32 s24, s20;
	_ =	sdelay $0x4  }
0x3ff: {  	vm0 =	vlt.f32 v5, v3  }
0x400: {  	s24 =	sshll.u32 s20, $0x4;
	v3 =	vnsel vm0, $0xFF800000, v3;
	vm1 =	vlt.f32 v6, v4  }
0x401: {  	vm0 =	vmor vm0, vm1;
	[tilespmem:s24+$0x1A100] =	vst v3;
	v3 =	vnsel vm1, $0xFF800000, v4  }
0x402: {  	[tilespmem:s24+$0x1A780] =	vst v3;
	v3 =	vsel vm0, $0x3F800000, v1  }
0x403: {  	s19 =	sadd.s32 $0x10, s19;
	[tilespmem:s24+$0x19A80] =	vst v2;
	(xrf0) =	vmax.scan.msk.f32 $0xffff, v3  }
0x404: {  	v2 =	vld [tilespmem:s19+$0x0];
	_ =	sdelay $0x4  }
0x405: {  	v3, _, _ =	vpop (xrf0)  }
0x406: {  	(v2sf) =	vpush v3, $0xF;
	_ =	sdelay $0x1  }
0x407: {  	s21 =	sadd.s32 $0x10, s21;
	v5 =	vld.idx.msk [tilespmem:v2+s13+$0x0], $0xffff  }
0x408: {  	v3 =	vld [tilespmem:s21+$0x0];
	_ =	sdelay $0x3  }
0x409: {  	s22 =	sadd.s32 $0x10, s22  }
0x40a: {  	v4 =	vld [tilespmem:s22+$0x0];
	v5 =	vmax.f32 v5, v3  }
0x40b: {  	[tilespmem:v2+s13+$0x0] =	vst.idx.msk $0xffff, v5  }
0x40c: {  	v5 =	vld.idx.msk [tilespmem:v2+s14+$0x0], $0xffff;
	_ =	sdelay $0x2  }
.Ltmp51:
0x40d: {  	(pc) =	sbr.rel @!p1 .LBB2_91-.Ltmp51, $4  }
0x40e: {  	_ = 	snop  }
0x40f: {  	s24 =	spop (v2sf)  }
0x410: {  	v5 =	vmax.f32 v5, v4;
	p2 =	sgt.f32 s24, $0.0e+00  }
0x411: {  	[tilespmem:v2+s14+$0x0] =	vst.idx.msk $0xffff, v5  }
.LBB2_92:
0x412: {  	_ =	sdelay $0x3  }
0x413: {  	v5 =	vld.idx.msk [tilespmem:v2+s13+$0x0], $0xffff  }
0x414: {  	v6 =	vld.idx.msk [tilespmem:v2+s14+$0x0], $0xffff;
	_ =	sdelay $0x4  }
0x415: {  	vm0 =	vlt.f32 v5, v3;
	vm1 =	vlt.f32 v6, v4  }
0x416: {  	vm2 =	vmor vm0, vm1  }
0x417: {  	v63 =	vsel vm2, $0x3F800000, v1  }
0x418: {  	(xrf0) =	vmax.scan.msk.f32 $0xffff, v63;
	_ =	sdelay $0x5  }
0x419: {  	v5, _, _ =	vpop (xrf0)  }
0x41a: {  	(v2sf) =	vpush v5, $0xF;
	_ =	sdelay $0xb  }
0x41b: {  	p1 =	por !p2, !p0;
	s19 =	simm.s32 $0x1  }
0x41c: {  	s19 =	simm.s32 @p1 $0x0  }
0x41d: {  	s19 =	sadd.s32 @p0 s19, s20  }
0x41e: {  	s18 =	smov.u32 @p0 s19;
	s30 =	spop (v2sf)  }
0x41f: {  	s31 =	sshll.u32 s18, $0x4;
	p0 =	sgt.f32 s30, $0.0e+00  }
0x420: {  	s19 =	simm.s32 $0x1;
	[tilespmem:s31+$0x19A80] =	vst v2;
	v3 =	vnsel vm0, $0xFF800000, v3  }
0x421: {  	[tilespmem:s31+$0x1A100] =	vst v3;
	v3 =	vnsel vm1, $0xFF800000, v4;
	s19 =	simm.s32 @!p0 $0x0  }
0x422: {  	[tilespmem:s31+$0x1A780] =	vst v3;
	s19 =	sadd.s32 s19, s18  }
0x423: {  	p0 =	slt.s32 s19, $0x1  }
.Ltmp52:
0x424: {  	_ = 	snop;
	(pc) =	sbr.rel @p0 .LBB2_118-.Ltmp52, $1  }
0x425: {  	_ =	sdelay $0x3  }
0x426: {  	s22 =	simm.s32 $0x19A80  }
0x427: {  	v2 =	vld [tilespmem:s22+$0x0];
	_ =	sdelay $0x5  }
0x428: {  	s21 =	simm.s32 $0x1A100  }
0x429: {  	v3 =	vld [tilespmem:s21+$0x0]  }
0x42a: {  	v5 =	vld.idx.msk [tilespmem:v2+s13+$0x0], $0xffff;
	_ =	sdelay $0x4  }
0x42b: {  	s20 =	simm.s32 $0x1A780;
	v5 =	vmax.f32 v5, v3  }
0x42c: {  	v4 =	vld [tilespmem:s20+$0x0];
	[tilespmem:v2+s13+$0x0] =	vst.idx.msk $0xffff, v5  }
0x42d: {  	v5 =	vld.idx.msk [tilespmem:v2+s14+$0x0], $0xffff  }
0x42e: {  	p1 =	seq.s32 s19, $0x1  }
.Ltmp53:
0x42f: {  	_ = 	snop;
	(pc) =	sbr.rel @p1 .LBB2_88-.Ltmp53, $3  }
0x430: {  	_ =	sdelay $0x1  }
0x431: {  	v5 =	vmax.f32 v5, v4  }
0x432: {  	s18 =	simm.s32 $0x0;
	p0 =	por $0x0, $0x0;
	s20 =	sadd.s32 $0xFFFFFFFF, s19;
	[tilespmem:v2+s14+$0x0] =	vst.idx.msk $0xffff, v5  }
0x433: {  	_ =	sdelay $0x3  }
0x434: {  	v5 =	vld.idx.msk [tilespmem:v2+s13+$0x0], $0xffff  }
0x435: {  	v6 =	vld.idx.msk [tilespmem:v2+s14+$0x0], $0xffff;
	_ =	sdelay $0x3  }
0x436: {  	vm0 =	vlt.f32 v5, v3  }
0x437: {  	s19 =	simm.s32 $0x0;
	vm1 =	vlt.f32 v6, v4;
	v3 =	vnsel vm0, $0xFF800000, v3  }
0x438: {  	vm0 =	vmor vm0, vm1;
	[tilespmem:s19+$0x1B480] =	vst v3;
	v3 =	vnsel vm1, $0xFF800000, v4  }
0x439: {  	[tilespmem:s19+$0x1BB00] =	vst v3;
	v3 =	vsel vm0, $0x3F800000, v1  }
0x43a: {  	(xrf0) =	vmax.scan.msk.f32 $0xffff, v3  }
0x43b: {  	[tilespmem:s19+$0x1AE00] =	vst v2;
	s19 =	simm.s32 $0x19A90  }
0x43c: {  	v2 =	vld [tilespmem:s19+$0x0];
	_ =	sdelay $0x3  }
0x43d: {  	v3, _, _ =	vpop (xrf0)  }
0x43e: {  	(v2sf) =	vpush v3, $0xF  }
0x43f: {  	s21 =	simm.s32 $0x1A110  }
0x440: {  	v3 =	vld [tilespmem:s21+$0x0]  }
0x441: {  	v5 =	vld.idx.msk [tilespmem:v2+s13+$0x0], $0xffff;
	_ =	sdelay $0x4  }
0x442: {  	s22 =	simm.s32 $0x1A790;
	v5 =	vmax.f32 v5, v3  }
0x443: {  	v4 =	vld [tilespmem:s22+$0x0];
	[tilespmem:v2+s13+$0x0] =	vst.idx.msk $0xffff, v5  }
0x444: {  	v5 =	vld.idx.msk [tilespmem:v2+s14+$0x0], $0xffff  }
0x445: {  	p1 =	seq.s32 s20, $0x1  }
.Ltmp54:
0x446: {  	_ = 	snop;
	(pc) =	sbr.rel @p1 .LBB2_97-.Ltmp54, $3  }
0x447: {  	_ =	sdelay $0x1  }
0x448: {  	s23 =	sadd.s32 $0xFFFFFFFF, s20;
	v5 =	vmax.f32 v5, v4;
	s31 =	spop (v2sf)  }
0x449: {  	p0 =	por $0x1, $0x1;
	s20 =	simm.s32 $0x0;
	[tilespmem:v2+s14+$0x0] =	vst.idx.msk $0xffff, v5;
	p2 =	sgt.f32 s31, $0.0e+00  }
.LBB2_98:
0x44a: {  	s24 =	simm.s32 $0x1  }
0x44b: {  	p1 =	seq.s32 s23, $0x1;
	s23 =	sadd.s32 $0xFFFFFFFF, s23;
	v5 =	vld.idx.msk [tilespmem:v2+s13+$0x0], $0xffff;
	s24 =	simm.s32 @!p2 $0x0  }
0x44c: {  	v6 =	vld.idx.msk [tilespmem:v2+s14+$0x0], $0xffff;
	s20 =	sadd.s32 s24, s20;
	_ =	sdelay $0x4  }
0x44d: {  	vm0 =	vlt.f32 v5, v3  }
0x44e: {  	s24 =	sshll.u32 s20, $0x4;
	v3 =	vnsel vm0, $0xFF800000, v3;
	vm1 =	vlt.f32 v6, v4  }
0x44f: {  	vm0 =	vmor vm0, vm1;
	[tilespmem:s24+$0x1B480] =	vst v3;
	v3 =	vnsel vm1, $0xFF800000, v4  }
0x450: {  	[tilespmem:s24+$0x1BB00] =	vst v3;
	v3 =	vsel vm0, $0x3F800000, v1  }
0x451: {  	s19 =	sadd.s32 $0x10, s19;
	[tilespmem:s24+$0x1AE00] =	vst v2;
	(xrf0) =	vmax.scan.msk.f32 $0xffff, v3  }
0x452: {  	v2 =	vld [tilespmem:s19+$0x0];
	_ =	sdelay $0x4  }
0x453: {  	v3, _, _ =	vpop (xrf0)  }
0x454: {  	(v2sf) =	vpush v3, $0xF;
	_ =	sdelay $0x1  }
0x455: {  	s21 =	sadd.s32 $0x10, s21;
	v5 =	vld.idx.msk [tilespmem:v2+s13+$0x0], $0xffff  }
0x456: {  	v3 =	vld [tilespmem:s21+$0x0];
	_ =	sdelay $0x3  }
0x457: {  	s22 =	sadd.s32 $0x10, s22  }
0x458: {  	v4 =	vld [tilespmem:s22+$0x0];
	v5 =	vmax.f32 v5, v3  }
0x459: {  	[tilespmem:v2+s13+$0x0] =	vst.idx.msk $0xffff, v5  }
0x45a: {  	v5 =	vld.idx.msk [tilespmem:v2+s14+$0x0], $0xffff;
	_ =	sdelay $0x2  }
.Ltmp55:
0x45b: {  	(pc) =	sbr.rel @!p1 .LBB2_98-.Ltmp55, $4  }
0x45c: {  	_ = 	snop  }
0x45d: {  	s24 =	spop (v2sf)  }
0x45e: {  	v5 =	vmax.f32 v5, v4;
	p2 =	sgt.f32 s24, $0.0e+00  }
0x45f: {  	[tilespmem:v2+s14+$0x0] =	vst.idx.msk $0xffff, v5  }
.LBB2_99:
0x460: {  	_ =	sdelay $0x3  }
0x461: {  	v5 =	vld.idx.msk [tilespmem:v2+s13+$0x0], $0xffff  }
0x462: {  	v6 =	vld.idx.msk [tilespmem:v2+s14+$0x0], $0xffff;
	_ =	sdelay $0x4  }
0x463: {  	vm0 =	vlt.f32 v5, v3;
	vm1 =	vlt.f32 v6, v4  }
0x464: {  	vm2 =	vmor vm0, vm1  }
0x465: {  	v63 =	vsel vm2, $0x3F800000, v1  }
0x466: {  	(xrf0) =	vmax.scan.msk.f32 $0xffff, v63;
	_ =	sdelay $0x5  }
0x467: {  	v5, _, _ =	vpop (xrf0)  }
0x468: {  	(v2sf) =	vpush v5, $0xF;
	_ =	sdelay $0xb  }
0x469: {  	p1 =	por !p2, !p0;
	s19 =	simm.s32 $0x1  }
0x46a: {  	s19 =	simm.s32 @p1 $0x0  }
0x46b: {  	s19 =	sadd.s32 @p0 s19, s20  }
0x46c: {  	s18 =	smov.u32 @p0 s19;
	s30 =	spop (v2sf)  }
0x46d: {  	s31 =	sshll.u32 s18, $0x4;
	p0 =	sgt.f32 s30, $0.0e+00  }
0x46e: {  	s19 =	simm.s32 $0x1;
	[tilespmem:s31+$0x1AE00] =	vst v2;
	v3 =	vnsel vm0, $0xFF800000, v3  }
0x46f: {  	[tilespmem:s31+$0x1B480] =	vst v3;
	v3 =	vnsel vm1, $0xFF800000, v4;
	s19 =	simm.s32 @!p0 $0x0  }
0x470: {  	[tilespmem:s31+$0x1BB00] =	vst v3;
	s19 =	sadd.s32 s19, s18  }
0x471: {  	p0 =	slt.s32 s19, $0x1  }
.Ltmp56:
0x472: {  	_ = 	snop;
	(pc) =	sbr.rel @p0 .LBB2_118-.Ltmp56, $1  }
0x473: {  	_ =	sdelay $0x3  }
0x474: {  	s22 =	simm.s32 $0x1AE00  }
0x475: {  	v2 =	vld [tilespmem:s22+$0x0];
	_ =	sdelay $0x5  }
0x476: {  	s21 =	simm.s32 $0x1B480  }
0x477: {  	v3 =	vld [tilespmem:s21+$0x0]  }
0x478: {  	v5 =	vld.idx.msk [tilespmem:v2+s13+$0x0], $0xffff;
	_ =	sdelay $0x4  }
0x479: {  	s20 =	simm.s32 $0x1BB00;
	v5 =	vmax.f32 v5, v3  }
0x47a: {  	v4 =	vld [tilespmem:s20+$0x0];
	[tilespmem:v2+s13+$0x0] =	vst.idx.msk $0xffff, v5  }
0x47b: {  	v5 =	vld.idx.msk [tilespmem:v2+s14+$0x0], $0xffff  }
0x47c: {  	p1 =	seq.s32 s19, $0x1  }
.Ltmp57:
0x47d: {  	_ = 	snop;
	(pc) =	sbr.rel @p1 .LBB2_95-.Ltmp57, $3  }
0x47e: {  	_ =	sdelay $0x1  }
0x47f: {  	v5 =	vmax.f32 v5, v4  }
0x480: {  	s18 =	simm.s32 $0x0;
	p0 =	por $0x0, $0x0;
	s20 =	sadd.s32 $0xFFFFFFFF, s19;
	[tilespmem:v2+s14+$0x0] =	vst.idx.msk $0xffff, v5  }
0x481: {  	_ =	sdelay $0x3  }
0x482: {  	v5 =	vld.idx.msk [tilespmem:v2+s13+$0x0], $0xffff  }
0x483: {  	v6 =	vld.idx.msk [tilespmem:v2+s14+$0x0], $0xffff;
	_ =	sdelay $0x3  }
0x484: {  	vm0 =	vlt.f32 v5, v3  }
0x485: {  	s19 =	simm.s32 $0x0;
	vm1 =	vlt.f32 v6, v4;
	v3 =	vnsel vm0, $0xFF800000, v3  }
0x486: {  	vm0 =	vmor vm0, vm1;
	[tilespmem:s19+$0x1A100] =	vst v3;
	v3 =	vnsel vm1, $0xFF800000, v4  }
0x487: {  	[tilespmem:s19+$0x1A780] =	vst v3;
	v3 =	vsel vm0, $0x3F800000, v1  }
0x488: {  	(xrf0) =	vmax.scan.msk.f32 $0xffff, v3  }
0x489: {  	[tilespmem:s19+$0x19A80] =	vst v2;
	s19 =	simm.s32 $0x1AE10  }
0x48a: {  	v2 =	vld [tilespmem:s19+$0x0];
	_ =	sdelay $0x3  }
0x48b: {  	v3, _, _ =	vpop (xrf0)  }
0x48c: {  	(v2sf) =	vpush v3, $0xF  }
0x48d: {  	s21 =	simm.s32 $0x1B490  }
0x48e: {  	v3 =	vld [tilespmem:s21+$0x0]  }
0x48f: {  	v5 =	vld.idx.msk [tilespmem:v2+s13+$0x0], $0xffff;
	_ =	sdelay $0x4  }
0x490: {  	s22 =	simm.s32 $0x1BB10;
	v5 =	vmax.f32 v5, v3  }
0x491: {  	v4 =	vld [tilespmem:s22+$0x0];
	[tilespmem:v2+s13+$0x0] =	vst.idx.msk $0xffff, v5  }
0x492: {  	v5 =	vld.idx.msk [tilespmem:v2+s14+$0x0], $0xffff  }
0x493: {  	p1 =	seq.s32 s20, $0x1  }
.Ltmp58:
0x494: {  	_ = 	snop;
	(pc) =	sbr.rel @p1 .LBB2_104-.Ltmp58, $3  }
0x495: {  	_ =	sdelay $0x1  }
0x496: {  	s23 =	sadd.s32 $0xFFFFFFFF, s20;
	v5 =	vmax.f32 v5, v4;
	s31 =	spop (v2sf)  }
0x497: {  	p0 =	por $0x1, $0x1;
	s20 =	simm.s32 $0x0;
	[tilespmem:v2+s14+$0x0] =	vst.idx.msk $0xffff, v5;
	p2 =	sgt.f32 s31, $0.0e+00  }
.LBB2_105:
0x498: {  	s24 =	simm.s32 $0x1  }
0x499: {  	p1 =	seq.s32 s23, $0x1;
	s23 =	sadd.s32 $0xFFFFFFFF, s23;
	v5 =	vld.idx.msk [tilespmem:v2+s13+$0x0], $0xffff;
	s24 =	simm.s32 @!p2 $0x0  }
0x49a: {  	v6 =	vld.idx.msk [tilespmem:v2+s14+$0x0], $0xffff;
	s20 =	sadd.s32 s24, s20;
	_ =	sdelay $0x4  }
0x49b: {  	vm0 =	vlt.f32 v5, v3  }
0x49c: {  	s24 =	sshll.u32 s20, $0x4;
	v3 =	vnsel vm0, $0xFF800000, v3;
	vm1 =	vlt.f32 v6, v4  }
0x49d: {  	vm0 =	vmor vm0, vm1;
	[tilespmem:s24+$0x1A100] =	vst v3;
	v3 =	vnsel vm1, $0xFF800000, v4  }
0x49e: {  	[tilespmem:s24+$0x1A780] =	vst v3;
	v3 =	vsel vm0, $0x3F800000, v1  }
0x49f: {  	s19 =	sadd.s32 $0x10, s19;
	[tilespmem:s24+$0x19A80] =	vst v2;
	(xrf0) =	vmax.scan.msk.f32 $0xffff, v3  }
0x4a0: {  	v2 =	vld [tilespmem:s19+$0x0];
	_ =	sdelay $0x4  }
0x4a1: {  	v3, _, _ =	vpop (xrf0)  }
0x4a2: {  	(v2sf) =	vpush v3, $0xF;
	_ =	sdelay $0x1  }
0x4a3: {  	s21 =	sadd.s32 $0x10, s21;
	v5 =	vld.idx.msk [tilespmem:v2+s13+$0x0], $0xffff  }
0x4a4: {  	v3 =	vld [tilespmem:s21+$0x0];
	_ =	sdelay $0x3  }
0x4a5: {  	s22 =	sadd.s32 $0x10, s22  }
0x4a6: {  	v4 =	vld [tilespmem:s22+$0x0];
	v5 =	vmax.f32 v5, v3  }
0x4a7: {  	[tilespmem:v2+s13+$0x0] =	vst.idx.msk $0xffff, v5  }
0x4a8: {  	v5 =	vld.idx.msk [tilespmem:v2+s14+$0x0], $0xffff;
	_ =	sdelay $0x2  }
.Ltmp59:
0x4a9: {  	(pc) =	sbr.rel @!p1 .LBB2_105-.Ltmp59, $4  }
0x4aa: {  	_ = 	snop  }
0x4ab: {  	s24 =	spop (v2sf)  }
0x4ac: {  	v5 =	vmax.f32 v5, v4;
	p2 =	sgt.f32 s24, $0.0e+00  }
0x4ad: {  	[tilespmem:v2+s14+$0x0] =	vst.idx.msk $0xffff, v5  }
.LBB2_106:
0x4ae: {  	_ =	sdelay $0x3  }
0x4af: {  	v5 =	vld.idx.msk [tilespmem:v2+s13+$0x0], $0xffff  }
0x4b0: {  	v6 =	vld.idx.msk [tilespmem:v2+s14+$0x0], $0xffff;
	_ =	sdelay $0x4  }
0x4b1: {  	vm0 =	vlt.f32 v5, v3;
	vm1 =	vlt.f32 v6, v4  }
0x4b2: {  	vm2 =	vmor vm0, vm1  }
0x4b3: {  	v63 =	vsel vm2, $0x3F800000, v1  }
0x4b4: {  	(xrf0) =	vmax.scan.msk.f32 $0xffff, v63;
	_ =	sdelay $0x5  }
0x4b5: {  	v5, _, _ =	vpop (xrf0)  }
0x4b6: {  	(v2sf) =	vpush v5, $0xF;
	_ =	sdelay $0xb  }
0x4b7: {  	p1 =	por !p2, !p0;
	s19 =	simm.s32 $0x1  }
0x4b8: {  	s19 =	simm.s32 @p1 $0x0  }
0x4b9: {  	s19 =	sadd.s32 @p0 s19, s20  }
0x4ba: {  	s18 =	smov.u32 @p0 s19;
	s30 =	spop (v2sf)  }
0x4bb: {  	s31 =	sshll.u32 s18, $0x4;
	p0 =	sgt.f32 s30, $0.0e+00  }
0x4bc: {  	s19 =	simm.s32 $0x1;
	[tilespmem:s31+$0x19A80] =	vst v2;
	v3 =	vnsel vm0, $0xFF800000, v3  }
0x4bd: {  	[tilespmem:s31+$0x1A100] =	vst v3;
	v3 =	vnsel vm1, $0xFF800000, v4;
	s19 =	simm.s32 @!p0 $0x0  }
0x4be: {  	[tilespmem:s31+$0x1A780] =	vst v3;
	s19 =	sadd.s32 s19, s18  }
0x4bf: {  	p0 =	slt.s32 s19, $0x1  }
.Ltmp60:
0x4c0: {  	_ = 	snop;
	(pc) =	sbr.rel @p0 .LBB2_118-.Ltmp60, $1  }
0x4c1: {  	_ =	sdelay $0x3  }
0x4c2: {  	s22 =	simm.s32 $0x19A80  }
0x4c3: {  	v2 =	vld [tilespmem:s22+$0x0];
	_ =	sdelay $0x5  }
0x4c4: {  	s21 =	simm.s32 $0x1A100  }
0x4c5: {  	v3 =	vld [tilespmem:s21+$0x0]  }
0x4c6: {  	v5 =	vld.idx.msk [tilespmem:v2+s13+$0x0], $0xffff;
	_ =	sdelay $0x4  }
0x4c7: {  	s20 =	simm.s32 $0x1A780;
	v5 =	vmax.f32 v5, v3  }
0x4c8: {  	v4 =	vld [tilespmem:s20+$0x0];
	[tilespmem:v2+s13+$0x0] =	vst.idx.msk $0xffff, v5  }
0x4c9: {  	v5 =	vld.idx.msk [tilespmem:v2+s14+$0x0], $0xffff  }
0x4ca: {  	p1 =	seq.s32 s19, $0x1  }
.Ltmp61:
0x4cb: {  	_ = 	snop;
	(pc) =	sbr.rel @p1 .LBB2_102-.Ltmp61, $3  }
0x4cc: {  	_ =	sdelay $0x1  }
0x4cd: {  	v5 =	vmax.f32 v5, v4  }
0x4ce: {  	s18 =	simm.s32 $0x0;
	p0 =	por $0x0, $0x0;
	s20 =	sadd.s32 $0xFFFFFFFF, s19;
	[tilespmem:v2+s14+$0x0] =	vst.idx.msk $0xffff, v5  }
0x4cf: {  	_ =	sdelay $0x3  }
0x4d0: {  	v5 =	vld.idx.msk [tilespmem:v2+s13+$0x0], $0xffff  }
0x4d1: {  	v6 =	vld.idx.msk [tilespmem:v2+s14+$0x0], $0xffff;
	_ =	sdelay $0x3  }
0x4d2: {  	vm0 =	vlt.f32 v5, v3  }
0x4d3: {  	s19 =	simm.s32 $0x0;
	vm1 =	vlt.f32 v6, v4;
	v3 =	vnsel vm0, $0xFF800000, v3  }
0x4d4: {  	vm0 =	vmor vm0, vm1;
	[tilespmem:s19+$0x1B480] =	vst v3;
	v3 =	vnsel vm1, $0xFF800000, v4  }
0x4d5: {  	[tilespmem:s19+$0x1BB00] =	vst v3;
	v3 =	vsel vm0, $0x3F800000, v1  }
0x4d6: {  	(xrf0) =	vmax.scan.msk.f32 $0xffff, v3  }
0x4d7: {  	[tilespmem:s19+$0x1AE00] =	vst v2;
	s19 =	simm.s32 $0x19A90  }
0x4d8: {  	v2 =	vld [tilespmem:s19+$0x0];
	_ =	sdelay $0x3  }
0x4d9: {  	v3, _, _ =	vpop (xrf0)  }
0x4da: {  	(v2sf) =	vpush v3, $0xF  }
0x4db: {  	s21 =	simm.s32 $0x1A110  }
0x4dc: {  	v3 =	vld [tilespmem:s21+$0x0]  }
0x4dd: {  	v5 =	vld.idx.msk [tilespmem:v2+s13+$0x0], $0xffff;
	_ =	sdelay $0x4  }
0x4de: {  	s22 =	simm.s32 $0x1A790;
	v5 =	vmax.f32 v5, v3  }
0x4df: {  	v4 =	vld [tilespmem:s22+$0x0];
	[tilespmem:v2+s13+$0x0] =	vst.idx.msk $0xffff, v5  }
0x4e0: {  	v5 =	vld.idx.msk [tilespmem:v2+s14+$0x0], $0xffff  }
0x4e1: {  	p1 =	seq.s32 s20, $0x1  }
.Ltmp62:
0x4e2: {  	_ = 	snop;
	(pc) =	sbr.rel @p1 .LBB2_111-.Ltmp62, $3  }
0x4e3: {  	_ =	sdelay $0x1  }
0x4e4: {  	s23 =	sadd.s32 $0xFFFFFFFF, s20;
	v5 =	vmax.f32 v5, v4;
	s31 =	spop (v2sf)  }
0x4e5: {  	p0 =	por $0x1, $0x1;
	s20 =	simm.s32 $0x0;
	[tilespmem:v2+s14+$0x0] =	vst.idx.msk $0xffff, v5;
	p2 =	sgt.f32 s31, $0.0e+00  }
.LBB2_112:
0x4e6: {  	s24 =	simm.s32 $0x1  }
0x4e7: {  	p1 =	seq.s32 s23, $0x1;
	s23 =	sadd.s32 $0xFFFFFFFF, s23;
	v5 =	vld.idx.msk [tilespmem:v2+s13+$0x0], $0xffff;
	s24 =	simm.s32 @!p2 $0x0  }
0x4e8: {  	v6 =	vld.idx.msk [tilespmem:v2+s14+$0x0], $0xffff;
	s20 =	sadd.s32 s24, s20;
	_ =	sdelay $0x4  }
0x4e9: {  	vm0 =	vlt.f32 v5, v3  }
0x4ea: {  	s24 =	sshll.u32 s20, $0x4;
	v3 =	vnsel vm0, $0xFF800000, v3;
	vm1 =	vlt.f32 v6, v4  }
0x4eb: {  	vm0 =	vmor vm0, vm1;
	[tilespmem:s24+$0x1B480] =	vst v3;
	v3 =	vnsel vm1, $0xFF800000, v4  }
0x4ec: {  	[tilespmem:s24+$0x1BB00] =	vst v3;
	v3 =	vsel vm0, $0x3F800000, v1  }
0x4ed: {  	s19 =	sadd.s32 $0x10, s19;
	[tilespmem:s24+$0x1AE00] =	vst v2;
	(xrf0) =	vmax.scan.msk.f32 $0xffff, v3  }
0x4ee: {  	v2 =	vld [tilespmem:s19+$0x0];
	_ =	sdelay $0x4  }
0x4ef: {  	v3, _, _ =	vpop (xrf0)  }
0x4f0: {  	(v2sf) =	vpush v3, $0xF;
	_ =	sdelay $0x1  }
0x4f1: {  	s21 =	sadd.s32 $0x10, s21;
	v5 =	vld.idx.msk [tilespmem:v2+s13+$0x0], $0xffff  }
0x4f2: {  	v3 =	vld [tilespmem:s21+$0x0];
	_ =	sdelay $0x3  }
0x4f3: {  	s22 =	sadd.s32 $0x10, s22  }
0x4f4: {  	v4 =	vld [tilespmem:s22+$0x0];
	v5 =	vmax.f32 v5, v3  }
0x4f5: {  	[tilespmem:v2+s13+$0x0] =	vst.idx.msk $0xffff, v5  }
0x4f6: {  	v5 =	vld.idx.msk [tilespmem:v2+s14+$0x0], $0xffff;
	_ =	sdelay $0x2  }
.Ltmp63:
0x4f7: {  	(pc) =	sbr.rel @!p1 .LBB2_112-.Ltmp63, $4  }
0x4f8: {  	_ = 	snop  }
0x4f9: {  	s24 =	spop (v2sf)  }
0x4fa: {  	v5 =	vmax.f32 v5, v4;
	p2 =	sgt.f32 s24, $0.0e+00  }
0x4fb: {  	[tilespmem:v2+s14+$0x0] =	vst.idx.msk $0xffff, v5  }
.LBB2_113:
0x4fc: {  	_ =	sdelay $0x3  }
0x4fd: {  	v5 =	vld.idx.msk [tilespmem:v2+s13+$0x0], $0xffff  }
0x4fe: {  	v6 =	vld.idx.msk [tilespmem:v2+s14+$0x0], $0xffff;
	_ =	sdelay $0x4  }
0x4ff: {  	vm0 =	vlt.f32 v5, v3;
	vm1 =	vlt.f32 v6, v4  }
0x500: {  	vm2 =	vmor vm0, vm1  }
0x501: {  	v63 =	vsel vm2, $0x3F800000, v1  }
0x502: {  	(xrf0) =	vmax.scan.msk.f32 $0xffff, v63;
	_ =	sdelay $0x5  }
0x503: {  	v5, _, _ =	vpop (xrf0)  }
0x504: {  	(v2sf) =	vpush v5, $0xF;
	_ =	sdelay $0xb  }
0x505: {  	p1 =	por !p2, !p0;
	s19 =	simm.s32 $0x1  }
0x506: {  	s19 =	simm.s32 @p1 $0x0  }
0x507: {  	s19 =	sadd.s32 @p0 s19, s20  }
0x508: {  	s18 =	smov.u32 @p0 s19;
	s30 =	spop (v2sf)  }
0x509: {  	s31 =	sshll.u32 s18, $0x4;
	p0 =	sgt.f32 s30, $0.0e+00  }
0x50a: {  	s19 =	simm.s32 $0x1;
	[tilespmem:s31+$0x1AE00] =	vst v2;
	v3 =	vnsel vm0, $0xFF800000, v3  }
0x50b: {  	[tilespmem:s31+$0x1B480] =	vst v3;
	v3 =	vnsel vm1, $0xFF800000, v4;
	s19 =	simm.s32 @!p0 $0x0  }
0x50c: {  	[tilespmem:s31+$0x1BB00] =	vst v3;
	s19 =	sadd.s32 s19, s18  }
0x50d: {  	p0 =	slt.s32 s19, $0x1  }
.Ltmp64:
0x50e: {  	_ = 	snop;
	(pc) =	sbr.rel @p0 .LBB2_118-.Ltmp64, $1  }
0x50f: {  	_ =	sdelay $0x3  }
0x510: {  	s22 =	simm.s32 $0x1AE00  }
0x511: {  	v2 =	vld [tilespmem:s22+$0x0];
	_ =	sdelay $0x5  }
0x512: {  	s21 =	simm.s32 $0x1B480  }
0x513: {  	v3 =	vld [tilespmem:s21+$0x0]  }
0x514: {  	v5 =	vld.idx.msk [tilespmem:v2+s13+$0x0], $0xffff;
	_ =	sdelay $0x4  }
0x515: {  	s20 =	simm.s32 $0x1BB00;
	v5 =	vmax.f32 v5, v3  }
0x516: {  	v4 =	vld [tilespmem:s20+$0x0];
	[tilespmem:v2+s13+$0x0] =	vst.idx.msk $0xffff, v5  }
0x517: {  	v5 =	vld.idx.msk [tilespmem:v2+s14+$0x0], $0xffff  }
0x518: {  	p1 =	sne.s32 s19, $0x1  }
.Ltmp65:
0x519: {  	_ = 	snop;
	(pc) =	sbr.rel @!p1 .LBB2_109-.Ltmp65, $3  }
0x51a: {  	_ =	sdelay $0x1  }
0x51b: {  	v5 =	vmax.f32 v5, v4  }
0x51c: {  	s18 =	simm.s32 $0x0;
	p0 =	por $0x0, $0x0;
	s20 =	sadd.s32 $0xFFFFFFFF, s19;
	[tilespmem:v2+s14+$0x0] =	vst.idx.msk $0xffff, v5  }
0x51d: {  	_ =	sdelay $0x3  }
0x51e: {  	v5 =	vld.idx.msk [tilespmem:v2+s13+$0x0], $0xffff  }
0x51f: {  	v6 =	vld.idx.msk [tilespmem:v2+s14+$0x0], $0xffff;
	_ =	sdelay $0x3  }
0x520: {  	vm0 =	vlt.f32 v5, v3  }
0x521: {  	s19 =	simm.s32 $0x0;
	vm1 =	vlt.f32 v6, v4;
	v3 =	vnsel vm0, $0xFF800000, v3  }
0x522: {  	vm0 =	vmor vm0, vm1;
	[tilespmem:s19+$0x1A100] =	vst v3;
	v3 =	vnsel vm1, $0xFF800000, v4  }
0x523: {  	[tilespmem:s19+$0x1A780] =	vst v3;
	v3 =	vsel vm0, $0x3F800000, v1  }
0x524: {  	(xrf0) =	vmax.scan.msk.f32 $0xffff, v3  }
0x525: {  	[tilespmem:s19+$0x19A80] =	vst v2;
	s19 =	simm.s32 $0x1AE10  }
0x526: {  	v2 =	vld [tilespmem:s19+$0x0];
	_ =	sdelay $0x3  }
0x527: {  	v3, _, _ =	vpop (xrf0)  }
0x528: {  	(v2sf) =	vpush v3, $0xF  }
0x529: {  	s21 =	simm.s32 $0x1B490  }
0x52a: {  	v3 =	vld [tilespmem:s21+$0x0]  }
0x52b: {  	v5 =	vld.idx.msk [tilespmem:v2+s13+$0x0], $0xffff;
	_ =	sdelay $0x4  }
0x52c: {  	s22 =	simm.s32 $0x1BB10;
	v5 =	vmax.f32 v5, v3  }
0x52d: {  	v4 =	vld [tilespmem:s22+$0x0];
	[tilespmem:v2+s13+$0x0] =	vst.idx.msk $0xffff, v5  }
0x52e: {  	v5 =	vld.idx.msk [tilespmem:v2+s14+$0x0], $0xffff  }
0x52f: {  	p1 =	sne.s32 s20, $0x1  }
.Ltmp66:
0x530: {  	_ = 	snop;
	(pc) =	sbr.rel @!p1 .LBB2_115-.Ltmp66, $3  }
0x531: {  	_ =	sdelay $0x1  }
0x532: {  	s23 =	sadd.s32 $0xFFFFFFFF, s20;
	v5 =	vmax.f32 v5, v4;
	s31 =	spop (v2sf)  }
0x533: {  	p0 =	por $0x1, $0x1;
	s20 =	simm.s32 $0x0;
	[tilespmem:v2+s14+$0x0] =	vst.idx.msk $0xffff, v5;
	p2 =	sgt.f32 s31, $0.0e+00  }
.LBB2_116:
0x534: {  	s24 =	simm.s32 $0x1  }
0x535: {  	p1 =	sne.s32 s23, $0x1;
	s23 =	sadd.s32 $0xFFFFFFFF, s23;
	v5 =	vld.idx.msk [tilespmem:v2+s13+$0x0], $0xffff;
	s24 =	simm.s32 @!p2 $0x0  }
0x536: {  	v6 =	vld.idx.msk [tilespmem:v2+s14+$0x0], $0xffff;
	s20 =	sadd.s32 s24, s20;
	_ =	sdelay $0x4  }
0x537: {  	vm0 =	vlt.f32 v5, v3  }
0x538: {  	s24 =	sshll.u32 s20, $0x4;
	v3 =	vnsel vm0, $0xFF800000, v3;
	vm1 =	vlt.f32 v6, v4  }
0x539: {  	vm0 =	vmor vm0, vm1;
	[tilespmem:s24+$0x1A100] =	vst v3;
	v3 =	vnsel vm1, $0xFF800000, v4  }
0x53a: {  	[tilespmem:s24+$0x1A780] =	vst v3;
	v3 =	vsel vm0, $0x3F800000, v1  }
0x53b: {  	s19 =	sadd.s32 $0x10, s19;
	[tilespmem:s24+$0x19A80] =	vst v2;
	(xrf0) =	vmax.scan.msk.f32 $0xffff, v3  }
0x53c: {  	v2 =	vld [tilespmem:s19+$0x0];
	_ =	sdelay $0x4  }
0x53d: {  	v3, _, _ =	vpop (xrf0)  }
0x53e: {  	(v2sf) =	vpush v3, $0xF;
	_ =	sdelay $0x1  }
0x53f: {  	s21 =	sadd.s32 $0x10, s21;
	v5 =	vld.idx.msk [tilespmem:v2+s13+$0x0], $0xffff  }
0x540: {  	v3 =	vld [tilespmem:s21+$0x0];
	_ =	sdelay $0x3  }
0x541: {  	s22 =	sadd.s32 $0x10, s22  }
0x542: {  	v4 =	vld [tilespmem:s22+$0x0];
	v5 =	vmax.f32 v5, v3  }
0x543: {  	[tilespmem:v2+s13+$0x0] =	vst.idx.msk $0xffff, v5  }
0x544: {  	v5 =	vld.idx.msk [tilespmem:v2+s14+$0x0], $0xffff;
	_ =	sdelay $0x2  }
.Ltmp67:
0x545: {  	(pc) =	sbr.rel @p1 .LBB2_116-.Ltmp67, $4  }
0x546: {  	_ = 	snop  }
0x547: {  	s24 =	spop (v2sf)  }
0x548: {  	v5 =	vmax.f32 v5, v4;
	p2 =	sgt.f32 s24, $0.0e+00  }
0x549: {  	[tilespmem:v2+s14+$0x0] =	vst.idx.msk $0xffff, v5  }
.Ltmp68:
0x54a: {  	_ = 	snop;
	(pc) =	sbr.rel .LBB2_117-.Ltmp68, $1  }
0x54b: {  	_ =	sdelay $0x3  }
.LBB2_8:
.Ltmp69:
0x54c: {  	(pc) =	sbr.rel .LBB2_15-.Ltmp69, $2  }
0x54d: {  	_ =	sdelay $0x2  }
0x54e: {  	s20 =	simm.s32 $0x0  }
.LBB2_13:
.Ltmp70:
0x54f: {  	(pc) =	sbr.rel .LBB2_15-.Ltmp70, $2  }
0x550: {  	_ =	sdelay $0x2  }
0x551: {  	s20 =	simm.s32 $0x0  }
.LBB2_11:
.Ltmp71:
0x552: {  	(pc) =	sbr.rel .LBB2_22-.Ltmp71, $2  }
0x553: {  	_ =	sdelay $0x2  }
0x554: {  	s20 =	simm.s32 $0x0  }
.LBB2_20:
.Ltmp72:
0x555: {  	(pc) =	sbr.rel .LBB2_22-.Ltmp72, $2  }
0x556: {  	_ =	sdelay $0x2  }
0x557: {  	s20 =	simm.s32 $0x0  }
.LBB2_18:
.Ltmp73:
0x558: {  	(pc) =	sbr.rel .LBB2_29-.Ltmp73, $2  }
0x559: {  	_ =	sdelay $0x2  }
0x55a: {  	s20 =	simm.s32 $0x0  }
.LBB2_27:
.Ltmp74:
0x55b: {  	(pc) =	sbr.rel .LBB2_29-.Ltmp74, $2  }
0x55c: {  	_ =	sdelay $0x2  }
0x55d: {  	s20 =	simm.s32 $0x0  }
.LBB2_25:
.Ltmp75:
0x55e: {  	(pc) =	sbr.rel .LBB2_36-.Ltmp75, $2  }
0x55f: {  	_ =	sdelay $0x2  }
0x560: {  	s20 =	simm.s32 $0x0  }
.LBB2_34:
.Ltmp76:
0x561: {  	(pc) =	sbr.rel .LBB2_36-.Ltmp76, $2  }
0x562: {  	_ =	sdelay $0x2  }
0x563: {  	s20 =	simm.s32 $0x0  }
.LBB2_32:
.Ltmp77:
0x564: {  	(pc) =	sbr.rel .LBB2_43-.Ltmp77, $2  }
0x565: {  	_ =	sdelay $0x2  }
0x566: {  	s20 =	simm.s32 $0x0  }
.LBB2_41:
.Ltmp78:
0x567: {  	(pc) =	sbr.rel .LBB2_43-.Ltmp78, $2  }
0x568: {  	_ =	sdelay $0x2  }
0x569: {  	s20 =	simm.s32 $0x0  }
.LBB2_39:
.Ltmp79:
0x56a: {  	(pc) =	sbr.rel .LBB2_50-.Ltmp79, $2  }
0x56b: {  	_ =	sdelay $0x2  }
0x56c: {  	s20 =	simm.s32 $0x0  }
.LBB2_48:
.Ltmp80:
0x56d: {  	(pc) =	sbr.rel .LBB2_50-.Ltmp80, $2  }
0x56e: {  	_ =	sdelay $0x2  }
0x56f: {  	s20 =	simm.s32 $0x0  }
.LBB2_46:
.Ltmp81:
0x570: {  	(pc) =	sbr.rel .LBB2_57-.Ltmp81, $2  }
0x571: {  	_ =	sdelay $0x2  }
0x572: {  	s20 =	simm.s32 $0x0  }
.LBB2_55:
.Ltmp82:
0x573: {  	(pc) =	sbr.rel .LBB2_57-.Ltmp82, $2  }
0x574: {  	_ =	sdelay $0x2  }
0x575: {  	s20 =	simm.s32 $0x0  }
.LBB2_53:
.Ltmp83:
0x576: {  	(pc) =	sbr.rel .LBB2_64-.Ltmp83, $2  }
0x577: {  	_ =	sdelay $0x2  }
0x578: {  	s20 =	simm.s32 $0x0  }
.LBB2_62:
.Ltmp84:
0x579: {  	(pc) =	sbr.rel .LBB2_64-.Ltmp84, $2  }
0x57a: {  	_ =	sdelay $0x2  }
0x57b: {  	s20 =	simm.s32 $0x0  }
.LBB2_60:
.Ltmp85:
0x57c: {  	(pc) =	sbr.rel .LBB2_71-.Ltmp85, $2  }
0x57d: {  	_ =	sdelay $0x2  }
0x57e: {  	s20 =	simm.s32 $0x0  }
.LBB2_69:
.Ltmp86:
0x57f: {  	(pc) =	sbr.rel .LBB2_71-.Ltmp86, $2  }
0x580: {  	_ =	sdelay $0x2  }
0x581: {  	s20 =	simm.s32 $0x0  }
.LBB2_67:
.Ltmp87:
0x582: {  	(pc) =	sbr.rel .LBB2_78-.Ltmp87, $2  }
0x583: {  	_ =	sdelay $0x2  }
0x584: {  	s20 =	simm.s32 $0x0  }
.LBB2_76:
.Ltmp88:
0x585: {  	(pc) =	sbr.rel .LBB2_78-.Ltmp88, $2  }
0x586: {  	_ =	sdelay $0x2  }
0x587: {  	s20 =	simm.s32 $0x0  }
.LBB2_74:
.Ltmp89:
0x588: {  	(pc) =	sbr.rel .LBB2_85-.Ltmp89, $2  }
0x589: {  	_ =	sdelay $0x2  }
0x58a: {  	s20 =	simm.s32 $0x0  }
.LBB2_83:
.Ltmp90:
0x58b: {  	(pc) =	sbr.rel .LBB2_85-.Ltmp90, $2  }
0x58c: {  	_ =	sdelay $0x2  }
0x58d: {  	s20 =	simm.s32 $0x0  }
.LBB2_81:
.Ltmp91:
0x58e: {  	(pc) =	sbr.rel .LBB2_92-.Ltmp91, $2  }
0x58f: {  	_ =	sdelay $0x2  }
0x590: {  	s20 =	simm.s32 $0x0  }
.LBB2_90:
.Ltmp92:
0x591: {  	(pc) =	sbr.rel .LBB2_92-.Ltmp92, $2  }
0x592: {  	_ =	sdelay $0x2  }
0x593: {  	s20 =	simm.s32 $0x0  }
.LBB2_88:
.Ltmp93:
0x594: {  	(pc) =	sbr.rel .LBB2_99-.Ltmp93, $2  }
0x595: {  	_ =	sdelay $0x2  }
0x596: {  	s20 =	simm.s32 $0x0  }
.LBB2_97:
.Ltmp94:
0x597: {  	(pc) =	sbr.rel .LBB2_99-.Ltmp94, $2  }
0x598: {  	_ =	sdelay $0x2  }
0x599: {  	s20 =	simm.s32 $0x0  }
.LBB2_95:
.Ltmp95:
0x59a: {  	(pc) =	sbr.rel .LBB2_106-.Ltmp95, $2  }
0x59b: {  	_ =	sdelay $0x2  }
0x59c: {  	s20 =	simm.s32 $0x0  }
.LBB2_104:
.Ltmp96:
0x59d: {  	(pc) =	sbr.rel .LBB2_106-.Ltmp96, $2  }
0x59e: {  	_ =	sdelay $0x2  }
0x59f: {  	s20 =	simm.s32 $0x0  }
.LBB2_102:
.Ltmp97:
0x5a0: {  	(pc) =	sbr.rel .LBB2_113-.Ltmp97, $2  }
0x5a1: {  	_ =	sdelay $0x2  }
0x5a2: {  	s20 =	simm.s32 $0x0  }
.LBB2_111:
.Ltmp98:
0x5a3: {  	(pc) =	sbr.rel .LBB2_113-.Ltmp98, $2  }
0x5a4: {  	_ =	sdelay $0x2  }
0x5a5: {  	s20 =	simm.s32 $0x0  }
.LBB2_115:
.Ltmp99:
0x5a6: {  	(pc) =	sbr.rel .LBB2_117-.Ltmp99, $2  }
0x5a7: {  	_ =	sdelay $0x2  }
0x5a8: {  	s20 =	simm.s32 $0x0  }
.LBB2_119:
0x5a9: {  	s16 =	simm.s32 $0x0  }
0x5aa: {  	s17 =	simm.s32 $0x40;
	v2 =	vld [tilespmem:s16+$0x1380]  }
.LBB2_120:
0x5ab: {  	p0 =	sne.s32 s17, $0x30DC0;
	v3 =	vld [tilespmem:s16+$0xD700];
	_ =	sdelay $0x2  }
.Ltmp100:
0x5ac: {  	(pc) =	sbr.rel @p0 .LBB2_120-.Ltmp100, $4  }
0x5ad: {  	vm0 =	vclass.f32 v2, $0xFC  }
0x5ae: {  	v2 =	vnsel vm0, $0x0, v2;
	vm0 =	vclass.f32 v3, $0xFC  }
0x5af: {  	s18 =	sshra.s32 s17, $0x2;
	[tilespmem:s16+$0x1380] =	vst v2;
	v3 =	vnsel vm0, $0x0, v3  }
0x5b0: {  	s17 =	sadd.s32 $0x40, s17;
	v2 =	vld [tilespmem:s18+$0x1380];
	[tilespmem:s16+$0xD700] =	vst v3;
	s16 =	smov.u32 s18  }
0x5b1: {  	v3 =	vld [tilespmem:s16+$0xD700];
	_ =	sdelay $0x3  }
0x5b2: {  	vm0 =	vclass.f32 v2, $0xFC  }
0x5b3: {  	v2 =	vnsel vm0, $0x0, v2;
	vm15 =	vclass.f32 v3, $0xFC  }
0x5b4: {  	[tilespmem:s16+$0x1380] =	vst v2;
	v2 =	vnsel vm15, $0x0, v3  }
0x5b5: {  	[tilespmem:s16+$0xD700] =	vst v2  }
0x5b6: {  	[hbm4b:s7+s2] =	stream.linear.scatter [tilespmem:s13], [sflag:$0x1], $0xC380, $0x38;
	[tilespmem:$0x1C180] =	vst v63  }
0x5b7: {  	s15 =	sadd.s32 $0x1, s15;
	_ =	swait.ge [sflag:s10], $0xC380  }
0x5b8: {  	p0 =	sne.s32 s15, s9;
	[sflag:s10] =	ssyncset.done $0x0  }
.Ltmp101:
0x5b9: {  	[sflag:s10] =	ssyncadd.s32 $0xFFFF3C80;
	(pc) =	sbr.rel @p0 .LBB2_1-.Ltmp101, $4  }
0x5ba: {  	[hbm4b:s8+s2] =	stream.linear.scatter [tilespmem:s14], [sflag:$0x1], $0xC380, $0x38;
	[tilespmem:$0x1C180] =	vst v63  }
0x5bb: {  	_ =	swait.ge [sflag:s10], $0xC380  }
0x5bc: {  	[sflag:s10] =	ssyncset.done $0x0  }
0x5bd: {  	[sflag:s10] =	ssyncadd.s32 $0xFFFF3C80  }
0x5be: {  	_ =	sfence.sel $0x180000  }
0x5bf: {  	[bflag:$0x0] =	sbarrier.arrive $0xFFFF  }
0x5c0: {  	p0 =	sne.s32 s1, $0x0;
	_ =	strace $0x9000004A  }
0x5c1: {  	s0 =	sadd.s32 @!p0 $0x100000, s0;
	[bflag:$0x2] =	sbarrier.arrive $0xFFFF  }
0x5c2: {  	[sflag:s0] =	ssyncadd.tile.s32 @!p0 $0x1;
	_ =	shalt  }
.Lfunc_end2:
_tile_overlayer_lowered:
.L_overlay_start_2:
0x5c3: {  	(tag) =	ssettag $0x2  }
0x5c4: {  	s0 =	rddreg [dreg:$0x0];
	s2 =	stileid.u32  }
0x5c5: {  	s1 =	rddreg [dreg:$0x1];
	p0 =	sne.s32 s2, $0x0  }
0x5c6: {  	s3 =	rddreg [dreg:$0x2];
	[bflag:$0x3] =	sbarrier.arrive $0xFFFF;
	s2 =	simm.s32 @!p0 $0x1C01  }
0x5c7: {  	[timem:s3], [sflag:s2] =	dma.local @!p0 [hbm:s0], s1  }
0x5c8: {  	s0 =	simm.s32 @!p0 $0x1  }
0x5c9: {  	_ =	swait.ge @!p0 [sflag:s0], s1  }
0x5ca: {  	s1 =	ssub.s32 @!p0 $0x0, s1;
	[sflag:s0] =	ssyncset.done @!p0 $0x0  }
0x5cb: {  	[sflag:s0] =	ssyncadd.s32 @!p0 s1  }
0x5cc: {  	[bflag:$0x3] =	sbarrier.arrive $0xFFFF  }
0x5cd: {  	_ =	shalt  }

// kernel: kernel.7.cloned.1.call-start
scs
__scs_entry_jumppad:
0x0: {  	(pc) =	sbr.rel $0x88, $3  }
0x1: {  	(tag) =	ssettag $0x0;
	lr =	simm.s32 $0x1  }
0x2: {  	[smem:$0x3F91] =	sst lr;
	_ =	strace $0xD0000000  }
0x3: {  	_ = 	snop  }
0x4: {  	_ = 	snop  }
0x5: {  	_ = 	snop  }
0x6: {  	_ = 	snop  }
0x7: {  	_ = 	snop  }
__scs_overlays_trampoline_lowered:
0x8: {  	[smem:$0x3FA0] =	sst s0  }
0x9: {  	[smem:$0x3FA1] =	sst s1  }
0xa: {  	[smem:$0x3FA2] =	sst s2  }
0xb: {  	[smem:$0x3FA3] =	sst s3  }
0xc: {  	[smem:$0x3FA4] =	sst s4  }
0xd: {  	[smem:$0x3FA5] =	sst s5  }
0xe: {  	[smem:$0x3FA6] =	sst s6  }
0xf: {  	[smem:$0x3FA7] =	sst s7  }
0x10: {  	[smem:$0x3FA8] =	sst s8  }
0x11: {  	[smem:$0x3FA9] =	sst s9;
	s0 =	simm.s32 @!p0 $0x0  }
0x12: {  	s1 =	sld [smem:$0x3F8F];
	s0 =	simm.s32 @p0 $0x1  }
0x13: {  	[smem:$0x3FAA] =	sst s0;
	s0 =	simm.s32 @!p1 $0x0  }
0x14: {  	s2 =	sld [smem:$0x3F8E];
	s0 =	simm.s32 @p1 $0x1  }
0x15: {  	[smem:$0x3FAB] =	sst s0;
	s0 =	simm.s32 @!p2 $0x0  }
0x16: {  	s3 =	sld [smem:$0x3FDB];
	s0 =	simm.s32 @p2 $0x1  }
0x17: {  	s4 =	simm.s32 $0x1BF5;
	[smem:$0x3FAD] =	sst s0  }
0x18: {  	s0 =	sld [smem:$0x3F90];
	_ =	swait.ge [sflag:s4], $0x0  }
0x19: {  	s7 =	sld [smem:$0x3F91]  }
0x1a: {  	s8 =	sadd.s32 $0xFFFFE003, lr  }
0x1b: {  	s9 =	sadd.s32 $0xFFFFFEF7, lr;
	s5 =	simm.s32 $0xFFFFFFFF;
	p2 =	slt.u32 s8, $0xFFFFF086  }
0x1c: {  	p1 =	slt.u32 s9, $0xF7A;
	s5 =	simm.s32 @!p2 $0x0  }
0x1d: {  	s5 =	simm.s32 @p1 $0x1;
	p0 =	seq.s32 s7, s2  }
0x1e: {  	s7 =	smul.u32 @!p0 $0xF7A, s2;
	p2 =	seq.s32 @!p0 s5, $0x0  }
0x1f: {  	s9 =	smul.u32 $0xF7A, s1;
	s8 =	simm.s32 @!p0 $0x1BF5;
	p2 =	por !p2, p0  }
0x20: {  	[sflag:s8] =	ssyncset.s32 @!p0 $0xFFFFF086;
	s6 =	sadd.s32 @!p0 s3, s7;
	s7 =	simm.s32 @!p0 $0x108  }
0x21: {  	s3 =	sadd.s32 s3, s9;
	s6 =	sadd.s32 @!p0 $0x88, s6;
	s7 =	simm.s32 @p2 $0x1082  }
0x22: {  	[simem:s7], [sflag:s8] =	dma.local @!p0 [hbm:s6], $0xF7A  }
0x23: {  	s9 =	sor.u32 $0xD0000000, s2;
	s6 =	simm.s32 $0x108;
	_ =	swait.ge @!p0 [sflag:s8], $0x0  }
0x24: {  	s3 =	sadd.s32 $0x88, s3;
	s6 =	simm.s32 @!p1 $0x1082;
	[sflag:s4] =	ssyncset.s32 $0xFFFFF086  }
0x25: {  	[simem:s6], [sflag:s4] =	dma.local [hbm:s3], $0xF7A  }
0x26: {  	[smem:$0x3F91] =	sst s1;
	(tag) =	ssettag s2;
	_ =	strace s9  }
0x27: {  	s1 =	sld [smem:$0x3FA1]  }
0x28: {  	s2 =	sld [smem:$0x3FA2]  }
0x29: {  	s4 =	sld [smem:$0x3FA4]  }
0x2a: {  	p0 =	seq.s32 s5, $0x0;
	s5 =	sld [smem:$0x3FA5]  }
0x2b: {  	s6 =	sld [smem:$0x3FA6]  }
0x2c: {  	s7 =	sld [smem:$0x3FA7]  }
0x2d: {  	s3 =	simm.s32 $0x108;
	s8 =	sld [smem:$0x3FA8]  }
0x2e: {  	s3 =	simm.s32 @!p0 $0x1082;
	s9 =	sld [smem:$0x3FA9]  }
0x2f: {  	lr =	sadd.s32 s0, s3;
	s0 =	sld [smem:$0x3FA0]  }
0x30: {  	s3 =	sld [smem:$0x3FA3]  }
0x31: {  	[smem:$0x3FAC] =	sst s10  }
0x32: {  	s10 =	sld [smem:$0x3FAA];
	_ =	sdelay $0x3  }
0x33: {  	p0 =	seq.s32 s10, $0x1;
	s10 =	sld [smem:$0x3FAC];
	_ =	sdelay $0x3  }
0x34: {  	[smem:$0x3FAC] =	sst s10  }
0x35: {  	s10 =	sld [smem:$0x3FAB];
	_ =	sdelay $0x3  }
0x36: {  	p1 =	seq.s32 s10, $0x1;
	s10 =	sld [smem:$0x3FAC];
	_ =	sdelay $0x3  }
0x37: {  	[smem:$0x3FAC] =	sst s10  }
0x38: {  	s10 =	sld [smem:$0x3FAD]  }
0x39: {  	_ = 	snop;
	(pc) =	sbr.ind lr, $3  }
0x3a: {  	_ = 	snop  }
0x3b: {  	_ = 	snop  }
0x3c: {  	p2 =	seq.s32 s10, $0x1;
	s10 =	sld [smem:$0x3FAC]  }
0x3d: {  	_ =	shalt  }
0x3e: {  	_ =	shalt  }
0x3f: {  	_ =	shalt  }
0x40: {  	_ =	shalt  }
0x41: {  	_ =	shalt  }
0x42: {  	_ =	shalt  }
0x43: {  	_ =	shalt  }
0x44: {  	_ =	shalt  }
0x45: {  	_ =	shalt  }
0x46: {  	_ =	shalt  }
0x47: {  	_ =	shalt  }
0x48: {  	_ =	shalt  }
0x49: {  	_ =	shalt  }
0x4a: {  	_ =	shalt  }
0x4b: {  	_ =	shalt  }
0x4c: {  	_ =	shalt  }
0x4d: {  	_ =	shalt  }
0x4e: {  	_ =	shalt  }
0x4f: {  	_ =	shalt  }
0x50: {  	_ =	shalt  }
0x51: {  	_ =	shalt  }
0x52: {  	_ =	shalt  }
0x53: {  	_ =	shalt  }
0x54: {  	_ =	shalt  }
0x55: {  	_ =	shalt  }
0x56: {  	_ =	shalt  }
0x57: {  	_ =	shalt  }
0x58: {  	_ =	shalt  }
0x59: {  	_ =	shalt  }
0x5a: {  	_ =	shalt  }
0x5b: {  	_ =	shalt  }
0x5c: {  	_ =	shalt  }
0x5d: {  	_ =	shalt  }
0x5e: {  	_ =	shalt  }
0x5f: {  	_ =	shalt  }
0x60: {  	_ =	shalt  }
0x61: {  	_ =	shalt  }
0x62: {  	_ =	shalt  }
0x63: {  	_ =	shalt  }
0x64: {  	_ =	shalt  }
0x65: {  	_ =	shalt  }
0x66: {  	_ =	shalt  }
0x67: {  	_ =	shalt  }
0x68: {  	_ =	shalt  }
0x69: {  	_ =	shalt  }
0x6a: {  	_ =	shalt  }
0x6b: {  	_ =	shalt  }
0x6c: {  	_ =	shalt  }
0x6d: {  	_ =	shalt  }
0x6e: {  	_ =	shalt  }
0x6f: {  	_ =	shalt  }
0x70: {  	_ =	shalt  }
0x71: {  	_ =	shalt  }
0x72: {  	_ =	shalt  }
0x73: {  	_ =	shalt  }
0x74: {  	_ =	shalt  }
0x75: {  	_ =	shalt  }
0x76: {  	_ =	shalt  }
0x77: {  	_ =	shalt  }
0x78: {  	_ =	shalt  }
0x79: {  	_ =	shalt  }
0x7a: {  	_ =	shalt  }
0x7b: {  	_ =	shalt  }
0x7c: {  	_ =	shalt  }
0x7d: {  	_ =	shalt  }
0x7e: {  	_ =	shalt  }
0x7f: {  	_ =	shalt  }
0x80: {  	_ =	shalt  }
0x81: {  	_ =	shalt  }
0x82: {  	_ =	shalt  }
0x83: {  	_ =	shalt  }
0x84: {  	_ =	shalt  }
0x85: {  	_ =	shalt  }
0x86: {  	_ =	shalt  }
0x87: {  	_ =	shalt  }
.Lfunc_end0:
.L_simem_size_0:
called_computation_lowered:
.L_overlay_start_0:
0x88: {  	s2 =	sld [smem:$0x3FD9]  }
0x89: {  	s3 =	sld [smem:$0x3FFE];
	_ =	sdelay $0x1  }
0x8a: {  	s1 =	srdreg.scid  }
0x8b: {  	s0 =	sand.u32 $0x1, s1  }
0x8c: {  	s17 =	sshll.u32 s0, $0xA;
	s2 =	sadd.s32 s3, s2  }
0x8d: {  	s2 =	sadd.s32 s2, s17  }
0x8e: {  	[smem:$0x3FB8] =	sst s2  }
0x8f: {  	_ = 	snop  }
0x90: {  	s2 =	sld [smem:$0x3FD0];
	(tm) =	ssettm $0x1  }
0x91: {  	s18 =	sld [smem:$0x3FFB];
	_ =	sdelay $0x3  }
0x92: {  	_ =	strace s18  }
0x93: {  	s3 =	sld [smem:$0x3FFC];
	_ =	sdelay $0x3  }
0x94: {  	_ =	strace s3  }
0x95: {  	s3 =	sld [smem:$0x3FFD];
	_ =	sdelay $0x3  }
0x96: {  	_ =	strace s3  }
0x97: {  	_ =	strace $0x8FFFFFFF  }
0x98: {  	s19 =	sld [smem:$0x3FDB];
	_ =	sdelay $0x1  }
0x99: {  	s4 =	simm.s32 $_scs_section_size  }
0x9a: {  	s5 =	simm.s32 $_size__tile_overlayer_lowered;
	s6 =	simm.s32 $_tile_overlayer_lowered  }
0x9b: {  	s22 =	simm.s32 $0x1BFF;
	s21 =	sshll.u32 s6, $0x1;
	s3 =	sadd.s32 s4, s19  }
0x9c: {  	s7 =	simm.s32 $0x0;
	s20 =	sshll.u32 s5, $0x1;
	s5 =	sadd.s32 s21, s3  }
0x9d: {  	[timem:s7], [sflag:s22] =	dma.local [hbm:s5], s20  }
0x9e: {  	_ =	swait.ge [sflag:s22], s20  }
0x9f: {  	s4 =	ssub.s32 $0x0, s20;
	[sflag:s22] =	ssyncset.done $0x0  }
0xa0: {  	[sflag:s22] =	ssyncadd.s32 s4;
	_ =	sdelay $0x1  }
0xa1: {  	s23 =	simm.s32 $0x1B8B  }
0xa2: {  	_ =	swait.ge [sflag:s23], $0x1  }
0xa3: {  	[sflag:s23] =	ssyncset.done $0x0  }
0xa4: {  	s25 =	simm.s32 $0x1B8E;
	s24 =	sld [smem:$0x3FFE];
	[sflag:s23] =	ssyncadd.s32 $0xFFFFFFFF  }
0xa5: {  	s26 =	simm.s32 $execute0_lowered;
	[smem:$0x3FD2] =	sst s25  }
0xa6: {  	s5 =	sshll.u32 s26, $0x1;
	_ =	strace $0x80000046;
	[dreg:$0x1] =	wrdreg $0xFFFFFFFF  }
0xa7: {  	s28 =	simm.s32 $_size_execute0_lowered;
	s3 =	sadd.s32 s3, s5;
	[dreg:$0x0] =	wrdreg $0x0  }
0xa8: {  	s5 =	sshll.u32 s28, $0x1;
	[dreg:$0x2] =	wrdreg s3  }
0xa9: {  	[dreg:$0x3] =	wrdreg s5  }
0xaa: {  	[dreg:$0x4] =	wrdreg $0xC0  }
0xab: {  	_ =	task [dreg:s7], $0x5FFFF  }
0xac: {  	[dreg:$0x1] =	wrdreg $0xFFFFFFFF  }
0xad: {  	[dreg:$0x0] =	wrdreg $0x60  }
0xae: {  	[dreg:$0x2] =	wrdreg s24  }
0xaf: {  	[dreg:$0x3] =	wrdreg s2  }
0xb0: {  	[dreg:$0x4] =	wrdreg $0x9  }
0xb1: {  	_ =	task.clear_ibuf [dreg:s7], $0x5FFFF;
	_ =	strace $0x90000046  }
0xb2: {  	s29 =	simm.s32 $0x9;
	_ =	strace $0x80000048  }
0xb3: {  	_ =	swait.ge [sflag:s29], $0x1  }
0xb4: {  	[sflag:s29] =	ssyncadd.s32 $0xFFFFFFFF  }
0xb5: {  	_ =	strace $0x90000048  }
0xb6: {  	_ =	sfence  }
0xb7: {  	s30 =	sld [smem:$0x0];
	_ =	sdelay $0x2  }
0xb8: {  	s31 =	sshll.u32 s1, $0xD;
	s1 =	sshrl.u32 s1, $0x2  }
0xb9: {  	s3 =	sand.u32 $0x4000, s31;
	s1 =	sadd.s32 s1, s30  }
0xba: {  	s0 =	sor.u32 s3, s0;
	s1 =	sshll.u32 s1, $0x11  }
0xbb: {  	s0 =	sor.u32 s1, s0  }
0xbc: {  	s0 =	sadd.s32 $0x8F2B, s0  }
0xbd: {  	[sflag:s0] =	ssyncadd.remote.s32 $0x1  }
0xbe: {  	_ =	sfence.sel $0xFFFF  }
0xbf: {  	[dreg:$0x0] =	wrdreg $0xFFFFFFFF;
	(pc) =	sbr.abs _section_cstart, $3  }
0xc0: {  	[dreg:$0x1] =	wrdreg $0xFFFFFFFF  }
0xc1: {  	_ =	task.clear_ibuf [dreg:s7], $0x2FFFF;
	_ =	strace $0x9FFFFFFF  }
0xc2: {  	(tm) =	ssettm $0x7FFFFFFF  }
0xc3: {  	_ =	shalt  }
tec
execute0_lowered:
.L_overlay_start_1:
0x0: {  	(tag) =	ssettag $0x1  }
0x1: {  	s7 =	rddreg [dreg:$0x0];
	s1 =	srdreg.scid  }
0x2: {  	s0 =	stileid.u32;
	s2 =	rddreg [dreg:$0x1]  }
0x3: {  	s3 =	simm.s32 $0x0;
	s13 =	simm.s32 $0x200;
	s14 =	simm.s32 $0x1C0  }
0x4: {  	s15 =	simm.s32 $0x400;
	s16 =	simm.s32 $0xE400;
	s17 =	simm.s32 $0x1  }
0x5: {  	s18 =	simm.s32 $0x2;
	s8 =	sand.u32 $0x1, s1;
	s4 =	sshll.u32 s0, $0x1  }
0x6: {  	s19 =	simm.s32 $0x168;
	s1 =	rddreg [dreg:$0x2];
	s4 =	sor.u32 s8, s4  }
0x7: {  	s20 =	simm.s32 $0x0;
	[smem:$0x7FF] =	sst s3;
	s4 =	smul.u32 $0x61A8, s4  }
0x8: {  	s5 =	sadd.s32 $0xC5A00, s7;
	s6 =	sadd.s32 $0x2400, s7;
	s8 =	ssub.s32 $0x2, s8  }
0x9: {  	s7 =	sadd.s32 $0xDE200, s7;
	s10 =	sshrl.u32 s8, $0x1;
	s9 =	sadd.s32 $0x6040, s4  }
0xa: {  	_ =	strace $0x80000047;
	s12 =	ssub.s32 s8, s10;
	s11 =	sshrl.u32 s9, $0x3  }
0xb: {  	s31 =	sshll.u32 s9, $0x4;
	s8 =	sadd.s32 s5, s11;
	s9 =	sadd.s32 s2, s11  }
0xc: {  	s10 =	sadd.s32 s7, s31;
	s11 =	smax.u32 s12, $0x1;
	s12 =	simm.s32 $0x3  }
.LBB2_1:
0xd: {  	s21 =	simm.s32 $0x0  }
.LBB2_2:
0xe: {  	s22 =	smul.u32 $0x1C0, s21;
	_ =	sdelay $0x1  }
0xf: {  	s22 =	sadd.s32 s4, s22  }
0x10: {  	s23 =	sshrl.u32 s22, $0x3  }
0x11: {  	s25 =	simm.s32 $0x0;
	s24 =	sadd.s32 s5, s23  }
0x12: {  	[tilespmem:s25], [sflag:$0x3] =	stream.linear.gather [hbm4b:s24+s25], $0x1C0, $0x38;
	[tilespmem:$0x1C400] =	vst v63  }
0x13: {  	_ =	swait.ge [sflag:s12], $0x1C0  }
0x14: {  	[sflag:s12] =	ssyncset.done $0x0  }
0x15: {  	s23 =	sadd.s32 s2, s23;
	[sflag:s12] =	ssyncadd.s32 $0xFFFFFE40  }
0x16: {  	[tilespmem:s13], [sflag:$0x3] =	stream.linear.gather [hbm4b:s23+s25], $0x1C0, $0x38;
	[tilespmem:$0x1C400] =	vst v63  }
0x17: {  	_ =	swait.ge [sflag:s12], $0x1C0  }
0x18: {  	[sflag:s12] =	ssyncset.done $0x0  }
0x19: {  	[sflag:s12] =	ssyncadd.s32 $0xFFFFFE40  }
0x1a: {  	[tilespmem:s15], [sflag:$0x1] =	stream.indirect.gather [hbm4b:s6+s14], $0x80, s25, s14, $0xb8;
	[tilespmem:$0x1C400] =	vst v63  }
0x1b: {  	_ = 	snop  }
0x1c: {  	[tilespmem:s16], [sflag:$0x2] =	stream.indirect.gather [hbm4b:s6+s14], $0x80, s13, s14, $0xb8;
	[tilespmem:$0x1C400] =	vst v63  }
0x1d: {  	_ =	swait.ge [sflag:s17], $0xE000  }
0x1e: {  	[sflag:s17] =	ssyncset.done $0x0  }
0x1f: {  	[sflag:s17] =	ssyncadd.s32 $0xFFFF2000  }
0x20: {  	_ =	swait.ge [sflag:s18], $0xE000  }
0x21: {  	[sflag:s18] =	ssyncset.done $0x0  }
0x22: {  	s23 =	simm.s32 $0x0;
	[sflag:s18] =	ssyncadd.s32 $0xFFFF2000  }
0x23: {  	v1 =	vld [tilespmem:s23+$0xE470]  }
0x24: {  	v2 =	vld [tilespmem:s23+$0xE440]  }
0x25: {  	v3 =	vld [tilespmem:s23+$0xE450]  }
0x26: {  	v0 =	vld [tilespmem:s23+$0xE460];
	_ =	sdelay $0x1  }
0x27: {  	[tilespmem:s23+$0x430] =	vst.add.f32.msk $0xffff, v1  }
0x28: {  	[tilespmem:s23+$0x400] =	vst.add.f32.msk $0xffff, v2  }
0x29: {  	s24 =	simm.s32 $0x80;
	s25 =	simm.s32 $0x400;
	[tilespmem:s23+$0x410] =	vst.add.f32.msk $0xffff, v3  }
.LBB2_3:
0x2a: {  	p0 =	sne.s32 s25, $0x37E00;
	v1 =	vld [tilespmem:s24+$0xE470];
	v2 =	vmov v0  }
0x2b: {  	v3 =	vld [tilespmem:s24+$0xE440]  }
0x2c: {  	v4 =	vld [tilespmem:s24+$0xE450]  }
.Ltmp0:
0x2d: {  	v0 =	vld [tilespmem:s24+$0xE460];
	(pc) =	sbr.rel @p0 .LBB2_3-.Ltmp0, $4  }
0x2e: {  	[tilespmem:s23+$0x420] =	vst.add.f32.msk $0xffff, v2;
	s23 =	smov.u32 s24  }
0x2f: {  	[tilespmem:s23+$0x430] =	vst.add.f32.msk $0xffff, v1  }
0x30: {  	[tilespmem:s23+$0x400] =	vst.add.f32.msk $0xffff, v3  }
0x31: {  	s24 =	sshra.s32 s25, $0x2;
	s25 =	sadd.s32 $0x200, s25;
	[tilespmem:s23+$0x410] =	vst.add.f32.msk $0xffff, v4  }
0x32: {  	v1 =	vld [tilespmem:s24+$0xE470]  }
0x33: {  	v2 =	vld [tilespmem:s24+$0xE440]  }
0x34: {  	v3 =	vld [tilespmem:s24+$0xE450]  }
0x35: {  	v4 =	vld [tilespmem:s24+$0xE460]  }
0x36: {  	[tilespmem:s23+$0x420] =	vst.add.f32.msk $0xffff, v0  }
0x37: {  	[tilespmem:s24+$0x430] =	vst.add.f32.msk $0xffff, v1  }
0x38: {  	s21 =	sadd.s32 $0x1, s21;
	[tilespmem:s24+$0x400] =	vst.add.f32.msk $0xffff, v2  }
0x39: {  	s22 =	sshll.u32 s22, $0x4;
	p0 =	sne.s32 s21, $0x37;
	[tilespmem:s24+$0x410] =	vst.add.f32.msk $0xffff, v3  }
.Ltmp1:
0x3a: {  	s22 =	sadd.s32 s7, s22;
	[tilespmem:s24+$0x420] =	vst.add.f32.msk $0xffff, v4;
	(pc) =	sbr.rel @p0 .LBB2_2-.Ltmp1, $4  }
0x3b: {  	[hbm4b:s22+s3] =	stream.linear.scatter [tilespmem:s15], [sflag:$0x3], $0xE000, $0x38;
	[tilespmem:$0x1C400] =	vst v63  }
0x3c: {  	_ =	swait.ge [sflag:s12], $0xE000  }
0x3d: {  	[sflag:s12] =	ssyncset.done $0x0  }
0x3e: {  	[sflag:s12] =	ssyncadd.s32 $0xFFFF2000  }
0x3f: {  	s21 =	simm.s32 $0x0  }
0x40: {  	[tilespmem:s21], [sflag:$0x3] =	stream.linear.gather [hbm4b:s8+s21], $0x168, $0x38;
	[tilespmem:$0x1C400] =	vst v63  }
0x41: {  	_ =	swait.ge [sflag:s12], $0x168  }
0x42: {  	[sflag:s12] =	ssyncset.done $0x0  }
0x43: {  	[sflag:s12] =	ssyncadd.s32 $0xFFFFFE98  }
0x44: {  	[tilespmem:s13], [sflag:$0x3] =	stream.linear.gather [hbm4b:s9+s21], $0x168, $0x38;
	[tilespmem:$0x1C400] =	vst v63  }
0x45: {  	_ =	swait.ge [sflag:s12], $0x168  }
0x46: {  	[sflag:s12] =	ssyncset.done $0x0  }
0x47: {  	[sflag:s12] =	ssyncadd.s32 $0xFFFFFE98  }
0x48: {  	[tilespmem:s15], [sflag:$0x1] =	stream.indirect.gather [hbm4b:s6+s19], $0x80, s21, s19, $0xb8;
	[tilespmem:$0x1C400] =	vst v63  }
0x49: {  	_ = 	snop  }
0x4a: {  	[tilespmem:s16], [sflag:$0x2] =	stream.indirect.gather [hbm4b:s6+s19], $0x80, s13, s19, $0xb8;
	[tilespmem:$0x1C400] =	vst v63  }
0x4b: {  	_ =	swait.ge [sflag:s17], $0xB400  }
0x4c: {  	[sflag:s17] =	ssyncset.done $0x0  }
0x4d: {  	[sflag:s17] =	ssyncadd.s32 $0xFFFF4C00  }
0x4e: {  	_ =	swait.ge [sflag:s18], $0xB400  }
0x4f: {  	[sflag:s18] =	ssyncset.done $0x0  }
0x50: {  	s21 =	simm.s32 $0x0;
	[sflag:s18] =	ssyncadd.s32 $0xFFFF4C00  }
0x51: {  	v1 =	vld [tilespmem:s21+$0xE470]  }
0x52: {  	v2 =	vld [tilespmem:s21+$0xE440]  }
0x53: {  	v3 =	vld [tilespmem:s21+$0xE450]  }
0x54: {  	v0 =	vld [tilespmem:s21+$0xE460];
	_ =	sdelay $0x1  }
0x55: {  	[tilespmem:s21+$0x430] =	vst.add.f32.msk $0xffff, v1  }
0x56: {  	[tilespmem:s21+$0x400] =	vst.add.f32.msk $0xffff, v2  }
0x57: {  	s22 =	simm.s32 $0x80;
	s23 =	simm.s32 $0x400;
	[tilespmem:s21+$0x410] =	vst.add.f32.msk $0xffff, v3  }
.LBB2_6:
0x58: {  	p0 =	sne.s32 s23, $0x2CE00;
	v1 =	vld [tilespmem:s22+$0xE470];
	v2 =	vmov v0  }
0x59: {  	v3 =	vld [tilespmem:s22+$0xE440]  }
0x5a: {  	v4 =	vld [tilespmem:s22+$0xE450]  }
.Ltmp2:
0x5b: {  	v0 =	vld [tilespmem:s22+$0xE460];
	(pc) =	sbr.rel @p0 .LBB2_6-.Ltmp2, $4  }
0x5c: {  	[tilespmem:s21+$0x420] =	vst.add.f32.msk $0xffff, v2;
	s21 =	smov.u32 s22  }
0x5d: {  	[tilespmem:s21+$0x430] =	vst.add.f32.msk $0xffff, v1  }
0x5e: {  	[tilespmem:s21+$0x400] =	vst.add.f32.msk $0xffff, v3  }
0x5f: {  	s22 =	sshra.s32 s23, $0x2;
	s23 =	sadd.s32 $0x200, s23;
	[tilespmem:s21+$0x410] =	vst.add.f32.msk $0xffff, v4  }
0x60: {  	v1 =	vld [tilespmem:s22+$0xE470]  }
0x61: {  	v2 =	vld [tilespmem:s22+$0xE440]  }
0x62: {  	v3 =	vld [tilespmem:s22+$0xE450]  }
0x63: {  	v4 =	vld [tilespmem:s22+$0xE460]  }
0x64: {  	[tilespmem:s21+$0x420] =	vst.add.f32.msk $0xffff, v0  }
0x65: {  	[tilespmem:s22+$0x430] =	vst.add.f32.msk $0xffff, v1  }
0x66: {  	s20 =	sadd.s32 $0x1, s20;
	[tilespmem:s22+$0x400] =	vst.add.f32.msk $0xffff, v2  }
0x67: {  	p0 =	sne.s32 s20, s11;
	[tilespmem:s22+$0x410] =	vst.add.f32.msk $0xffff, v3  }
.Ltmp3:
0x68: {  	[tilespmem:s22+$0x420] =	vst.add.f32.msk $0xffff, v4;
	(pc) =	sbr.rel @p0 .LBB2_1-.Ltmp3, $4  }
0x69: {  	[hbm4b:s10+s3] =	stream.linear.scatter [tilespmem:s15], [sflag:$0x3], $0xB400, $0x38;
	[tilespmem:$0x1C400] =	vst v63  }
0x6a: {  	_ =	swait.ge [sflag:s12], $0xB400  }
0x6b: {  	[sflag:s12] =	ssyncset.done $0x0  }
0x6c: {  	[sflag:s12] =	ssyncadd.s32 $0xFFFF4C00  }
0x6d: {  	_ =	sfence.sel $0x180000  }
0x6e: {  	[bflag:$0x0] =	sbarrier.arrive $0xFFFF  }
0x6f: {  	p0 =	sne.s32 s0, $0x0;
	_ =	strace $0x90000047  }
0x70: {  	s0 =	sadd.s32 @!p0 $0x100000, s1;
	[bflag:$0x2] =	sbarrier.arrive $0xFFFF  }
0x71: {  	[sflag:s0] =	ssyncadd.tile.s32 @!p0 $0x1;
	_ =	shalt  }
.Lfunc_end2:
_tile_overlayer_lowered:
.L_overlay_start_2:
0x72: {  	(tag) =	ssettag $0x2  }
0x73: {  	s0 =	rddreg [dreg:$0x0];
	s2 =	stileid.u32  }
0x74: {  	s1 =	rddreg [dreg:$0x1];
	p0 =	sne.s32 s2, $0x0  }
0x75: {  	s3 =	rddreg [dreg:$0x2];
	[bflag:$0x3] =	sbarrier.arrive $0xFFFF;
	s2 =	simm.s32 @!p0 $0x1C03  }
0x76: {  	[timem:s3], [sflag:s2] =	dma.local @!p0 [hbm:s0], s1  }
0x77: {  	s0 =	simm.s32 @!p0 $0x3  }
0x78: {  	_ =	swait.ge @!p0 [sflag:s0], s1  }
0x79: {  	s1 =	ssub.s32 @!p0 $0x0, s1;
	[sflag:s0] =	ssyncset.done @!p0 $0x0  }
0x7a: {  	[sflag:s0] =	ssyncadd.s32 @!p0 s1  }
0x7b: {  	[bflag:$0x3] =	sbarrier.arrive $0xFFFF  }
0x7c: {  	_ =	shalt  }

</sc_bundles>
